<compile_context>
chip_gen: v7x
topology: tpu7x:2x2x1
jax: 0.10.2.dev20260603
libtpu: 0.0.44.dev20260713+nightly
codegen_flags: <defaults>
</compile_context>

<pallas_src>
import functools

import numpy as np
import jax
import jax.numpy as jnp
from jax import lax
from jax.experimental import pallas as pl
from jax.experimental.pallas import tpu as pltpu
from jax.experimental.pallas import tpu_sc as plsc

_M = 512
_C = 64
_CP = _C // 2
_ROWS = _M + 2
_ROWS_PAD = 520
_L = 16


def _solve_constant():
    M = _M
    delta = 1.0 / (M - 1)
    dis = (1.0 / delta) ** 2
    A = np.zeros((M + 2, M + 2), dtype=np.float64)
    A[0, 0] = dis
    A[0, 1] = -2.0 * dis
    A[0, 2] = dis
    di = np.arange(1, M + 1)
    A[di, di - 1] = 1.0 / 6.0
    A[di, di] = 2.0 / 3.0
    A[di, di + 1] = 1.0 / 6.0
    A[M + 1, M - 1] = dis
    A[M + 1, M] = -2.0 * dis
    A[M + 1, M + 1] = dis
    K = np.linalg.inv(A)[:, 1:M + 1]
    Kp = np.zeros((_ROWS_PAD, M), dtype=np.float32)
    Kp[:_ROWS, :] = K.astype(np.float32)
    return Kp


_K_CONST = _solve_constant()


def _coefs_body(k_ref, data_ref, out_ref):
    out_ref[...] = lax.dot_general(
        k_ref[...], data_ref[...],
        (((1,), (1,)), ((), ())),
        preferred_element_type=jnp.float32,
    )


def _compute_table(data):
    return pl.pallas_call(
        _coefs_body,
        out_shape=jax.ShapeDtypeStruct((_ROWS_PAD, _C), jnp.float32),
    )(jnp.asarray(_K_CONST), data)


_NC = 2
_NS = 16
_NW = _NC * _NS
_CH = 512
_RS = _CP


def _sc_interpolate(u_flat, ptab_flat):
    n = u_flat.shape[0]
    per_w = n // _NW
    n_chunks = per_w // _CH
    ta_words = _ROWS_PAD * _RS
    tb_words = (_ROWS_PAD - 2) * _RS
    mesh = plsc.VectorSubcoreMesh(core_axis_name="c", subcore_axis_name="s")

    scratch = [
        pltpu.VMEM((ta_words,), jnp.float32),
        pltpu.VMEM((tb_words,), jnp.float32),
        pltpu.VMEM((_CH,), jnp.float32),
        pltpu.VMEM((_CH,), jnp.float32),
        pltpu.VMEM((_CH * _C,), jnp.float32),
        pltpu.VMEM((_CH * _C,), jnp.float32),
        pltpu.SemaphoreType.DMA,
        pltpu.SemaphoreType.DMA,
        pltpu.SemaphoreType.DMA,
        pltpu.SemaphoreType.DMA,
    ]

    @functools.partial(
        pl.kernel, mesh=mesh,
        out_type=jax.ShapeDtypeStruct((n * _C,), jnp.float32),
        compiler_params=pltpu.CompilerParams(
            needs_layout_passes=False,
            disable_bounds_checks=True,
        ),
        scratch_types=scratch,
    )
    def body(u_hbm, tab_hbm, out_hbm, ta_v, tb_v,
             u0, u1, o0, o1, su0, su1, so0, so1):
        wid = lax.axis_index("s") * _NC + lax.axis_index("c")
        pltpu.sync_copy(tab_hbm, ta_v)
        pltpu.sync_copy(tab_hbm.at[pl.ds(2 * _RS, tb_words)], tb_v)
        base_pt = wid * per_w
        lane = lax.iota(jnp.int32, _L)
        lane64 = lane * _C
        u_bufs, o_bufs = (u0, u1), (o0, o1)
        su, so = (su0, su1), (so0, so1)
        ilv = plsc.PackFormat.INTERLEAVED

        def u_src(ci):
            return u_hbm.at[pl.ds(base_pt + ci * _CH, _CH)]

        def o_dst(ci):
            return out_hbm.at[pl.ds((base_pt + ci * _CH) * _C, _CH * _C)]

        def make_group_body(u_v, o_v):
            def group_body(g):
                uu = u_v[pl.ds(g * _L, _L)]
                un = uu * jnp.float32(_M - 1)
                ii = un.astype(jnp.int32)
                ii = jnp.minimum(jnp.maximum(ii, 0), _M - 2)
                t = un - ii.astype(jnp.float32)
                t2 = t * t
                t3 = t2 * t
                sixth = jnp.float32(1.0 / 6.0)
                w0 = (((3.0 - t) * t - 3.0) * t + 1.0) * sixth
                w1 = ((3.0 * t - 6.0) * t2 + 4.0) * sixth
                w2 = (((3.0 - 3.0 * t) * t + 3.0) * t + 1.0) * sixth
                w3 = t3 * sixth
                wp0 = plsc.pack(w0, w0, format=ilv)
                wp1 = plsc.pack(w1, w1, format=ilv)
                wp2 = plsc.pack(w2, w2, format=ilv)
                wp3 = plsc.pack(w3, w3, format=ilv)
                idx0 = ii * _RS
                sbase = lane64 + g * (_L * _C)
                for p in range(_CP):
                    cp = jnp.bitwise_and(lane + p, _CP - 1)
                    g0 = idx0 + cp
                    g1 = g0 + _RS
                    a0 = plsc.bitcast(plsc.load_gather(ta_v, [g0]), jnp.bfloat16)
                    a1 = plsc.bitcast(plsc.load_gather(ta_v, [g1]), jnp.bfloat16)
                    b0 = plsc.bitcast(plsc.load_gather(tb_v, [g0]), jnp.bfloat16)
                    b1 = plsc.bitcast(plsc.load_gather(tb_v, [g1]), jnp.bfloat16)
                    acc = wp0 * a0 + wp1 * a1 + wp2 * b0 + wp3 * b1
                    lo, hi = plsc.unpack(acc, format=ilv)
                    se = sbase + (cp + cp)
                    plsc.store_scatter(o_v, [se], lo)
                    plsc.store_scatter(o_v, [se + 1], hi)
            return group_body

        pltpu.async_copy(u_src(0), u0, su0)
        pltpu.async_copy(u_src(1), u1, su1)

        def chunk_pair(ci0, _):
            for b in range(2):
                ci = ci0 + b
                pltpu.make_async_copy(u_src(ci), u_bufs[b], su[b]).wait()

                @pl.when(ci >= 2)
                def _():
                    pltpu.make_async_copy(o_bufs[b], o_dst(ci - 2), so[b]).wait()

                plsc.parallel_loop(0, _CH // _L, unroll=2)(
                    make_group_body(u_bufs[b], o_bufs[b]))
                pltpu.async_copy(o_bufs[b], o_dst(ci), so[b])

                @pl.when(ci + 2 < n_chunks)
                def _():
                    pltpu.async_copy(u_src(ci + 2), u_bufs[b], su[b])
            return 0

        lax.fori_loop(0, n_chunks // 2, lambda i, c: chunk_pair(i * 2, c), 0)
        for b in range(2):
            pltpu.make_async_copy(o_bufs[b], o_dst(n_chunks - 2 + b), so[b]).wait()

    return body(u_flat, ptab_flat)


def kernel(u, data):
    u_flat = u.reshape(-1)
    table = _compute_table(data)
    tb16 = table.astype(jnp.bfloat16).reshape(_ROWS_PAD, _CP, 2)
    ptab = lax.bitcast_convert_type(tb16, jnp.float32)
    out_flat = _sc_interpolate(u_flat, ptab.reshape(-1))
    return out_flat.reshape(u_flat.shape[0], _C)

# --- scband reference (transcript-rebuilt; emitter-appended) ---
"""Pipeline reference for scband-interpolating-bspline1d-8735963480088 (READ-ONLY COPY).

The authoritative reference and input builder live on the scoring server;
editing this copy changes nothing except your own understanding.
"""

import jax, jax.numpy as jnp
import numpy as np

BASIS = jnp.array([[-1.0/6.0, 3.0/6.0, -3.0/6.0, 1.0/6.0],
                   [ 3.0/6.0,-6.0/6.0,  0.0/6.0, 4.0/6.0],
                   [-3.0/6.0, 3.0/6.0,  3.0/6.0, 1.0/6.0],
                   [ 1.0/6.0, 0.0/6.0,  0.0/6.0, 0.0/6.0]], dtype=jnp.float32)


def _build_system_matrix(M):
    delta = 1.0 / (M - 1)
    dis = (1.0 / delta) ** 2
    A = np.zeros((M + 2, M + 2), dtype=np.float32)
    A[0, 0] = dis
    A[0, 1] = -2.0 * dis
    A[0, 2] = dis
    di = np.arange(1, M + 1)
    A[di, di - 1] = 1.0 / 6.0
    A[di, di] = 2.0 / 3.0
    A[di, di + 1] = 1.0 / 6.0
    A[M + 1, M - 1] = dis
    A[M + 1, M] = -2.0 * dis
    A[M + 1, M + 1] = dis
    return jnp.asarray(A)


def _find_coefs_1d(data):
    C, M = data.shape
    A = _build_system_matrix(M)
    B = jnp.zeros((C, M + 2), dtype=data.dtype).at[:, 1:M + 1].set(data)
    coefs = jnp.linalg.solve(A, B.T).T
    return coefs


def _interpolate_grid_1d(coefs, u):
    u = u.squeeze(-1)
    C, M_plus_2 = coefs.shape
    M = M_plus_2 - 2
    u_norm = u * (M - 1)
    i = jnp.floor(u_norm).astype(jnp.int32)
    t = u_norm - i.astype(u_norm.dtype)
    mask_low = u_norm < 0
    i = jnp.where(mask_low, jnp.zeros_like(i), i)
    t = jnp.where(mask_low, u_norm, t)
    mask_high = u_norm >= M - 2
    i = jnp.where(mask_high, jnp.full_like(i, M - 2), i)
    t = jnp.where(mask_high, u_norm - (M - 2), t)
    t_powers = jnp.stack([t ** 3, t ** 2, t, jnp.ones_like(t)], axis=1)
    basis_vals = BASIS @ t_powers.T
    offsets = jnp.arange(4, dtype=jnp.int32)
    indices = i[None, :] + offsets[:, None]
    control_points = jnp.take(coefs, indices, axis=1)
    values = jnp.sum(control_points * basis_vals[None, :, :], axis=1).T
    return values


def setup_inputs(seed: int = 0) -> dict:
    key = jax.random.key(seed)
    k1, k2 = jax.random.split(key)
    u = jax.random.uniform(k1, (524288, 1), dtype=jnp.float32)
    data = jax.random.normal(k2, (64, 512), dtype=jnp.float32)
    return {"u": u, "data": data}


def reference(u, data):
    coefs = _find_coefs_1d(data)
    return _interpolate_grid_1d(coefs, u)

if __name__ == "__main__":
    import jax
    _d = setup_inputs()
    print(jax.jit(kernel)(*tuple(_d.values())))

</pallas_src>

<mosaic_0001>
#map = affine_map<(d0, d1) -> (0)>
module attributes {stable_mosaic.version = 14 : i64} {
  func.func @body(%arg0: i32, %arg1: i32, %arg2: memref<524288xf32, #tpu.memory_space<hbm>>, %arg3: memref<16640xf32, #tpu.memory_space<hbm>>, %arg4: memref<33554432xf32, #tpu.memory_space<hbm>>, %arg5: memref<16640xf32, #tpu.memory_space<vmem>>, %arg6: memref<16576xf32, #tpu.memory_space<vmem>>, %arg7: memref<512xf32, #tpu.memory_space<vmem>>, %arg8: memref<512xf32, #tpu.memory_space<vmem>>, %arg9: memref<32768xf32, #tpu.memory_space<vmem>>, %arg10: memref<32768xf32, #tpu.memory_space<vmem>>, %arg11: memref<!tpu.dma_semaphore, #tpu.memory_space<semaphore_mem>>, %arg12: memref<!tpu.dma_semaphore, #tpu.memory_space<semaphore_mem>>, %arg13: memref<!tpu.dma_semaphore, #tpu.memory_space<semaphore_mem>>, %arg14: memref<!tpu.dma_semaphore, #tpu.memory_space<semaphore_mem>>) attributes {dimension_semantics = [#tpu.dimension_semantics<core_parallel>, #tpu.dimension_semantics<subcore_parallel>], iteration_bounds = array<i64: 2, 16>, scalar_prefetch = 0 : i64, scratch_operands = 10 : i64, tpu.core_type = #tpu.core_type<sc_vector_subcore>, window_params = [{transform_indices = #map}, {transform_indices = #map}, {transform_indices = #map}]} {
    %mul3A = arith.constant 2 : i32
    %mul3A_0 = arith.muli %arg1, %mul3A : i32
    %add3A = arith.addi %mul3A_0, %arg0 : i32
    "tpu.region"() ({
      %run_scoped3A = tpu.sem_alloc : memref<!tpu.dma_semaphore, #tpu.memory_space<semaphore_mem>>
      tpu.enqueue_dma source(%arg3 : memref<16640xf32, #tpu.memory_space<hbm>>) target(%arg5 : memref<16640xf32, #tpu.memory_space<vmem>>) target_semaphore(%run_scoped3A : memref<!tpu.dma_semaphore, #tpu.memory_space<semaphore_mem>>)
      tpu.wait_dma2 semaphore(%run_scoped3A : memref<!tpu.dma_semaphore, #tpu.memory_space<semaphore_mem>>) src(%arg3 : memref<16640xf32, #tpu.memory_space<hbm>>) dst(%arg5 : memref<16640xf32, #tpu.memory_space<vmem>>)
      tpu.yield
    }) : () -> ()
    "tpu.region"() ({
      %run_scoped3A = tpu.sem_alloc : memref<!tpu.dma_semaphore, #tpu.memory_space<semaphore_mem>>
      %dma_start3A_30 = arith.constant 64 : i32
      %dma_start3A_31 = tpu.memref_slice %arg3[%dma_start3A_30] : memref<16640xf32, #tpu.memory_space<hbm>> -> memref<16576xf32, #tpu.memory_space<hbm>>
      %dma_start3A_32 = arith.constant 64 : i32
      %dma_start3A_33 = tpu.memref_slice %arg3[%dma_start3A_32] : memref<16640xf32, #tpu.memory_space<hbm>> -> memref<16576xf32, #tpu.memory_space<hbm>>
      tpu.enqueue_dma source(%dma_start3A_33 : memref<16576xf32, #tpu.memory_space<hbm>>) target(%arg6 : memref<16576xf32, #tpu.memory_space<vmem>>) target_semaphore(%run_scoped3A : memref<!tpu.dma_semaphore, #tpu.memory_space<semaphore_mem>>)
      %dma_wait3A_34 = arith.constant 64 : i32
      %dma_wait3A_35 = tpu.memref_slice %arg3[%dma_wait3A_34] : memref<16640xf32, #tpu.memory_space<hbm>> -> memref<16576xf32, #tpu.memory_space<hbm>>
      %dma_wait3A_36 = arith.constant 64 : i32
      %dma_wait3A_37 = tpu.memref_slice %arg3[%dma_wait3A_36] : memref<16640xf32, #tpu.memory_space<hbm>> -> memref<16576xf32, #tpu.memory_space<hbm>>
      tpu.wait_dma2 semaphore(%run_scoped3A : memref<!tpu.dma_semaphore, #tpu.memory_space<semaphore_mem>>) src(%dma_wait3A_37 : memref<16576xf32, #tpu.memory_space<hbm>>) dst(%arg6 : memref<16576xf32, #tpu.memory_space<vmem>>)
      tpu.yield
    }) : () -> ()
    %mul3A_1 = arith.constant 16384 : i32
    %mul3A_2 = arith.muli %add3A, %mul3A_1 : i32
    %iota3A = tpu.iota {dimensions = array<i32: 0>} : vector<16xi32>
    %mul3A_3 = arith.constant 64 : i32
    %mul3A_4 = vector.broadcast %mul3A_3 : i32 to vector<16xi32>
    %mul3A_5 = arith.muli %iota3A, %mul3A_4 : vector<16xi32>
    %add3A_6 = arith.constant 0 : i32
    %add3A_7 = arith.addi %mul3A_2, %add3A_6 : i32
    %dma_start3A = tpu.memref_slice %arg2[%add3A_7] : memref<524288xf32, #tpu.memory_space<hbm>> -> memref<512xf32, #tpu.memory_space<hbm>>
    %dma_start3A_8 = tpu.memref_slice %arg2[%add3A_7] : memref<524288xf32, #tpu.memory_space<hbm>> -> memref<512xf32, #tpu.memory_space<hbm>>
    tpu.enqueue_dma source(%dma_start3A_8 : memref<512xf32, #tpu.memory_space<hbm>>) target(%arg7 : memref<512xf32, #tpu.memory_space<vmem>>) target_semaphore(%arg11 : memref<!tpu.dma_semaphore, #tpu.memory_space<semaphore_mem>>)
    %add3A_9 = arith.constant 512 : i32
    %add3A_10 = arith.addi %mul3A_2, %add3A_9 : i32
    %dma_start3A_11 = tpu.memref_slice %arg2[%add3A_10] : memref<524288xf32, #tpu.memory_space<hbm>> -> memref<512xf32, #tpu.memory_space<hbm>>
    %dma_start3A_12 = tpu.memref_slice %arg2[%add3A_10] : memref<524288xf32, #tpu.memory_space<hbm>> -> memref<512xf32, #tpu.memory_space<hbm>>
    tpu.enqueue_dma source(%dma_start3A_12 : memref<512xf32, #tpu.memory_space<hbm>>) target(%arg8 : memref<512xf32, #tpu.memory_space<vmem>>) target_semaphore(%arg12 : memref<!tpu.dma_semaphore, #tpu.memory_space<semaphore_mem>>)
    %scan3A = arith.constant 0 : i32
    %scan3A_13 = arith.constant 0 : i32
    %scan3A_14 = arith.constant 16 : i32
    %scan3A_15 = arith.addi %scan3A_13, %scan3A_14 : i32
    %scan3A_16 = arith.constant 1 : i32
    %scan3A_17 = scf.for %scan3A_30 = %scan3A_13 to %scan3A_15 step %scan3A_16 iter_args(%scan3A_31 = %scan3A) -> (i32)  : i32 {
      %mul3A_32 = arith.constant 2 : i32
      %mul3A_33 = arith.muli %scan3A_30, %mul3A_32 : i32
      %add3A_34 = arith.constant 0 : i32
      %add3A_35 = arith.addi %mul3A_33, %add3A_34 : i32
      %mul3A_36 = arith.constant 512 : i32
      %mul3A_37 = arith.muli %add3A_35, %mul3A_36 : i32
      %add3A_38 = arith.addi %mul3A_2, %mul3A_37 : i32
      %dma_wait3A_39 = tpu.memref_slice %arg2[%add3A_38] : memref<524288xf32, #tpu.memory_space<hbm>> -> memref<512xf32, #tpu.memory_space<hbm>>
      %dma_wait3A_40 = tpu.memref_slice %arg2[%add3A_38] : memref<524288xf32, #tpu.memory_space<hbm>> -> memref<512xf32, #tpu.memory_space<hbm>>
      tpu.wait_dma2 semaphore(%arg11 : memref<!tpu.dma_semaphore, #tpu.memory_space<semaphore_mem>>) src(%dma_wait3A_40 : memref<512xf32, #tpu.memory_space<hbm>>) dst(%arg7 : memref<512xf32, #tpu.memory_space<vmem>>)
      %ge3A = arith.constant 2 : i32
      %ge3A_41 = arith.cmpi sge, %add3A_35, %ge3A : i32
      %convert_element_type3A = arith.extui %ge3A_41 : i1 to i32
      %cond3A = arith.constant 0 : i32
      %cond3A_42 = arith.cmpi ne, %convert_element_type3A, %cond3A : i32
      scf.if %cond3A_42 {
        %sub3A = arith.constant 2 : i32
        %sub3A_88 = arith.subi %add3A_35, %sub3A : i32
        %mul3A_89 = arith.constant 512 : i32
        %mul3A_90 = arith.muli %sub3A_88, %mul3A_89 : i32
        %add3A_91 = arith.addi %mul3A_2, %mul3A_90 : i32
        %mul3A_92 = arith.constant 64 : i32
        %mul3A_93 = arith.muli %add3A_91, %mul3A_92 : i32
        %dma_wait3A_94 = tpu.memref_slice %arg4[%mul3A_93] : memref<33554432xf32, #tpu.memory_space<hbm>> -> memref<32768xf32, #tpu.memory_space<hbm>>
        %dma_wait3A_95 = tpu.memref_slice %arg4[%mul3A_93] : memref<33554432xf32, #tpu.memory_space<hbm>> -> memref<32768xf32, #tpu.memory_space<hbm>>
        tpu.wait_dma2 semaphore(%arg13 : memref<!tpu.dma_semaphore, #tpu.memory_space<semaphore_mem>>) src(%arg9 : memref<32768xf32, #tpu.memory_space<vmem>>) dst(%dma_wait3A_95 : memref<32768xf32, #tpu.memory_space<hbm>>)
      } else {
      }
      %parallel_loop3A = arith.constant 0 : i32
      %parallel_loop3A_43 = arith.constant 32 : i32
      %parallel_loop3A_44 = arith.constant 1 : i32
      scf.for %parallel_loop3A_88 = %parallel_loop3A to %parallel_loop3A_43 step %parallel_loop3A_44  : i32 {
        %parallel_loop3A_89 = arith.constant 16 : i32
        %parallel_loop3A_90 = arith.muli %parallel_loop3A_88, %parallel_loop3A_89 : i32
        %parallel_loop3A_91 = arith.index_cast %parallel_loop3A_90 : i32 to index
        %parallel_loop3A_92 = tpu.vector_load %arg7[%parallel_loop3A_91] {strides = array<i32>} : memref<512xf32, #tpu.memory_space<vmem>>, vector<16xf32>,
        %parallel_loop3A_93 = arith.constant 5.110000e+02 : f32
        %parallel_loop3A_94 = vector.broadcast %parallel_loop3A_93 : f32 to vector<16xf32>
        %parallel_loop3A_95 = arith.mulf %parallel_loop3A_92, %parallel_loop3A_94 : vector<16xf32>
        %parallel_loop3A_96 = arith.fptosi %parallel_loop3A_95 : vector<16xf32> to vector<16xi32>
        %parallel_loop3A_97 = arith.constant 0 : i32
        %parallel_loop3A_98 = vector.broadcast %parallel_loop3A_97 : i32 to vector<16xi32>
        %parallel_loop3A_99 = arith.maxsi %parallel_loop3A_96, %parallel_loop3A_98 : vector<16xi32>
        %parallel_loop3A_100 = arith.constant 510 : i32
        %parallel_loop3A_101 = vector.broadcast %parallel_loop3A_100 : i32 to vector<16xi32>
        %parallel_loop3A_102 = arith.minsi %parallel_loop3A_99, %parallel_loop3A_101 : vector<16xi32>
        %parallel_loop3A_103 = arith.sitofp %parallel_loop3A_102 : vector<16xi32> to vector<16xf32>
        %parallel_loop3A_104 = arith.subf %parallel_loop3A_95, %parallel_loop3A_103 : vector<16xf32>
        %parallel_loop3A_105 = arith.mulf %parallel_loop3A_104, %parallel_loop3A_104 : vector<16xf32>
        %parallel_loop3A_106 = arith.mulf %parallel_loop3A_105, %parallel_loop3A_104 : vector<16xf32>
        %parallel_loop3A_107 = arith.constant 3.000000e+00 : f32
        %parallel_loop3A_108 = vector.broadcast %parallel_loop3A_107 : f32 to vector<16xf32>
        %parallel_loop3A_109 = arith.subf %parallel_loop3A_108, %parallel_loop3A_104 : vector<16xf32>
        %parallel_loop3A_110 = arith.mulf %parallel_loop3A_109, %parallel_loop3A_104 : vector<16xf32>
        %parallel_loop3A_111 = arith.constant 3.000000e+00 : f32
        %parallel_loop3A_112 = vector.broadcast %parallel_loop3A_111 : f32 to vector<16xf32>
        %parallel_loop3A_113 = arith.subf %parallel_loop3A_110, %parallel_loop3A_112 : vector<16xf32>
        %parallel_loop3A_114 = arith.mulf %parallel_loop3A_113, %parallel_loop3A_104 : vector<16xf32>
        %parallel_loop3A_115 = arith.constant 1.000000e+00 : f32
        %parallel_loop3A_116 = vector.broadcast %parallel_loop3A_115 : f32 to vector<16xf32>
        %parallel_loop3A_117 = arith.addf %parallel_loop3A_114, %parallel_loop3A_116 : vector<16xf32>
        %parallel_loop3A_118 = arith.constant 0.166666672 : f32
        %parallel_loop3A_119 = vector.broadcast %parallel_loop3A_118 : f32 to vector<16xf32>
        %parallel_loop3A_120 = arith.mulf %parallel_loop3A_117, %parallel_loop3A_119 : vector<16xf32>
        %parallel_loop3A_121 = arith.constant 3.000000e+00 : f32
        %parallel_loop3A_122 = vector.broadcast %parallel_loop3A_121 : f32 to vector<16xf32>
        %parallel_loop3A_123 = arith.mulf %parallel_loop3A_122, %parallel_loop3A_104 : vector<16xf32>
        %parallel_loop3A_124 = arith.constant 6.000000e+00 : f32
        %parallel_loop3A_125 = vector.broadcast %parallel_loop3A_124 : f32 to vector<16xf32>
        %parallel_loop3A_126 = arith.subf %parallel_loop3A_123, %parallel_loop3A_125 : vector<16xf32>
        %parallel_loop3A_127 = arith.mulf %parallel_loop3A_126, %parallel_loop3A_105 : vector<16xf32>
        %parallel_loop3A_128 = arith.constant 4.000000e+00 : f32
        %parallel_loop3A_129 = vector.broadcast %parallel_loop3A_128 : f32 to vector<16xf32>
        %parallel_loop3A_130 = arith.addf %parallel_loop3A_127, %parallel_loop3A_129 : vector<16xf32>
        %parallel_loop3A_131 = arith.constant 0.166666672 : f32
        %parallel_loop3A_132 = vector.broadcast %parallel_loop3A_131 : f32 to vector<16xf32>
        %parallel_loop3A_133 = arith.mulf %parallel_loop3A_130, %parallel_loop3A_132 : vector<16xf32>
        %parallel_loop3A_134 = arith.constant 3.000000e+00 : f32
        %parallel_loop3A_135 = vector.broadcast %parallel_loop3A_134 : f32 to vector<16xf32>
        %parallel_loop3A_136 = arith.mulf %parallel_loop3A_135, %parallel_loop3A_104 : vector<16xf32>
        %parallel_loop3A_137 = arith.constant 3.000000e+00 : f32
        %parallel_loop3A_138 = vector.broadcast %parallel_loop3A_137 : f32 to vector<16xf32>
        %parallel_loop3A_139 = arith.subf %parallel_loop3A_138, %parallel_loop3A_136 : vector<16xf32>
        %parallel_loop3A_140 = arith.mulf %parallel_loop3A_139, %parallel_loop3A_104 : vector<16xf32>
        %parallel_loop3A_141 = arith.constant 3.000000e+00 : f32
        %parallel_loop3A_142 = vector.broadcast %parallel_loop3A_141 : f32 to vector<16xf32>
        %parallel_loop3A_143 = arith.addf %parallel_loop3A_140, %parallel_loop3A_142 : vector<16xf32>
        %parallel_loop3A_144 = arith.mulf %parallel_loop3A_143, %parallel_loop3A_104 : vector<16xf32>
        %parallel_loop3A_145 = arith.constant 1.000000e+00 : f32
        %parallel_loop3A_146 = vector.broadcast %parallel_loop3A_145 : f32 to vector<16xf32>
        %parallel_loop3A_147 = arith.addf %parallel_loop3A_144, %parallel_loop3A_146 : vector<16xf32>
        %parallel_loop3A_148 = arith.constant 0.166666672 : f32
        %parallel_loop3A_149 = vector.broadcast %parallel_loop3A_148 : f32 to vector<16xf32>
        %parallel_loop3A_150 = arith.mulf %parallel_loop3A_147, %parallel_loop3A_149 : vector<16xf32>
        %parallel_loop3A_151 = arith.constant 0.166666672 : f32
        %parallel_loop3A_152 = vector.broadcast %parallel_loop3A_151 : f32 to vector<16xf32>
        %parallel_loop3A_153 = arith.mulf %parallel_loop3A_106, %parallel_loop3A_152 : vector<16xf32>
        %parallel_loop3A_154 = tpu.pack_subelements %parallel_loop3A_120, %parallel_loop3A_120 {pack_format = #tpu.pack_format<interleaved>, positions = array<i32: 0, 1>} : vector<16xf32>, vector<16xf32> -> vector<32xbf16>
        %parallel_loop3A_155 = tpu.pack_subelements %parallel_loop3A_133, %parallel_loop3A_133 {pack_format = #tpu.pack_format<interleaved>, positions = array<i32: 0, 1>} : vector<16xf32>, vector<16xf32> -> vector<32xbf16>
        %parallel_loop3A_156 = tpu.pack_subelements %parallel_loop3A_150, %parallel_loop3A_150 {pack_format = #tpu.pack_format<interleaved>, positions = array<i32: 0, 1>} : vector<16xf32>, vector<16xf32> -> vector<32xbf16>
        %parallel_loop3A_157 = tpu.pack_subelements %parallel_loop3A_153, %parallel_loop3A_153 {pack_format = #tpu.pack_format<interleaved>, positions = array<i32: 0, 1>} : vector<16xf32>, vector<16xf32> -> vector<32xbf16>
        %parallel_loop3A_158 = arith.constant 32 : i32
        %parallel_loop3A_159 = vector.broadcast %parallel_loop3A_158 : i32 to vector<16xi32>
        %parallel_loop3A_160 = arith.muli %parallel_loop3A_102, %parallel_loop3A_159 : vector<16xi32>
        %parallel_loop3A_161 = arith.constant 1024 : i32
        %parallel_loop3A_162 = arith.muli %parallel_loop3A_88, %parallel_loop3A_161 : i32
        %parallel_loop3A_163 = vector.broadcast %parallel_loop3A_162 : i32 to vector<16xi32>
        %parallel_loop3A_164 = arith.addi %mul3A_5, %parallel_loop3A_163 : vector<16xi32>
        %parallel_loop3A_165 = arith.constant 0 : i32
        %parallel_loop3A_166 = vector.broadcast %parallel_loop3A_165 : i32 to vector<16xi32>
        %parallel_loop3A_167 = arith.addi %iota3A, %parallel_loop3A_166 : vector<16xi32>
        %parallel_loop3A_168 = arith.constant 31 : i32
        %parallel_loop3A_169 = vector.broadcast %parallel_loop3A_168 : i32 to vector<16xi32>
        %parallel_loop3A_170 = arith.andi %parallel_loop3A_167, %parallel_loop3A_169 : vector<16xi32>
        %parallel_loop3A_171 = arith.addi %parallel_loop3A_160, %parallel_loop3A_170 : vector<16xi32>
        %parallel_loop3A_172 = arith.constant 32 : i32
        %parallel_loop3A_173 = vector.broadcast %parallel_loop3A_172 : i32 to vector<16xi32>
        %parallel_loop3A_174 = arith.addi %parallel_loop3A_171, %parallel_loop3A_173 : vector<16xi32>
        %parallel_loop3A_175 = tpu.vector_load_idx %arg5[%parallel_loop3A_171] : memref<16640xf32, #tpu.memory_space<vmem>>[vector<16xi32>], vector<16xf32>,
        %parallel_loop3A_176 = vector.bitcast %parallel_loop3A_175 : vector<16xf32> to vector<32xbf16>
        %parallel_loop3A_177 = tpu.vector_load_idx %arg5[%parallel_loop3A_174] : memref<16640xf32, #tpu.memory_space<vmem>>[vector<16xi32>], vector<16xf32>,
        %parallel_loop3A_178 = vector.bitcast %parallel_loop3A_177 : vector<16xf32> to vector<32xbf16>
        %parallel_loop3A_179 = tpu.vector_load_idx %arg6[%parallel_loop3A_171] : memref<16576xf32, #tpu.memory_space<vmem>>[vector<16xi32>], vector<16xf32>,
        %parallel_loop3A_180 = vector.bitcast %parallel_loop3A_179 : vector<16xf32> to vector<32xbf16>
        %parallel_loop3A_181 = tpu.vector_load_idx %arg6[%parallel_loop3A_174] : memref<16576xf32, #tpu.memory_space<vmem>>[vector<16xi32>], vector<16xf32>,
        %parallel_loop3A_182 = vector.bitcast %parallel_loop3A_181 : vector<16xf32> to vector<32xbf16>
        %parallel_loop3A_183 = arith.mulf %parallel_loop3A_154, %parallel_loop3A_176 : vector<32xbf16>
        %parallel_loop3A_184 = arith.mulf %parallel_loop3A_155, %parallel_loop3A_178 : vector<32xbf16>
        %parallel_loop3A_185 = arith.addf %parallel_loop3A_183, %parallel_loop3A_184 : vector<32xbf16>
        %parallel_loop3A_186 = arith.mulf %parallel_loop3A_156, %parallel_loop3A_180 : vector<32xbf16>
        %parallel_loop3A_187 = arith.addf %parallel_loop3A_185, %parallel_loop3A_186 : vector<32xbf16>
        %parallel_loop3A_188 = arith.mulf %parallel_loop3A_157, %parallel_loop3A_182 : vector<32xbf16>
        %parallel_loop3A_189 = arith.addf %parallel_loop3A_187, %parallel_loop3A_188 : vector<32xbf16>
        %parallel_loop3A_190 = tpu.unpack_subelements %parallel_loop3A_189, 0 {pack_format = #tpu.pack_format<interleaved>} : vector<32xbf16> -> vector<16xf32>
        %parallel_loop3A_191 = tpu.unpack_subelements %parallel_loop3A_189, 1 {pack_format = #tpu.pack_format<interleaved>} : vector<32xbf16> -> vector<16xf32>
        %parallel_loop3A_192 = arith.addi %parallel_loop3A_170, %parallel_loop3A_170 : vector<16xi32>
        %parallel_loop3A_193 = arith.addi %parallel_loop3A_164, %parallel_loop3A_192 : vector<16xi32>
        tpu.vector_store_idx %arg9[%parallel_loop3A_193], %parallel_loop3A_190 : memref<32768xf32, #tpu.memory_space<vmem>>[vector<16xi32>], vector<16xf32>,
        %parallel_loop3A_194 = arith.constant 1 : i32
        %parallel_loop3A_195 = vector.broadcast %parallel_loop3A_194 : i32 to vector<16xi32>
        %parallel_loop3A_196 = arith.addi %parallel_loop3A_193, %parallel_loop3A_195 : vector<16xi32>
        tpu.vector_store_idx %arg9[%parallel_loop3A_196], %parallel_loop3A_191 : memref<32768xf32, #tpu.memory_space<vmem>>[vector<16xi32>], vector<16xf32>,
        %parallel_loop3A_197 = arith.constant 1 : i32
        %parallel_loop3A_198 = vector.broadcast %parallel_loop3A_197 : i32 to vector<16xi32>
        %parallel_loop3A_199 = arith.addi %iota3A, %parallel_loop3A_198 : vector<16xi32>
        %parallel_loop3A_200 = arith.constant 31 : i32
        %parallel_loop3A_201 = vector.broadcast %parallel_loop3A_200 : i32 to vector<16xi32>
        %parallel_loop3A_202 = arith.andi %parallel_loop3A_199, %parallel_loop3A_201 : vector<16xi32>
        %parallel_loop3A_203 = arith.addi %parallel_loop3A_160, %parallel_loop3A_202 : vector<16xi32>
        %parallel_loop3A_204 = arith.constant 32 : i32
        %parallel_loop3A_205 = vector.broadcast %parallel_loop3A_204 : i32 to vector<16xi32>
        %parallel_loop3A_206 = arith.addi %parallel_loop3A_203, %parallel_loop3A_205 : vector<16xi32>
        %parallel_loop3A_207 = tpu.vector_load_idx %arg5[%parallel_loop3A_203] : memref<16640xf32, #tpu.memory_space<vmem>>[vector<16xi32>], vector<16xf32>,
        %parallel_loop3A_208 = vector.bitcast %parallel_loop3A_207 : vector<16xf32> to vector<32xbf16>
        %parallel_loop3A_209 = tpu.vector_load_idx %arg5[%parallel_loop3A_206] : memref<16640xf32, #tpu.memory_space<vmem>>[vector<16xi32>], vector<16xf32>,
        %parallel_loop3A_210 = vector.bitcast %parallel_loop3A_209 : vector<16xf32> to vector<32xbf16>
        %parallel_loop3A_211 = tpu.vector_load_idx %arg6[%parallel_loop3A_203] : memref<16576xf32, #tpu.memory_space<vmem>>[vector<16xi32>], vector<16xf32>,
        %parallel_loop3A_212 = vector.bitcast %parallel_loop3A_211 : vector<16xf32> to vector<32xbf16>
        %parallel_loop3A_213 = tpu.vector_load_idx %arg6[%parallel_loop3A_206] : memref<16576xf32, #tpu.memory_space<vmem>>[vector<16xi32>], vector<16xf32>,
        %parallel_loop3A_214 = vector.bitcast %parallel_loop3A_213 : vector<16xf32> to vector<32xbf16>
        %parallel_loop3A_215 = arith.mulf %parallel_loop3A_154, %parallel_loop3A_208 : vector<32xbf16>
        %parallel_loop3A_216 = arith.mulf %parallel_loop3A_155, %parallel_loop3A_210 : vector<32xbf16>
        %parallel_loop3A_217 = arith.addf %parallel_loop3A_215, %parallel_loop3A_216 : vector<32xbf16>
        %parallel_loop3A_218 = arith.mulf %parallel_loop3A_156, %parallel_loop3A_212 : vector<32xbf16>
        %parallel_loop3A_219 = arith.addf %parallel_loop3A_217, %parallel_loop3A_218 : vector<32xbf16>
        %parallel_loop3A_220 = arith.mulf %parallel_loop3A_157, %parallel_loop3A_214 : vector<32xbf16>
        %parallel_loop3A_221 = arith.addf %parallel_loop3A_219, %parallel_loop3A_220 : vector<32xbf16>
        %parallel_loop3A_222 = tpu.unpack_subelements %parallel_loop3A_221, 0 {pack_format = #tpu.pack_format<interleaved>} : vector<32xbf16> -> vector<16xf32>
        %parallel_loop3A_223 = tpu.unpack_subelements %parallel_loop3A_221, 1 {pack_format = #tpu.pack_format<interleaved>} : vector<32xbf16> -> vector<16xf32>
        %parallel_loop3A_224 = arith.addi %parallel_loop3A_202, %parallel_loop3A_202 : vector<16xi32>
        %parallel_loop3A_225 = arith.addi %parallel_loop3A_164, %parallel_loop3A_224 : vector<16xi32>
        tpu.vector_store_idx %arg9[%parallel_loop3A_225], %parallel_loop3A_222 : memref<32768xf32, #tpu.memory_space<vmem>>[vector<16xi32>], vector<16xf32>,
        %parallel_loop3A_226 = arith.constant 1 : i32
        %parallel_loop3A_227 = vector.broadcast %parallel_loop3A_226 : i32 to vector<16xi32>
        %parallel_loop3A_228 = arith.addi %parallel_loop3A_225, %parallel_loop3A_227 : vector<16xi32>
        tpu.vector_store_idx %arg9[%parallel_loop3A_228], %parallel_loop3A_223 : memref<32768xf32, #tpu.memory_space<vmem>>[vector<16xi32>], vector<16xf32>,
        %parallel_loop3A_229 = arith.constant 2 : i32
        %parallel_loop3A_230 = vector.broadcast %parallel_loop3A_229 : i32 to vector<16xi32>
        %parallel_loop3A_231 = arith.addi %iota3A, %parallel_loop3A_230 : vector<16xi32>
        %parallel_loop3A_232 = arith.constant 31 : i32
        %parallel_loop3A_233 = vector.broadcast %parallel_loop3A_232 : i32 to vector<16xi32>
        %parallel_loop3A_234 = arith.andi %parallel_loop3A_231, %parallel_loop3A_233 : vector<16xi32>
        %parallel_loop3A_235 = arith.addi %parallel_loop3A_160, %parallel_loop3A_234 : vector<16xi32>
        %parallel_loop3A_236 = arith.constant 32 : i32
        %parallel_loop3A_237 = vector.broadcast %parallel_loop3A_236 : i32 to vector<16xi32>
        %parallel_loop3A_238 = arith.addi %parallel_loop3A_235, %parallel_loop3A_237 : vector<16xi32>
        %parallel_loop3A_239 = tpu.vector_load_idx %arg5[%parallel_loop3A_235] : memref<16640xf32, #tpu.memory_space<vmem>>[vector<16xi32>], vector<16xf32>,
        %parallel_loop3A_240 = vector.bitcast %parallel_loop3A_239 : vector<16xf32> to vector<32xbf16>
        %parallel_loop3A_241 = tpu.vector_load_idx %arg5[%parallel_loop3A_238] : memref<16640xf32, #tpu.memory_space<vmem>>[vector<16xi32>], vector<16xf32>,
        %parallel_loop3A_242 = vector.bitcast %parallel_loop3A_241 : vector<16xf32> to vector<32xbf16>
        %parallel_loop3A_243 = tpu.vector_load_idx %arg6[%parallel_loop3A_235] : memref<16576xf32, #tpu.memory_space<vmem>>[vector<16xi32>], vector<16xf32>,
        %parallel_loop3A_244 = vector.bitcast %parallel_loop3A_243 : vector<16xf32> to vector<32xbf16>
        %parallel_loop3A_245 = tpu.vector_load_idx %arg6[%parallel_loop3A_238] : memref<16576xf32, #tpu.memory_space<vmem>>[vector<16xi32>], vector<16xf32>,
        %parallel_loop3A_246 = vector.bitcast %parallel_loop3A_245 : vector<16xf32> to vector<32xbf16>
        %parallel_loop3A_247 = arith.mulf %parallel_loop3A_154, %parallel_loop3A_240 : vector<32xbf16>
        %parallel_loop3A_248 = arith.mulf %parallel_loop3A_155, %parallel_loop3A_242 : vector<32xbf16>
        %parallel_loop3A_249 = arith.addf %parallel_loop3A_247, %parallel_loop3A_248 : vector<32xbf16>
        %parallel_loop3A_250 = arith.mulf %parallel_loop3A_156, %parallel_loop3A_244 : vector<32xbf16>
        %parallel_loop3A_251 = arith.addf %parallel_loop3A_249, %parallel_loop3A_250 : vector<32xbf16>
        %parallel_loop3A_252 = arith.mulf %parallel_loop3A_157, %parallel_loop3A_246 : vector<32xbf16>
        %parallel_loop3A_253 = arith.addf %parallel_loop3A_251, %parallel_loop3A_252 : vector<32xbf16>
        %parallel_loop3A_254 = tpu.unpack_subelements %parallel_loop3A_253, 0 {pack_format = #tpu.pack_format<interleaved>} : vector<32xbf16> -> vector<16xf32>
        %parallel_loop3A_255 = tpu.unpack_subelements %parallel_loop3A_253, 1 {pack_format = #tpu.pack_format<interleaved>} : vector<32xbf16> -> vector<16xf32>
        %parallel_loop3A_256 = arith.addi %parallel_loop3A_234, %parallel_loop3A_234 : vector<16xi32>
        %parallel_loop3A_257 = arith.addi %parallel_loop3A_164, %parallel_loop3A_256 : vector<16xi32>
        tpu.vector_store_idx %arg9[%parallel_loop3A_257], %parallel_loop3A_254 : memref<32768xf32, #tpu.memory_space<vmem>>[vector<16xi32>], vector<16xf32>,
        %parallel_loop3A_258 = arith.constant 1 : i32
        %parallel_loop3A_259 = vector.broadcast %parallel_loop3A_258 : i32 to vector<16xi32>
        %parallel_loop3A_260 = arith.addi %parallel_loop3A_257, %parallel_loop3A_259 : vector<16xi32>
        tpu.vector_store_idx %arg9[%parallel_loop3A_260], %parallel_loop3A_255 : memref<32768xf32, #tpu.memory_space<vmem>>[vector<16xi32>], vector<16xf32>,
        %parallel_loop3A_261 = arith.constant 3 : i32
        %parallel_loop3A_262 = vector.broadcast %parallel_loop3A_261 : i32 to vector<16xi32>
        %parallel_loop3A_263 = arith.addi %iota3A, %parallel_loop3A_262 : vector<16xi32>
        %parallel_loop3A_264 = arith.constant 31 : i32
        %parallel_loop3A_265 = vector.broadcast %parallel_loop3A_264 : i32 to vector<16xi32>
        %parallel_loop3A_266 = arith.andi %parallel_loop3A_263, %parallel_loop3A_265 : vector<16xi32>
        %parallel_loop3A_267 = arith.addi %parallel_loop3A_160, %parallel_loop3A_266 : vector<16xi32>
        %parallel_loop3A_268 = arith.constant 32 : i32
        %parallel_loop3A_269 = vector.broadcast %parallel_loop3A_268 : i32 to vector<16xi32>
        %parallel_loop3A_270 = arith.addi %parallel_loop3A_267, %parallel_loop3A_269 : vector<16xi32>
        %parallel_loop3A_271 = tpu.vector_load_idx %arg5[%parallel_loop3A_267] : memref<16640xf32, #tpu.memory_space<vmem>>[vector<16xi32>], vector<16xf32>,
        %parallel_loop3A_272 = vector.bitcast %parallel_loop3A_271 : vector<16xf32> to vector<32xbf16>
        %parallel_loop3A_273 = tpu.vector_load_idx %arg5[%parallel_loop3A_270] : memref<16640xf32, #tpu.memory_space<vmem>>[vector<16xi32>], vector<16xf32>,
        %parallel_loop3A_274 = vector.bitcast %parallel_loop3A_273 : vector<16xf32> to vector<32xbf16>
        %parallel_loop3A_275 = tpu.vector_load_idx %arg6[%parallel_loop3A_267] : memref<16576xf32, #tpu.memory_space<vmem>>[vector<16xi32>], vector<16xf32>,
        %parallel_loop3A_276 = vector.bitcast %parallel_loop3A_275 : vector<16xf32> to vector<32xbf16>
        %parallel_loop3A_277 = tpu.vector_load_idx %arg6[%parallel_loop3A_270] : memref<16576xf32, #tpu.memory_space<vmem>>[vector<16xi32>], vector<16xf32>,
        %parallel_loop3A_278 = vector.bitcast %parallel_loop3A_277 : vector<16xf32> to vector<32xbf16>
        %parallel_loop3A_279 = arith.mulf %parallel_loop3A_154, %parallel_loop3A_272 : vector<32xbf16>
        %parallel_loop3A_280 = arith.mulf %parallel_loop3A_155, %parallel_loop3A_274 : vector<32xbf16>
        %parallel_loop3A_281 = arith.addf %parallel_loop3A_279, %parallel_loop3A_280 : vector<32xbf16>
        %parallel_loop3A_282 = arith.mulf %parallel_loop3A_156, %parallel_loop3A_276 : vector<32xbf16>
        %parallel_loop3A_283 = arith.addf %parallel_loop3A_281, %parallel_loop3A_282 : vector<32xbf16>
        %parallel_loop3A_284 = arith.mulf %parallel_loop3A_157, %parallel_loop3A_278 : vector<32xbf16>
        %parallel_loop3A_285 = arith.addf %parallel_loop3A_283, %parallel_loop3A_284 : vector<32xbf16>
        %parallel_loop3A_286 = tpu.unpack_subelements %parallel_loop3A_285, 0 {pack_format = #tpu.pack_format<interleaved>} : vector<32xbf16> -> vector<16xf32>
        %parallel_loop3A_287 = tpu.unpack_subelements %parallel_loop3A_285, 1 {pack_format = #tpu.pack_format<interleaved>} : vector<32xbf16> -> vector<16xf32>
        %parallel_loop3A_288 = arith.addi %parallel_loop3A_266, %parallel_loop3A_266 : vector<16xi32>
        %parallel_loop3A_289 = arith.addi %parallel_loop3A_164, %parallel_loop3A_288 : vector<16xi32>
        tpu.vector_store_idx %arg9[%parallel_loop3A_289], %parallel_loop3A_286 : memref<32768xf32, #tpu.memory_space<vmem>>[vector<16xi32>], vector<16xf32>,
        %parallel_loop3A_290 = arith.constant 1 : i32
        %parallel_loop3A_291 = vector.broadcast %parallel_loop3A_290 : i32 to vector<16xi32>
        %parallel_loop3A_292 = arith.addi %parallel_loop3A_289, %parallel_loop3A_291 : vector<16xi32>
        tpu.vector_store_idx %arg9[%parallel_loop3A_292], %parallel_loop3A_287 : memref<32768xf32, #tpu.memory_space<vmem>>[vector<16xi32>], vector<16xf32>,
        %parallel_loop3A_293 = arith.constant 4 : i32
        %parallel_loop3A_294 = vector.broadcast %parallel_loop3A_293 : i32 to vector<16xi32>
        %parallel_loop3A_295 = arith.addi %iota3A, %parallel_loop3A_294 : vector<16xi32>
        %parallel_loop3A_296 = arith.constant 31 : i32
        %parallel_loop3A_297 = vector.broadcast %parallel_loop3A_296 : i32 to vector<16xi32>
        %parallel_loop3A_298 = arith.andi %parallel_loop3A_295, %parallel_loop3A_297 : vector<16xi32>
        %parallel_loop3A_299 = arith.addi %parallel_loop3A_160, %parallel_loop3A_298 : vector<16xi32>
        %parallel_loop3A_300 = arith.constant 32 : i32
        %parallel_loop3A_301 = vector.broadcast %parallel_loop3A_300 : i32 to vector<16xi32>
        %parallel_loop3A_302 = arith.addi %parallel_loop3A_299, %parallel_loop3A_301 : vector<16xi32>
        %parallel_loop3A_303 = tpu.vector_load_idx %arg5[%parallel_loop3A_299] : memref<16640xf32, #tpu.memory_space<vmem>>[vector<16xi32>], vector<16xf32>,
        %parallel_loop3A_304 = vector.bitcast %parallel_loop3A_303 : vector<16xf32> to vector<32xbf16>
        %parallel_loop3A_305 = tpu.vector_load_idx %arg5[%parallel_loop3A_302] : memref<16640xf32, #tpu.memory_space<vmem>>[vector<16xi32>], vector<16xf32>,
        %parallel_loop3A_306 = vector.bitcast %parallel_loop3A_305 : vector<16xf32> to vector<32xbf16>
        %parallel_loop3A_307 = tpu.vector_load_idx %arg6[%parallel_loop3A_299] : memref<16576xf32, #tpu.memory_space<vmem>>[vector<16xi32>], vector<16xf32>,
        %parallel_loop3A_308 = vector.bitcast %parallel_loop3A_307 : vector<16xf32> to vector<32xbf16>
        %parallel_loop3A_309 = tpu.vector_load_idx %arg6[%parallel_loop3A_302] : memref<16576xf32, #tpu.memory_space<vmem>>[vector<16xi32>], vector<16xf32>,
        %parallel_loop3A_310 = vector.bitcast %parallel_loop3A_309 : vector<16xf32> to vector<32xbf16>
        %parallel_loop3A_311 = arith.mulf %parallel_loop3A_154, %parallel_loop3A_304 : vector<32xbf16>
        %parallel_loop3A_312 = arith.mulf %parallel_loop3A_155, %parallel_loop3A_306 : vector<32xbf16>
        %parallel_loop3A_313 = arith.addf %parallel_loop3A_311, %parallel_loop3A_312 : vector<32xbf16>
        %parallel_loop3A_314 = arith.mulf %parallel_loop3A_156, %parallel_loop3A_308 : vector<32xbf16>
        %parallel_loop3A_315 = arith.addf %parallel_loop3A_313, %parallel_loop3A_314 : vector<32xbf16>
        %parallel_loop3A_316 = arith.mulf %parallel_loop3A_157, %parallel_loop3A_310 : vector<32xbf16>
        %parallel_loop3A_317 = arith.addf %parallel_loop3A_315, %parallel_loop3A_316 : vector<32xbf16>
        %parallel_loop3A_318 = tpu.unpack_subelements %parallel_loop3A_317, 0 {pack_format = #tpu.pack_format<interleaved>} : vector<32xbf16> -> vector<16xf32>
        %parallel_loop3A_319 = tpu.unpack_subelements %parallel_loop3A_317, 1 {pack_format = #tpu.pack_format<interleaved>} : vector<32xbf16> -> vector<16xf32>
        %parallel_loop3A_320 = arith.addi %parallel_loop3A_298, %parallel_loop3A_298 : vector<16xi32>
        %parallel_loop3A_321 = arith.addi %parallel_loop3A_164, %parallel_loop3A_320 : vector<16xi32>
        tpu.vector_store_idx %arg9[%parallel_loop3A_321], %parallel_loop3A_318 : memref<32768xf32, #tpu.memory_space<vmem>>[vector<16xi32>], vector<16xf32>,
        %parallel_loop3A_322 = arith.constant 1 : i32
        %parallel_loop3A_323 = vector.broadcast %parallel_loop3A_322 : i32 to vector<16xi32>
        %parallel_loop3A_324 = arith.addi %parallel_loop3A_321, %parallel_loop3A_323 : vector<16xi32>
        tpu.vector_store_idx %arg9[%parallel_loop3A_324], %parallel_loop3A_319 : memref<32768xf32, #tpu.memory_space<vmem>>[vector<16xi32>], vector<16xf32>,
        %parallel_loop3A_325 = arith.constant 5 : i32
        %parallel_loop3A_326 = vector.broadcast %parallel_loop3A_325 : i32 to vector<16xi32>
        %parallel_loop3A_327 = arith.addi %iota3A, %parallel_loop3A_326 : vector<16xi32>
        %parallel_loop3A_328 = arith.constant 31 : i32
        %parallel_loop3A_329 = vector.broadcast %parallel_loop3A_328 : i32 to vector<16xi32>
        %parallel_loop3A_330 = arith.andi %parallel_loop3A_327, %parallel_loop3A_329 : vector<16xi32>
        %parallel_loop3A_331 = arith.addi %parallel_loop3A_160, %parallel_loop3A_330 : vector<16xi32>
        %parallel_loop3A_332 = arith.constant 32 : i32
        %parallel_loop3A_333 = vector.broadcast %parallel_loop3A_332 : i32 to vector<16xi32>
        %parallel_loop3A_334 = arith.addi %parallel_loop3A_331, %parallel_loop3A_333 : vector<16xi32>
        %parallel_loop3A_335 = tpu.vector_load_idx %arg5[%parallel_loop3A_331] : memref<16640xf32, #tpu.memory_space<vmem>>[vector<16xi32>], vector<16xf32>,
        %parallel_loop3A_336 = vector.bitcast %parallel_loop3A_335 : vector<16xf32> to vector<32xbf16>
        %parallel_loop3A_337 = tpu.vector_load_idx %arg5[%parallel_loop3A_334] : memref<16640xf32, #tpu.memory_space<vmem>>[vector<16xi32>], vector<16xf32>,
        %parallel_loop3A_338 = vector.bitcast %parallel_loop3A_337 : vector<16xf32> to vector<32xbf16>
        %parallel_loop3A_339 = tpu.vector_load_idx %arg6[%parallel_loop3A_331] : memref<16576xf32, #tpu.memory_space<vmem>>[vector<16xi32>], vector<16xf32>,
        %parallel_loop3A_340 = vector.bitcast %parallel_loop3A_339 : vector<16xf32> to vector<32xbf16>
        %parallel_loop3A_341 = tpu.vector_load_idx %arg6[%parallel_loop3A_334] : memref<16576xf32, #tpu.memory_space<vmem>>[vector<16xi32>], vector<16xf32>,
        %parallel_loop3A_342 = vector.bitcast %parallel_loop3A_341 : vector<16xf32> to vector<32xbf16>
        %parallel_loop3A_343 = arith.mulf %parallel_loop3A_154, %parallel_loop3A_336 : vector<32xbf16>
        %parallel_loop3A_344 = arith.mulf %parallel_loop3A_155, %parallel_loop3A_338 : vector<32xbf16>
        %parallel_loop3A_345 = arith.addf %parallel_loop3A_343, %parallel_loop3A_344 : vector<32xbf16>
        %parallel_loop3A_346 = arith.mulf %parallel_loop3A_156, %parallel_loop3A_340 : vector<32xbf16>
        %parallel_loop3A_347 = arith.addf %parallel_loop3A_345, %parallel_loop3A_346 : vector<32xbf16>
        %parallel_loop3A_348 = arith.mulf %parallel_loop3A_157, %parallel_loop3A_342 : vector<32xbf16>
        %parallel_loop3A_349 = arith.addf %parallel_loop3A_347, %parallel_loop3A_348 : vector<32xbf16>
        %parallel_loop3A_350 = tpu.unpack_subelements %parallel_loop3A_349, 0 {pack_format = #tpu.pack_format<interleaved>} : vector<32xbf16> -> vector<16xf32>
        %parallel_loop3A_351 = tpu.unpack_subelements %parallel_loop3A_349, 1 {pack_format = #tpu.pack_format<interleaved>} : vector<32xbf16> -> vector<16xf32>
        %parallel_loop3A_352 = arith.addi %parallel_loop3A_330, %parallel_loop3A_330 : vector<16xi32>
        %parallel_loop3A_353 = arith.addi %parallel_loop3A_164, %parallel_loop3A_352 : vector<16xi32>
        tpu.vector_store_idx %arg9[%parallel_loop3A_353], %parallel_loop3A_350 : memref<32768xf32, #tpu.memory_space<vmem>>[vector<16xi32>], vector<16xf32>,
        %parallel_loop3A_354 = arith.constant 1 : i32
        %parallel_loop3A_355 = vector.broadcast %parallel_loop3A_354 : i32 to vector<16xi32>
        %parallel_loop3A_356 = arith.addi %parallel_loop3A_353, %parallel_loop3A_355 : vector<16xi32>
        tpu.vector_store_idx %arg9[%parallel_loop3A_356], %parallel_loop3A_351 : memref<32768xf32, #tpu.memory_space<vmem>>[vector<16xi32>], vector<16xf32>,
        %parallel_loop3A_357 = arith.constant 6 : i32
        %parallel_loop3A_358 = vector.broadcast %parallel_loop3A_357 : i32 to vector<16xi32>
        %parallel_loop3A_359 = arith.addi %iota3A, %parallel_loop3A_358 : vector<16xi32>
        %parallel_loop3A_360 = arith.constant 31 : i32
        %parallel_loop3A_361 = vector.broadcast %parallel_loop3A_360 : i32 to vector<16xi32>
        %parallel_loop3A_362 = arith.andi %parallel_loop3A_359, %parallel_loop3A_361 : vector<16xi32>
        %parallel_loop3A_363 = arith.addi %parallel_loop3A_160, %parallel_loop3A_362 : vector<16xi32>
        %parallel_loop3A_364 = arith.constant 32 : i32
        %parallel_loop3A_365 = vector.broadcast %parallel_loop3A_364 : i32 to vector<16xi32>
        %parallel_loop3A_366 = arith.addi %parallel_loop3A_363, %parallel_loop3A_365 : vector<16xi32>
        %parallel_loop3A_367 = tpu.vector_load_idx %arg5[%parallel_loop3A_363] : memref<16640xf32, #tpu.memory_space<vmem>>[vector<16xi32>], vector<16xf32>,
        %parallel_loop3A_368 = vector.bitcast %parallel_loop3A_367 : vector<16xf32> to vector<32xbf16>
        %parallel_loop3A_369 = tpu.vector_load_idx %arg5[%parallel_loop3A_366] : memref<16640xf32, #tpu.memory_space<vmem>>[vector<16xi32>], vector<16xf32>,
        %parallel_loop3A_370 = vector.bitcast %parallel_loop3A_369 : vector<16xf32> to vector<32xbf16>
        %parallel_loop3A_371 = tpu.vector_load_idx %arg6[%parallel_loop3A_363] : memref<16576xf32, #tpu.memory_space<vmem>>[vector<16xi32>], vector<16xf32>,
        %parallel_loop3A_372 = vector.bitcast %parallel_loop3A_371 : vector<16xf32> to vector<32xbf16>
        %parallel_loop3A_373 = tpu.vector_load_idx %arg6[%parallel_loop3A_366] : memref<16576xf32, #tpu.memory_space<vmem>>[vector<16xi32>], vector<16xf32>,
        %parallel_loop3A_374 = vector.bitcast %parallel_loop3A_373 : vector<16xf32> to vector<32xbf16>
        %parallel_loop3A_375 = arith.mulf %parallel_loop3A_154, %parallel_loop3A_368 : vector<32xbf16>
        %parallel_loop3A_376 = arith.mulf %parallel_loop3A_155, %parallel_loop3A_370 : vector<32xbf16>
        %parallel_loop3A_377 = arith.addf %parallel_loop3A_375, %parallel_loop3A_376 : vector<32xbf16>
        %parallel_loop3A_378 = arith.mulf %parallel_loop3A_156, %parallel_loop3A_372 : vector<32xbf16>
        %parallel_loop3A_379 = arith.addf %parallel_loop3A_377, %parallel_loop3A_378 : vector<32xbf16>
        %parallel_loop3A_380 = arith.mulf %parallel_loop3A_157, %parallel_loop3A_374 : vector<32xbf16>
        %parallel_loop3A_381 = arith.addf %parallel_loop3A_379, %parallel_loop3A_380 : vector<32xbf16>
        %parallel_loop3A_382 = tpu.unpack_subelements %parallel_loop3A_381, 0 {pack_format = #tpu.pack_format<interleaved>} : vector<32xbf16> -> vector<16xf32>
        %parallel_loop3A_383 = tpu.unpack_subelements %parallel_loop3A_381, 1 {pack_format = #tpu.pack_format<interleaved>} : vector<32xbf16> -> vector<16xf32>
        %parallel_loop3A_384 = arith.addi %parallel_loop3A_362, %parallel_loop3A_362 : vector<16xi32>
        %parallel_loop3A_385 = arith.addi %parallel_loop3A_164, %parallel_loop3A_384 : vector<16xi32>
        tpu.vector_store_idx %arg9[%parallel_loop3A_385], %parallel_loop3A_382 : memref<32768xf32, #tpu.memory_space<vmem>>[vector<16xi32>], vector<16xf32>,
        %parallel_loop3A_386 = arith.constant 1 : i32
        %parallel_loop3A_387 = vector.broadcast %parallel_loop3A_386 : i32 to vector<16xi32>
        %parallel_loop3A_388 = arith.addi %parallel_loop3A_385, %parallel_loop3A_387 : vector<16xi32>
        tpu.vector_store_idx %arg9[%parallel_loop3A_388], %parallel_loop3A_383 : memref<32768xf32, #tpu.memory_space<vmem>>[vector<16xi32>], vector<16xf32>,
        %parallel_loop3A_389 = arith.constant 7 : i32
        %parallel_loop3A_390 = vector.broadcast %parallel_loop3A_389 : i32 to vector<16xi32>
        %parallel_loop3A_391 = arith.addi %iota3A, %parallel_loop3A_390 : vector<16xi32>
        %parallel_loop3A_392 = arith.constant 31 : i32
        %parallel_loop3A_393 = vector.broadcast %parallel_loop3A_392 : i32 to vector<16xi32>
        %parallel_loop3A_394 = arith.andi %parallel_loop3A_391, %parallel_loop3A_393 : vector<16xi32>
        %parallel_loop3A_395 = arith.addi %parallel_loop3A_160, %parallel_loop3A_394 : vector<16xi32>
        %parallel_loop3A_396 = arith.constant 32 : i32
        %parallel_loop3A_397 = vector.broadcast %parallel_loop3A_396 : i32 to vector<16xi32>
        %parallel_loop3A_398 = arith.addi %parallel_loop3A_395, %parallel_loop3A_397 : vector<16xi32>
        %parallel_loop3A_399 = tpu.vector_load_idx %arg5[%parallel_loop3A_395] : memref<16640xf32, #tpu.memory_space<vmem>>[vector<16xi32>], vector<16xf32>,
        %parallel_loop3A_400 = vector.bitcast %parallel_loop3A_399 : vector<16xf32> to vector<32xbf16>
        %parallel_loop3A_401 = tpu.vector_load_idx %arg5[%parallel_loop3A_398] : memref<16640xf32, #tpu.memory_space<vmem>>[vector<16xi32>], vector<16xf32>,
        %parallel_loop3A_402 = vector.bitcast %parallel_loop3A_401 : vector<16xf32> to vector<32xbf16>
        %parallel_loop3A_403 = tpu.vector_load_idx %arg6[%parallel_loop3A_395] : memref<16576xf32, #tpu.memory_space<vmem>>[vector<16xi32>], vector<16xf32>,
        %parallel_loop3A_404 = vector.bitcast %parallel_loop3A_403 : vector<16xf32> to vector<32xbf16>
        %parallel_loop3A_405 = tpu.vector_load_idx %arg6[%parallel_loop3A_398] : memref<16576xf32, #tpu.memory_space<vmem>>[vector<16xi32>], vector<16xf32>,
        %parallel_loop3A_406 = vector.bitcast %parallel_loop3A_405 : vector<16xf32> to vector<32xbf16>
        %parallel_loop3A_407 = arith.mulf %parallel_loop3A_154, %parallel_loop3A_400 : vector<32xbf16>
        %parallel_loop3A_408 = arith.mulf %parallel_loop3A_155, %parallel_loop3A_402 : vector<32xbf16>
        %parallel_loop3A_409 = arith.addf %parallel_loop3A_407, %parallel_loop3A_408 : vector<32xbf16>
        %parallel_loop3A_410 = arith.mulf %parallel_loop3A_156, %parallel_loop3A_404 : vector<32xbf16>
        %parallel_loop3A_411 = arith.addf %parallel_loop3A_409, %parallel_loop3A_410 : vector<32xbf16>
        %parallel_loop3A_412 = arith.mulf %parallel_loop3A_157, %parallel_loop3A_406 : vector<32xbf16>
        %parallel_loop3A_413 = arith.addf %parallel_loop3A_411, %parallel_loop3A_412 : vector<32xbf16>
        %parallel_loop3A_414 = tpu.unpack_subelements %parallel_loop3A_413, 0 {pack_format = #tpu.pack_format<interleaved>} : vector<32xbf16> -> vector<16xf32>
        %parallel_loop3A_415 = tpu.unpack_subelements %parallel_loop3A_413, 1 {pack_format = #tpu.pack_format<interleaved>} : vector<32xbf16> -> vector<16xf32>
        %parallel_loop3A_416 = arith.addi %parallel_loop3A_394, %parallel_loop3A_394 : vector<16xi32>
        %parallel_loop3A_417 = arith.addi %parallel_loop3A_164, %parallel_loop3A_416 : vector<16xi32>
        tpu.vector_store_idx %arg9[%parallel_loop3A_417], %parallel_loop3A_414 : memref<32768xf32, #tpu.memory_space<vmem>>[vector<16xi32>], vector<16xf32>,
        %parallel_loop3A_418 = arith.constant 1 : i32
        %parallel_loop3A_419 = vector.broadcast %parallel_loop3A_418 : i32 to vector<16xi32>
        %parallel_loop3A_420 = arith.addi %parallel_loop3A_417, %parallel_loop3A_419 : vector<16xi32>
        tpu.vector_store_idx %arg9[%parallel_loop3A_420], %parallel_loop3A_415 : memref<32768xf32, #tpu.memory_space<vmem>>[vector<16xi32>], vector<16xf32>,
        %parallel_loop3A_421 = arith.constant 8 : i32
        %parallel_loop3A_422 = vector.broadcast %parallel_loop3A_421 : i32 to vector<16xi32>
        %parallel_loop3A_423 = arith.addi %iota3A, %parallel_loop3A_422 : vector<16xi32>
        %parallel_loop3A_424 = arith.constant 31 : i32
        %parallel_loop3A_425 = vector.broadcast %parallel_loop3A_424 : i32 to vector<16xi32>
        %parallel_loop3A_426 = arith.andi %parallel_loop3A_423, %parallel_loop3A_425 : vector<16xi32>
        %parallel_loop3A_427 = arith.addi %parallel_loop3A_160, %parallel_loop3A_426 : vector<16xi32>
        %parallel_loop3A_428 = arith.constant 32 : i32
        %parallel_loop3A_429 = vector.broadcast %parallel_loop3A_428 : i32 to vector<16xi32>
        %parallel_loop3A_430 = arith.addi %parallel_loop3A_427, %parallel_loop3A_429 : vector<16xi32>
        %parallel_loop3A_431 = tpu.vector_load_idx %arg5[%parallel_loop3A_427] : memref<16640xf32, #tpu.memory_space<vmem>>[vector<16xi32>], vector<16xf32>,
        %parallel_loop3A_432 = vector.bitcast %parallel_loop3A_431 : vector<16xf32> to vector<32xbf16>
        %parallel_loop3A_433 = tpu.vector_load_idx %arg5[%parallel_loop3A_430] : memref<16640xf32, #tpu.memory_space<vmem>>[vector<16xi32>], vector<16xf32>,
        %parallel_loop3A_434 = vector.bitcast %parallel_loop3A_433 : vector<16xf32> to vector<32xbf16>
        %parallel_loop3A_435 = tpu.vector_load_idx %arg6[%parallel_loop3A_427] : memref<16576xf32, #tpu.memory_space<vmem>>[vector<16xi32>], vector<16xf32>,
        %parallel_loop3A_436 = vector.bitcast %parallel_loop3A_435 : vector<16xf32> to vector<32xbf16>
        %parallel_loop3A_437 = tpu.vector_load_idx %arg6[%parallel_loop3A_430] : memref<16576xf32, #tpu.memory_space<vmem>>[vector<16xi32>], vector<16xf32>,
        %parallel_loop3A_438 = vector.bitcast %parallel_loop3A_437 : vector<16xf32> to vector<32xbf16>
        %parallel_loop3A_439 = arith.mulf %parallel_loop3A_154, %parallel_loop3A_432 : vector<32xbf16>
        %parallel_loop3A_440 = arith.mulf %parallel_loop3A_155, %parallel_loop3A_434 : vector<32xbf16>
        %parallel_loop3A_441 = arith.addf %parallel_loop3A_439, %parallel_loop3A_440 : vector<32xbf16>
        %parallel_loop3A_442 = arith.mulf %parallel_loop3A_156, %parallel_loop3A_436 : vector<32xbf16>
        %parallel_loop3A_443 = arith.addf %parallel_loop3A_441, %parallel_loop3A_442 : vector<32xbf16>
        %parallel_loop3A_444 = arith.mulf %parallel_loop3A_157, %parallel_loop3A_438 : vector<32xbf16>
        %parallel_loop3A_445 = arith.addf %parallel_loop3A_443, %parallel_loop3A_444 : vector<32xbf16>
        %parallel_loop3A_446 = tpu.unpack_subelements %parallel_loop3A_445, 0 {pack_format = #tpu.pack_format<interleaved>} : vector<32xbf16> -> vector<16xf32>
        %parallel_loop3A_447 = tpu.unpack_subelements %parallel_loop3A_445, 1 {pack_format = #tpu.pack_format<interleaved>} : vector<32xbf16> -> vector<16xf32>
        %parallel_loop3A_448 = arith.addi %parallel_loop3A_426, %parallel_loop3A_426 : vector<16xi32>
        %parallel_loop3A_449 = arith.addi %parallel_loop3A_164, %parallel_loop3A_448 : vector<16xi32>
        tpu.vector_store_idx %arg9[%parallel_loop3A_449], %parallel_loop3A_446 : memref<32768xf32, #tpu.memory_space<vmem>>[vector<16xi32>], vector<16xf32>,
        %parallel_loop3A_450 = arith.constant 1 : i32
        %parallel_loop3A_451 = vector.broadcast %parallel_loop3A_450 : i32 to vector<16xi32>
        %parallel_loop3A_452 = arith.addi %parallel_loop3A_449, %parallel_loop3A_451 : vector<16xi32>
        tpu.vector_store_idx %arg9[%parallel_loop3A_452], %parallel_loop3A_447 : memref<32768xf32, #tpu.memory_space<vmem>>[vector<16xi32>], vector<16xf32>,
        %parallel_loop3A_453 = arith.constant 9 : i32
        %parallel_loop3A_454 = vector.broadcast %parallel_loop3A_453 : i32 to vector<16xi32>
        %parallel_loop3A_455 = arith.addi %iota3A, %parallel_loop3A_454 : vector<16xi32>
        %parallel_loop3A_456 = arith.constant 31 : i32
        %parallel_loop3A_457 = vector.broadcast %parallel_loop3A_456 : i32 to vector<16xi32>
        %parallel_loop3A_458 = arith.andi %parallel_loop3A_455, %parallel_loop3A_457 : vector<16xi32>
        %parallel_loop3A_459 = arith.addi %parallel_loop3A_160, %parallel_loop3A_458 : vector<16xi32>
        %parallel_loop3A_460 = arith.constant 32 : i32
        %parallel_loop3A_461 = vector.broadcast %parallel_loop3A_460 : i32 to vector<16xi32>
        %parallel_loop3A_462 = arith.addi %parallel_loop3A_459, %parallel_loop3A_461 : vector<16xi32>
        %parallel_loop3A_463 = tpu.vector_load_idx %arg5[%parallel_loop3A_459] : memref<16640xf32, #tpu.memory_space<vmem>>[vector<16xi32>], vector<16xf32>,
        %parallel_loop3A_464 = vector.bitcast %parallel_loop3A_463 : vector<16xf32> to vector<32xbf16>
        %parallel_loop3A_465 = tpu.vector_load_idx %arg5[%parallel_loop3A_462] : memref<16640xf32, #tpu.memory_space<vmem>>[vector<16xi32>], vector<16xf32>,
        %parallel_loop3A_466 = vector.bitcast %parallel_loop3A_465 : vector<16xf32> to vector<32xbf16>
        %parallel_loop3A_467 = tpu.vector_load_idx %arg6[%parallel_loop3A_459] : memref<16576xf32, #tpu.memory_space<vmem>>[vector<16xi32>], vector<16xf32>,
        %parallel_loop3A_468 = vector.bitcast %parallel_loop3A_467 : vector<16xf32> to vector<32xbf16>
        %parallel_loop3A_469 = tpu.vector_load_idx %arg6[%parallel_loop3A_462] : memref<16576xf32, #tpu.memory_space<vmem>>[vector<16xi32>], vector<16xf32>,
        %parallel_loop3A_470 = vector.bitcast %parallel_loop3A_469 : vector<16xf32> to vector<32xbf16>
        %parallel_loop3A_471 = arith.mulf %parallel_loop3A_154, %parallel_loop3A_464 : vector<32xbf16>
        %parallel_loop3A_472 = arith.mulf %parallel_loop3A_155, %parallel_loop3A_466 : vector<32xbf16>
        %parallel_loop3A_473 = arith.addf %parallel_loop3A_471, %parallel_loop3A_472 : vector<32xbf16>
        %parallel_loop3A_474 = arith.mulf %parallel_loop3A_156, %parallel_loop3A_468 : vector<32xbf16>
        %parallel_loop3A_475 = arith.addf %parallel_loop3A_473, %parallel_loop3A_474 : vector<32xbf16>
        %parallel_loop3A_476 = arith.mulf %parallel_loop3A_157, %parallel_loop3A_470 : vector<32xbf16>
        %parallel_loop3A_477 = arith.addf %parallel_loop3A_475, %parallel_loop3A_476 : vector<32xbf16>
        %parallel_loop3A_478 = tpu.unpack_subelements %parallel_loop3A_477, 0 {pack_format = #tpu.pack_format<interleaved>} : vector<32xbf16> -> vector<16xf32>
        %parallel_loop3A_479 = tpu.unpack_subelements %parallel_loop3A_477, 1 {pack_format = #tpu.pack_format<interleaved>} : vector<32xbf16> -> vector<16xf32>
        %parallel_loop3A_480 = arith.addi %parallel_loop3A_458, %parallel_loop3A_458 : vector<16xi32>
        %parallel_loop3A_481 = arith.addi %parallel_loop3A_164, %parallel_loop3A_480 : vector<16xi32>
        tpu.vector_store_idx %arg9[%parallel_loop3A_481], %parallel_loop3A_478 : memref<32768xf32, #tpu.memory_space<vmem>>[vector<16xi32>], vector<16xf32>,
        %parallel_loop3A_482 = arith.constant 1 : i32
        %parallel_loop3A_483 = vector.broadcast %parallel_loop3A_482 : i32 to vector<16xi32>
        %parallel_loop3A_484 = arith.addi %parallel_loop3A_481, %parallel_loop3A_483 : vector<16xi32>
        tpu.vector_store_idx %arg9[%parallel_loop3A_484], %parallel_loop3A_479 : memref<32768xf32, #tpu.memory_space<vmem>>[vector<16xi32>], vector<16xf32>,
        %parallel_loop3A_485 = arith.constant 10 : i32
        %parallel_loop3A_486 = vector.broadcast %parallel_loop3A_485 : i32 to vector<16xi32>
        %parallel_loop3A_487 = arith.addi %iota3A, %parallel_loop3A_486 : vector<16xi32>
        %parallel_loop3A_488 = arith.constant 31 : i32
        %parallel_loop3A_489 = vector.broadcast %parallel_loop3A_488 : i32 to vector<16xi32>
        %parallel_loop3A_490 = arith.andi %parallel_loop3A_487, %parallel_loop3A_489 : vector<16xi32>
        %parallel_loop3A_491 = arith.addi %parallel_loop3A_160, %parallel_loop3A_490 : vector<16xi32>
        %parallel_loop3A_492 = arith.constant 32 : i32
        %parallel_loop3A_493 = vector.broadcast %parallel_loop3A_492 : i32 to vector<16xi32>
        %parallel_loop3A_494 = arith.addi %parallel_loop3A_491, %parallel_loop3A_493 : vector<16xi32>
        %parallel_loop3A_495 = tpu.vector_load_idx %arg5[%parallel_loop3A_491] : memref<16640xf32, #tpu.memory_space<vmem>>[vector<16xi32>], vector<16xf32>,
        %parallel_loop3A_496 = vector.bitcast %parallel_loop3A_495 : vector<16xf32> to vector<32xbf16>
        %parallel_loop3A_497 = tpu.vector_load_idx %arg5[%parallel_loop3A_494] : memref<16640xf32, #tpu.memory_space<vmem>>[vector<16xi32>], vector<16xf32>,
        %parallel_loop3A_498 = vector.bitcast %parallel_loop3A_497 : vector<16xf32> to vector<32xbf16>
        %parallel_loop3A_499 = tpu.vector_load_idx %arg6[%parallel_loop3A_491] : memref<16576xf32, #tpu.memory_space<vmem>>[vector<16xi32>], vector<16xf32>,
        %parallel_loop3A_500 = vector.bitcast %parallel_loop3A_499 : vector<16xf32> to vector<32xbf16>
        %parallel_loop3A_501 = tpu.vector_load_idx %arg6[%parallel_loop3A_494] : memref<16576xf32, #tpu.memory_space<vmem>>[vector<16xi32>], vector<16xf32>,
        %parallel_loop3A_502 = vector.bitcast %parallel_loop3A_501 : vector<16xf32> to vector<32xbf16>
        %parallel_loop3A_503 = arith.mulf %parallel_loop3A_154, %parallel_loop3A_496 : vector<32xbf16>
        %parallel_loop3A_504 = arith.mulf %parallel_loop3A_155, %parallel_loop3A_498 : vector<32xbf16>
        %parallel_loop3A_505 = arith.addf %parallel_loop3A_503, %parallel_loop3A_504 : vector<32xbf16>
        %parallel_loop3A_506 = arith.mulf %parallel_loop3A_156, %parallel_loop3A_500 : vector<32xbf16>
        %parallel_loop3A_507 = arith.addf %parallel_loop3A_505, %parallel_loop3A_506 : vector<32xbf16>
        %parallel_loop3A_508 = arith.mulf %parallel_loop3A_157, %parallel_loop3A_502 : vector<32xbf16>
        %parallel_loop3A_509 = arith.addf %parallel_loop3A_507, %parallel_loop3A_508 : vector<32xbf16>
        %parallel_loop3A_510 = tpu.unpack_subelements %parallel_loop3A_509, 0 {pack_format = #tpu.pack_format<interleaved>} : vector<32xbf16> -> vector<16xf32>
        %parallel_loop3A_511 = tpu.unpack_subelements %parallel_loop3A_509, 1 {pack_format = #tpu.pack_format<interleaved>} : vector<32xbf16> -> vector<16xf32>
        %parallel_loop3A_512 = arith.addi %parallel_loop3A_490, %parallel_loop3A_490 : vector<16xi32>
        %parallel_loop3A_513 = arith.addi %parallel_loop3A_164, %parallel_loop3A_512 : vector<16xi32>
        tpu.vector_store_idx %arg9[%parallel_loop3A_513], %parallel_loop3A_510 : memref<32768xf32, #tpu.memory_space<vmem>>[vector<16xi32>], vector<16xf32>,
        %parallel_loop3A_514 = arith.constant 1 : i32
        %parallel_loop3A_515 = vector.broadcast %parallel_loop3A_514 : i32 to vector<16xi32>
        %parallel_loop3A_516 = arith.addi %parallel_loop3A_513, %parallel_loop3A_515 : vector<16xi32>
        tpu.vector_store_idx %arg9[%parallel_loop3A_516], %parallel_loop3A_511 : memref<32768xf32, #tpu.memory_space<vmem>>[vector<16xi32>], vector<16xf32>,
        %parallel_loop3A_517 = arith.constant 11 : i32
        %parallel_loop3A_518 = vector.broadcast %parallel_loop3A_517 : i32 to vector<16xi32>
        %parallel_loop3A_519 = arith.addi %iota3A, %parallel_loop3A_518 : vector<16xi32>
        %parallel_loop3A_520 = arith.constant 31 : i32
        %parallel_loop3A_521 = vector.broadcast %parallel_loop3A_520 : i32 to vector<16xi32>
        %parallel_loop3A_522 = arith.andi %parallel_loop3A_519, %parallel_loop3A_521 : vector<16xi32>
        %parallel_loop3A_523 = arith.addi %parallel_loop3A_160, %parallel_loop3A_522 : vector<16xi32>
        %parallel_loop3A_524 = arith.constant 32 : i32
        %parallel_loop3A_525 = vector.broadcast %parallel_loop3A_524 : i32 to vector<16xi32>
        %parallel_loop3A_526 = arith.addi %parallel_loop3A_523, %parallel_loop3A_525 : vector<16xi32>
        %parallel_loop3A_527 = tpu.vector_load_idx %arg5[%parallel_loop3A_523] : memref<16640xf32, #tpu.memory_space<vmem>>[vector<16xi32>], vector<16xf32>,
        %parallel_loop3A_528 = vector.bitcast %parallel_loop3A_527 : vector<16xf32> to vector<32xbf16>
        %parallel_loop3A_529 = tpu.vector_load_idx %arg5[%parallel_loop3A_526] : memref<16640xf32, #tpu.memory_space<vmem>>[vector<16xi32>], vector<16xf32>,
        %parallel_loop3A_530 = vector.bitcast %parallel_loop3A_529 : vector<16xf32> to vector<32xbf16>
        %parallel_loop3A_531 = tpu.vector_load_idx %arg6[%parallel_loop3A_523] : memref<16576xf32, #tpu.memory_space<vmem>>[vector<16xi32>], vector<16xf32>,
        %parallel_loop3A_532 = vector.bitcast %parallel_loop3A_531 : vector<16xf32> to vector<32xbf16>
        %parallel_loop3A_533 = tpu.vector_load_idx %arg6[%parallel_loop3A_526] : memref<16576xf32, #tpu.memory_space<vmem>>[vector<16xi32>], vector<16xf32>,
        %parallel_loop3A_534 = vector.bitcast %parallel_loop3A_533 : vector<16xf32> to vector<32xbf16>
        %parallel_loop3A_535 = arith.mulf %parallel_loop3A_154, %parallel_loop3A_528 : vector<32xbf16>
        %parallel_loop3A_536 = arith.mulf %parallel_loop3A_155, %parallel_loop3A_530 : vector<32xbf16>
        %parallel_loop3A_537 = arith.addf %parallel_loop3A_535, %parallel_loop3A_536 : vector<32xbf16>
        %parallel_loop3A_538 = arith.mulf %parallel_loop3A_156, %parallel_loop3A_532 : vector<32xbf16>
        %parallel_loop3A_539 = arith.addf %parallel_loop3A_537, %parallel_loop3A_538 : vector<32xbf16>
        %parallel_loop3A_540 = arith.mulf %parallel_loop3A_157, %parallel_loop3A_534 : vector<32xbf16>
        %parallel_loop3A_541 = arith.addf %parallel_loop3A_539, %parallel_loop3A_540 : vector<32xbf16>
        %parallel_loop3A_542 = tpu.unpack_subelements %parallel_loop3A_541, 0 {pack_format = #tpu.pack_format<interleaved>} : vector<32xbf16> -> vector<16xf32>
        %parallel_loop3A_543 = tpu.unpack_subelements %parallel_loop3A_541, 1 {pack_format = #tpu.pack_format<interleaved>} : vector<32xbf16> -> vector<16xf32>
        %parallel_loop3A_544 = arith.addi %parallel_loop3A_522, %parallel_loop3A_522 : vector<16xi32>
        %parallel_loop3A_545 = arith.addi %parallel_loop3A_164, %parallel_loop3A_544 : vector<16xi32>
        tpu.vector_store_idx %arg9[%parallel_loop3A_545], %parallel_loop3A_542 : memref<32768xf32, #tpu.memory_space<vmem>>[vector<16xi32>], vector<16xf32>,
        %parallel_loop3A_546 = arith.constant 1 : i32
        %parallel_loop3A_547 = vector.broadcast %parallel_loop3A_546 : i32 to vector<16xi32>
        %parallel_loop3A_548 = arith.addi %parallel_loop3A_545, %parallel_loop3A_547 : vector<16xi32>
        tpu.vector_store_idx %arg9[%parallel_loop3A_548], %parallel_loop3A_543 : memref<32768xf32, #tpu.memory_space<vmem>>[vector<16xi32>], vector<16xf32>,
        %parallel_loop3A_549 = arith.constant 12 : i32
        %parallel_loop3A_550 = vector.broadcast %parallel_loop3A_549 : i32 to vector<16xi32>
        %parallel_loop3A_551 = arith.addi %iota3A, %parallel_loop3A_550 : vector<16xi32>
        %parallel_loop3A_552 = arith.constant 31 : i32
        %parallel_loop3A_553 = vector.broadcast %parallel_loop3A_552 : i32 to vector<16xi32>
        %parallel_loop3A_554 = arith.andi %parallel_loop3A_551, %parallel_loop3A_553 : vector<16xi32>
        %parallel_loop3A_555 = arith.addi %parallel_loop3A_160, %parallel_loop3A_554 : vector<16xi32>
        %parallel_loop3A_556 = arith.constant 32 : i32
        %parallel_loop3A_557 = vector.broadcast %parallel_loop3A_556 : i32 to vector<16xi32>
        %parallel_loop3A_558 = arith.addi %parallel_loop3A_555, %parallel_loop3A_557 : vector<16xi32>
        %parallel_loop3A_559 = tpu.vector_load_idx %arg5[%parallel_loop3A_555] : memref<16640xf32, #tpu.memory_space<vmem>>[vector<16xi32>], vector<16xf32>,
        %parallel_loop3A_560 = vector.bitcast %parallel_loop3A_559 : vector<16xf32> to vector<32xbf16>
        %parallel_loop3A_561 = tpu.vector_load_idx %arg5[%parallel_loop3A_558] : memref<16640xf32, #tpu.memory_space<vmem>>[vector<16xi32>], vector<16xf32>,
        %parallel_loop3A_562 = vector.bitcast %parallel_loop3A_561 : vector<16xf32> to vector<32xbf16>
        %parallel_loop3A_563 = tpu.vector_load_idx %arg6[%parallel_loop3A_555] : memref<16576xf32, #tpu.memory_space<vmem>>[vector<16xi32>], vector<16xf32>,
        %parallel_loop3A_564 = vector.bitcast %parallel_loop3A_563 : vector<16xf32> to vector<32xbf16>
        %parallel_loop3A_565 = tpu.vector_load_idx %arg6[%parallel_loop3A_558] : memref<16576xf32, #tpu.memory_space<vmem>>[vector<16xi32>], vector<16xf32>,
        %parallel_loop3A_566 = vector.bitcast %parallel_loop3A_565 : vector<16xf32> to vector<32xbf16>
        %parallel_loop3A_567 = arith.mulf %parallel_loop3A_154, %parallel_loop3A_560 : vector<32xbf16>
        %parallel_loop3A_568 = arith.mulf %parallel_loop3A_155, %parallel_loop3A_562 : vector<32xbf16>
        %parallel_loop3A_569 = arith.addf %parallel_loop3A_567, %parallel_loop3A_568 : vector<32xbf16>
        %parallel_loop3A_570 = arith.mulf %parallel_loop3A_156, %parallel_loop3A_564 : vector<32xbf16>
        %parallel_loop3A_571 = arith.addf %parallel_loop3A_569, %parallel_loop3A_570 : vector<32xbf16>
        %parallel_loop3A_572 = arith.mulf %parallel_loop3A_157, %parallel_loop3A_566 : vector<32xbf16>
        %parallel_loop3A_573 = arith.addf %parallel_loop3A_571, %parallel_loop3A_572 : vector<32xbf16>
        %parallel_loop3A_574 = tpu.unpack_subelements %parallel_loop3A_573, 0 {pack_format = #tpu.pack_format<interleaved>} : vector<32xbf16> -> vector<16xf32>
        %parallel_loop3A_575 = tpu.unpack_subelements %parallel_loop3A_573, 1 {pack_format = #tpu.pack_format<interleaved>} : vector<32xbf16> -> vector<16xf32>
        %parallel_loop3A_576 = arith.addi %parallel_loop3A_554, %parallel_loop3A_554 : vector<16xi32>
        %parallel_loop3A_577 = arith.addi %parallel_loop3A_164, %parallel_loop3A_576 : vector<16xi32>
        tpu.vector_store_idx %arg9[%parallel_loop3A_577], %parallel_loop3A_574 : memref<32768xf32, #tpu.memory_space<vmem>>[vector<16xi32>], vector<16xf32>,
        %parallel_loop3A_578 = arith.constant 1 : i32
        %parallel_loop3A_579 = vector.broadcast %parallel_loop3A_578 : i32 to vector<16xi32>
        %parallel_loop3A_580 = arith.addi %parallel_loop3A_577, %parallel_loop3A_579 : vector<16xi32>
        tpu.vector_store_idx %arg9[%parallel_loop3A_580], %parallel_loop3A_575 : memref<32768xf32, #tpu.memory_space<vmem>>[vector<16xi32>], vector<16xf32>,
        %parallel_loop3A_581 = arith.constant 13 : i32
        %parallel_loop3A_582 = vector.broadcast %parallel_loop3A_581 : i32 to vector<16xi32>
        %parallel_loop3A_583 = arith.addi %iota3A, %parallel_loop3A_582 : vector<16xi32>
        %parallel_loop3A_584 = arith.constant 31 : i32
        %parallel_loop3A_585 = vector.broadcast %parallel_loop3A_584 : i32 to vector<16xi32>
        %parallel_loop3A_586 = arith.andi %parallel_loop3A_583, %parallel_loop3A_585 : vector<16xi32>
        %parallel_loop3A_587 = arith.addi %parallel_loop3A_160, %parallel_loop3A_586 : vector<16xi32>
        %parallel_loop3A_588 = arith.constant 32 : i32
        %parallel_loop3A_589 = vector.broadcast %parallel_loop3A_588 : i32 to vector<16xi32>
        %parallel_loop3A_590 = arith.addi %parallel_loop3A_587, %parallel_loop3A_589 : vector<16xi32>
        %parallel_loop3A_591 = tpu.vector_load_idx %arg5[%parallel_loop3A_587] : memref<16640xf32, #tpu.memory_space<vmem>>[vector<16xi32>], vector<16xf32>,
        %parallel_loop3A_592 = vector.bitcast %parallel_loop3A_591 : vector<16xf32> to vector<32xbf16>
        %parallel_loop3A_593 = tpu.vector_load_idx %arg5[%parallel_loop3A_590] : memref<16640xf32, #tpu.memory_space<vmem>>[vector<16xi32>], vector<16xf32>,
        %parallel_loop3A_594 = vector.bitcast %parallel_loop3A_593 : vector<16xf32> to vector<32xbf16>
        %parallel_loop3A_595 = tpu.vector_load_idx %arg6[%parallel_loop3A_587] : memref<16576xf32, #tpu.memory_space<vmem>>[vector<16xi32>], vector<16xf32>,
        %parallel_loop3A_596 = vector.bitcast %parallel_loop3A_595 : vector<16xf32> to vector<32xbf16>
        %parallel_loop3A_597 = tpu.vector_load_idx %arg6[%parallel_loop3A_590] : memref<16576xf32, #tpu.memory_space<vmem>>[vector<16xi32>], vector<16xf32>,
        %parallel_loop3A_598 = vector.bitcast %parallel_loop3A_597 : vector<16xf32> to vector<32xbf16>
        %parallel_loop3A_599 = arith.mulf %parallel_loop3A_154, %parallel_loop3A_592 : vector<32xbf16>
        %parallel_loop3A_600 = arith.mulf %parallel_loop3A_155, %parallel_loop3A_594 : vector<32xbf16>
        %parallel_loop3A_601 = arith.addf %parallel_loop3A_599, %parallel_loop3A_600 : vector<32xbf16>
        %parallel_loop3A_602 = arith.mulf %parallel_loop3A_156, %parallel_loop3A_596 : vector<32xbf16>
        %parallel_loop3A_603 = arith.addf %parallel_loop3A_601, %parallel_loop3A_602 : vector<32xbf16>
        %parallel_loop3A_604 = arith.mulf %parallel_loop3A_157, %parallel_loop3A_598 : vector<32xbf16>
        %parallel_loop3A_605 = arith.addf %parallel_loop3A_603, %parallel_loop3A_604 : vector<32xbf16>
        %parallel_loop3A_606 = tpu.unpack_subelements %parallel_loop3A_605, 0 {pack_format = #tpu.pack_format<interleaved>} : vector<32xbf16> -> vector<16xf32>
        %parallel_loop3A_607 = tpu.unpack_subelements %parallel_loop3A_605, 1 {pack_format = #tpu.pack_format<interleaved>} : vector<32xbf16> -> vector<16xf32>
        %parallel_loop3A_608 = arith.addi %parallel_loop3A_586, %parallel_loop3A_586 : vector<16xi32>
        %parallel_loop3A_609 = arith.addi %parallel_loop3A_164, %parallel_loop3A_608 : vector<16xi32>
        tpu.vector_store_idx %arg9[%parallel_loop3A_609], %parallel_loop3A_606 : memref<32768xf32, #tpu.memory_space<vmem>>[vector<16xi32>], vector<16xf32>,
        %parallel_loop3A_610 = arith.constant 1 : i32
        %parallel_loop3A_611 = vector.broadcast %parallel_loop3A_610 : i32 to vector<16xi32>
        %parallel_loop3A_612 = arith.addi %parallel_loop3A_609, %parallel_loop3A_611 : vector<16xi32>
        tpu.vector_store_idx %arg9[%parallel_loop3A_612], %parallel_loop3A_607 : memref<32768xf32, #tpu.memory_space<vmem>>[vector<16xi32>], vector<16xf32>,
        %parallel_loop3A_613 = arith.constant 14 : i32
        %parallel_loop3A_614 = vector.broadcast %parallel_loop3A_613 : i32 to vector<16xi32>
        %parallel_loop3A_615 = arith.addi %iota3A, %parallel_loop3A_614 : vector<16xi32>
        %parallel_loop3A_616 = arith.constant 31 : i32
        %parallel_loop3A_617 = vector.broadcast %parallel_loop3A_616 : i32 to vector<16xi32>
        %parallel_loop3A_618 = arith.andi %parallel_loop3A_615, %parallel_loop3A_617 : vector<16xi32>
        %parallel_loop3A_619 = arith.addi %parallel_loop3A_160, %parallel_loop3A_618 : vector<16xi32>
        %parallel_loop3A_620 = arith.constant 32 : i32
        %parallel_loop3A_621 = vector.broadcast %parallel_loop3A_620 : i32 to vector<16xi32>
        %parallel_loop3A_622 = arith.addi %parallel_loop3A_619, %parallel_loop3A_621 : vector<16xi32>
        %parallel_loop3A_623 = tpu.vector_load_idx %arg5[%parallel_loop3A_619] : memref<16640xf32, #tpu.memory_space<vmem>>[vector<16xi32>], vector<16xf32>,
        %parallel_loop3A_624 = vector.bitcast %parallel_loop3A_623 : vector<16xf32> to vector<32xbf16>
        %parallel_loop3A_625 = tpu.vector_load_idx %arg5[%parallel_loop3A_622] : memref<16640xf32, #tpu.memory_space<vmem>>[vector<16xi32>], vector<16xf32>,
        %parallel_loop3A_626 = vector.bitcast %parallel_loop3A_625 : vector<16xf32> to vector<32xbf16>
        %parallel_loop3A_627 = tpu.vector_load_idx %arg6[%parallel_loop3A_619] : memref<16576xf32, #tpu.memory_space<vmem>>[vector<16xi32>], vector<16xf32>,
        %parallel_loop3A_628 = vector.bitcast %parallel_loop3A_627 : vector<16xf32> to vector<32xbf16>
        %parallel_loop3A_629 = tpu.vector_load_idx %arg6[%parallel_loop3A_622] : memref<16576xf32, #tpu.memory_space<vmem>>[vector<16xi32>], vector<16xf32>,
        %parallel_loop3A_630 = vector.bitcast %parallel_loop3A_629 : vector<16xf32> to vector<32xbf16>
        %parallel_loop3A_631 = arith.mulf %parallel_loop3A_154, %parallel_loop3A_624 : vector<32xbf16>
        %parallel_loop3A_632 = arith.mulf %parallel_loop3A_155, %parallel_loop3A_626 : vector<32xbf16>
        %parallel_loop3A_633 = arith.addf %parallel_loop3A_631, %parallel_loop3A_632 : vector<32xbf16>
        %parallel_loop3A_634 = arith.mulf %parallel_loop3A_156, %parallel_loop3A_628 : vector<32xbf16>
        %parallel_loop3A_635 = arith.addf %parallel_loop3A_633, %parallel_loop3A_634 : vector<32xbf16>
        %parallel_loop3A_636 = arith.mulf %parallel_loop3A_157, %parallel_loop3A_630 : vector<32xbf16>
        %parallel_loop3A_637 = arith.addf %parallel_loop3A_635, %parallel_loop3A_636 : vector<32xbf16>
        %parallel_loop3A_638 = tpu.unpack_subelements %parallel_loop3A_637, 0 {pack_format = #tpu.pack_format<interleaved>} : vector<32xbf16> -> vector<16xf32>
        %parallel_loop3A_639 = tpu.unpack_subelements %parallel_loop3A_637, 1 {pack_format = #tpu.pack_format<interleaved>} : vector<32xbf16> -> vector<16xf32>
        %parallel_loop3A_640 = arith.addi %parallel_loop3A_618, %parallel_loop3A_618 : vector<16xi32>
        %parallel_loop3A_641 = arith.addi %parallel_loop3A_164, %parallel_loop3A_640 : vector<16xi32>
        tpu.vector_store_idx %arg9[%parallel_loop3A_641], %parallel_loop3A_638 : memref<32768xf32, #tpu.memory_space<vmem>>[vector<16xi32>], vector<16xf32>,
        %parallel_loop3A_642 = arith.constant 1 : i32
        %parallel_loop3A_643 = vector.broadcast %parallel_loop3A_642 : i32 to vector<16xi32>
        %parallel_loop3A_644 = arith.addi %parallel_loop3A_641, %parallel_loop3A_643 : vector<16xi32>
        tpu.vector_store_idx %arg9[%parallel_loop3A_644], %parallel_loop3A_639 : memref<32768xf32, #tpu.memory_space<vmem>>[vector<16xi32>], vector<16xf32>,
        %parallel_loop3A_645 = arith.constant 15 : i32
        %parallel_loop3A_646 = vector.broadcast %parallel_loop3A_645 : i32 to vector<16xi32>
        %parallel_loop3A_647 = arith.addi %iota3A, %parallel_loop3A_646 : vector<16xi32>
        %parallel_loop3A_648 = arith.constant 31 : i32
        %parallel_loop3A_649 = vector.broadcast %parallel_loop3A_648 : i32 to vector<16xi32>
        %parallel_loop3A_650 = arith.andi %parallel_loop3A_647, %parallel_loop3A_649 : vector<16xi32>
        %parallel_loop3A_651 = arith.addi %parallel_loop3A_160, %parallel_loop3A_650 : vector<16xi32>
        %parallel_loop3A_652 = arith.constant 32 : i32
        %parallel_loop3A_653 = vector.broadcast %parallel_loop3A_652 : i32 to vector<16xi32>
        %parallel_loop3A_654 = arith.addi %parallel_loop3A_651, %parallel_loop3A_653 : vector<16xi32>
        %parallel_loop3A_655 = tpu.vector_load_idx %arg5[%parallel_loop3A_651] : memref<16640xf32, #tpu.memory_space<vmem>>[vector<16xi32>], vector<16xf32>,
        %parallel_loop3A_656 = vector.bitcast %parallel_loop3A_655 : vector<16xf32> to vector<32xbf16>
        %parallel_loop3A_657 = tpu.vector_load_idx %arg5[%parallel_loop3A_654] : memref<16640xf32, #tpu.memory_space<vmem>>[vector<16xi32>], vector<16xf32>,
        %parallel_loop3A_658 = vector.bitcast %parallel_loop3A_657 : vector<16xf32> to vector<32xbf16>
        %parallel_loop3A_659 = tpu.vector_load_idx %arg6[%parallel_loop3A_651] : memref<16576xf32, #tpu.memory_space<vmem>>[vector<16xi32>], vector<16xf32>,
        %parallel_loop3A_660 = vector.bitcast %parallel_loop3A_659 : vector<16xf32> to vector<32xbf16>
        %parallel_loop3A_661 = tpu.vector_load_idx %arg6[%parallel_loop3A_654] : memref<16576xf32, #tpu.memory_space<vmem>>[vector<16xi32>], vector<16xf32>,
        %parallel_loop3A_662 = vector.bitcast %parallel_loop3A_661 : vector<16xf32> to vector<32xbf16>
        %parallel_loop3A_663 = arith.mulf %parallel_loop3A_154, %parallel_loop3A_656 : vector<32xbf16>
        %parallel_loop3A_664 = arith.mulf %parallel_loop3A_155, %parallel_loop3A_658 : vector<32xbf16>
        %parallel_loop3A_665 = arith.addf %parallel_loop3A_663, %parallel_loop3A_664 : vector<32xbf16>
        %parallel_loop3A_666 = arith.mulf %parallel_loop3A_156, %parallel_loop3A_660 : vector<32xbf16>
        %parallel_loop3A_667 = arith.addf %parallel_loop3A_665, %parallel_loop3A_666 : vector<32xbf16>
        %parallel_loop3A_668 = arith.mulf %parallel_loop3A_157, %parallel_loop3A_662 : vector<32xbf16>
        %parallel_loop3A_669 = arith.addf %parallel_loop3A_667, %parallel_loop3A_668 : vector<32xbf16>
        %parallel_loop3A_670 = tpu.unpack_subelements %parallel_loop3A_669, 0 {pack_format = #tpu.pack_format<interleaved>} : vector<32xbf16> -> vector<16xf32>
        %parallel_loop3A_671 = tpu.unpack_subelements %parallel_loop3A_669, 1 {pack_format = #tpu.pack_format<interleaved>} : vector<32xbf16> -> vector<16xf32>
        %parallel_loop3A_672 = arith.addi %parallel_loop3A_650, %parallel_loop3A_650 : vector<16xi32>
        %parallel_loop3A_673 = arith.addi %parallel_loop3A_164, %parallel_loop3A_672 : vector<16xi32>
        tpu.vector_store_idx %arg9[%parallel_loop3A_673], %parallel_loop3A_670 : memref<32768xf32, #tpu.memory_space<vmem>>[vector<16xi32>], vector<16xf32>,
        %parallel_loop3A_674 = arith.constant 1 : i32
        %parallel_loop3A_675 = vector.broadcast %parallel_loop3A_674 : i32 to vector<16xi32>
        %parallel_loop3A_676 = arith.addi %parallel_loop3A_673, %parallel_loop3A_675 : vector<16xi32>
        tpu.vector_store_idx %arg9[%parallel_loop3A_676], %parallel_loop3A_671 : memref<32768xf32, #tpu.memory_space<vmem>>[vector<16xi32>], vector<16xf32>,
        %parallel_loop3A_677 = arith.constant 16 : i32
        %parallel_loop3A_678 = vector.broadcast %parallel_loop3A_677 : i32 to vector<16xi32>
        %parallel_loop3A_679 = arith.addi %iota3A, %parallel_loop3A_678 : vector<16xi32>
        %parallel_loop3A_680 = arith.constant 31 : i32
        %parallel_loop3A_681 = vector.broadcast %parallel_loop3A_680 : i32 to vector<16xi32>
        %parallel_loop3A_682 = arith.andi %parallel_loop3A_679, %parallel_loop3A_681 : vector<16xi32>
        %parallel_loop3A_683 = arith.addi %parallel_loop3A_160, %parallel_loop3A_682 : vector<16xi32>
        %parallel_loop3A_684 = arith.constant 32 : i32
        %parallel_loop3A_685 = vector.broadcast %parallel_loop3A_684 : i32 to vector<16xi32>
        %parallel_loop3A_686 = arith.addi %parallel_loop3A_683, %parallel_loop3A_685 : vector<16xi32>
        %parallel_loop3A_687 = tpu.vector_load_idx %arg5[%parallel_loop3A_683] : memref<16640xf32, #tpu.memory_space<vmem>>[vector<16xi32>], vector<16xf32>,
        %parallel_loop3A_688 = vector.bitcast %parallel_loop3A_687 : vector<16xf32> to vector<32xbf16>
        %parallel_loop3A_689 = tpu.vector_load_idx %arg5[%parallel_loop3A_686] : memref<16640xf32, #tpu.memory_space<vmem>>[vector<16xi32>], vector<16xf32>,
        %parallel_loop3A_690 = vector.bitcast %parallel_loop3A_689 : vector<16xf32> to vector<32xbf16>
        %parallel_loop3A_691 = tpu.vector_load_idx %arg6[%parallel_loop3A_683] : memref<16576xf32, #tpu.memory_space<vmem>>[vector<16xi32>], vector<16xf32>,
        %parallel_loop3A_692 = vector.bitcast %parallel_loop3A_691 : vector<16xf32> to vector<32xbf16>
        %parallel_loop3A_693 = tpu.vector_load_idx %arg6[%parallel_loop3A_686] : memref<16576xf32, #tpu.memory_space<vmem>>[vector<16xi32>], vector<16xf32>,
        %parallel_loop3A_694 = vector.bitcast %parallel_loop3A_693 : vector<16xf32> to vector<32xbf16>
        %parallel_loop3A_695 = arith.mulf %parallel_loop3A_154, %parallel_loop3A_688 : vector<32xbf16>
        %parallel_loop3A_696 = arith.mulf %parallel_loop3A_155, %parallel_loop3A_690 : vector<32xbf16>
        %parallel_loop3A_697 = arith.addf %parallel_loop3A_695, %parallel_loop3A_696 : vector<32xbf16>
        %parallel_loop3A_698 = arith.mulf %parallel_loop3A_156, %parallel_loop3A_692 : vector<32xbf16>
        %parallel_loop3A_699 = arith.addf %parallel_loop3A_697, %parallel_loop3A_698 : vector<32xbf16>
        %parallel_loop3A_700 = arith.mulf %parallel_loop3A_157, %parallel_loop3A_694 : vector<32xbf16>
        %parallel_loop3A_701 = arith.addf %parallel_loop3A_699, %parallel_loop3A_700 : vector<32xbf16>
        %parallel_loop3A_702 = tpu.unpack_subelements %parallel_loop3A_701, 0 {pack_format = #tpu.pack_format<interleaved>} : vector<32xbf16> -> vector<16xf32>
        %parallel_loop3A_703 = tpu.unpack_subelements %parallel_loop3A_701, 1 {pack_format = #tpu.pack_format<interleaved>} : vector<32xbf16> -> vector<16xf32>
        %parallel_loop3A_704 = arith.addi %parallel_loop3A_682, %parallel_loop3A_682 : vector<16xi32>
        %parallel_loop3A_705 = arith.addi %parallel_loop3A_164, %parallel_loop3A_704 : vector<16xi32>
        tpu.vector_store_idx %arg9[%parallel_loop3A_705], %parallel_loop3A_702 : memref<32768xf32, #tpu.memory_space<vmem>>[vector<16xi32>], vector<16xf32>,
        %parallel_loop3A_706 = arith.constant 1 : i32
        %parallel_loop3A_707 = vector.broadcast %parallel_loop3A_706 : i32 to vector<16xi32>
        %parallel_loop3A_708 = arith.addi %parallel_loop3A_705, %parallel_loop3A_707 : vector<16xi32>
        tpu.vector_store_idx %arg9[%parallel_loop3A_708], %parallel_loop3A_703 : memref<32768xf32, #tpu.memory_space<vmem>>[vector<16xi32>], vector<16xf32>,
        %parallel_loop3A_709 = arith.constant 17 : i32
        %parallel_loop3A_710 = vector.broadcast %parallel_loop3A_709 : i32 to vector<16xi32>
        %parallel_loop3A_711 = arith.addi %iota3A, %parallel_loop3A_710 : vector<16xi32>
        %parallel_loop3A_712 = arith.constant 31 : i32
        %parallel_loop3A_713 = vector.broadcast %parallel_loop3A_712 : i32 to vector<16xi32>
        %parallel_loop3A_714 = arith.andi %parallel_loop3A_711, %parallel_loop3A_713 : vector<16xi32>
        %parallel_loop3A_715 = arith.addi %parallel_loop3A_160, %parallel_loop3A_714 : vector<16xi32>
        %parallel_loop3A_716 = arith.constant 32 : i32
        %parallel_loop3A_717 = vector.broadcast %parallel_loop3A_716 : i32 to vector<16xi32>
        %parallel_loop3A_718 = arith.addi %parallel_loop3A_715, %parallel_loop3A_717 : vector<16xi32>
        %parallel_loop3A_719 = tpu.vector_load_idx %arg5[%parallel_loop3A_715] : memref<16640xf32, #tpu.memory_space<vmem>>[vector<16xi32>], vector<16xf32>,
        %parallel_loop3A_720 = vector.bitcast %parallel_loop3A_719 : vector<16xf32> to vector<32xbf16>
        %parallel_loop3A_721 = tpu.vector_load_idx %arg5[%parallel_loop3A_718] : memref<16640xf32, #tpu.memory_space<vmem>>[vector<16xi32>], vector<16xf32>,
        %parallel_loop3A_722 = vector.bitcast %parallel_loop3A_721 : vector<16xf32> to vector<32xbf16>
        %parallel_loop3A_723 = tpu.vector_load_idx %arg6[%parallel_loop3A_715] : memref<16576xf32, #tpu.memory_space<vmem>>[vector<16xi32>], vector<16xf32>,
        %parallel_loop3A_724 = vector.bitcast %parallel_loop3A_723 : vector<16xf32> to vector<32xbf16>
        %parallel_loop3A_725 = tpu.vector_load_idx %arg6[%parallel_loop3A_718] : memref<16576xf32, #tpu.memory_space<vmem>>[vector<16xi32>], vector<16xf32>,
        %parallel_loop3A_726 = vector.bitcast %parallel_loop3A_725 : vector<16xf32> to vector<32xbf16>
        %parallel_loop3A_727 = arith.mulf %parallel_loop3A_154, %parallel_loop3A_720 : vector<32xbf16>
        %parallel_loop3A_728 = arith.mulf %parallel_loop3A_155, %parallel_loop3A_722 : vector<32xbf16>
        %parallel_loop3A_729 = arith.addf %parallel_loop3A_727, %parallel_loop3A_728 : vector<32xbf16>
        %parallel_loop3A_730 = arith.mulf %parallel_loop3A_156, %parallel_loop3A_724 : vector<32xbf16>
        %parallel_loop3A_731 = arith.addf %parallel_loop3A_729, %parallel_loop3A_730 : vector<32xbf16>
        %parallel_loop3A_732 = arith.mulf %parallel_loop3A_157, %parallel_loop3A_726 : vector<32xbf16>
        %parallel_loop3A_733 = arith.addf %parallel_loop3A_731, %parallel_loop3A_732 : vector<32xbf16>
        %parallel_loop3A_734 = tpu.unpack_subelements %parallel_loop3A_733, 0 {pack_format = #tpu.pack_format<interleaved>} : vector<32xbf16> -> vector<16xf32>
        %parallel_loop3A_735 = tpu.unpack_subelements %parallel_loop3A_733, 1 {pack_format = #tpu.pack_format<interleaved>} : vector<32xbf16> -> vector<16xf32>
        %parallel_loop3A_736 = arith.addi %parallel_loop3A_714, %parallel_loop3A_714 : vector<16xi32>
        %parallel_loop3A_737 = arith.addi %parallel_loop3A_164, %parallel_loop3A_736 : vector<16xi32>
        tpu.vector_store_idx %arg9[%parallel_loop3A_737], %parallel_loop3A_734 : memref<32768xf32, #tpu.memory_space<vmem>>[vector<16xi32>], vector<16xf32>,
        %parallel_loop3A_738 = arith.constant 1 : i32
        %parallel_loop3A_739 = vector.broadcast %parallel_loop3A_738 : i32 to vector<16xi32>
        %parallel_loop3A_740 = arith.addi %parallel_loop3A_737, %parallel_loop3A_739 : vector<16xi32>
        tpu.vector_store_idx %arg9[%parallel_loop3A_740], %parallel_loop3A_735 : memref<32768xf32, #tpu.memory_space<vmem>>[vector<16xi32>], vector<16xf32>,
        %parallel_loop3A_741 = arith.constant 18 : i32
        %parallel_loop3A_742 = vector.broadcast %parallel_loop3A_741 : i32 to vector<16xi32>
        %parallel_loop3A_743 = arith.addi %iota3A, %parallel_loop3A_742 : vector<16xi32>
        %parallel_loop3A_744 = arith.constant 31 : i32
        %parallel_loop3A_745 = vector.broadcast %parallel_loop3A_744 : i32 to vector<16xi32>
        %parallel_loop3A_746 = arith.andi %parallel_loop3A_743, %parallel_loop3A_745 : vector<16xi32>
        %parallel_loop3A_747 = arith.addi %parallel_loop3A_160, %parallel_loop3A_746 : vector<16xi32>
        %parallel_loop3A_748 = arith.constant 32 : i32
        %parallel_loop3A_749 = vector.broadcast %parallel_loop3A_748 : i32 to vector<16xi32>
        %parallel_loop3A_750 = arith.addi %parallel_loop3A_747, %parallel_loop3A_749 : vector<16xi32>
        %parallel_loop3A_751 = tpu.vector_load_idx %arg5[%parallel_loop3A_747] : memref<16640xf32, #tpu.memory_space<vmem>>[vector<16xi32>], vector<16xf32>,
        %parallel_loop3A_752 = vector.bitcast %parallel_loop3A_751 : vector<16xf32> to vector<32xbf16>
        %parallel_loop3A_753 = tpu.vector_load_idx %arg5[%parallel_loop3A_750] : memref<16640xf32, #tpu.memory_space<vmem>>[vector<16xi32>], vector<16xf32>,
        %parallel_loop3A_754 = vector.bitcast %parallel_loop3A_753 : vector<16xf32> to vector<32xbf16>
        %parallel_loop3A_755 = tpu.vector_load_idx %arg6[%parallel_loop3A_747] : memref<16576xf32, #tpu.memory_space<vmem>>[vector<16xi32>], vector<16xf32>,
        %parallel_loop3A_756 = vector.bitcast %parallel_loop3A_755 : vector<16xf32> to vector<32xbf16>
        %parallel_loop3A_757 = tpu.vector_load_idx %arg6[%parallel_loop3A_750] : memref<16576xf32, #tpu.memory_space<vmem>>[vector<16xi32>], vector<16xf32>,
        %parallel_loop3A_758 = vector.bitcast %parallel_loop3A_757 : vector<16xf32> to vector<32xbf16>
        %parallel_loop3A_759 = arith.mulf %parallel_loop3A_154, %parallel_loop3A_752 : vector<32xbf16>
        %parallel_loop3A_760 = arith.mulf %parallel_loop3A_155, %parallel_loop3A_754 : vector<32xbf16>
        %parallel_loop3A_761 = arith.addf %parallel_loop3A_759, %parallel_loop3A_760 : vector<32xbf16>
        %parallel_loop3A_762 = arith.mulf %parallel_loop3A_156, %parallel_loop3A_756 : vector<32xbf16>
        %parallel_loop3A_763 = arith.addf %parallel_loop3A_761, %parallel_loop3A_762 : vector<32xbf16>
        %parallel_loop3A_764 = arith.mulf %parallel_loop3A_157, %parallel_loop3A_758 : vector<32xbf16>
        %parallel_loop3A_765 = arith.addf %parallel_loop3A_763, %parallel_loop3A_764 : vector<32xbf16>
        %parallel_loop3A_766 = tpu.unpack_subelements %parallel_loop3A_765, 0 {pack_format = #tpu.pack_format<interleaved>} : vector<32xbf16> -> vector<16xf32>
        %parallel_loop3A_767 = tpu.unpack_subelements %parallel_loop3A_765, 1 {pack_format = #tpu.pack_format<interleaved>} : vector<32xbf16> -> vector<16xf32>
        %parallel_loop3A_768 = arith.addi %parallel_loop3A_746, %parallel_loop3A_746 : vector<16xi32>
        %parallel_loop3A_769 = arith.addi %parallel_loop3A_164, %parallel_loop3A_768 : vector<16xi32>
        tpu.vector_store_idx %arg9[%parallel_loop3A_769], %parallel_loop3A_766 : memref<32768xf32, #tpu.memory_space<vmem>>[vector<16xi32>], vector<16xf32>,
        %parallel_loop3A_770 = arith.constant 1 : i32
        %parallel_loop3A_771 = vector.broadcast %parallel_loop3A_770 : i32 to vector<16xi32>
        %parallel_loop3A_772 = arith.addi %parallel_loop3A_769, %parallel_loop3A_771 : vector<16xi32>
        tpu.vector_store_idx %arg9[%parallel_loop3A_772], %parallel_loop3A_767 : memref<32768xf32, #tpu.memory_space<vmem>>[vector<16xi32>], vector<16xf32>,
        %parallel_loop3A_773 = arith.constant 19 : i32
        %parallel_loop3A_774 = vector.broadcast %parallel_loop3A_773 : i32 to vector<16xi32>
        %parallel_loop3A_775 = arith.addi %iota3A, %parallel_loop3A_774 : vector<16xi32>
        %parallel_loop3A_776 = arith.constant 31 : i32
        %parallel_loop3A_777 = vector.broadcast %parallel_loop3A_776 : i32 to vector<16xi32>
        %parallel_loop3A_778 = arith.andi %parallel_loop3A_775, %parallel_loop3A_777 : vector<16xi32>
        %parallel_loop3A_779 = arith.addi %parallel_loop3A_160, %parallel_loop3A_778 : vector<16xi32>
        %parallel_loop3A_780 = arith.constant 32 : i32
        %parallel_loop3A_781 = vector.broadcast %parallel_loop3A_780 : i32 to vector<16xi32>
        %parallel_loop3A_782 = arith.addi %parallel_loop3A_779, %parallel_loop3A_781 : vector<16xi32>
        %parallel_loop3A_783 = tpu.vector_load_idx %arg5[%parallel_loop3A_779] : memref<16640xf32, #tpu.memory_space<vmem>>[vector<16xi32>], vector<16xf32>,
        %parallel_loop3A_784 = vector.bitcast %parallel_loop3A_783 : vector<16xf32> to vector<32xbf16>
        %parallel_loop3A_785 = tpu.vector_load_idx %arg5[%parallel_loop3A_782] : memref<16640xf32, #tpu.memory_space<vmem>>[vector<16xi32>], vector<16xf32>,
        %parallel_loop3A_786 = vector.bitcast %parallel_loop3A_785 : vector<16xf32> to vector<32xbf16>
        %parallel_loop3A_787 = tpu.vector_load_idx %arg6[%parallel_loop3A_779] : memref<16576xf32, #tpu.memory_space<vmem>>[vector<16xi32>], vector<16xf32>,
        %parallel_loop3A_788 = vector.bitcast %parallel_loop3A_787 : vector<16xf32> to vector<32xbf16>
        %parallel_loop3A_789 = tpu.vector_load_idx %arg6[%parallel_loop3A_782] : memref<16576xf32, #tpu.memory_space<vmem>>[vector<16xi32>], vector<16xf32>,
        %parallel_loop3A_790 = vector.bitcast %parallel_loop3A_789 : vector<16xf32> to vector<32xbf16>
        %parallel_loop3A_791 = arith.mulf %parallel_loop3A_154, %parallel_loop3A_784 : vector<32xbf16>
        %parallel_loop3A_792 = arith.mulf %parallel_loop3A_155, %parallel_loop3A_786 : vector<32xbf16>
        %parallel_loop3A_793 = arith.addf %parallel_loop3A_791, %parallel_loop3A_792 : vector<32xbf16>
        %parallel_loop3A_794 = arith.mulf %parallel_loop3A_156, %parallel_loop3A_788 : vector<32xbf16>
        %parallel_loop3A_795 = arith.addf %parallel_loop3A_793, %parallel_loop3A_794 : vector<32xbf16>
        %parallel_loop3A_796 = arith.mulf %parallel_loop3A_157, %parallel_loop3A_790 : vector<32xbf16>
        %parallel_loop3A_797 = arith.addf %parallel_loop3A_795, %parallel_loop3A_796 : vector<32xbf16>
        %parallel_loop3A_798 = tpu.unpack_subelements %parallel_loop3A_797, 0 {pack_format = #tpu.pack_format<interleaved>} : vector<32xbf16> -> vector<16xf32>
        %parallel_loop3A_799 = tpu.unpack_subelements %parallel_loop3A_797, 1 {pack_format = #tpu.pack_format<interleaved>} : vector<32xbf16> -> vector<16xf32>
        %parallel_loop3A_800 = arith.addi %parallel_loop3A_778, %parallel_loop3A_778 : vector<16xi32>
        %parallel_loop3A_801 = arith.addi %parallel_loop3A_164, %parallel_loop3A_800 : vector<16xi32>
        tpu.vector_store_idx %arg9[%parallel_loop3A_801], %parallel_loop3A_798 : memref<32768xf32, #tpu.memory_space<vmem>>[vector<16xi32>], vector<16xf32>,
        %parallel_loop3A_802 = arith.constant 1 : i32
        %parallel_loop3A_803 = vector.broadcast %parallel_loop3A_802 : i32 to vector<16xi32>
        %parallel_loop3A_804 = arith.addi %parallel_loop3A_801, %parallel_loop3A_803 : vector<16xi32>
        tpu.vector_store_idx %arg9[%parallel_loop3A_804], %parallel_loop3A_799 : memref<32768xf32, #tpu.memory_space<vmem>>[vector<16xi32>], vector<16xf32>,
        %parallel_loop3A_805 = arith.constant 20 : i32
        %parallel_loop3A_806 = vector.broadcast %parallel_loop3A_805 : i32 to vector<16xi32>
        %parallel_loop3A_807 = arith.addi %iota3A, %parallel_loop3A_806 : vector<16xi32>
        %parallel_loop3A_808 = arith.constant 31 : i32
        %parallel_loop3A_809 = vector.broadcast %parallel_loop3A_808 : i32 to vector<16xi32>
        %parallel_loop3A_810 = arith.andi %parallel_loop3A_807, %parallel_loop3A_809 : vector<16xi32>
        %parallel_loop3A_811 = arith.addi %parallel_loop3A_160, %parallel_loop3A_810 : vector<16xi32>
        %parallel_loop3A_812 = arith.constant 32 : i32
        %parallel_loop3A_813 = vector.broadcast %parallel_loop3A_812 : i32 to vector<16xi32>
        %parallel_loop3A_814 = arith.addi %parallel_loop3A_811, %parallel_loop3A_813 : vector<16xi32>
        %parallel_loop3A_815 = tpu.vector_load_idx %arg5[%parallel_loop3A_811] : memref<16640xf32, #tpu.memory_space<vmem>>[vector<16xi32>], vector<16xf32>,
        %parallel_loop3A_816 = vector.bitcast %parallel_loop3A_815 : vector<16xf32> to vector<32xbf16>
        %parallel_loop3A_817 = tpu.vector_load_idx %arg5[%parallel_loop3A_814] : memref<16640xf32, #tpu.memory_space<vmem>>[vector<16xi32>], vector<16xf32>,
        %parallel_loop3A_818 = vector.bitcast %parallel_loop3A_817 : vector<16xf32> to vector<32xbf16>
        %parallel_loop3A_819 = tpu.vector_load_idx %arg6[%parallel_loop3A_811] : memref<16576xf32, #tpu.memory_space<vmem>>[vector<16xi32>], vector<16xf32>,
        %parallel_loop3A_820 = vector.bitcast %parallel_loop3A_819 : vector<16xf32> to vector<32xbf16>
        %parallel_loop3A_821 = tpu.vector_load_idx %arg6[%parallel_loop3A_814] : memref<16576xf32, #tpu.memory_space<vmem>>[vector<16xi32>], vector<16xf32>,
        %parallel_loop3A_822 = vector.bitcast %parallel_loop3A_821 : vector<16xf32> to vector<32xbf16>
        %parallel_loop3A_823 = arith.mulf %parallel_loop3A_154, %parallel_loop3A_816 : vector<32xbf16>
        %parallel_loop3A_824 = arith.mulf %parallel_loop3A_155, %parallel_loop3A_818 : vector<32xbf16>
        %parallel_loop3A_825 = arith.addf %parallel_loop3A_823, %parallel_loop3A_824 : vector<32xbf16>
        %parallel_loop3A_826 = arith.mulf %parallel_loop3A_156, %parallel_loop3A_820 : vector<32xbf16>
        %parallel_loop3A_827 = arith.addf %parallel_loop3A_825, %parallel_loop3A_826 : vector<32xbf16>
        %parallel_loop3A_828 = arith.mulf %parallel_loop3A_157, %parallel_loop3A_822 : vector<32xbf16>
        %parallel_loop3A_829 = arith.addf %parallel_loop3A_827, %parallel_loop3A_828 : vector<32xbf16>
        %parallel_loop3A_830 = tpu.unpack_subelements %parallel_loop3A_829, 0 {pack_format = #tpu.pack_format<interleaved>} : vector<32xbf16> -> vector<16xf32>
        %parallel_loop3A_831 = tpu.unpack_subelements %parallel_loop3A_829, 1 {pack_format = #tpu.pack_format<interleaved>} : vector<32xbf16> -> vector<16xf32>
        %parallel_loop3A_832 = arith.addi %parallel_loop3A_810, %parallel_loop3A_810 : vector<16xi32>
        %parallel_loop3A_833 = arith.addi %parallel_loop3A_164, %parallel_loop3A_832 : vector<16xi32>
        tpu.vector_store_idx %arg9[%parallel_loop3A_833], %parallel_loop3A_830 : memref<32768xf32, #tpu.memory_space<vmem>>[vector<16xi32>], vector<16xf32>,
        %parallel_loop3A_834 = arith.constant 1 : i32
        %parallel_loop3A_835 = vector.broadcast %parallel_loop3A_834 : i32 to vector<16xi32>
        %parallel_loop3A_836 = arith.addi %parallel_loop3A_833, %parallel_loop3A_835 : vector<16xi32>
        tpu.vector_store_idx %arg9[%parallel_loop3A_836], %parallel_loop3A_831 : memref<32768xf32, #tpu.memory_space<vmem>>[vector<16xi32>], vector<16xf32>,
        %parallel_loop3A_837 = arith.constant 21 : i32
        %parallel_loop3A_838 = vector.broadcast %parallel_loop3A_837 : i32 to vector<16xi32>
        %parallel_loop3A_839 = arith.addi %iota3A, %parallel_loop3A_838 : vector<16xi32>
        %parallel_loop3A_840 = arith.constant 31 : i32
        %parallel_loop3A_841 = vector.broadcast %parallel_loop3A_840 : i32 to vector<16xi32>
        %parallel_loop3A_842 = arith.andi %parallel_loop3A_839, %parallel_loop3A_841 : vector<16xi32>
        %parallel_loop3A_843 = arith.addi %parallel_loop3A_160, %parallel_loop3A_842 : vector<16xi32>
        %parallel_loop3A_844 = arith.constant 32 : i32
        %parallel_loop3A_845 = vector.broadcast %parallel_loop3A_844 : i32 to vector<16xi32>
        %parallel_loop3A_846 = arith.addi %parallel_loop3A_843, %parallel_loop3A_845 : vector<16xi32>
        %parallel_loop3A_847 = tpu.vector_load_idx %arg5[%parallel_loop3A_843] : memref<16640xf32, #tpu.memory_space<vmem>>[vector<16xi32>], vector<16xf32>,
        %parallel_loop3A_848 = vector.bitcast %parallel_loop3A_847 : vector<16xf32> to vector<32xbf16>
        %parallel_loop3A_849 = tpu.vector_load_idx %arg5[%parallel_loop3A_846] : memref<16640xf32, #tpu.memory_space<vmem>>[vector<16xi32>], vector<16xf32>,
        %parallel_loop3A_850 = vector.bitcast %parallel_loop3A_849 : vector<16xf32> to vector<32xbf16>
        %parallel_loop3A_851 = tpu.vector_load_idx %arg6[%parallel_loop3A_843] : memref<16576xf32, #tpu.memory_space<vmem>>[vector<16xi32>], vector<16xf32>,
        %parallel_loop3A_852 = vector.bitcast %parallel_loop3A_851 : vector<16xf32> to vector<32xbf16>
        %parallel_loop3A_853 = tpu.vector_load_idx %arg6[%parallel_loop3A_846] : memref<16576xf32, #tpu.memory_space<vmem>>[vector<16xi32>], vector<16xf32>,
        %parallel_loop3A_854 = vector.bitcast %parallel_loop3A_853 : vector<16xf32> to vector<32xbf16>
        %parallel_loop3A_855 = arith.mulf %parallel_loop3A_154, %parallel_loop3A_848 : vector<32xbf16>
        %parallel_loop3A_856 = arith.mulf %parallel_loop3A_155, %parallel_loop3A_850 : vector<32xbf16>
        %parallel_loop3A_857 = arith.addf %parallel_loop3A_855, %parallel_loop3A_856 : vector<32xbf16>
        %parallel_loop3A_858 = arith.mulf %parallel_loop3A_156, %parallel_loop3A_852 : vector<32xbf16>
        %parallel_loop3A_859 = arith.addf %parallel_loop3A_857, %parallel_loop3A_858 : vector<32xbf16>
        %parallel_loop3A_860 = arith.mulf %parallel_loop3A_157, %parallel_loop3A_854 : vector<32xbf16>
        %parallel_loop3A_861 = arith.addf %parallel_loop3A_859, %parallel_loop3A_860 : vector<32xbf16>
        %parallel_loop3A_862 = tpu.unpack_subelements %parallel_loop3A_861, 0 {pack_format = #tpu.pack_format<interleaved>} : vector<32xbf16> -> vector<16xf32>
        %parallel_loop3A_863 = tpu.unpack_subelements %parallel_loop3A_861, 1 {pack_format = #tpu.pack_format<interleaved>} : vector<32xbf16> -> vector<16xf32>
        %parallel_loop3A_864 = arith.addi %parallel_loop3A_842, %parallel_loop3A_842 : vector<16xi32>
        %parallel_loop3A_865 = arith.addi %parallel_loop3A_164, %parallel_loop3A_864 : vector<16xi32>
        tpu.vector_store_idx %arg9[%parallel_loop3A_865], %parallel_loop3A_862 : memref<32768xf32, #tpu.memory_space<vmem>>[vector<16xi32>], vector<16xf32>,
        %parallel_loop3A_866 = arith.constant 1 : i32
        %parallel_loop3A_867 = vector.broadcast %parallel_loop3A_866 : i32 to vector<16xi32>
        %parallel_loop3A_868 = arith.addi %parallel_loop3A_865, %parallel_loop3A_867 : vector<16xi32>
        tpu.vector_store_idx %arg9[%parallel_loop3A_868], %parallel_loop3A_863 : memref<32768xf32, #tpu.memory_space<vmem>>[vector<16xi32>], vector<16xf32>,
        %parallel_loop3A_869 = arith.constant 22 : i32
        %parallel_loop3A_870 = vector.broadcast %parallel_loop3A_869 : i32 to vector<16xi32>
        %parallel_loop3A_871 = arith.addi %iota3A, %parallel_loop3A_870 : vector<16xi32>
        %parallel_loop3A_872 = arith.constant 31 : i32
        %parallel_loop3A_873 = vector.broadcast %parallel_loop3A_872 : i32 to vector<16xi32>
        %parallel_loop3A_874 = arith.andi %parallel_loop3A_871, %parallel_loop3A_873 : vector<16xi32>
        %parallel_loop3A_875 = arith.addi %parallel_loop3A_160, %parallel_loop3A_874 : vector<16xi32>
        %parallel_loop3A_876 = arith.constant 32 : i32
        %parallel_loop3A_877 = vector.broadcast %parallel_loop3A_876 : i32 to vector<16xi32>
        %parallel_loop3A_878 = arith.addi %parallel_loop3A_875, %parallel_loop3A_877 : vector<16xi32>
        %parallel_loop3A_879 = tpu.vector_load_idx %arg5[%parallel_loop3A_875] : memref<16640xf32, #tpu.memory_space<vmem>>[vector<16xi32>], vector<16xf32>,
        %parallel_loop3A_880 = vector.bitcast %parallel_loop3A_879 : vector<16xf32> to vector<32xbf16>
        %parallel_loop3A_881 = tpu.vector_load_idx %arg5[%parallel_loop3A_878] : memref<16640xf32, #tpu.memory_space<vmem>>[vector<16xi32>], vector<16xf32>,
        %parallel_loop3A_882 = vector.bitcast %parallel_loop3A_881 : vector<16xf32> to vector<32xbf16>
        %parallel_loop3A_883 = tpu.vector_load_idx %arg6[%parallel_loop3A_875] : memref<16576xf32, #tpu.memory_space<vmem>>[vector<16xi32>], vector<16xf32>,
        %parallel_loop3A_884 = vector.bitcast %parallel_loop3A_883 : vector<16xf32> to vector<32xbf16>
        %parallel_loop3A_885 = tpu.vector_load_idx %arg6[%parallel_loop3A_878] : memref<16576xf32, #tpu.memory_space<vmem>>[vector<16xi32>], vector<16xf32>,
        %parallel_loop3A_886 = vector.bitcast %parallel_loop3A_885 : vector<16xf32> to vector<32xbf16>
        %parallel_loop3A_887 = arith.mulf %parallel_loop3A_154, %parallel_loop3A_880 : vector<32xbf16>
        %parallel_loop3A_888 = arith.mulf %parallel_loop3A_155, %parallel_loop3A_882 : vector<32xbf16>
        %parallel_loop3A_889 = arith.addf %parallel_loop3A_887, %parallel_loop3A_888 : vector<32xbf16>
        %parallel_loop3A_890 = arith.mulf %parallel_loop3A_156, %parallel_loop3A_884 : vector<32xbf16>
        %parallel_loop3A_891 = arith.addf %parallel_loop3A_889, %parallel_loop3A_890 : vector<32xbf16>
        %parallel_loop3A_892 = arith.mulf %parallel_loop3A_157, %parallel_loop3A_886 : vector<32xbf16>
        %parallel_loop3A_893 = arith.addf %parallel_loop3A_891, %parallel_loop3A_892 : vector<32xbf16>
        %parallel_loop3A_894 = tpu.unpack_subelements %parallel_loop3A_893, 0 {pack_format = #tpu.pack_format<interleaved>} : vector<32xbf16> -> vector<16xf32>
        %parallel_loop3A_895 = tpu.unpack_subelements %parallel_loop3A_893, 1 {pack_format = #tpu.pack_format<interleaved>} : vector<32xbf16> -> vector<16xf32>
        %parallel_loop3A_896 = arith.addi %parallel_loop3A_874, %parallel_loop3A_874 : vector<16xi32>
        %parallel_loop3A_897 = arith.addi %parallel_loop3A_164, %parallel_loop3A_896 : vector<16xi32>
        tpu.vector_store_idx %arg9[%parallel_loop3A_897], %parallel_loop3A_894 : memref<32768xf32, #tpu.memory_space<vmem>>[vector<16xi32>], vector<16xf32>,
        %parallel_loop3A_898 = arith.constant 1 : i32
        %parallel_loop3A_899 = vector.broadcast %parallel_loop3A_898 : i32 to vector<16xi32>
        %parallel_loop3A_900 = arith.addi %parallel_loop3A_897, %parallel_loop3A_899 : vector<16xi32>
        tpu.vector_store_idx %arg9[%parallel_loop3A_900], %parallel_loop3A_895 : memref<32768xf32, #tpu.memory_space<vmem>>[vector<16xi32>], vector<16xf32>,
        %parallel_loop3A_901 = arith.constant 23 : i32
        %parallel_loop3A_902 = vector.broadcast %parallel_loop3A_901 : i32 to vector<16xi32>
        %parallel_loop3A_903 = arith.addi %iota3A, %parallel_loop3A_902 : vector<16xi32>
        %parallel_loop3A_904 = arith.constant 31 : i32
        %parallel_loop3A_905 = vector.broadcast %parallel_loop3A_904 : i32 to vector<16xi32>
        %parallel_loop3A_906 = arith.andi %parallel_loop3A_903, %parallel_loop3A_905 : vector<16xi32>
        %parallel_loop3A_907 = arith.addi %parallel_loop3A_160, %parallel_loop3A_906 : vector<16xi32>
        %parallel_loop3A_908 = arith.constant 32 : i32
        %parallel_loop3A_909 = vector.broadcast %parallel_loop3A_908 : i32 to vector<16xi32>
        %parallel_loop3A_910 = arith.addi %parallel_loop3A_907, %parallel_loop3A_909 : vector<16xi32>
        %parallel_loop3A_911 = tpu.vector_load_idx %arg5[%parallel_loop3A_907] : memref<16640xf32, #tpu.memory_space<vmem>>[vector<16xi32>], vector<16xf32>,
        %parallel_loop3A_912 = vector.bitcast %parallel_loop3A_911 : vector<16xf32> to vector<32xbf16>
        %parallel_loop3A_913 = tpu.vector_load_idx %arg5[%parallel_loop3A_910] : memref<16640xf32, #tpu.memory_space<vmem>>[vector<16xi32>], vector<16xf32>,
        %parallel_loop3A_914 = vector.bitcast %parallel_loop3A_913 : vector<16xf32> to vector<32xbf16>
        %parallel_loop3A_915 = tpu.vector_load_idx %arg6[%parallel_loop3A_907] : memref<16576xf32, #tpu.memory_space<vmem>>[vector<16xi32>], vector<16xf32>,
        %parallel_loop3A_916 = vector.bitcast %parallel_loop3A_915 : vector<16xf32> to vector<32xbf16>
        %parallel_loop3A_917 = tpu.vector_load_idx %arg6[%parallel_loop3A_910] : memref<16576xf32, #tpu.memory_space<vmem>>[vector<16xi32>], vector<16xf32>,
        %parallel_loop3A_918 = vector.bitcast %parallel_loop3A_917 : vector<16xf32> to vector<32xbf16>
        %parallel_loop3A_919 = arith.mulf %parallel_loop3A_154, %parallel_loop3A_912 : vector<32xbf16>
        %parallel_loop3A_920 = arith.mulf %parallel_loop3A_155, %parallel_loop3A_914 : vector<32xbf16>
        %parallel_loop3A_921 = arith.addf %parallel_loop3A_919, %parallel_loop3A_920 : vector<32xbf16>
        %parallel_loop3A_922 = arith.mulf %parallel_loop3A_156, %parallel_loop3A_916 : vector<32xbf16>
        %parallel_loop3A_923 = arith.addf %parallel_loop3A_921, %parallel_loop3A_922 : vector<32xbf16>
        %parallel_loop3A_924 = arith.mulf %parallel_loop3A_157, %parallel_loop3A_918 : vector<32xbf16>
        %parallel_loop3A_925 = arith.addf %parallel_loop3A_923, %parallel_loop3A_924 : vector<32xbf16>
        %parallel_loop3A_926 = tpu.unpack_subelements %parallel_loop3A_925, 0 {pack_format = #tpu.pack_format<interleaved>} : vector<32xbf16> -> vector<16xf32>
        %parallel_loop3A_927 = tpu.unpack_subelements %parallel_loop3A_925, 1 {pack_format = #tpu.pack_format<interleaved>} : vector<32xbf16> -> vector<16xf32>
        %parallel_loop3A_928 = arith.addi %parallel_loop3A_906, %parallel_loop3A_906 : vector<16xi32>
        %parallel_loop3A_929 = arith.addi %parallel_loop3A_164, %parallel_loop3A_928 : vector<16xi32>
        tpu.vector_store_idx %arg9[%parallel_loop3A_929], %parallel_loop3A_926 : memref<32768xf32, #tpu.memory_space<vmem>>[vector<16xi32>], vector<16xf32>,
        %parallel_loop3A_930 = arith.constant 1 : i32
        %parallel_loop3A_931 = vector.broadcast %parallel_loop3A_930 : i32 to vector<16xi32>
        %parallel_loop3A_932 = arith.addi %parallel_loop3A_929, %parallel_loop3A_931 : vector<16xi32>
        tpu.vector_store_idx %arg9[%parallel_loop3A_932], %parallel_loop3A_927 : memref<32768xf32, #tpu.memory_space<vmem>>[vector<16xi32>], vector<16xf32>,
        %parallel_loop3A_933 = arith.constant 24 : i32
        %parallel_loop3A_934 = vector.broadcast %parallel_loop3A_933 : i32 to vector<16xi32>
        %parallel_loop3A_935 = arith.addi %iota3A, %parallel_loop3A_934 : vector<16xi32>
        %parallel_loop3A_936 = arith.constant 31 : i32
        %parallel_loop3A_937 = vector.broadcast %parallel_loop3A_936 : i32 to vector<16xi32>
        %parallel_loop3A_938 = arith.andi %parallel_loop3A_935, %parallel_loop3A_937 : vector<16xi32>
        %parallel_loop3A_939 = arith.addi %parallel_loop3A_160, %parallel_loop3A_938 : vector<16xi32>
        %parallel_loop3A_940 = arith.constant 32 : i32
        %parallel_loop3A_941 = vector.broadcast %parallel_loop3A_940 : i32 to vector<16xi32>
        %parallel_loop3A_942 = arith.addi %parallel_loop3A_939, %parallel_loop3A_941 : vector<16xi32>
        %parallel_loop3A_943 = tpu.vector_load_idx %arg5[%parallel_loop3A_939] : memref<16640xf32, #tpu.memory_space<vmem>>[vector<16xi32>], vector<16xf32>,
        %parallel_loop3A_944 = vector.bitcast %parallel_loop3A_943 : vector<16xf32> to vector<32xbf16>
        %parallel_loop3A_945 = tpu.vector_load_idx %arg5[%parallel_loop3A_942] : memref<16640xf32, #tpu.memory_space<vmem>>[vector<16xi32>], vector<16xf32>,
        %parallel_loop3A_946 = vector.bitcast %parallel_loop3A_945 : vector<16xf32> to vector<32xbf16>
        %parallel_loop3A_947 = tpu.vector_load_idx %arg6[%parallel_loop3A_939] : memref<16576xf32, #tpu.memory_space<vmem>>[vector<16xi32>], vector<16xf32>,
        %parallel_loop3A_948 = vector.bitcast %parallel_loop3A_947 : vector<16xf32> to vector<32xbf16>
        %parallel_loop3A_949 = tpu.vector_load_idx %arg6[%parallel_loop3A_942] : memref<16576xf32, #tpu.memory_space<vmem>>[vector<16xi32>], vector<16xf32>,
        %parallel_loop3A_950 = vector.bitcast %parallel_loop3A_949 : vector<16xf32> to vector<32xbf16>
        %parallel_loop3A_951 = arith.mulf %parallel_loop3A_154, %parallel_loop3A_944 : vector<32xbf16>
        %parallel_loop3A_952 = arith.mulf %parallel_loop3A_155, %parallel_loop3A_946 : vector<32xbf16>
        %parallel_loop3A_953 = arith.addf %parallel_loop3A_951, %parallel_loop3A_952 : vector<32xbf16>
        %parallel_loop3A_954 = arith.mulf %parallel_loop3A_156, %parallel_loop3A_948 : vector<32xbf16>
        %parallel_loop3A_955 = arith.addf %parallel_loop3A_953, %parallel_loop3A_954 : vector<32xbf16>
        %parallel_loop3A_956 = arith.mulf %parallel_loop3A_157, %parallel_loop3A_950 : vector<32xbf16>
        %parallel_loop3A_957 = arith.addf %parallel_loop3A_955, %parallel_loop3A_956 : vector<32xbf16>
        %parallel_loop3A_958 = tpu.unpack_subelements %parallel_loop3A_957, 0 {pack_format = #tpu.pack_format<interleaved>} : vector<32xbf16> -> vector<16xf32>
        %parallel_loop3A_959 = tpu.unpack_subelements %parallel_loop3A_957, 1 {pack_format = #tpu.pack_format<interleaved>} : vector<32xbf16> -> vector<16xf32>
        %parallel_loop3A_960 = arith.addi %parallel_loop3A_938, %parallel_loop3A_938 : vector<16xi32>
        %parallel_loop3A_961 = arith.addi %parallel_loop3A_164, %parallel_loop3A_960 : vector<16xi32>
        tpu.vector_store_idx %arg9[%parallel_loop3A_961], %parallel_loop3A_958 : memref<32768xf32, #tpu.memory_space<vmem>>[vector<16xi32>], vector<16xf32>,
        %parallel_loop3A_962 = arith.constant 1 : i32
        %parallel_loop3A_963 = vector.broadcast %parallel_loop3A_962 : i32 to vector<16xi32>
        %parallel_loop3A_964 = arith.addi %parallel_loop3A_961, %parallel_loop3A_963 : vector<16xi32>
        tpu.vector_store_idx %arg9[%parallel_loop3A_964], %parallel_loop3A_959 : memref<32768xf32, #tpu.memory_space<vmem>>[vector<16xi32>], vector<16xf32>,
        %parallel_loop3A_965 = arith.constant 25 : i32
        %parallel_loop3A_966 = vector.broadcast %parallel_loop3A_965 : i32 to vector<16xi32>
        %parallel_loop3A_967 = arith.addi %iota3A, %parallel_loop3A_966 : vector<16xi32>
        %parallel_loop3A_968 = arith.constant 31 : i32
        %parallel_loop3A_969 = vector.broadcast %parallel_loop3A_968 : i32 to vector<16xi32>
        %parallel_loop3A_970 = arith.andi %parallel_loop3A_967, %parallel_loop3A_969 : vector<16xi32>
        %parallel_loop3A_971 = arith.addi %parallel_loop3A_160, %parallel_loop3A_970 : vector<16xi32>
        %parallel_loop3A_972 = arith.constant 32 : i32
        %parallel_loop3A_973 = vector.broadcast %parallel_loop3A_972 : i32 to vector<16xi32>
        %parallel_loop3A_974 = arith.addi %parallel_loop3A_971, %parallel_loop3A_973 : vector<16xi32>
        %parallel_loop3A_975 = tpu.vector_load_idx %arg5[%parallel_loop3A_971] : memref<16640xf32, #tpu.memory_space<vmem>>[vector<16xi32>], vector<16xf32>,
        %parallel_loop3A_976 = vector.bitcast %parallel_loop3A_975 : vector<16xf32> to vector<32xbf16>
        %parallel_loop3A_977 = tpu.vector_load_idx %arg5[%parallel_loop3A_974] : memref<16640xf32, #tpu.memory_space<vmem>>[vector<16xi32>], vector<16xf32>,
        %parallel_loop3A_978 = vector.bitcast %parallel_loop3A_977 : vector<16xf32> to vector<32xbf16>
        %parallel_loop3A_979 = tpu.vector_load_idx %arg6[%parallel_loop3A_971] : memref<16576xf32, #tpu.memory_space<vmem>>[vector<16xi32>], vector<16xf32>,
        %parallel_loop3A_980 = vector.bitcast %parallel_loop3A_979 : vector<16xf32> to vector<32xbf16>
        %parallel_loop3A_981 = tpu.vector_load_idx %arg6[%parallel_loop3A_974] : memref<16576xf32, #tpu.memory_space<vmem>>[vector<16xi32>], vector<16xf32>,
        %parallel_loop3A_982 = vector.bitcast %parallel_loop3A_981 : vector<16xf32> to vector<32xbf16>
        %parallel_loop3A_983 = arith.mulf %parallel_loop3A_154, %parallel_loop3A_976 : vector<32xbf16>
        %parallel_loop3A_984 = arith.mulf %parallel_loop3A_155, %parallel_loop3A_978 : vector<32xbf16>
        %parallel_loop3A_985 = arith.addf %parallel_loop3A_983, %parallel_loop3A_984 : vector<32xbf16>
        %parallel_loop3A_986 = arith.mulf %parallel_loop3A_156, %parallel_loop3A_980 : vector<32xbf16>
        %parallel_loop3A_987 = arith.addf %parallel_loop3A_985, %parallel_loop3A_986 : vector<32xbf16>
        %parallel_loop3A_988 = arith.mulf %parallel_loop3A_157, %parallel_loop3A_982 : vector<32xbf16>
        %parallel_loop3A_989 = arith.addf %parallel_loop3A_987, %parallel_loop3A_988 : vector<32xbf16>
        %parallel_loop3A_990 = tpu.unpack_subelements %parallel_loop3A_989, 0 {pack_format = #tpu.pack_format<interleaved>} : vector<32xbf16> -> vector<16xf32>
        %parallel_loop3A_991 = tpu.unpack_subelements %parallel_loop3A_989, 1 {pack_format = #tpu.pack_format<interleaved>} : vector<32xbf16> -> vector<16xf32>
        %parallel_loop3A_992 = arith.addi %parallel_loop3A_970, %parallel_loop3A_970 : vector<16xi32>
        %parallel_loop3A_993 = arith.addi %parallel_loop3A_164, %parallel_loop3A_992 : vector<16xi32>
        tpu.vector_store_idx %arg9[%parallel_loop3A_993], %parallel_loop3A_990 : memref<32768xf32, #tpu.memory_space<vmem>>[vector<16xi32>], vector<16xf32>,
        %parallel_loop3A_994 = arith.constant 1 : i32
        %parallel_loop3A_995 = vector.broadcast %parallel_loop3A_994 : i32 to vector<16xi32>
        %parallel_loop3A_996 = arith.addi %parallel_loop3A_993, %parallel_loop3A_995 : vector<16xi32>
        tpu.vector_store_idx %arg9[%parallel_loop3A_996], %parallel_loop3A_991 : memref<32768xf32, #tpu.memory_space<vmem>>[vector<16xi32>], vector<16xf32>,
        %parallel_loop3A_997 = arith.constant 26 : i32
        %parallel_loop3A_998 = vector.broadcast %parallel_loop3A_997 : i32 to vector<16xi32>
        %parallel_loop3A_999 = arith.addi %iota3A, %parallel_loop3A_998 : vector<16xi32>
        %parallel_loop3A_1000 = arith.constant 31 : i32
        %parallel_loop3A_1001 = vector.broadcast %parallel_loop3A_1000 : i32 to vector<16xi32>
        %parallel_loop3A_1002 = arith.andi %parallel_loop3A_999, %parallel_loop3A_1001 : vector<16xi32>
        %parallel_loop3A_1003 = arith.addi %parallel_loop3A_160, %parallel_loop3A_1002 : vector<16xi32>
        %parallel_loop3A_1004 = arith.constant 32 : i32
        %parallel_loop3A_1005 = vector.broadcast %parallel_loop3A_1004 : i32 to vector<16xi32>
        %parallel_loop3A_1006 = arith.addi %parallel_loop3A_1003, %parallel_loop3A_1005 : vector<16xi32>
        %parallel_loop3A_1007 = tpu.vector_load_idx %arg5[%parallel_loop3A_1003] : memref<16640xf32, #tpu.memory_space<vmem>>[vector<16xi32>], vector<16xf32>,
        %parallel_loop3A_1008 = vector.bitcast %parallel_loop3A_1007 : vector<16xf32> to vector<32xbf16>
        %parallel_loop3A_1009 = tpu.vector_load_idx %arg5[%parallel_loop3A_1006] : memref<16640xf32, #tpu.memory_space<vmem>>[vector<16xi32>], vector<16xf32>,
        %parallel_loop3A_1010 = vector.bitcast %parallel_loop3A_1009 : vector<16xf32> to vector<32xbf16>
        %parallel_loop3A_1011 = tpu.vector_load_idx %arg6[%parallel_loop3A_1003] : memref<16576xf32, #tpu.memory_space<vmem>>[vector<16xi32>], vector<16xf32>,
        %parallel_loop3A_1012 = vector.bitcast %parallel_loop3A_1011 : vector<16xf32> to vector<32xbf16>
        %parallel_loop3A_1013 = tpu.vector_load_idx %arg6[%parallel_loop3A_1006] : memref<16576xf32, #tpu.memory_space<vmem>>[vector<16xi32>], vector<16xf32>,
        %parallel_loop3A_1014 = vector.bitcast %parallel_loop3A_1013 : vector<16xf32> to vector<32xbf16>
        %parallel_loop3A_1015 = arith.mulf %parallel_loop3A_154, %parallel_loop3A_1008 : vector<32xbf16>
        %parallel_loop3A_1016 = arith.mulf %parallel_loop3A_155, %parallel_loop3A_1010 : vector<32xbf16>
        %parallel_loop3A_1017 = arith.addf %parallel_loop3A_1015, %parallel_loop3A_1016 : vector<32xbf16>
        %parallel_loop3A_1018 = arith.mulf %parallel_loop3A_156, %parallel_loop3A_1012 : vector<32xbf16>
        %parallel_loop3A_1019 = arith.addf %parallel_loop3A_1017, %parallel_loop3A_1018 : vector<32xbf16>
        %parallel_loop3A_1020 = arith.mulf %parallel_loop3A_157, %parallel_loop3A_1014 : vector<32xbf16>
        %parallel_loop3A_1021 = arith.addf %parallel_loop3A_1019, %parallel_loop3A_1020 : vector<32xbf16>
        %parallel_loop3A_1022 = tpu.unpack_subelements %parallel_loop3A_1021, 0 {pack_format = #tpu.pack_format<interleaved>} : vector<32xbf16> -> vector<16xf32>
        %parallel_loop3A_1023 = tpu.unpack_subelements %parallel_loop3A_1021, 1 {pack_format = #tpu.pack_format<interleaved>} : vector<32xbf16> -> vector<16xf32>
        %parallel_loop3A_1024 = arith.addi %parallel_loop3A_1002, %parallel_loop3A_1002 : vector<16xi32>
        %parallel_loop3A_1025 = arith.addi %parallel_loop3A_164, %parallel_loop3A_1024 : vector<16xi32>
        tpu.vector_store_idx %arg9[%parallel_loop3A_1025], %parallel_loop3A_1022 : memref<32768xf32, #tpu.memory_space<vmem>>[vector<16xi32>], vector<16xf32>,
        %parallel_loop3A_1026 = arith.constant 1 : i32
        %parallel_loop3A_1027 = vector.broadcast %parallel_loop3A_1026 : i32 to vector<16xi32>
        %parallel_loop3A_1028 = arith.addi %parallel_loop3A_1025, %parallel_loop3A_1027 : vector<16xi32>
        tpu.vector_store_idx %arg9[%parallel_loop3A_1028], %parallel_loop3A_1023 : memref<32768xf32, #tpu.memory_space<vmem>>[vector<16xi32>], vector<16xf32>,
        %parallel_loop3A_1029 = arith.constant 27 : i32
        %parallel_loop3A_1030 = vector.broadcast %parallel_loop3A_1029 : i32 to vector<16xi32>
        %parallel_loop3A_1031 = arith.addi %iota3A, %parallel_loop3A_1030 : vector<16xi32>
        %parallel_loop3A_1032 = arith.constant 31 : i32
        %parallel_loop3A_1033 = vector.broadcast %parallel_loop3A_1032 : i32 to vector<16xi32>
        %parallel_loop3A_1034 = arith.andi %parallel_loop3A_1031, %parallel_loop3A_1033 : vector<16xi32>
        %parallel_loop3A_1035 = arith.addi %parallel_loop3A_160, %parallel_loop3A_1034 : vector<16xi32>
        %parallel_loop3A_1036 = arith.constant 32 : i32
        %parallel_loop3A_1037 = vector.broadcast %parallel_loop3A_1036 : i32 to vector<16xi32>
        %parallel_loop3A_1038 = arith.addi %parallel_loop3A_1035, %parallel_loop3A_1037 : vector<16xi32>
        %parallel_loop3A_1039 = tpu.vector_load_idx %arg5[%parallel_loop3A_1035] : memref<16640xf32, #tpu.memory_space<vmem>>[vector<16xi32>], vector<16xf32>,
        %parallel_loop3A_1040 = vector.bitcast %parallel_loop3A_1039 : vector<16xf32> to vector<32xbf16>
        %parallel_loop3A_1041 = tpu.vector_load_idx %arg5[%parallel_loop3A_1038] : memref<16640xf32, #tpu.memory_space<vmem>>[vector<16xi32>], vector<16xf32>,
        %parallel_loop3A_1042 = vector.bitcast %parallel_loop3A_1041 : vector<16xf32> to vector<32xbf16>
        %parallel_loop3A_1043 = tpu.vector_load_idx %arg6[%parallel_loop3A_1035] : memref<16576xf32, #tpu.memory_space<vmem>>[vector<16xi32>], vector<16xf32>,
        %parallel_loop3A_1044 = vector.bitcast %parallel_loop3A_1043 : vector<16xf32> to vector<32xbf16>
        %parallel_loop3A_1045 = tpu.vector_load_idx %arg6[%parallel_loop3A_1038] : memref<16576xf32, #tpu.memory_space<vmem>>[vector<16xi32>], vector<16xf32>,
        %parallel_loop3A_1046 = vector.bitcast %parallel_loop3A_1045 : vector<16xf32> to vector<32xbf16>
        %parallel_loop3A_1047 = arith.mulf %parallel_loop3A_154, %parallel_loop3A_1040 : vector<32xbf16>
        %parallel_loop3A_1048 = arith.mulf %parallel_loop3A_155, %parallel_loop3A_1042 : vector<32xbf16>
        %parallel_loop3A_1049 = arith.addf %parallel_loop3A_1047, %parallel_loop3A_1048 : vector<32xbf16>
        %parallel_loop3A_1050 = arith.mulf %parallel_loop3A_156, %parallel_loop3A_1044 : vector<32xbf16>
        %parallel_loop3A_1051 = arith.addf %parallel_loop3A_1049, %parallel_loop3A_1050 : vector<32xbf16>
        %parallel_loop3A_1052 = arith.mulf %parallel_loop3A_157, %parallel_loop3A_1046 : vector<32xbf16>
        %parallel_loop3A_1053 = arith.addf %parallel_loop3A_1051, %parallel_loop3A_1052 : vector<32xbf16>
        %parallel_loop3A_1054 = tpu.unpack_subelements %parallel_loop3A_1053, 0 {pack_format = #tpu.pack_format<interleaved>} : vector<32xbf16> -> vector<16xf32>
        %parallel_loop3A_1055 = tpu.unpack_subelements %parallel_loop3A_1053, 1 {pack_format = #tpu.pack_format<interleaved>} : vector<32xbf16> -> vector<16xf32>
        %parallel_loop3A_1056 = arith.addi %parallel_loop3A_1034, %parallel_loop3A_1034 : vector<16xi32>
        %parallel_loop3A_1057 = arith.addi %parallel_loop3A_164, %parallel_loop3A_1056 : vector<16xi32>
        tpu.vector_store_idx %arg9[%parallel_loop3A_1057], %parallel_loop3A_1054 : memref<32768xf32, #tpu.memory_space<vmem>>[vector<16xi32>], vector<16xf32>,
        %parallel_loop3A_1058 = arith.constant 1 : i32
        %parallel_loop3A_1059 = vector.broadcast %parallel_loop3A_1058 : i32 to vector<16xi32>
        %parallel_loop3A_1060 = arith.addi %parallel_loop3A_1057, %parallel_loop3A_1059 : vector<16xi32>
        tpu.vector_store_idx %arg9[%parallel_loop3A_1060], %parallel_loop3A_1055 : memref<32768xf32, #tpu.memory_space<vmem>>[vector<16xi32>], vector<16xf32>,
        %parallel_loop3A_1061 = arith.constant 28 : i32
        %parallel_loop3A_1062 = vector.broadcast %parallel_loop3A_1061 : i32 to vector<16xi32>
        %parallel_loop3A_1063 = arith.addi %iota3A, %parallel_loop3A_1062 : vector<16xi32>
        %parallel_loop3A_1064 = arith.constant 31 : i32
        %parallel_loop3A_1065 = vector.broadcast %parallel_loop3A_1064 : i32 to vector<16xi32>
        %parallel_loop3A_1066 = arith.andi %parallel_loop3A_1063, %parallel_loop3A_1065 : vector<16xi32>
        %parallel_loop3A_1067 = arith.addi %parallel_loop3A_160, %parallel_loop3A_1066 : vector<16xi32>
        %parallel_loop3A_1068 = arith.constant 32 : i32
        %parallel_loop3A_1069 = vector.broadcast %parallel_loop3A_1068 : i32 to vector<16xi32>
        %parallel_loop3A_1070 = arith.addi %parallel_loop3A_1067, %parallel_loop3A_1069 : vector<16xi32>
        %parallel_loop3A_1071 = tpu.vector_load_idx %arg5[%parallel_loop3A_1067] : memref<16640xf32, #tpu.memory_space<vmem>>[vector<16xi32>], vector<16xf32>,
        %parallel_loop3A_1072 = vector.bitcast %parallel_loop3A_1071 : vector<16xf32> to vector<32xbf16>
        %parallel_loop3A_1073 = tpu.vector_load_idx %arg5[%parallel_loop3A_1070] : memref<16640xf32, #tpu.memory_space<vmem>>[vector<16xi32>], vector<16xf32>,
        %parallel_loop3A_1074 = vector.bitcast %parallel_loop3A_1073 : vector<16xf32> to vector<32xbf16>
        %parallel_loop3A_1075 = tpu.vector_load_idx %arg6[%parallel_loop3A_1067] : memref<16576xf32, #tpu.memory_space<vmem>>[vector<16xi32>], vector<16xf32>,
        %parallel_loop3A_1076 = vector.bitcast %parallel_loop3A_1075 : vector<16xf32> to vector<32xbf16>
        %parallel_loop3A_1077 = tpu.vector_load_idx %arg6[%parallel_loop3A_1070] : memref<16576xf32, #tpu.memory_space<vmem>>[vector<16xi32>], vector<16xf32>,
        %parallel_loop3A_1078 = vector.bitcast %parallel_loop3A_1077 : vector<16xf32> to vector<32xbf16>
        %parallel_loop3A_1079 = arith.mulf %parallel_loop3A_154, %parallel_loop3A_1072 : vector<32xbf16>
        %parallel_loop3A_1080 = arith.mulf %parallel_loop3A_155, %parallel_loop3A_1074 : vector<32xbf16>
        %parallel_loop3A_1081 = arith.addf %parallel_loop3A_1079, %parallel_loop3A_1080 : vector<32xbf16>
        %parallel_loop3A_1082 = arith.mulf %parallel_loop3A_156, %parallel_loop3A_1076 : vector<32xbf16>
        %parallel_loop3A_1083 = arith.addf %parallel_loop3A_1081, %parallel_loop3A_1082 : vector<32xbf16>
        %parallel_loop3A_1084 = arith.mulf %parallel_loop3A_157, %parallel_loop3A_1078 : vector<32xbf16>
        %parallel_loop3A_1085 = arith.addf %parallel_loop3A_1083, %parallel_loop3A_1084 : vector<32xbf16>
        %parallel_loop3A_1086 = tpu.unpack_subelements %parallel_loop3A_1085, 0 {pack_format = #tpu.pack_format<interleaved>} : vector<32xbf16> -> vector<16xf32>
        %parallel_loop3A_1087 = tpu.unpack_subelements %parallel_loop3A_1085, 1 {pack_format = #tpu.pack_format<interleaved>} : vector<32xbf16> -> vector<16xf32>
        %parallel_loop3A_1088 = arith.addi %parallel_loop3A_1066, %parallel_loop3A_1066 : vector<16xi32>
        %parallel_loop3A_1089 = arith.addi %parallel_loop3A_164, %parallel_loop3A_1088 : vector<16xi32>
        tpu.vector_store_idx %arg9[%parallel_loop3A_1089], %parallel_loop3A_1086 : memref<32768xf32, #tpu.memory_space<vmem>>[vector<16xi32>], vector<16xf32>,
        %parallel_loop3A_1090 = arith.constant 1 : i32
        %parallel_loop3A_1091 = vector.broadcast %parallel_loop3A_1090 : i32 to vector<16xi32>
        %parallel_loop3A_1092 = arith.addi %parallel_loop3A_1089, %parallel_loop3A_1091 : vector<16xi32>
        tpu.vector_store_idx %arg9[%parallel_loop3A_1092], %parallel_loop3A_1087 : memref<32768xf32, #tpu.memory_space<vmem>>[vector<16xi32>], vector<16xf32>,
        %parallel_loop3A_1093 = arith.constant 29 : i32
        %parallel_loop3A_1094 = vector.broadcast %parallel_loop3A_1093 : i32 to vector<16xi32>
        %parallel_loop3A_1095 = arith.addi %iota3A, %parallel_loop3A_1094 : vector<16xi32>
        %parallel_loop3A_1096 = arith.constant 31 : i32
        %parallel_loop3A_1097 = vector.broadcast %parallel_loop3A_1096 : i32 to vector<16xi32>
        %parallel_loop3A_1098 = arith.andi %parallel_loop3A_1095, %parallel_loop3A_1097 : vector<16xi32>
        %parallel_loop3A_1099 = arith.addi %parallel_loop3A_160, %parallel_loop3A_1098 : vector<16xi32>
        %parallel_loop3A_1100 = arith.constant 32 : i32
        %parallel_loop3A_1101 = vector.broadcast %parallel_loop3A_1100 : i32 to vector<16xi32>
        %parallel_loop3A_1102 = arith.addi %parallel_loop3A_1099, %parallel_loop3A_1101 : vector<16xi32>
        %parallel_loop3A_1103 = tpu.vector_load_idx %arg5[%parallel_loop3A_1099] : memref<16640xf32, #tpu.memory_space<vmem>>[vector<16xi32>], vector<16xf32>,
        %parallel_loop3A_1104 = vector.bitcast %parallel_loop3A_1103 : vector<16xf32> to vector<32xbf16>
        %parallel_loop3A_1105 = tpu.vector_load_idx %arg5[%parallel_loop3A_1102] : memref<16640xf32, #tpu.memory_space<vmem>>[vector<16xi32>], vector<16xf32>,
        %parallel_loop3A_1106 = vector.bitcast %parallel_loop3A_1105 : vector<16xf32> to vector<32xbf16>
        %parallel_loop3A_1107 = tpu.vector_load_idx %arg6[%parallel_loop3A_1099] : memref<16576xf32, #tpu.memory_space<vmem>>[vector<16xi32>], vector<16xf32>,
        %parallel_loop3A_1108 = vector.bitcast %parallel_loop3A_1107 : vector<16xf32> to vector<32xbf16>
        %parallel_loop3A_1109 = tpu.vector_load_idx %arg6[%parallel_loop3A_1102] : memref<16576xf32, #tpu.memory_space<vmem>>[vector<16xi32>], vector<16xf32>,
        %parallel_loop3A_1110 = vector.bitcast %parallel_loop3A_1109 : vector<16xf32> to vector<32xbf16>
        %parallel_loop3A_1111 = arith.mulf %parallel_loop3A_154, %parallel_loop3A_1104 : vector<32xbf16>
        %parallel_loop3A_1112 = arith.mulf %parallel_loop3A_155, %parallel_loop3A_1106 : vector<32xbf16>
        %parallel_loop3A_1113 = arith.addf %parallel_loop3A_1111, %parallel_loop3A_1112 : vector<32xbf16>
        %parallel_loop3A_1114 = arith.mulf %parallel_loop3A_156, %parallel_loop3A_1108 : vector<32xbf16>
        %parallel_loop3A_1115 = arith.addf %parallel_loop3A_1113, %parallel_loop3A_1114 : vector<32xbf16>
        %parallel_loop3A_1116 = arith.mulf %parallel_loop3A_157, %parallel_loop3A_1110 : vector<32xbf16>
        %parallel_loop3A_1117 = arith.addf %parallel_loop3A_1115, %parallel_loop3A_1116 : vector<32xbf16>
        %parallel_loop3A_1118 = tpu.unpack_subelements %parallel_loop3A_1117, 0 {pack_format = #tpu.pack_format<interleaved>} : vector<32xbf16> -> vector<16xf32>
        %parallel_loop3A_1119 = tpu.unpack_subelements %parallel_loop3A_1117, 1 {pack_format = #tpu.pack_format<interleaved>} : vector<32xbf16> -> vector<16xf32>
        %parallel_loop3A_1120 = arith.addi %parallel_loop3A_1098, %parallel_loop3A_1098 : vector<16xi32>
        %parallel_loop3A_1121 = arith.addi %parallel_loop3A_164, %parallel_loop3A_1120 : vector<16xi32>
        tpu.vector_store_idx %arg9[%parallel_loop3A_1121], %parallel_loop3A_1118 : memref<32768xf32, #tpu.memory_space<vmem>>[vector<16xi32>], vector<16xf32>,
        %parallel_loop3A_1122 = arith.constant 1 : i32
        %parallel_loop3A_1123 = vector.broadcast %parallel_loop3A_1122 : i32 to vector<16xi32>
        %parallel_loop3A_1124 = arith.addi %parallel_loop3A_1121, %parallel_loop3A_1123 : vector<16xi32>
        tpu.vector_store_idx %arg9[%parallel_loop3A_1124], %parallel_loop3A_1119 : memref<32768xf32, #tpu.memory_space<vmem>>[vector<16xi32>], vector<16xf32>,
        %parallel_loop3A_1125 = arith.constant 30 : i32
        %parallel_loop3A_1126 = vector.broadcast %parallel_loop3A_1125 : i32 to vector<16xi32>
        %parallel_loop3A_1127 = arith.addi %iota3A, %parallel_loop3A_1126 : vector<16xi32>
        %parallel_loop3A_1128 = arith.constant 31 : i32
        %parallel_loop3A_1129 = vector.broadcast %parallel_loop3A_1128 : i32 to vector<16xi32>
        %parallel_loop3A_1130 = arith.andi %parallel_loop3A_1127, %parallel_loop3A_1129 : vector<16xi32>
        %parallel_loop3A_1131 = arith.addi %parallel_loop3A_160, %parallel_loop3A_1130 : vector<16xi32>
        %parallel_loop3A_1132 = arith.constant 32 : i32
        %parallel_loop3A_1133 = vector.broadcast %parallel_loop3A_1132 : i32 to vector<16xi32>
        %parallel_loop3A_1134 = arith.addi %parallel_loop3A_1131, %parallel_loop3A_1133 : vector<16xi32>
        %parallel_loop3A_1135 = tpu.vector_load_idx %arg5[%parallel_loop3A_1131] : memref<16640xf32, #tpu.memory_space<vmem>>[vector<16xi32>], vector<16xf32>,
        %parallel_loop3A_1136 = vector.bitcast %parallel_loop3A_1135 : vector<16xf32> to vector<32xbf16>
        %parallel_loop3A_1137 = tpu.vector_load_idx %arg5[%parallel_loop3A_1134] : memref<16640xf32, #tpu.memory_space<vmem>>[vector<16xi32>], vector<16xf32>,
        %parallel_loop3A_1138 = vector.bitcast %parallel_loop3A_1137 : vector<16xf32> to vector<32xbf16>
        %parallel_loop3A_1139 = tpu.vector_load_idx %arg6[%parallel_loop3A_1131] : memref<16576xf32, #tpu.memory_space<vmem>>[vector<16xi32>], vector<16xf32>,
        %parallel_loop3A_1140 = vector.bitcast %parallel_loop3A_1139 : vector<16xf32> to vector<32xbf16>
        %parallel_loop3A_1141 = tpu.vector_load_idx %arg6[%parallel_loop3A_1134] : memref<16576xf32, #tpu.memory_space<vmem>>[vector<16xi32>], vector<16xf32>,
        %parallel_loop3A_1142 = vector.bitcast %parallel_loop3A_1141 : vector<16xf32> to vector<32xbf16>
        %parallel_loop3A_1143 = arith.mulf %parallel_loop3A_154, %parallel_loop3A_1136 : vector<32xbf16>
        %parallel_loop3A_1144 = arith.mulf %parallel_loop3A_155, %parallel_loop3A_1138 : vector<32xbf16>
        %parallel_loop3A_1145 = arith.addf %parallel_loop3A_1143, %parallel_loop3A_1144 : vector<32xbf16>
        %parallel_loop3A_1146 = arith.mulf %parallel_loop3A_156, %parallel_loop3A_1140 : vector<32xbf16>
        %parallel_loop3A_1147 = arith.addf %parallel_loop3A_1145, %parallel_loop3A_1146 : vector<32xbf16>
        %parallel_loop3A_1148 = arith.mulf %parallel_loop3A_157, %parallel_loop3A_1142 : vector<32xbf16>
        %parallel_loop3A_1149 = arith.addf %parallel_loop3A_1147, %parallel_loop3A_1148 : vector<32xbf16>
        %parallel_loop3A_1150 = tpu.unpack_subelements %parallel_loop3A_1149, 0 {pack_format = #tpu.pack_format<interleaved>} : vector<32xbf16> -> vector<16xf32>
        %parallel_loop3A_1151 = tpu.unpack_subelements %parallel_loop3A_1149, 1 {pack_format = #tpu.pack_format<interleaved>} : vector<32xbf16> -> vector<16xf32>
        %parallel_loop3A_1152 = arith.addi %parallel_loop3A_1130, %parallel_loop3A_1130 : vector<16xi32>
        %parallel_loop3A_1153 = arith.addi %parallel_loop3A_164, %parallel_loop3A_1152 : vector<16xi32>
        tpu.vector_store_idx %arg9[%parallel_loop3A_1153], %parallel_loop3A_1150 : memref<32768xf32, #tpu.memory_space<vmem>>[vector<16xi32>], vector<16xf32>,
        %parallel_loop3A_1154 = arith.constant 1 : i32
        %parallel_loop3A_1155 = vector.broadcast %parallel_loop3A_1154 : i32 to vector<16xi32>
        %parallel_loop3A_1156 = arith.addi %parallel_loop3A_1153, %parallel_loop3A_1155 : vector<16xi32>
        tpu.vector_store_idx %arg9[%parallel_loop3A_1156], %parallel_loop3A_1151 : memref<32768xf32, #tpu.memory_space<vmem>>[vector<16xi32>], vector<16xf32>,
        %parallel_loop3A_1157 = arith.constant 31 : i32
        %parallel_loop3A_1158 = vector.broadcast %parallel_loop3A_1157 : i32 to vector<16xi32>
        %parallel_loop3A_1159 = arith.addi %iota3A, %parallel_loop3A_1158 : vector<16xi32>
        %parallel_loop3A_1160 = arith.constant 31 : i32
        %parallel_loop3A_1161 = vector.broadcast %parallel_loop3A_1160 : i32 to vector<16xi32>
        %parallel_loop3A_1162 = arith.andi %parallel_loop3A_1159, %parallel_loop3A_1161 : vector<16xi32>
        %parallel_loop3A_1163 = arith.addi %parallel_loop3A_160, %parallel_loop3A_1162 : vector<16xi32>
        %parallel_loop3A_1164 = arith.constant 32 : i32
        %parallel_loop3A_1165 = vector.broadcast %parallel_loop3A_1164 : i32 to vector<16xi32>
        %parallel_loop3A_1166 = arith.addi %parallel_loop3A_1163, %parallel_loop3A_1165 : vector<16xi32>
        %parallel_loop3A_1167 = tpu.vector_load_idx %arg5[%parallel_loop3A_1163] : memref<16640xf32, #tpu.memory_space<vmem>>[vector<16xi32>], vector<16xf32>,
        %parallel_loop3A_1168 = vector.bitcast %parallel_loop3A_1167 : vector<16xf32> to vector<32xbf16>
        %parallel_loop3A_1169 = tpu.vector_load_idx %arg5[%parallel_loop3A_1166] : memref<16640xf32, #tpu.memory_space<vmem>>[vector<16xi32>], vector<16xf32>,
        %parallel_loop3A_1170 = vector.bitcast %parallel_loop3A_1169 : vector<16xf32> to vector<32xbf16>
        %parallel_loop3A_1171 = tpu.vector_load_idx %arg6[%parallel_loop3A_1163] : memref<16576xf32, #tpu.memory_space<vmem>>[vector<16xi32>], vector<16xf32>,
        %parallel_loop3A_1172 = vector.bitcast %parallel_loop3A_1171 : vector<16xf32> to vector<32xbf16>
        %parallel_loop3A_1173 = tpu.vector_load_idx %arg6[%parallel_loop3A_1166] : memref<16576xf32, #tpu.memory_space<vmem>>[vector<16xi32>], vector<16xf32>,
        %parallel_loop3A_1174 = vector.bitcast %parallel_loop3A_1173 : vector<16xf32> to vector<32xbf16>
        %parallel_loop3A_1175 = arith.mulf %parallel_loop3A_154, %parallel_loop3A_1168 : vector<32xbf16>
        %parallel_loop3A_1176 = arith.mulf %parallel_loop3A_155, %parallel_loop3A_1170 : vector<32xbf16>
        %parallel_loop3A_1177 = arith.addf %parallel_loop3A_1175, %parallel_loop3A_1176 : vector<32xbf16>
        %parallel_loop3A_1178 = arith.mulf %parallel_loop3A_156, %parallel_loop3A_1172 : vector<32xbf16>
        %parallel_loop3A_1179 = arith.addf %parallel_loop3A_1177, %parallel_loop3A_1178 : vector<32xbf16>
        %parallel_loop3A_1180 = arith.mulf %parallel_loop3A_157, %parallel_loop3A_1174 : vector<32xbf16>
        %parallel_loop3A_1181 = arith.addf %parallel_loop3A_1179, %parallel_loop3A_1180 : vector<32xbf16>
        %parallel_loop3A_1182 = tpu.unpack_subelements %parallel_loop3A_1181, 0 {pack_format = #tpu.pack_format<interleaved>} : vector<32xbf16> -> vector<16xf32>
        %parallel_loop3A_1183 = tpu.unpack_subelements %parallel_loop3A_1181, 1 {pack_format = #tpu.pack_format<interleaved>} : vector<32xbf16> -> vector<16xf32>
        %parallel_loop3A_1184 = arith.addi %parallel_loop3A_1162, %parallel_loop3A_1162 : vector<16xi32>
        %parallel_loop3A_1185 = arith.addi %parallel_loop3A_164, %parallel_loop3A_1184 : vector<16xi32>
        tpu.vector_store_idx %arg9[%parallel_loop3A_1185], %parallel_loop3A_1182 : memref<32768xf32, #tpu.memory_space<vmem>>[vector<16xi32>], vector<16xf32>,
        %parallel_loop3A_1186 = arith.constant 1 : i32
        %parallel_loop3A_1187 = vector.broadcast %parallel_loop3A_1186 : i32 to vector<16xi32>
        %parallel_loop3A_1188 = arith.addi %parallel_loop3A_1185, %parallel_loop3A_1187 : vector<16xi32>
        tpu.vector_store_idx %arg9[%parallel_loop3A_1188], %parallel_loop3A_1183 : memref<32768xf32, #tpu.memory_space<vmem>>[vector<16xi32>], vector<16xf32>,
      } {sc.loop_unroll_factor = 2 : i64, sc.parallel_access}
      %mul3A_45 = arith.constant 512 : i32
      %mul3A_46 = arith.muli %add3A_35, %mul3A_45 : i32
      %add3A_47 = arith.addi %mul3A_2, %mul3A_46 : i32
      %mul3A_48 = arith.constant 64 : i32
      %mul3A_49 = arith.muli %add3A_47, %mul3A_48 : i32
      %dma_start3A_50 = tpu.memref_slice %arg4[%mul3A_49] : memref<33554432xf32, #tpu.memory_space<hbm>> -> memref<32768xf32, #tpu.memory_space<hbm>>
      %dma_start3A_51 = tpu.memref_slice %arg4[%mul3A_49] : memref<33554432xf32, #tpu.memory_space<hbm>> -> memref<32768xf32, #tpu.memory_space<hbm>>
      tpu.enqueue_dma source(%arg9 : memref<32768xf32, #tpu.memory_space<vmem>>) target(%dma_start3A_51 : memref<32768xf32, #tpu.memory_space<hbm>>) target_semaphore(%arg13 : memref<!tpu.dma_semaphore, #tpu.memory_space<semaphore_mem>>)
      %add3A_52 = arith.constant 2 : i32
      %add3A_53 = arith.addi %add3A_35, %add3A_52 : i32
      %lt3A = arith.constant 32 : i32
      %lt3A_54 = arith.cmpi slt, %add3A_53, %lt3A : i32
      %convert_element_type3A_55 = arith.extui %lt3A_54 : i1 to i32
      %cond3A_56 = arith.constant 0 : i32
      %cond3A_57 = arith.cmpi ne, %convert_element_type3A_55, %cond3A_56 : i32
      scf.if %cond3A_57 {
        %add3A_88 = arith.constant 2 : i32
        %add3A_89 = arith.addi %add3A_35, %add3A_88 : i32
        %mul3A_90 = arith.constant 512 : i32
        %mul3A_91 = arith.muli %add3A_89, %mul3A_90 : i32
        %add3A_92 = arith.addi %mul3A_2, %mul3A_91 : i32
        %dma_start3A_93 = tpu.memref_slice %arg2[%add3A_92] : memref<524288xf32, #tpu.memory_space<hbm>> -> memref<512xf32, #tpu.memory_space<hbm>>
        %dma_start3A_94 = tpu.memref_slice %arg2[%add3A_92] : memref<524288xf32, #tpu.memory_space<hbm>> -> memref<512xf32, #tpu.memory_space<hbm>>
        tpu.enqueue_dma source(%dma_start3A_94 : memref<512xf32, #tpu.memory_space<hbm>>) target(%arg7 : memref<512xf32, #tpu.memory_space<vmem>>) target_semaphore(%arg11 : memref<!tpu.dma_semaphore, #tpu.memory_space<semaphore_mem>>)
      } else {
      }
      %add3A_58 = arith.constant 1 : i32
      %add3A_59 = arith.addi %mul3A_33, %add3A_58 : i32
      %mul3A_60 = arith.constant 512 : i32
      %mul3A_61 = arith.muli %add3A_59, %mul3A_60 : i32
      %add3A_62 = arith.addi %mul3A_2, %mul3A_61 : i32
      %dma_wait3A_63 = tpu.memref_slice %arg2[%add3A_62] : memref<524288xf32, #tpu.memory_space<hbm>> -> memref<512xf32, #tpu.memory_space<hbm>>
      %dma_wait3A_64 = tpu.memref_slice %arg2[%add3A_62] : memref<524288xf32, #tpu.memory_space<hbm>> -> memref<512xf32, #tpu.memory_space<hbm>>
      tpu.wait_dma2 semaphore(%arg12 : memref<!tpu.dma_semaphore, #tpu.memory_space<semaphore_mem>>) src(%dma_wait3A_64 : memref<512xf32, #tpu.memory_space<hbm>>) dst(%arg8 : memref<512xf32, #tpu.memory_space<vmem>>)
      %ge3A_65 = arith.constant 2 : i32
      %ge3A_66 = arith.cmpi sge, %add3A_59, %ge3A_65 : i32
      %convert_element_type3A_67 = arith.extui %ge3A_66 : i1 to i32
      %cond3A_68 = arith.constant 0 : i32
      %cond3A_69 = arith.cmpi ne, %convert_element_type3A_67, %cond3A_68 : i32
      scf.if %cond3A_69 {
        %sub3A = arith.constant 2 : i32
        %sub3A_88 = arith.subi %add3A_59, %sub3A : i32
        %mul3A_89 = arith.constant 512 : i32
        %mul3A_90 = arith.muli %sub3A_88, %mul3A_89 : i32
        %add3A_91 = arith.addi %mul3A_2, %mul3A_90 : i32
        %mul3A_92 = arith.constant 64 : i32
        %mul3A_93 = arith.muli %add3A_91, %mul3A_92 : i32
        %dma_wait3A_94 = tpu.memref_slice %arg4[%mul3A_93] : memref<33554432xf32, #tpu.memory_space<hbm>> -> memref<32768xf32, #tpu.memory_space<hbm>>
        %dma_wait3A_95 = tpu.memref_slice %arg4[%mul3A_93] : memref<33554432xf32, #tpu.memory_space<hbm>> -> memref<32768xf32, #tpu.memory_space<hbm>>
        tpu.wait_dma2 semaphore(%arg14 : memref<!tpu.dma_semaphore, #tpu.memory_space<semaphore_mem>>) src(%arg10 : memref<32768xf32, #tpu.memory_space<vmem>>) dst(%dma_wait3A_95 : memref<32768xf32, #tpu.memory_space<hbm>>)
      } else {
      }
      %parallel_loop3A_70 = arith.constant 0 : i32
      %parallel_loop3A_71 = arith.constant 32 : i32
      %parallel_loop3A_72 = arith.constant 1 : i32
      scf.for %parallel_loop3A_88 = %parallel_loop3A_70 to %parallel_loop3A_71 step %parallel_loop3A_72  : i32 {
        %parallel_loop3A_89 = arith.constant 16 : i32
        %parallel_loop3A_90 = arith.muli %parallel_loop3A_88, %parallel_loop3A_89 : i32
        %parallel_loop3A_91 = arith.index_cast %parallel_loop3A_90 : i32 to index
        %parallel_loop3A_92 = tpu.vector_load %arg8[%parallel_loop3A_91] {strides = array<i32>} : memref<512xf32, #tpu.memory_space<vmem>>, vector<16xf32>,
        %parallel_loop3A_93 = arith.constant 5.110000e+02 : f32
        %parallel_loop3A_94 = vector.broadcast %parallel_loop3A_93 : f32 to vector<16xf32>
        %parallel_loop3A_95 = arith.mulf %parallel_loop3A_92, %parallel_loop3A_94 : vector<16xf32>
        %parallel_loop3A_96 = arith.fptosi %parallel_loop3A_95 : vector<16xf32> to vector<16xi32>
        %parallel_loop3A_97 = arith.constant 0 : i32
        %parallel_loop3A_98 = vector.broadcast %parallel_loop3A_97 : i32 to vector<16xi32>
        %parallel_loop3A_99 = arith.maxsi %parallel_loop3A_96, %parallel_loop3A_98 : vector<16xi32>
        %parallel_loop3A_100 = arith.constant 510 : i32
        %parallel_loop3A_101 = vector.broadcast %parallel_loop3A_100 : i32 to vector<16xi32>
        %parallel_loop3A_102 = arith.minsi %parallel_loop3A_99, %parallel_loop3A_101 : vector<16xi32>
        %parallel_loop3A_103 = arith.sitofp %parallel_loop3A_102 : vector<16xi32> to vector<16xf32>
        %parallel_loop3A_104 = arith.subf %parallel_loop3A_95, %parallel_loop3A_103 : vector<16xf32>
        %parallel_loop3A_105 = arith.mulf %parallel_loop3A_104, %parallel_loop3A_104 : vector<16xf32>
        %parallel_loop3A_106 = arith.mulf %parallel_loop3A_105, %parallel_loop3A_104 : vector<16xf32>
        %parallel_loop3A_107 = arith.constant 3.000000e+00 : f32
        %parallel_loop3A_108 = vector.broadcast %parallel_loop3A_107 : f32 to vector<16xf32>
        %parallel_loop3A_109 = arith.subf %parallel_loop3A_108, %parallel_loop3A_104 : vector<16xf32>
        %parallel_loop3A_110 = arith.mulf %parallel_loop3A_109, %parallel_loop3A_104 : vector<16xf32>
        %parallel_loop3A_111 = arith.constant 3.000000e+00 : f32
        %parallel_loop3A_112 = vector.broadcast %parallel_loop3A_111 : f32 to vector<16xf32>
        %parallel_loop3A_113 = arith.subf %parallel_loop3A_110, %parallel_loop3A_112 : vector<16xf32>
        %parallel_loop3A_114 = arith.mulf %parallel_loop3A_113, %parallel_loop3A_104 : vector<16xf32>
        %parallel_loop3A_115 = arith.constant 1.000000e+00 : f32
        %parallel_loop3A_116 = vector.broadcast %parallel_loop3A_115 : f32 to vector<16xf32>
        %parallel_loop3A_117 = arith.addf %parallel_loop3A_114, %parallel_loop3A_116 : vector<16xf32>
        %parallel_loop3A_118 = arith.constant 0.166666672 : f32
        %parallel_loop3A_119 = vector.broadcast %parallel_loop3A_118 : f32 to vector<16xf32>
        %parallel_loop3A_120 = arith.mulf %parallel_loop3A_117, %parallel_loop3A_119 : vector<16xf32>
        %parallel_loop3A_121 = arith.constant 3.000000e+00 : f32
        %parallel_loop3A_122 = vector.broadcast %parallel_loop3A_121 : f32 to vector<16xf32>
        %parallel_loop3A_123 = arith.mulf %parallel_loop3A_122, %parallel_loop3A_104 : vector<16xf32>
        %parallel_loop3A_124 = arith.constant 6.000000e+00 : f32
        %parallel_loop3A_125 = vector.broadcast %parallel_loop3A_124 : f32 to vector<16xf32>
        %parallel_loop3A_126 = arith.subf %parallel_loop3A_123, %parallel_loop3A_125 : vector<16xf32>
        %parallel_loop3A_127 = arith.mulf %parallel_loop3A_126, %parallel_loop3A_105 : vector<16xf32>
        %parallel_loop3A_128 = arith.constant 4.000000e+00 : f32
        %parallel_loop3A_129 = vector.broadcast %parallel_loop3A_128 : f32 to vector<16xf32>
        %parallel_loop3A_130 = arith.addf %parallel_loop3A_127, %parallel_loop3A_129 : vector<16xf32>
        %parallel_loop3A_131 = arith.constant 0.166666672 : f32
        %parallel_loop3A_132 = vector.broadcast %parallel_loop3A_131 : f32 to vector<16xf32>
        %parallel_loop3A_133 = arith.mulf %parallel_loop3A_130, %parallel_loop3A_132 : vector<16xf32>
        %parallel_loop3A_134 = arith.constant 3.000000e+00 : f32
        %parallel_loop3A_135 = vector.broadcast %parallel_loop3A_134 : f32 to vector<16xf32>
        %parallel_loop3A_136 = arith.mulf %parallel_loop3A_135, %parallel_loop3A_104 : vector<16xf32>
        %parallel_loop3A_137 = arith.constant 3.000000e+00 : f32
        %parallel_loop3A_138 = vector.broadcast %parallel_loop3A_137 : f32 to vector<16xf32>
        %parallel_loop3A_139 = arith.subf %parallel_loop3A_138, %parallel_loop3A_136 : vector<16xf32>
        %parallel_loop3A_140 = arith.mulf %parallel_loop3A_139, %parallel_loop3A_104 : vector<16xf32>
        %parallel_loop3A_141 = arith.constant 3.000000e+00 : f32
        %parallel_loop3A_142 = vector.broadcast %parallel_loop3A_141 : f32 to vector<16xf32>
        %parallel_loop3A_143 = arith.addf %parallel_loop3A_140, %parallel_loop3A_142 : vector<16xf32>
        %parallel_loop3A_144 = arith.mulf %parallel_loop3A_143, %parallel_loop3A_104 : vector<16xf32>
        %parallel_loop3A_145 = arith.constant 1.000000e+00 : f32
        %parallel_loop3A_146 = vector.broadcast %parallel_loop3A_145 : f32 to vector<16xf32>
        %parallel_loop3A_147 = arith.addf %parallel_loop3A_144, %parallel_loop3A_146 : vector<16xf32>
        %parallel_loop3A_148 = arith.constant 0.166666672 : f32
        %parallel_loop3A_149 = vector.broadcast %parallel_loop3A_148 : f32 to vector<16xf32>
        %parallel_loop3A_150 = arith.mulf %parallel_loop3A_147, %parallel_loop3A_149 : vector<16xf32>
        %parallel_loop3A_151 = arith.constant 0.166666672 : f32
        %parallel_loop3A_152 = vector.broadcast %parallel_loop3A_151 : f32 to vector<16xf32>
        %parallel_loop3A_153 = arith.mulf %parallel_loop3A_106, %parallel_loop3A_152 : vector<16xf32>
        %parallel_loop3A_154 = tpu.pack_subelements %parallel_loop3A_120, %parallel_loop3A_120 {pack_format = #tpu.pack_format<interleaved>, positions = array<i32: 0, 1>} : vector<16xf32>, vector<16xf32> -> vector<32xbf16>
        %parallel_loop3A_155 = tpu.pack_subelements %parallel_loop3A_133, %parallel_loop3A_133 {pack_format = #tpu.pack_format<interleaved>, positions = array<i32: 0, 1>} : vector<16xf32>, vector<16xf32> -> vector<32xbf16>
        %parallel_loop3A_156 = tpu.pack_subelements %parallel_loop3A_150, %parallel_loop3A_150 {pack_format = #tpu.pack_format<interleaved>, positions = array<i32: 0, 1>} : vector<16xf32>, vector<16xf32> -> vector<32xbf16>
        %parallel_loop3A_157 = tpu.pack_subelements %parallel_loop3A_153, %parallel_loop3A_153 {pack_format = #tpu.pack_format<interleaved>, positions = array<i32: 0, 1>} : vector<16xf32>, vector<16xf32> -> vector<32xbf16>
        %parallel_loop3A_158 = arith.constant 32 : i32
        %parallel_loop3A_159 = vector.broadcast %parallel_loop3A_158 : i32 to vector<16xi32>
        %parallel_loop3A_160 = arith.muli %parallel_loop3A_102, %parallel_loop3A_159 : vector<16xi32>
        %parallel_loop3A_161 = arith.constant 1024 : i32
        %parallel_loop3A_162 = arith.muli %parallel_loop3A_88, %parallel_loop3A_161 : i32
        %parallel_loop3A_163 = vector.broadcast %parallel_loop3A_162 : i32 to vector<16xi32>
        %parallel_loop3A_164 = arith.addi %mul3A_5, %parallel_loop3A_163 : vector<16xi32>
        %parallel_loop3A_165 = arith.constant 0 : i32
        %parallel_loop3A_166 = vector.broadcast %parallel_loop3A_165 : i32 to vector<16xi32>
        %parallel_loop3A_167 = arith.addi %iota3A, %parallel_loop3A_166 : vector<16xi32>
        %parallel_loop3A_168 = arith.constant 31 : i32
        %parallel_loop3A_169 = vector.broadcast %parallel_loop3A_168 : i32 to vector<16xi32>
        %parallel_loop3A_170 = arith.andi %parallel_loop3A_167, %parallel_loop3A_169 : vector<16xi32>
        %parallel_loop3A_171 = arith.addi %parallel_loop3A_160, %parallel_loop3A_170 : vector<16xi32>
        %parallel_loop3A_172 = arith.constant 32 : i32
        %parallel_loop3A_173 = vector.broadcast %parallel_loop3A_172 : i32 to vector<16xi32>
        %parallel_loop3A_174 = arith.addi %parallel_loop3A_171, %parallel_loop3A_173 : vector<16xi32>
        %parallel_loop3A_175 = tpu.vector_load_idx %arg5[%parallel_loop3A_171] : memref<16640xf32, #tpu.memory_space<vmem>>[vector<16xi32>], vector<16xf32>,
        %parallel_loop3A_176 = vector.bitcast %parallel_loop3A_175 : vector<16xf32> to vector<32xbf16>
        %parallel_loop3A_177 = tpu.vector_load_idx %arg5[%parallel_loop3A_174] : memref<16640xf32, #tpu.memory_space<vmem>>[vector<16xi32>], vector<16xf32>,
        %parallel_loop3A_178 = vector.bitcast %parallel_loop3A_177 : vector<16xf32> to vector<32xbf16>
        %parallel_loop3A_179 = tpu.vector_load_idx %arg6[%parallel_loop3A_171] : memref<16576xf32, #tpu.memory_space<vmem>>[vector<16xi32>], vector<16xf32>,
        %parallel_loop3A_180 = vector.bitcast %parallel_loop3A_179 : vector<16xf32> to vector<32xbf16>
        %parallel_loop3A_181 = tpu.vector_load_idx %arg6[%parallel_loop3A_174] : memref<16576xf32, #tpu.memory_space<vmem>>[vector<16xi32>], vector<16xf32>,
        %parallel_loop3A_182 = vector.bitcast %parallel_loop3A_181 : vector<16xf32> to vector<32xbf16>
        %parallel_loop3A_183 = arith.mulf %parallel_loop3A_154, %parallel_loop3A_176 : vector<32xbf16>
        %parallel_loop3A_184 = arith.mulf %parallel_loop3A_155, %parallel_loop3A_178 : vector<32xbf16>
        %parallel_loop3A_185 = arith.addf %parallel_loop3A_183, %parallel_loop3A_184 : vector<32xbf16>
        %parallel_loop3A_186 = arith.mulf %parallel_loop3A_156, %parallel_loop3A_180 : vector<32xbf16>
        %parallel_loop3A_187 = arith.addf %parallel_loop3A_185, %parallel_loop3A_186 : vector<32xbf16>
        %parallel_loop3A_188 = arith.mulf %parallel_loop3A_157, %parallel_loop3A_182 : vector<32xbf16>
        %parallel_loop3A_189 = arith.addf %parallel_loop3A_187, %parallel_loop3A_188 : vector<32xbf16>
        %parallel_loop3A_190 = tpu.unpack_subelements %parallel_loop3A_189, 0 {pack_format = #tpu.pack_format<interleaved>} : vector<32xbf16> -> vector<16xf32>
        %parallel_loop3A_191 = tpu.unpack_subelements %parallel_loop3A_189, 1 {pack_format = #tpu.pack_format<interleaved>} : vector<32xbf16> -> vector<16xf32>
        %parallel_loop3A_192 = arith.addi %parallel_loop3A_170, %parallel_loop3A_170 : vector<16xi32>
        %parallel_loop3A_193 = arith.addi %parallel_loop3A_164, %parallel_loop3A_192 : vector<16xi32>
        tpu.vector_store_idx %arg10[%parallel_loop3A_193], %parallel_loop3A_190 : memref<32768xf32, #tpu.memory_space<vmem>>[vector<16xi32>], vector<16xf32>,
        %parallel_loop3A_194 = arith.constant 1 : i32
        %parallel_loop3A_195 = vector.broadcast %parallel_loop3A_194 : i32 to vector<16xi32>
        %parallel_loop3A_196 = arith.addi %parallel_loop3A_193, %parallel_loop3A_195 : vector<16xi32>
        tpu.vector_store_idx %arg10[%parallel_loop3A_196], %parallel_loop3A_191 : memref<32768xf32, #tpu.memory_space<vmem>>[vector<16xi32>], vector<16xf32>,
        %parallel_loop3A_197 = arith.constant 1 : i32
        %parallel_loop3A_198 = vector.broadcast %parallel_loop3A_197 : i32 to vector<16xi32>
        %parallel_loop3A_199 = arith.addi %iota3A, %parallel_loop3A_198 : vector<16xi32>
        %parallel_loop3A_200 = arith.constant 31 : i32
        %parallel_loop3A_201 = vector.broadcast %parallel_loop3A_200 : i32 to vector<16xi32>
        %parallel_loop3A_202 = arith.andi %parallel_loop3A_199, %parallel_loop3A_201 : vector<16xi32>
        %parallel_loop3A_203 = arith.addi %parallel_loop3A_160, %parallel_loop3A_202 : vector<16xi32>
        %parallel_loop3A_204 = arith.constant 32 : i32
        %parallel_loop3A_205 = vector.broadcast %parallel_loop3A_204 : i32 to vector<16xi32>
        %parallel_loop3A_206 = arith.addi %parallel_loop3A_203, %parallel_loop3A_205 : vector<16xi32>
        %parallel_loop3A_207 = tpu.vector_load_idx %arg5[%parallel_loop3A_203] : memref<16640xf32, #tpu.memory_space<vmem>>[vector<16xi32>], vector<16xf32>,
        %parallel_loop3A_208 = vector.bitcast %parallel_loop3A_207 : vector<16xf32> to vector<32xbf16>
        %parallel_loop3A_209 = tpu.vector_load_idx %arg5[%parallel_loop3A_206] : memref<16640xf32, #tpu.memory_space<vmem>>[vector<16xi32>], vector<16xf32>,
        %parallel_loop3A_210 = vector.bitcast %parallel_loop3A_209 : vector<16xf32> to vector<32xbf16>
        %parallel_loop3A_211 = tpu.vector_load_idx %arg6[%parallel_loop3A_203] : memref<16576xf32, #tpu.memory_space<vmem>>[vector<16xi32>], vector<16xf32>,
        %parallel_loop3A_212 = vector.bitcast %parallel_loop3A_211 : vector<16xf32> to vector<32xbf16>
        %parallel_loop3A_213 = tpu.vector_load_idx %arg6[%parallel_loop3A_206] : memref<16576xf32, #tpu.memory_space<vmem>>[vector<16xi32>], vector<16xf32>,
        %parallel_loop3A_214 = vector.bitcast %parallel_loop3A_213 : vector<16xf32> to vector<32xbf16>
        %parallel_loop3A_215 = arith.mulf %parallel_loop3A_154, %parallel_loop3A_208 : vector<32xbf16>
        %parallel_loop3A_216 = arith.mulf %parallel_loop3A_155, %parallel_loop3A_210 : vector<32xbf16>
        %parallel_loop3A_217 = arith.addf %parallel_loop3A_215, %parallel_loop3A_216 : vector<32xbf16>
        %parallel_loop3A_218 = arith.mulf %parallel_loop3A_156, %parallel_loop3A_212 : vector<32xbf16>
        %parallel_loop3A_219 = arith.addf %parallel_loop3A_217, %parallel_loop3A_218 : vector<32xbf16>
        %parallel_loop3A_220 = arith.mulf %parallel_loop3A_157, %parallel_loop3A_214 : vector<32xbf16>
        %parallel_loop3A_221 = arith.addf %parallel_loop3A_219, %parallel_loop3A_220 : vector<32xbf16>
        %parallel_loop3A_222 = tpu.unpack_subelements %parallel_loop3A_221, 0 {pack_format = #tpu.pack_format<interleaved>} : vector<32xbf16> -> vector<16xf32>
        %parallel_loop3A_223 = tpu.unpack_subelements %parallel_loop3A_221, 1 {pack_format = #tpu.pack_format<interleaved>} : vector<32xbf16> -> vector<16xf32>
        %parallel_loop3A_224 = arith.addi %parallel_loop3A_202, %parallel_loop3A_202 : vector<16xi32>
        %parallel_loop3A_225 = arith.addi %parallel_loop3A_164, %parallel_loop3A_224 : vector<16xi32>
        tpu.vector_store_idx %arg10[%parallel_loop3A_225], %parallel_loop3A_222 : memref<32768xf32, #tpu.memory_space<vmem>>[vector<16xi32>], vector<16xf32>,
        %parallel_loop3A_226 = arith.constant 1 : i32
        %parallel_loop3A_227 = vector.broadcast %parallel_loop3A_226 : i32 to vector<16xi32>
        %parallel_loop3A_228 = arith.addi %parallel_loop3A_225, %parallel_loop3A_227 : vector<16xi32>
        tpu.vector_store_idx %arg10[%parallel_loop3A_228], %parallel_loop3A_223 : memref<32768xf32, #tpu.memory_space<vmem>>[vector<16xi32>], vector<16xf32>,
        %parallel_loop3A_229 = arith.constant 2 : i32
        %parallel_loop3A_230 = vector.broadcast %parallel_loop3A_229 : i32 to vector<16xi32>
        %parallel_loop3A_231 = arith.addi %iota3A, %parallel_loop3A_230 : vector<16xi32>
        %parallel_loop3A_232 = arith.constant 31 : i32
        %parallel_loop3A_233 = vector.broadcast %parallel_loop3A_232 : i32 to vector<16xi32>
        %parallel_loop3A_234 = arith.andi %parallel_loop3A_231, %parallel_loop3A_233 : vector<16xi32>
        %parallel_loop3A_235 = arith.addi %parallel_loop3A_160, %parallel_loop3A_234 : vector<16xi32>
        %parallel_loop3A_236 = arith.constant 32 : i32
        %parallel_loop3A_237 = vector.broadcast %parallel_loop3A_236 : i32 to vector<16xi32>
        %parallel_loop3A_238 = arith.addi %parallel_loop3A_235, %parallel_loop3A_237 : vector<16xi32>
        %parallel_loop3A_239 = tpu.vector_load_idx %arg5[%parallel_loop3A_235] : memref<16640xf32, #tpu.memory_space<vmem>>[vector<16xi32>], vector<16xf32>,
        %parallel_loop3A_240 = vector.bitcast %parallel_loop3A_239 : vector<16xf32> to vector<32xbf16>
        %parallel_loop3A_241 = tpu.vector_load_idx %arg5[%parallel_loop3A_238] : memref<16640xf32, #tpu.memory_space<vmem>>[vector<16xi32>], vector<16xf32>,
        %parallel_loop3A_242 = vector.bitcast %parallel_loop3A_241 : vector<16xf32> to vector<32xbf16>
        %parallel_loop3A_243 = tpu.vector_load_idx %arg6[%parallel_loop3A_235] : memref<16576xf32, #tpu.memory_space<vmem>>[vector<16xi32>], vector<16xf32>,
        %parallel_loop3A_244 = vector.bitcast %parallel_loop3A_243 : vector<16xf32> to vector<32xbf16>
        %parallel_loop3A_245 = tpu.vector_load_idx %arg6[%parallel_loop3A_238] : memref<16576xf32, #tpu.memory_space<vmem>>[vector<16xi32>], vector<16xf32>,
        %parallel_loop3A_246 = vector.bitcast %parallel_loop3A_245 : vector<16xf32> to vector<32xbf16>
        %parallel_loop3A_247 = arith.mulf %parallel_loop3A_154, %parallel_loop3A_240 : vector<32xbf16>
        %parallel_loop3A_248 = arith.mulf %parallel_loop3A_155, %parallel_loop3A_242 : vector<32xbf16>
        %parallel_loop3A_249 = arith.addf %parallel_loop3A_247, %parallel_loop3A_248 : vector<32xbf16>
        %parallel_loop3A_250 = arith.mulf %parallel_loop3A_156, %parallel_loop3A_244 : vector<32xbf16>
        %parallel_loop3A_251 = arith.addf %parallel_loop3A_249, %parallel_loop3A_250 : vector<32xbf16>
        %parallel_loop3A_252 = arith.mulf %parallel_loop3A_157, %parallel_loop3A_246 : vector<32xbf16>
        %parallel_loop3A_253 = arith.addf %parallel_loop3A_251, %parallel_loop3A_252 : vector<32xbf16>
        %parallel_loop3A_254 = tpu.unpack_subelements %parallel_loop3A_253, 0 {pack_format = #tpu.pack_format<interleaved>} : vector<32xbf16> -> vector<16xf32>
        %parallel_loop3A_255 = tpu.unpack_subelements %parallel_loop3A_253, 1 {pack_format = #tpu.pack_format<interleaved>} : vector<32xbf16> -> vector<16xf32>
        %parallel_loop3A_256 = arith.addi %parallel_loop3A_234, %parallel_loop3A_234 : vector<16xi32>
        %parallel_loop3A_257 = arith.addi %parallel_loop3A_164, %parallel_loop3A_256 : vector<16xi32>
        tpu.vector_store_idx %arg10[%parallel_loop3A_257], %parallel_loop3A_254 : memref<32768xf32, #tpu.memory_space<vmem>>[vector<16xi32>], vector<16xf32>,
        %parallel_loop3A_258 = arith.constant 1 : i32
        %parallel_loop3A_259 = vector.broadcast %parallel_loop3A_258 : i32 to vector<16xi32>
        %parallel_loop3A_260 = arith.addi %parallel_loop3A_257, %parallel_loop3A_259 : vector<16xi32>
        tpu.vector_store_idx %arg10[%parallel_loop3A_260], %parallel_loop3A_255 : memref<32768xf32, #tpu.memory_space<vmem>>[vector<16xi32>], vector<16xf32>,
        %parallel_loop3A_261 = arith.constant 3 : i32
        %parallel_loop3A_262 = vector.broadcast %parallel_loop3A_261 : i32 to vector<16xi32>
        %parallel_loop3A_263 = arith.addi %iota3A, %parallel_loop3A_262 : vector<16xi32>
        %parallel_loop3A_264 = arith.constant 31 : i32
        %parallel_loop3A_265 = vector.broadcast %parallel_loop3A_264 : i32 to vector<16xi32>
        %parallel_loop3A_266 = arith.andi %parallel_loop3A_263, %parallel_loop3A_265 : vector<16xi32>
        %parallel_loop3A_267 = arith.addi %parallel_loop3A_160, %parallel_loop3A_266 : vector<16xi32>
        %parallel_loop3A_268 = arith.constant 32 : i32
        %parallel_loop3A_269 = vector.broadcast %parallel_loop3A_268 : i32 to vector<16xi32>
        %parallel_loop3A_270 = arith.addi %parallel_loop3A_267, %parallel_loop3A_269 : vector<16xi32>
        %parallel_loop3A_271 = tpu.vector_load_idx %arg5[%parallel_loop3A_267] : memref<16640xf32, #tpu.memory_space<vmem>>[vector<16xi32>], vector<16xf32>,
        %parallel_loop3A_272 = vector.bitcast %parallel_loop3A_271 : vector<16xf32> to vector<32xbf16>
        %parallel_loop3A_273 = tpu.vector_load_idx %arg5[%parallel_loop3A_270] : memref<16640xf32, #tpu.memory_space<vmem>>[vector<16xi32>], vector<16xf32>,
        %parallel_loop3A_274 = vector.bitcast %parallel_loop3A_273 : vector<16xf32> to vector<32xbf16>
        %parallel_loop3A_275 = tpu.vector_load_idx %arg6[%parallel_loop3A_267] : memref<16576xf32, #tpu.memory_space<vmem>>[vector<16xi32>], vector<16xf32>,
        %parallel_loop3A_276 = vector.bitcast %parallel_loop3A_275 : vector<16xf32> to vector<32xbf16>
        %parallel_loop3A_277 = tpu.vector_load_idx %arg6[%parallel_loop3A_270] : memref<16576xf32, #tpu.memory_space<vmem>>[vector<16xi32>], vector<16xf32>,
        %parallel_loop3A_278 = vector.bitcast %parallel_loop3A_277 : vector<16xf32> to vector<32xbf16>
        %parallel_loop3A_279 = arith.mulf %parallel_loop3A_154, %parallel_loop3A_272 : vector<32xbf16>
        %parallel_loop3A_280 = arith.mulf %parallel_loop3A_155, %parallel_loop3A_274 : vector<32xbf16>
        %parallel_loop3A_281 = arith.addf %parallel_loop3A_279, %parallel_loop3A_280 : vector<32xbf16>
        %parallel_loop3A_282 = arith.mulf %parallel_loop3A_156, %parallel_loop3A_276 : vector<32xbf16>
        %parallel_loop3A_283 = arith.addf %parallel_loop3A_281, %parallel_loop3A_282 : vector<32xbf16>
        %parallel_loop3A_284 = arith.mulf %parallel_loop3A_157, %parallel_loop3A_278 : vector<32xbf16>
        %parallel_loop3A_285 = arith.addf %parallel_loop3A_283, %parallel_loop3A_284 : vector<32xbf16>
        %parallel_loop3A_286 = tpu.unpack_subelements %parallel_loop3A_285, 0 {pack_format = #tpu.pack_format<interleaved>} : vector<32xbf16> -> vector<16xf32>
        %parallel_loop3A_287 = tpu.unpack_subelements %parallel_loop3A_285, 1 {pack_format = #tpu.pack_format<interleaved>} : vector<32xbf16> -> vector<16xf32>
        %parallel_loop3A_288 = arith.addi %parallel_loop3A_266, %parallel_loop3A_266 : vector<16xi32>
        %parallel_loop3A_289 = arith.addi %parallel_loop3A_164, %parallel_loop3A_288 : vector<16xi32>
        tpu.vector_store_idx %arg10[%parallel_loop3A_289], %parallel_loop3A_286 : memref<32768xf32, #tpu.memory_space<vmem>>[vector<16xi32>], vector<16xf32>,
        %parallel_loop3A_290 = arith.constant 1 : i32
        %parallel_loop3A_291 = vector.broadcast %parallel_loop3A_290 : i32 to vector<16xi32>
        %parallel_loop3A_292 = arith.addi %parallel_loop3A_289, %parallel_loop3A_291 : vector<16xi32>
        tpu.vector_store_idx %arg10[%parallel_loop3A_292], %parallel_loop3A_287 : memref<32768xf32, #tpu.memory_space<vmem>>[vector<16xi32>], vector<16xf32>,
        %parallel_loop3A_293 = arith.constant 4 : i32
        %parallel_loop3A_294 = vector.broadcast %parallel_loop3A_293 : i32 to vector<16xi32>
        %parallel_loop3A_295 = arith.addi %iota3A, %parallel_loop3A_294 : vector<16xi32>
        %parallel_loop3A_296 = arith.constant 31 : i32
        %parallel_loop3A_297 = vector.broadcast %parallel_loop3A_296 : i32 to vector<16xi32>
        %parallel_loop3A_298 = arith.andi %parallel_loop3A_295, %parallel_loop3A_297 : vector<16xi32>
        %parallel_loop3A_299 = arith.addi %parallel_loop3A_160, %parallel_loop3A_298 : vector<16xi32>
        %parallel_loop3A_300 = arith.constant 32 : i32
        %parallel_loop3A_301 = vector.broadcast %parallel_loop3A_300 : i32 to vector<16xi32>
        %parallel_loop3A_302 = arith.addi %parallel_loop3A_299, %parallel_loop3A_301 : vector<16xi32>
        %parallel_loop3A_303 = tpu.vector_load_idx %arg5[%parallel_loop3A_299] : memref<16640xf32, #tpu.memory_space<vmem>>[vector<16xi32>], vector<16xf32>,
        %parallel_loop3A_304 = vector.bitcast %parallel_loop3A_303 : vector<16xf32> to vector<32xbf16>
        %parallel_loop3A_305 = tpu.vector_load_idx %arg5[%parallel_loop3A_302] : memref<16640xf32, #tpu.memory_space<vmem>>[vector<16xi32>], vector<16xf32>,
        %parallel_loop3A_306 = vector.bitcast %parallel_loop3A_305 : vector<16xf32> to vector<32xbf16>
        %parallel_loop3A_307 = tpu.vector_load_idx %arg6[%parallel_loop3A_299] : memref<16576xf32, #tpu.memory_space<vmem>>[vector<16xi32>], vector<16xf32>,
        %parallel_loop3A_308 = vector.bitcast %parallel_loop3A_307 : vector<16xf32> to vector<32xbf16>
        %parallel_loop3A_309 = tpu.vector_load_idx %arg6[%parallel_loop3A_302] : memref<16576xf32, #tpu.memory_space<vmem>>[vector<16xi32>], vector<16xf32>,
        %parallel_loop3A_310 = vector.bitcast %parallel_loop3A_309 : vector<16xf32> to vector<32xbf16>
        %parallel_loop3A_311 = arith.mulf %parallel_loop3A_154, %parallel_loop3A_304 : vector<32xbf16>
        %parallel_loop3A_312 = arith.mulf %parallel_loop3A_155, %parallel_loop3A_306 : vector<32xbf16>
        %parallel_loop3A_313 = arith.addf %parallel_loop3A_311, %parallel_loop3A_312 : vector<32xbf16>
        %parallel_loop3A_314 = arith.mulf %parallel_loop3A_156, %parallel_loop3A_308 : vector<32xbf16>
        %parallel_loop3A_315 = arith.addf %parallel_loop3A_313, %parallel_loop3A_314 : vector<32xbf16>
        %parallel_loop3A_316 = arith.mulf %parallel_loop3A_157, %parallel_loop3A_310 : vector<32xbf16>
        %parallel_loop3A_317 = arith.addf %parallel_loop3A_315, %parallel_loop3A_316 : vector<32xbf16>
        %parallel_loop3A_318 = tpu.unpack_subelements %parallel_loop3A_317, 0 {pack_format = #tpu.pack_format<interleaved>} : vector<32xbf16> -> vector<16xf32>
        %parallel_loop3A_319 = tpu.unpack_subelements %parallel_loop3A_317, 1 {pack_format = #tpu.pack_format<interleaved>} : vector<32xbf16> -> vector<16xf32>
        %parallel_loop3A_320 = arith.addi %parallel_loop3A_298, %parallel_loop3A_298 : vector<16xi32>
        %parallel_loop3A_321 = arith.addi %parallel_loop3A_164, %parallel_loop3A_320 : vector<16xi32>
        tpu.vector_store_idx %arg10[%parallel_loop3A_321], %parallel_loop3A_318 : memref<32768xf32, #tpu.memory_space<vmem>>[vector<16xi32>], vector<16xf32>,
        %parallel_loop3A_322 = arith.constant 1 : i32
        %parallel_loop3A_323 = vector.broadcast %parallel_loop3A_322 : i32 to vector<16xi32>
        %parallel_loop3A_324 = arith.addi %parallel_loop3A_321, %parallel_loop3A_323 : vector<16xi32>
        tpu.vector_store_idx %arg10[%parallel_loop3A_324], %parallel_loop3A_319 : memref<32768xf32, #tpu.memory_space<vmem>>[vector<16xi32>], vector<16xf32>,
        %parallel_loop3A_325 = arith.constant 5 : i32
        %parallel_loop3A_326 = vector.broadcast %parallel_loop3A_325 : i32 to vector<16xi32>
        %parallel_loop3A_327 = arith.addi %iota3A, %parallel_loop3A_326 : vector<16xi32>
        %parallel_loop3A_328 = arith.constant 31 : i32
        %parallel_loop3A_329 = vector.broadcast %parallel_loop3A_328 : i32 to vector<16xi32>
        %parallel_loop3A_330 = arith.andi %parallel_loop3A_327, %parallel_loop3A_329 : vector<16xi32>
        %parallel_loop3A_331 = arith.addi %parallel_loop3A_160, %parallel_loop3A_330 : vector<16xi32>
        %parallel_loop3A_332 = arith.constant 32 : i32
        %parallel_loop3A_333 = vector.broadcast %parallel_loop3A_332 : i32 to vector<16xi32>
        %parallel_loop3A_334 = arith.addi %parallel_loop3A_331, %parallel_loop3A_333 : vector<16xi32>
        %parallel_loop3A_335 = tpu.vector_load_idx %arg5[%parallel_loop3A_331] : memref<16640xf32, #tpu.memory_space<vmem>>[vector<16xi32>], vector<16xf32>,
        %parallel_loop3A_336 = vector.bitcast %parallel_loop3A_335 : vector<16xf32> to vector<32xbf16>
        %parallel_loop3A_337 = tpu.vector_load_idx %arg5[%parallel_loop3A_334] : memref<16640xf32, #tpu.memory_space<vmem>>[vector<16xi32>], vector<16xf32>,
        %parallel_loop3A_338 = vector.bitcast %parallel_loop3A_337 : vector<16xf32> to vector<32xbf16>
        %parallel_loop3A_339 = tpu.vector_load_idx %arg6[%parallel_loop3A_331] : memref<16576xf32, #tpu.memory_space<vmem>>[vector<16xi32>], vector<16xf32>,
        %parallel_loop3A_340 = vector.bitcast %parallel_loop3A_339 : vector<16xf32> to vector<32xbf16>
        %parallel_loop3A_341 = tpu.vector_load_idx %arg6[%parallel_loop3A_334] : memref<16576xf32, #tpu.memory_space<vmem>>[vector<16xi32>], vector<16xf32>,
        %parallel_loop3A_342 = vector.bitcast %parallel_loop3A_341 : vector<16xf32> to vector<32xbf16>
        %parallel_loop3A_343 = arith.mulf %parallel_loop3A_154, %parallel_loop3A_336 : vector<32xbf16>
        %parallel_loop3A_344 = arith.mulf %parallel_loop3A_155, %parallel_loop3A_338 : vector<32xbf16>
        %parallel_loop3A_345 = arith.addf %parallel_loop3A_343, %parallel_loop3A_344 : vector<32xbf16>
        %parallel_loop3A_346 = arith.mulf %parallel_loop3A_156, %parallel_loop3A_340 : vector<32xbf16>
        %parallel_loop3A_347 = arith.addf %parallel_loop3A_345, %parallel_loop3A_346 : vector<32xbf16>
        %parallel_loop3A_348 = arith.mulf %parallel_loop3A_157, %parallel_loop3A_342 : vector<32xbf16>
        %parallel_loop3A_349 = arith.addf %parallel_loop3A_347, %parallel_loop3A_348 : vector<32xbf16>
        %parallel_loop3A_350 = tpu.unpack_subelements %parallel_loop3A_349, 0 {pack_format = #tpu.pack_format<interleaved>} : vector<32xbf16> -> vector<16xf32>
        %parallel_loop3A_351 = tpu.unpack_subelements %parallel_loop3A_349, 1 {pack_format = #tpu.pack_format<interleaved>} : vector<32xbf16> -> vector<16xf32>
        %parallel_loop3A_352 = arith.addi %parallel_loop3A_330, %parallel_loop3A_330 : vector<16xi32>
        %parallel_loop3A_353 = arith.addi %parallel_loop3A_164, %parallel_loop3A_352 : vector<16xi32>
        tpu.vector_store_idx %arg10[%parallel_loop3A_353], %parallel_loop3A_350 : memref<32768xf32, #tpu.memory_space<vmem>>[vector<16xi32>], vector<16xf32>,
        %parallel_loop3A_354 = arith.constant 1 : i32
        %parallel_loop3A_355 = vector.broadcast %parallel_loop3A_354 : i32 to vector<16xi32>
        %parallel_loop3A_356 = arith.addi %parallel_loop3A_353, %parallel_loop3A_355 : vector<16xi32>
        tpu.vector_store_idx %arg10[%parallel_loop3A_356], %parallel_loop3A_351 : memref<32768xf32, #tpu.memory_space<vmem>>[vector<16xi32>], vector<16xf32>,
        %parallel_loop3A_357 = arith.constant 6 : i32
        %parallel_loop3A_358 = vector.broadcast %parallel_loop3A_357 : i32 to vector<16xi32>
        %parallel_loop3A_359 = arith.addi %iota3A, %parallel_loop3A_358 : vector<16xi32>
        %parallel_loop3A_360 = arith.constant 31 : i32
        %parallel_loop3A_361 = vector.broadcast %parallel_loop3A_360 : i32 to vector<16xi32>
        %parallel_loop3A_362 = arith.andi %parallel_loop3A_359, %parallel_loop3A_361 : vector<16xi32>
        %parallel_loop3A_363 = arith.addi %parallel_loop3A_160, %parallel_loop3A_362 : vector<16xi32>
        %parallel_loop3A_364 = arith.constant 32 : i32
        %parallel_loop3A_365 = vector.broadcast %parallel_loop3A_364 : i32 to vector<16xi32>
        %parallel_loop3A_366 = arith.addi %parallel_loop3A_363, %parallel_loop3A_365 : vector<16xi32>
        %parallel_loop3A_367 = tpu.vector_load_idx %arg5[%parallel_loop3A_363] : memref<16640xf32, #tpu.memory_space<vmem>>[vector<16xi32>], vector<16xf32>,
        %parallel_loop3A_368 = vector.bitcast %parallel_loop3A_367 : vector<16xf32> to vector<32xbf16>
        %parallel_loop3A_369 = tpu.vector_load_idx %arg5[%parallel_loop3A_366] : memref<16640xf32, #tpu.memory_space<vmem>>[vector<16xi32>], vector<16xf32>,
        %parallel_loop3A_370 = vector.bitcast %parallel_loop3A_369 : vector<16xf32> to vector<32xbf16>
        %parallel_loop3A_371 = tpu.vector_load_idx %arg6[%parallel_loop3A_363] : memref<16576xf32, #tpu.memory_space<vmem>>[vector<16xi32>], vector<16xf32>,
        %parallel_loop3A_372 = vector.bitcast %parallel_loop3A_371 : vector<16xf32> to vector<32xbf16>
        %parallel_loop3A_373 = tpu.vector_load_idx %arg6[%parallel_loop3A_366] : memref<16576xf32, #tpu.memory_space<vmem>>[vector<16xi32>], vector<16xf32>,
        %parallel_loop3A_374 = vector.bitcast %parallel_loop3A_373 : vector<16xf32> to vector<32xbf16>
        %parallel_loop3A_375 = arith.mulf %parallel_loop3A_154, %parallel_loop3A_368 : vector<32xbf16>
        %parallel_loop3A_376 = arith.mulf %parallel_loop3A_155, %parallel_loop3A_370 : vector<32xbf16>
        %parallel_loop3A_377 = arith.addf %parallel_loop3A_375, %parallel_loop3A_376 : vector<32xbf16>
        %parallel_loop3A_378 = arith.mulf %parallel_loop3A_156, %parallel_loop3A_372 : vector<32xbf16>
        %parallel_loop3A_379 = arith.addf %parallel_loop3A_377, %parallel_loop3A_378 : vector<32xbf16>
        %parallel_loop3A_380 = arith.mulf %parallel_loop3A_157, %parallel_loop3A_374 : vector<32xbf16>
        %parallel_loop3A_381 = arith.addf %parallel_loop3A_379, %parallel_loop3A_380 : vector<32xbf16>
        %parallel_loop3A_382 = tpu.unpack_subelements %parallel_loop3A_381, 0 {pack_format = #tpu.pack_format<interleaved>} : vector<32xbf16> -> vector<16xf32>
        %parallel_loop3A_383 = tpu.unpack_subelements %parallel_loop3A_381, 1 {pack_format = #tpu.pack_format<interleaved>} : vector<32xbf16> -> vector<16xf32>
        %parallel_loop3A_384 = arith.addi %parallel_loop3A_362, %parallel_loop3A_362 : vector<16xi32>
        %parallel_loop3A_385 = arith.addi %parallel_loop3A_164, %parallel_loop3A_384 : vector<16xi32>
        tpu.vector_store_idx %arg10[%parallel_loop3A_385], %parallel_loop3A_382 : memref<32768xf32, #tpu.memory_space<vmem>>[vector<16xi32>], vector<16xf32>,
        %parallel_loop3A_386 = arith.constant 1 : i32
        %parallel_loop3A_387 = vector.broadcast %parallel_loop3A_386 : i32 to vector<16xi32>
        %parallel_loop3A_388 = arith.addi %parallel_loop3A_385, %parallel_loop3A_387 : vector<16xi32>
        tpu.vector_store_idx %arg10[%parallel_loop3A_388], %parallel_loop3A_383 : memref<32768xf32, #tpu.memory_space<vmem>>[vector<16xi32>], vector<16xf32>,
        %parallel_loop3A_389 = arith.constant 7 : i32
        %parallel_loop3A_390 = vector.broadcast %parallel_loop3A_389 : i32 to vector<16xi32>
        %parallel_loop3A_391 = arith.addi %iota3A, %parallel_loop3A_390 : vector<16xi32>
        %parallel_loop3A_392 = arith.constant 31 : i32
        %parallel_loop3A_393 = vector.broadcast %parallel_loop3A_392 : i32 to vector<16xi32>
        %parallel_loop3A_394 = arith.andi %parallel_loop3A_391, %parallel_loop3A_393 : vector<16xi32>
        %parallel_loop3A_395 = arith.addi %parallel_loop3A_160, %parallel_loop3A_394 : vector<16xi32>
        %parallel_loop3A_396 = arith.constant 32 : i32
        %parallel_loop3A_397 = vector.broadcast %parallel_loop3A_396 : i32 to vector<16xi32>
        %parallel_loop3A_398 = arith.addi %parallel_loop3A_395, %parallel_loop3A_397 : vector<16xi32>
        %parallel_loop3A_399 = tpu.vector_load_idx %arg5[%parallel_loop3A_395] : memref<16640xf32, #tpu.memory_space<vmem>>[vector<16xi32>], vector<16xf32>,
        %parallel_loop3A_400 = vector.bitcast %parallel_loop3A_399 : vector<16xf32> to vector<32xbf16>
        %parallel_loop3A_401 = tpu.vector_load_idx %arg5[%parallel_loop3A_398] : memref<16640xf32, #tpu.memory_space<vmem>>[vector<16xi32>], vector<16xf32>,
        %parallel_loop3A_402 = vector.bitcast %parallel_loop3A_401 : vector<16xf32> to vector<32xbf16>
        %parallel_loop3A_403 = tpu.vector_load_idx %arg6[%parallel_loop3A_395] : memref<16576xf32, #tpu.memory_space<vmem>>[vector<16xi32>], vector<16xf32>,
        %parallel_loop3A_404 = vector.bitcast %parallel_loop3A_403 : vector<16xf32> to vector<32xbf16>
        %parallel_loop3A_405 = tpu.vector_load_idx %arg6[%parallel_loop3A_398] : memref<16576xf32, #tpu.memory_space<vmem>>[vector<16xi32>], vector<16xf32>,
        %parallel_loop3A_406 = vector.bitcast %parallel_loop3A_405 : vector<16xf32> to vector<32xbf16>
        %parallel_loop3A_407 = arith.mulf %parallel_loop3A_154, %parallel_loop3A_400 : vector<32xbf16>
        %parallel_loop3A_408 = arith.mulf %parallel_loop3A_155, %parallel_loop3A_402 : vector<32xbf16>
        %parallel_loop3A_409 = arith.addf %parallel_loop3A_407, %parallel_loop3A_408 : vector<32xbf16>
        %parallel_loop3A_410 = arith.mulf %parallel_loop3A_156, %parallel_loop3A_404 : vector<32xbf16>
        %parallel_loop3A_411 = arith.addf %parallel_loop3A_409, %parallel_loop3A_410 : vector<32xbf16>
        %parallel_loop3A_412 = arith.mulf %parallel_loop3A_157, %parallel_loop3A_406 : vector<32xbf16>
        %parallel_loop3A_413 = arith.addf %parallel_loop3A_411, %parallel_loop3A_412 : vector<32xbf16>
        %parallel_loop3A_414 = tpu.unpack_subelements %parallel_loop3A_413, 0 {pack_format = #tpu.pack_format<interleaved>} : vector<32xbf16> -> vector<16xf32>
        %parallel_loop3A_415 = tpu.unpack_subelements %parallel_loop3A_413, 1 {pack_format = #tpu.pack_format<interleaved>} : vector<32xbf16> -> vector<16xf32>
        %parallel_loop3A_416 = arith.addi %parallel_loop3A_394, %parallel_loop3A_394 : vector<16xi32>
        %parallel_loop3A_417 = arith.addi %parallel_loop3A_164, %parallel_loop3A_416 : vector<16xi32>
        tpu.vector_store_idx %arg10[%parallel_loop3A_417], %parallel_loop3A_414 : memref<32768xf32, #tpu.memory_space<vmem>>[vector<16xi32>], vector<16xf32>,
        %parallel_loop3A_418 = arith.constant 1 : i32
        %parallel_loop3A_419 = vector.broadcast %parallel_loop3A_418 : i32 to vector<16xi32>
        %parallel_loop3A_420 = arith.addi %parallel_loop3A_417, %parallel_loop3A_419 : vector<16xi32>
        tpu.vector_store_idx %arg10[%parallel_loop3A_420], %parallel_loop3A_415 : memref<32768xf32, #tpu.memory_space<vmem>>[vector<16xi32>], vector<16xf32>,
        %parallel_loop3A_421 = arith.constant 8 : i32
        %parallel_loop3A_422 = vector.broadcast %parallel_loop3A_421 : i32 to vector<16xi32>
        %parallel_loop3A_423 = arith.addi %iota3A, %parallel_loop3A_422 : vector<16xi32>
        %parallel_loop3A_424 = arith.constant 31 : i32
        %parallel_loop3A_425 = vector.broadcast %parallel_loop3A_424 : i32 to vector<16xi32>
        %parallel_loop3A_426 = arith.andi %parallel_loop3A_423, %parallel_loop3A_425 : vector<16xi32>
        %parallel_loop3A_427 = arith.addi %parallel_loop3A_160, %parallel_loop3A_426 : vector<16xi32>
        %parallel_loop3A_428 = arith.constant 32 : i32
        %parallel_loop3A_429 = vector.broadcast %parallel_loop3A_428 : i32 to vector<16xi32>
        %parallel_loop3A_430 = arith.addi %parallel_loop3A_427, %parallel_loop3A_429 : vector<16xi32>
        %parallel_loop3A_431 = tpu.vector_load_idx %arg5[%parallel_loop3A_427] : memref<16640xf32, #tpu.memory_space<vmem>>[vector<16xi32>], vector<16xf32>,
        %parallel_loop3A_432 = vector.bitcast %parallel_loop3A_431 : vector<16xf32> to vector<32xbf16>
        %parallel_loop3A_433 = tpu.vector_load_idx %arg5[%parallel_loop3A_430] : memref<16640xf32, #tpu.memory_space<vmem>>[vector<16xi32>], vector<16xf32>,
        %parallel_loop3A_434 = vector.bitcast %parallel_loop3A_433 : vector<16xf32> to vector<32xbf16>
        %parallel_loop3A_435 = tpu.vector_load_idx %arg6[%parallel_loop3A_427] : memref<16576xf32, #tpu.memory_space<vmem>>[vector<16xi32>], vector<16xf32>,
        %parallel_loop3A_436 = vector.bitcast %parallel_loop3A_435 : vector<16xf32> to vector<32xbf16>
        %parallel_loop3A_437 = tpu.vector_load_idx %arg6[%parallel_loop3A_430] : memref<16576xf32, #tpu.memory_space<vmem>>[vector<16xi32>], vector<16xf32>,
        %parallel_loop3A_438 = vector.bitcast %parallel_loop3A_437 : vector<16xf32> to vector<32xbf16>
        %parallel_loop3A_439 = arith.mulf %parallel_loop3A_154, %parallel_loop3A_432 : vector<32xbf16>
        %parallel_loop3A_440 = arith.mulf %parallel_loop3A_155, %parallel_loop3A_434 : vector<32xbf16>
        %parallel_loop3A_441 = arith.addf %parallel_loop3A_439, %parallel_loop3A_440 : vector<32xbf16>
        %parallel_loop3A_442 = arith.mulf %parallel_loop3A_156, %parallel_loop3A_436 : vector<32xbf16>
        %parallel_loop3A_443 = arith.addf %parallel_loop3A_441, %parallel_loop3A_442 : vector<32xbf16>
        %parallel_loop3A_444 = arith.mulf %parallel_loop3A_157, %parallel_loop3A_438 : vector<32xbf16>
        %parallel_loop3A_445 = arith.addf %parallel_loop3A_443, %parallel_loop3A_444 : vector<32xbf16>
        %parallel_loop3A_446 = tpu.unpack_subelements %parallel_loop3A_445, 0 {pack_format = #tpu.pack_format<interleaved>} : vector<32xbf16> -> vector<16xf32>
        %parallel_loop3A_447 = tpu.unpack_subelements %parallel_loop3A_445, 1 {pack_format = #tpu.pack_format<interleaved>} : vector<32xbf16> -> vector<16xf32>
        %parallel_loop3A_448 = arith.addi %parallel_loop3A_426, %parallel_loop3A_426 : vector<16xi32>
        %parallel_loop3A_449 = arith.addi %parallel_loop3A_164, %parallel_loop3A_448 : vector<16xi32>
        tpu.vector_store_idx %arg10[%parallel_loop3A_449], %parallel_loop3A_446 : memref<32768xf32, #tpu.memory_space<vmem>>[vector<16xi32>], vector<16xf32>,
        %parallel_loop3A_450 = arith.constant 1 : i32
        %parallel_loop3A_451 = vector.broadcast %parallel_loop3A_450 : i32 to vector<16xi32>
        %parallel_loop3A_452 = arith.addi %parallel_loop3A_449, %parallel_loop3A_451 : vector<16xi32>
        tpu.vector_store_idx %arg10[%parallel_loop3A_452], %parallel_loop3A_447 : memref<32768xf32, #tpu.memory_space<vmem>>[vector<16xi32>], vector<16xf32>,
        %parallel_loop3A_453 = arith.constant 9 : i32
        %parallel_loop3A_454 = vector.broadcast %parallel_loop3A_453 : i32 to vector<16xi32>
        %parallel_loop3A_455 = arith.addi %iota3A, %parallel_loop3A_454 : vector<16xi32>
        %parallel_loop3A_456 = arith.constant 31 : i32
        %parallel_loop3A_457 = vector.broadcast %parallel_loop3A_456 : i32 to vector<16xi32>
        %parallel_loop3A_458 = arith.andi %parallel_loop3A_455, %parallel_loop3A_457 : vector<16xi32>
        %parallel_loop3A_459 = arith.addi %parallel_loop3A_160, %parallel_loop3A_458 : vector<16xi32>
        %parallel_loop3A_460 = arith.constant 32 : i32
        %parallel_loop3A_461 = vector.broadcast %parallel_loop3A_460 : i32 to vector<16xi32>
        %parallel_loop3A_462 = arith.addi %parallel_loop3A_459, %parallel_loop3A_461 : vector<16xi32>
        %parallel_loop3A_463 = tpu.vector_load_idx %arg5[%parallel_loop3A_459] : memref<16640xf32, #tpu.memory_space<vmem>>[vector<16xi32>], vector<16xf32>,
        %parallel_loop3A_464 = vector.bitcast %parallel_loop3A_463 : vector<16xf32> to vector<32xbf16>
        %parallel_loop3A_465 = tpu.vector_load_idx %arg5[%parallel_loop3A_462] : memref<16640xf32, #tpu.memory_space<vmem>>[vector<16xi32>], vector<16xf32>,
        %parallel_loop3A_466 = vector.bitcast %parallel_loop3A_465 : vector<16xf32> to vector<32xbf16>
        %parallel_loop3A_467 = tpu.vector_load_idx %arg6[%parallel_loop3A_459] : memref<16576xf32, #tpu.memory_space<vmem>>[vector<16xi32>], vector<16xf32>,
        %parallel_loop3A_468 = vector.bitcast %parallel_loop3A_467 : vector<16xf32> to vector<32xbf16>
        %parallel_loop3A_469 = tpu.vector_load_idx %arg6[%parallel_loop3A_462] : memref<16576xf32, #tpu.memory_space<vmem>>[vector<16xi32>], vector<16xf32>,
        %parallel_loop3A_470 = vector.bitcast %parallel_loop3A_469 : vector<16xf32> to vector<32xbf16>
        %parallel_loop3A_471 = arith.mulf %parallel_loop3A_154, %parallel_loop3A_464 : vector<32xbf16>
        %parallel_loop3A_472 = arith.mulf %parallel_loop3A_155, %parallel_loop3A_466 : vector<32xbf16>
        %parallel_loop3A_473 = arith.addf %parallel_loop3A_471, %parallel_loop3A_472 : vector<32xbf16>
        %parallel_loop3A_474 = arith.mulf %parallel_loop3A_156, %parallel_loop3A_468 : vector<32xbf16>
        %parallel_loop3A_475 = arith.addf %parallel_loop3A_473, %parallel_loop3A_474 : vector<32xbf16>
        %parallel_loop3A_476 = arith.mulf %parallel_loop3A_157, %parallel_loop3A_470 : vector<32xbf16>
        %parallel_loop3A_477 = arith.addf %parallel_loop3A_475, %parallel_loop3A_476 : vector<32xbf16>
        %parallel_loop3A_478 = tpu.unpack_subelements %parallel_loop3A_477, 0 {pack_format = #tpu.pack_format<interleaved>} : vector<32xbf16> -> vector<16xf32>
        %parallel_loop3A_479 = tpu.unpack_subelements %parallel_loop3A_477, 1 {pack_format = #tpu.pack_format<interleaved>} : vector<32xbf16> -> vector<16xf32>
        %parallel_loop3A_480 = arith.addi %parallel_loop3A_458, %parallel_loop3A_458 : vector<16xi32>
        %parallel_loop3A_481 = arith.addi %parallel_loop3A_164, %parallel_loop3A_480 : vector<16xi32>
        tpu.vector_store_idx %arg10[%parallel_loop3A_481], %parallel_loop3A_478 : memref<32768xf32, #tpu.memory_space<vmem>>[vector<16xi32>], vector<16xf32>,
        %parallel_loop3A_482 = arith.constant 1 : i32
        %parallel_loop3A_483 = vector.broadcast %parallel_loop3A_482 : i32 to vector<16xi32>
        %parallel_loop3A_484 = arith.addi %parallel_loop3A_481, %parallel_loop3A_483 : vector<16xi32>
        tpu.vector_store_idx %arg10[%parallel_loop3A_484], %parallel_loop3A_479 : memref<32768xf32, #tpu.memory_space<vmem>>[vector<16xi32>], vector<16xf32>,
        %parallel_loop3A_485 = arith.constant 10 : i32
        %parallel_loop3A_486 = vector.broadcast %parallel_loop3A_485 : i32 to vector<16xi32>
        %parallel_loop3A_487 = arith.addi %iota3A, %parallel_loop3A_486 : vector<16xi32>
        %parallel_loop3A_488 = arith.constant 31 : i32
        %parallel_loop3A_489 = vector.broadcast %parallel_loop3A_488 : i32 to vector<16xi32>
        %parallel_loop3A_490 = arith.andi %parallel_loop3A_487, %parallel_loop3A_489 : vector<16xi32>
        %parallel_loop3A_491 = arith.addi %parallel_loop3A_160, %parallel_loop3A_490 : vector<16xi32>
        %parallel_loop3A_492 = arith.constant 32 : i32
        %parallel_loop3A_493 = vector.broadcast %parallel_loop3A_492 : i32 to vector<16xi32>
        %parallel_loop3A_494 = arith.addi %parallel_loop3A_491, %parallel_loop3A_493 : vector<16xi32>
        %parallel_loop3A_495 = tpu.vector_load_idx %arg5[%parallel_loop3A_491] : memref<16640xf32, #tpu.memory_space<vmem>>[vector<16xi32>], vector<16xf32>,
        %parallel_loop3A_496 = vector.bitcast %parallel_loop3A_495 : vector<16xf32> to vector<32xbf16>
        %parallel_loop3A_497 = tpu.vector_load_idx %arg5[%parallel_loop3A_494] : memref<16640xf32, #tpu.memory_space<vmem>>[vector<16xi32>], vector<16xf32>,
        %parallel_loop3A_498 = vector.bitcast %parallel_loop3A_497 : vector<16xf32> to vector<32xbf16>
        %parallel_loop3A_499 = tpu.vector_load_idx %arg6[%parallel_loop3A_491] : memref<16576xf32, #tpu.memory_space<vmem>>[vector<16xi32>], vector<16xf32>,
        %parallel_loop3A_500 = vector.bitcast %parallel_loop3A_499 : vector<16xf32> to vector<32xbf16>
        %parallel_loop3A_501 = tpu.vector_load_idx %arg6[%parallel_loop3A_494] : memref<16576xf32, #tpu.memory_space<vmem>>[vector<16xi32>], vector<16xf32>,
        %parallel_loop3A_502 = vector.bitcast %parallel_loop3A_501 : vector<16xf32> to vector<32xbf16>
        %parallel_loop3A_503 = arith.mulf %parallel_loop3A_154, %parallel_loop3A_496 : vector<32xbf16>
        %parallel_loop3A_504 = arith.mulf %parallel_loop3A_155, %parallel_loop3A_498 : vector<32xbf16>
        %parallel_loop3A_505 = arith.addf %parallel_loop3A_503, %parallel_loop3A_504 : vector<32xbf16>
        %parallel_loop3A_506 = arith.mulf %parallel_loop3A_156, %parallel_loop3A_500 : vector<32xbf16>
        %parallel_loop3A_507 = arith.addf %parallel_loop3A_505, %parallel_loop3A_506 : vector<32xbf16>
        %parallel_loop3A_508 = arith.mulf %parallel_loop3A_157, %parallel_loop3A_502 : vector<32xbf16>
        %parallel_loop3A_509 = arith.addf %parallel_loop3A_507, %parallel_loop3A_508 : vector<32xbf16>
        %parallel_loop3A_510 = tpu.unpack_subelements %parallel_loop3A_509, 0 {pack_format = #tpu.pack_format<interleaved>} : vector<32xbf16> -> vector<16xf32>
        %parallel_loop3A_511 = tpu.unpack_subelements %parallel_loop3A_509, 1 {pack_format = #tpu.pack_format<interleaved>} : vector<32xbf16> -> vector<16xf32>
        %parallel_loop3A_512 = arith.addi %parallel_loop3A_490, %parallel_loop3A_490 : vector<16xi32>
        %parallel_loop3A_513 = arith.addi %parallel_loop3A_164, %parallel_loop3A_512 : vector<16xi32>
        tpu.vector_store_idx %arg10[%parallel_loop3A_513], %parallel_loop3A_510 : memref<32768xf32, #tpu.memory_space<vmem>>[vector<16xi32>], vector<16xf32>,
        %parallel_loop3A_514 = arith.constant 1 : i32
        %parallel_loop3A_515 = vector.broadcast %parallel_loop3A_514 : i32 to vector<16xi32>
        %parallel_loop3A_516 = arith.addi %parallel_loop3A_513, %parallel_loop3A_515 : vector<16xi32>
        tpu.vector_store_idx %arg10[%parallel_loop3A_516], %parallel_loop3A_511 : memref<32768xf32, #tpu.memory_space<vmem>>[vector<16xi32>], vector<16xf32>,
        %parallel_loop3A_517 = arith.constant 11 : i32
        %parallel_loop3A_518 = vector.broadcast %parallel_loop3A_517 : i32 to vector<16xi32>
        %parallel_loop3A_519 = arith.addi %iota3A, %parallel_loop3A_518 : vector<16xi32>
        %parallel_loop3A_520 = arith.constant 31 : i32
        %parallel_loop3A_521 = vector.broadcast %parallel_loop3A_520 : i32 to vector<16xi32>
        %parallel_loop3A_522 = arith.andi %parallel_loop3A_519, %parallel_loop3A_521 : vector<16xi32>
        %parallel_loop3A_523 = arith.addi %parallel_loop3A_160, %parallel_loop3A_522 : vector<16xi32>
        %parallel_loop3A_524 = arith.constant 32 : i32
        %parallel_loop3A_525 = vector.broadcast %parallel_loop3A_524 : i32 to vector<16xi32>
        %parallel_loop3A_526 = arith.addi %parallel_loop3A_523, %parallel_loop3A_525 : vector<16xi32>
        %parallel_loop3A_527 = tpu.vector_load_idx %arg5[%parallel_loop3A_523] : memref<16640xf32, #tpu.memory_space<vmem>>[vector<16xi32>], vector<16xf32>,
        %parallel_loop3A_528 = vector.bitcast %parallel_loop3A_527 : vector<16xf32> to vector<32xbf16>
        %parallel_loop3A_529 = tpu.vector_load_idx %arg5[%parallel_loop3A_526] : memref<16640xf32, #tpu.memory_space<vmem>>[vector<16xi32>], vector<16xf32>,
        %parallel_loop3A_530 = vector.bitcast %parallel_loop3A_529 : vector<16xf32> to vector<32xbf16>
        %parallel_loop3A_531 = tpu.vector_load_idx %arg6[%parallel_loop3A_523] : memref<16576xf32, #tpu.memory_space<vmem>>[vector<16xi32>], vector<16xf32>,
        %parallel_loop3A_532 = vector.bitcast %parallel_loop3A_531 : vector<16xf32> to vector<32xbf16>
        %parallel_loop3A_533 = tpu.vector_load_idx %arg6[%parallel_loop3A_526] : memref<16576xf32, #tpu.memory_space<vmem>>[vector<16xi32>], vector<16xf32>,
        %parallel_loop3A_534 = vector.bitcast %parallel_loop3A_533 : vector<16xf32> to vector<32xbf16>
        %parallel_loop3A_535 = arith.mulf %parallel_loop3A_154, %parallel_loop3A_528 : vector<32xbf16>
        %parallel_loop3A_536 = arith.mulf %parallel_loop3A_155, %parallel_loop3A_530 : vector<32xbf16>
        %parallel_loop3A_537 = arith.addf %parallel_loop3A_535, %parallel_loop3A_536 : vector<32xbf16>
        %parallel_loop3A_538 = arith.mulf %parallel_loop3A_156, %parallel_loop3A_532 : vector<32xbf16>
        %parallel_loop3A_539 = arith.addf %parallel_loop3A_537, %parallel_loop3A_538 : vector<32xbf16>
        %parallel_loop3A_540 = arith.mulf %parallel_loop3A_157, %parallel_loop3A_534 : vector<32xbf16>
        %parallel_loop3A_541 = arith.addf %parallel_loop3A_539, %parallel_loop3A_540 : vector<32xbf16>
        %parallel_loop3A_542 = tpu.unpack_subelements %parallel_loop3A_541, 0 {pack_format = #tpu.pack_format<interleaved>} : vector<32xbf16> -> vector<16xf32>
        %parallel_loop3A_543 = tpu.unpack_subelements %parallel_loop3A_541, 1 {pack_format = #tpu.pack_format<interleaved>} : vector<32xbf16> -> vector<16xf32>
        %parallel_loop3A_544 = arith.addi %parallel_loop3A_522, %parallel_loop3A_522 : vector<16xi32>
        %parallel_loop3A_545 = arith.addi %parallel_loop3A_164, %parallel_loop3A_544 : vector<16xi32>
        tpu.vector_store_idx %arg10[%parallel_loop3A_545], %parallel_loop3A_542 : memref<32768xf32, #tpu.memory_space<vmem>>[vector<16xi32>], vector<16xf32>,
        %parallel_loop3A_546 = arith.constant 1 : i32
        %parallel_loop3A_547 = vector.broadcast %parallel_loop3A_546 : i32 to vector<16xi32>
        %parallel_loop3A_548 = arith.addi %parallel_loop3A_545, %parallel_loop3A_547 : vector<16xi32>
        tpu.vector_store_idx %arg10[%parallel_loop3A_548], %parallel_loop3A_543 : memref<32768xf32, #tpu.memory_space<vmem>>[vector<16xi32>], vector<16xf32>,
        %parallel_loop3A_549 = arith.constant 12 : i32
        %parallel_loop3A_550 = vector.broadcast %parallel_loop3A_549 : i32 to vector<16xi32>
        %parallel_loop3A_551 = arith.addi %iota3A, %parallel_loop3A_550 : vector<16xi32>
        %parallel_loop3A_552 = arith.constant 31 : i32
        %parallel_loop3A_553 = vector.broadcast %parallel_loop3A_552 : i32 to vector<16xi32>
        %parallel_loop3A_554 = arith.andi %parallel_loop3A_551, %parallel_loop3A_553 : vector<16xi32>
        %parallel_loop3A_555 = arith.addi %parallel_loop3A_160, %parallel_loop3A_554 : vector<16xi32>
        %parallel_loop3A_556 = arith.constant 32 : i32
        %parallel_loop3A_557 = vector.broadcast %parallel_loop3A_556 : i32 to vector<16xi32>
        %parallel_loop3A_558 = arith.addi %parallel_loop3A_555, %parallel_loop3A_557 : vector<16xi32>
        %parallel_loop3A_559 = tpu.vector_load_idx %arg5[%parallel_loop3A_555] : memref<16640xf32, #tpu.memory_space<vmem>>[vector<16xi32>], vector<16xf32>,
        %parallel_loop3A_560 = vector.bitcast %parallel_loop3A_559 : vector<16xf32> to vector<32xbf16>
        %parallel_loop3A_561 = tpu.vector_load_idx %arg5[%parallel_loop3A_558] : memref<16640xf32, #tpu.memory_space<vmem>>[vector<16xi32>], vector<16xf32>,
        %parallel_loop3A_562 = vector.bitcast %parallel_loop3A_561 : vector<16xf32> to vector<32xbf16>
        %parallel_loop3A_563 = tpu.vector_load_idx %arg6[%parallel_loop3A_555] : memref<16576xf32, #tpu.memory_space<vmem>>[vector<16xi32>], vector<16xf32>,
        %parallel_loop3A_564 = vector.bitcast %parallel_loop3A_563 : vector<16xf32> to vector<32xbf16>
        %parallel_loop3A_565 = tpu.vector_load_idx %arg6[%parallel_loop3A_558] : memref<16576xf32, #tpu.memory_space<vmem>>[vector<16xi32>], vector<16xf32>,
        %parallel_loop3A_566 = vector.bitcast %parallel_loop3A_565 : vector<16xf32> to vector<32xbf16>
        %parallel_loop3A_567 = arith.mulf %parallel_loop3A_154, %parallel_loop3A_560 : vector<32xbf16>
        %parallel_loop3A_568 = arith.mulf %parallel_loop3A_155, %parallel_loop3A_562 : vector<32xbf16>
        %parallel_loop3A_569 = arith.addf %parallel_loop3A_567, %parallel_loop3A_568 : vector<32xbf16>
        %parallel_loop3A_570 = arith.mulf %parallel_loop3A_156, %parallel_loop3A_564 : vector<32xbf16>
        %parallel_loop3A_571 = arith.addf %parallel_loop3A_569, %parallel_loop3A_570 : vector<32xbf16>
        %parallel_loop3A_572 = arith.mulf %parallel_loop3A_157, %parallel_loop3A_566 : vector<32xbf16>
        %parallel_loop3A_573 = arith.addf %parallel_loop3A_571, %parallel_loop3A_572 : vector<32xbf16>
        %parallel_loop3A_574 = tpu.unpack_subelements %parallel_loop3A_573, 0 {pack_format = #tpu.pack_format<interleaved>} : vector<32xbf16> -> vector<16xf32>
        %parallel_loop3A_575 = tpu.unpack_subelements %parallel_loop3A_573, 1 {pack_format = #tpu.pack_format<interleaved>} : vector<32xbf16> -> vector<16xf32>
        %parallel_loop3A_576 = arith.addi %parallel_loop3A_554, %parallel_loop3A_554 : vector<16xi32>
        %parallel_loop3A_577 = arith.addi %parallel_loop3A_164, %parallel_loop3A_576 : vector<16xi32>
        tpu.vector_store_idx %arg10[%parallel_loop3A_577], %parallel_loop3A_574 : memref<32768xf32, #tpu.memory_space<vmem>>[vector<16xi32>], vector<16xf32>,
        %parallel_loop3A_578 = arith.constant 1 : i32
        %parallel_loop3A_579 = vector.broadcast %parallel_loop3A_578 : i32 to vector<16xi32>
        %parallel_loop3A_580 = arith.addi %parallel_loop3A_577, %parallel_loop3A_579 : vector<16xi32>
        tpu.vector_store_idx %arg10[%parallel_loop3A_580], %parallel_loop3A_575 : memref<32768xf32, #tpu.memory_space<vmem>>[vector<16xi32>], vector<16xf32>,
        %parallel_loop3A_581 = arith.constant 13 : i32
        %parallel_loop3A_582 = vector.broadcast %parallel_loop3A_581 : i32 to vector<16xi32>
        %parallel_loop3A_583 = arith.addi %iota3A, %parallel_loop3A_582 : vector<16xi32>
        %parallel_loop3A_584 = arith.constant 31 : i32
        %parallel_loop3A_585 = vector.broadcast %parallel_loop3A_584 : i32 to vector<16xi32>
        %parallel_loop3A_586 = arith.andi %parallel_loop3A_583, %parallel_loop3A_585 : vector<16xi32>
        %parallel_loop3A_587 = arith.addi %parallel_loop3A_160, %parallel_loop3A_586 : vector<16xi32>
        %parallel_loop3A_588 = arith.constant 32 : i32
        %parallel_loop3A_589 = vector.broadcast %parallel_loop3A_588 : i32 to vector<16xi32>
        %parallel_loop3A_590 = arith.addi %parallel_loop3A_587, %parallel_loop3A_589 : vector<16xi32>
        %parallel_loop3A_591 = tpu.vector_load_idx %arg5[%parallel_loop3A_587] : memref<16640xf32, #tpu.memory_space<vmem>>[vector<16xi32>], vector<16xf32>,
        %parallel_loop3A_592 = vector.bitcast %parallel_loop3A_591 : vector<16xf32> to vector<32xbf16>
        %parallel_loop3A_593 = tpu.vector_load_idx %arg5[%parallel_loop3A_590] : memref<16640xf32, #tpu.memory_space<vmem>>[vector<16xi32>], vector<16xf32>,
        %parallel_loop3A_594 = vector.bitcast %parallel_loop3A_593 : vector<16xf32> to vector<32xbf16>
        %parallel_loop3A_595 = tpu.vector_load_idx %arg6[%parallel_loop3A_587] : memref<16576xf32, #tpu.memory_space<vmem>>[vector<16xi32>], vector<16xf32>,
        %parallel_loop3A_596 = vector.bitcast %parallel_loop3A_595 : vector<16xf32> to vector<32xbf16>
        %parallel_loop3A_597 = tpu.vector_load_idx %arg6[%parallel_loop3A_590] : memref<16576xf32, #tpu.memory_space<vmem>>[vector<16xi32>], vector<16xf32>,
        %parallel_loop3A_598 = vector.bitcast %parallel_loop3A_597 : vector<16xf32> to vector<32xbf16>
        %parallel_loop3A_599 = arith.mulf %parallel_loop3A_154, %parallel_loop3A_592 : vector<32xbf16>
        %parallel_loop3A_600 = arith.mulf %parallel_loop3A_155, %parallel_loop3A_594 : vector<32xbf16>
        %parallel_loop3A_601 = arith.addf %parallel_loop3A_599, %parallel_loop3A_600 : vector<32xbf16>
        %parallel_loop3A_602 = arith.mulf %parallel_loop3A_156, %parallel_loop3A_596 : vector<32xbf16>
        %parallel_loop3A_603 = arith.addf %parallel_loop3A_601, %parallel_loop3A_602 : vector<32xbf16>
        %parallel_loop3A_604 = arith.mulf %parallel_loop3A_157, %parallel_loop3A_598 : vector<32xbf16>
        %parallel_loop3A_605 = arith.addf %parallel_loop3A_603, %parallel_loop3A_604 : vector<32xbf16>
        %parallel_loop3A_606 = tpu.unpack_subelements %parallel_loop3A_605, 0 {pack_format = #tpu.pack_format<interleaved>} : vector<32xbf16> -> vector<16xf32>
        %parallel_loop3A_607 = tpu.unpack_subelements %parallel_loop3A_605, 1 {pack_format = #tpu.pack_format<interleaved>} : vector<32xbf16> -> vector<16xf32>
        %parallel_loop3A_608 = arith.addi %parallel_loop3A_586, %parallel_loop3A_586 : vector<16xi32>
        %parallel_loop3A_609 = arith.addi %parallel_loop3A_164, %parallel_loop3A_608 : vector<16xi32>
        tpu.vector_store_idx %arg10[%parallel_loop3A_609], %parallel_loop3A_606 : memref<32768xf32, #tpu.memory_space<vmem>>[vector<16xi32>], vector<16xf32>,
        %parallel_loop3A_610 = arith.constant 1 : i32
        %parallel_loop3A_611 = vector.broadcast %parallel_loop3A_610 : i32 to vector<16xi32>
        %parallel_loop3A_612 = arith.addi %parallel_loop3A_609, %parallel_loop3A_611 : vector<16xi32>
        tpu.vector_store_idx %arg10[%parallel_loop3A_612], %parallel_loop3A_607 : memref<32768xf32, #tpu.memory_space<vmem>>[vector<16xi32>], vector<16xf32>,
        %parallel_loop3A_613 = arith.constant 14 : i32
        %parallel_loop3A_614 = vector.broadcast %parallel_loop3A_613 : i32 to vector<16xi32>
        %parallel_loop3A_615 = arith.addi %iota3A, %parallel_loop3A_614 : vector<16xi32>
        %parallel_loop3A_616 = arith.constant 31 : i32
        %parallel_loop3A_617 = vector.broadcast %parallel_loop3A_616 : i32 to vector<16xi32>
        %parallel_loop3A_618 = arith.andi %parallel_loop3A_615, %parallel_loop3A_617 : vector<16xi32>
        %parallel_loop3A_619 = arith.addi %parallel_loop3A_160, %parallel_loop3A_618 : vector<16xi32>
        %parallel_loop3A_620 = arith.constant 32 : i32
        %parallel_loop3A_621 = vector.broadcast %parallel_loop3A_620 : i32 to vector<16xi32>
        %parallel_loop3A_622 = arith.addi %parallel_loop3A_619, %parallel_loop3A_621 : vector<16xi32>
        %parallel_loop3A_623 = tpu.vector_load_idx %arg5[%parallel_loop3A_619] : memref<16640xf32, #tpu.memory_space<vmem>>[vector<16xi32>], vector<16xf32>,
        %parallel_loop3A_624 = vector.bitcast %parallel_loop3A_623 : vector<16xf32> to vector<32xbf16>
        %parallel_loop3A_625 = tpu.vector_load_idx %arg5[%parallel_loop3A_622] : memref<16640xf32, #tpu.memory_space<vmem>>[vector<16xi32>], vector<16xf32>,
        %parallel_loop3A_626 = vector.bitcast %parallel_loop3A_625 : vector<16xf32> to vector<32xbf16>
        %parallel_loop3A_627 = tpu.vector_load_idx %arg6[%parallel_loop3A_619] : memref<16576xf32, #tpu.memory_space<vmem>>[vector<16xi32>], vector<16xf32>,
        %parallel_loop3A_628 = vector.bitcast %parallel_loop3A_627 : vector<16xf32> to vector<32xbf16>
        %parallel_loop3A_629 = tpu.vector_load_idx %arg6[%parallel_loop3A_622] : memref<16576xf32, #tpu.memory_space<vmem>>[vector<16xi32>], vector<16xf32>,
        %parallel_loop3A_630 = vector.bitcast %parallel_loop3A_629 : vector<16xf32> to vector<32xbf16>
        %parallel_loop3A_631 = arith.mulf %parallel_loop3A_154, %parallel_loop3A_624 : vector<32xbf16>
        %parallel_loop3A_632 = arith.mulf %parallel_loop3A_155, %parallel_loop3A_626 : vector<32xbf16>
        %parallel_loop3A_633 = arith.addf %parallel_loop3A_631, %parallel_loop3A_632 : vector<32xbf16>
        %parallel_loop3A_634 = arith.mulf %parallel_loop3A_156, %parallel_loop3A_628 : vector<32xbf16>
        %parallel_loop3A_635 = arith.addf %parallel_loop3A_633, %parallel_loop3A_634 : vector<32xbf16>
        %parallel_loop3A_636 = arith.mulf %parallel_loop3A_157, %parallel_loop3A_630 : vector<32xbf16>
        %parallel_loop3A_637 = arith.addf %parallel_loop3A_635, %parallel_loop3A_636 : vector<32xbf16>
        %parallel_loop3A_638 = tpu.unpack_subelements %parallel_loop3A_637, 0 {pack_format = #tpu.pack_format<interleaved>} : vector<32xbf16> -> vector<16xf32>
        %parallel_loop3A_639 = tpu.unpack_subelements %parallel_loop3A_637, 1 {pack_format = #tpu.pack_format<interleaved>} : vector<32xbf16> -> vector<16xf32>
        %parallel_loop3A_640 = arith.addi %parallel_loop3A_618, %parallel_loop3A_618 : vector<16xi32>
        %parallel_loop3A_641 = arith.addi %parallel_loop3A_164, %parallel_loop3A_640 : vector<16xi32>
        tpu.vector_store_idx %arg10[%parallel_loop3A_641], %parallel_loop3A_638 : memref<32768xf32, #tpu.memory_space<vmem>>[vector<16xi32>], vector<16xf32>,
        %parallel_loop3A_642 = arith.constant 1 : i32
        %parallel_loop3A_643 = vector.broadcast %parallel_loop3A_642 : i32 to vector<16xi32>
        %parallel_loop3A_644 = arith.addi %parallel_loop3A_641, %parallel_loop3A_643 : vector<16xi32>
        tpu.vector_store_idx %arg10[%parallel_loop3A_644], %parallel_loop3A_639 : memref<32768xf32, #tpu.memory_space<vmem>>[vector<16xi32>], vector<16xf32>,
        %parallel_loop3A_645 = arith.constant 15 : i32
        %parallel_loop3A_646 = vector.broadcast %parallel_loop3A_645 : i32 to vector<16xi32>
        %parallel_loop3A_647 = arith.addi %iota3A, %parallel_loop3A_646 : vector<16xi32>
        %parallel_loop3A_648 = arith.constant 31 : i32
        %parallel_loop3A_649 = vector.broadcast %parallel_loop3A_648 : i32 to vector<16xi32>
        %parallel_loop3A_650 = arith.andi %parallel_loop3A_647, %parallel_loop3A_649 : vector<16xi32>
        %parallel_loop3A_651 = arith.addi %parallel_loop3A_160, %parallel_loop3A_650 : vector<16xi32>
        %parallel_loop3A_652 = arith.constant 32 : i32
        %parallel_loop3A_653 = vector.broadcast %parallel_loop3A_652 : i32 to vector<16xi32>
        %parallel_loop3A_654 = arith.addi %parallel_loop3A_651, %parallel_loop3A_653 : vector<16xi32>
        %parallel_loop3A_655 = tpu.vector_load_idx %arg5[%parallel_loop3A_651] : memref<16640xf32, #tpu.memory_space<vmem>>[vector<16xi32>], vector<16xf32>,
        %parallel_loop3A_656 = vector.bitcast %parallel_loop3A_655 : vector<16xf32> to vector<32xbf16>
        %parallel_loop3A_657 = tpu.vector_load_idx %arg5[%parallel_loop3A_654] : memref<16640xf32, #tpu.memory_space<vmem>>[vector<16xi32>], vector<16xf32>,
        %parallel_loop3A_658 = vector.bitcast %parallel_loop3A_657 : vector<16xf32> to vector<32xbf16>
        %parallel_loop3A_659 = tpu.vector_load_idx %arg6[%parallel_loop3A_651] : memref<16576xf32, #tpu.memory_space<vmem>>[vector<16xi32>], vector<16xf32>,
        %parallel_loop3A_660 = vector.bitcast %parallel_loop3A_659 : vector<16xf32> to vector<32xbf16>
        %parallel_loop3A_661 = tpu.vector_load_idx %arg6[%parallel_loop3A_654] : memref<16576xf32, #tpu.memory_space<vmem>>[vector<16xi32>], vector<16xf32>,
        %parallel_loop3A_662 = vector.bitcast %parallel_loop3A_661 : vector<16xf32> to vector<32xbf16>
        %parallel_loop3A_663 = arith.mulf %parallel_loop3A_154, %parallel_loop3A_656 : vector<32xbf16>
        %parallel_loop3A_664 = arith.mulf %parallel_loop3A_155, %parallel_loop3A_658 : vector<32xbf16>
        %parallel_loop3A_665 = arith.addf %parallel_loop3A_663, %parallel_loop3A_664 : vector<32xbf16>
        %parallel_loop3A_666 = arith.mulf %parallel_loop3A_156, %parallel_loop3A_660 : vector<32xbf16>
        %parallel_loop3A_667 = arith.addf %parallel_loop3A_665, %parallel_loop3A_666 : vector<32xbf16>
        %parallel_loop3A_668 = arith.mulf %parallel_loop3A_157, %parallel_loop3A_662 : vector<32xbf16>
        %parallel_loop3A_669 = arith.addf %parallel_loop3A_667, %parallel_loop3A_668 : vector<32xbf16>
        %parallel_loop3A_670 = tpu.unpack_subelements %parallel_loop3A_669, 0 {pack_format = #tpu.pack_format<interleaved>} : vector<32xbf16> -> vector<16xf32>
        %parallel_loop3A_671 = tpu.unpack_subelements %parallel_loop3A_669, 1 {pack_format = #tpu.pack_format<interleaved>} : vector<32xbf16> -> vector<16xf32>
        %parallel_loop3A_672 = arith.addi %parallel_loop3A_650, %parallel_loop3A_650 : vector<16xi32>
        %parallel_loop3A_673 = arith.addi %parallel_loop3A_164, %parallel_loop3A_672 : vector<16xi32>
        tpu.vector_store_idx %arg10[%parallel_loop3A_673], %parallel_loop3A_670 : memref<32768xf32, #tpu.memory_space<vmem>>[vector<16xi32>], vector<16xf32>,
        %parallel_loop3A_674 = arith.constant 1 : i32
        %parallel_loop3A_675 = vector.broadcast %parallel_loop3A_674 : i32 to vector<16xi32>
        %parallel_loop3A_676 = arith.addi %parallel_loop3A_673, %parallel_loop3A_675 : vector<16xi32>
        tpu.vector_store_idx %arg10[%parallel_loop3A_676], %parallel_loop3A_671 : memref<32768xf32, #tpu.memory_space<vmem>>[vector<16xi32>], vector<16xf32>,
        %parallel_loop3A_677 = arith.constant 16 : i32
        %parallel_loop3A_678 = vector.broadcast %parallel_loop3A_677 : i32 to vector<16xi32>
        %parallel_loop3A_679 = arith.addi %iota3A, %parallel_loop3A_678 : vector<16xi32>
        %parallel_loop3A_680 = arith.constant 31 : i32
        %parallel_loop3A_681 = vector.broadcast %parallel_loop3A_680 : i32 to vector<16xi32>
        %parallel_loop3A_682 = arith.andi %parallel_loop3A_679, %parallel_loop3A_681 : vector<16xi32>
        %parallel_loop3A_683 = arith.addi %parallel_loop3A_160, %parallel_loop3A_682 : vector<16xi32>
        %parallel_loop3A_684 = arith.constant 32 : i32
        %parallel_loop3A_685 = vector.broadcast %parallel_loop3A_684 : i32 to vector<16xi32>
        %parallel_loop3A_686 = arith.addi %parallel_loop3A_683, %parallel_loop3A_685 : vector<16xi32>
        %parallel_loop3A_687 = tpu.vector_load_idx %arg5[%parallel_loop3A_683] : memref<16640xf32, #tpu.memory_space<vmem>>[vector<16xi32>], vector<16xf32>,
        %parallel_loop3A_688 = vector.bitcast %parallel_loop3A_687 : vector<16xf32> to vector<32xbf16>
        %parallel_loop3A_689 = tpu.vector_load_idx %arg5[%parallel_loop3A_686] : memref<16640xf32, #tpu.memory_space<vmem>>[vector<16xi32>], vector<16xf32>,
        %parallel_loop3A_690 = vector.bitcast %parallel_loop3A_689 : vector<16xf32> to vector<32xbf16>
        %parallel_loop3A_691 = tpu.vector_load_idx %arg6[%parallel_loop3A_683] : memref<16576xf32, #tpu.memory_space<vmem>>[vector<16xi32>], vector<16xf32>,
        %parallel_loop3A_692 = vector.bitcast %parallel_loop3A_691 : vector<16xf32> to vector<32xbf16>
        %parallel_loop3A_693 = tpu.vector_load_idx %arg6[%parallel_loop3A_686] : memref<16576xf32, #tpu.memory_space<vmem>>[vector<16xi32>], vector<16xf32>,
        %parallel_loop3A_694 = vector.bitcast %parallel_loop3A_693 : vector<16xf32> to vector<32xbf16>
        %parallel_loop3A_695 = arith.mulf %parallel_loop3A_154, %parallel_loop3A_688 : vector<32xbf16>
        %parallel_loop3A_696 = arith.mulf %parallel_loop3A_155, %parallel_loop3A_690 : vector<32xbf16>
        %parallel_loop3A_697 = arith.addf %parallel_loop3A_695, %parallel_loop3A_696 : vector<32xbf16>
        %parallel_loop3A_698 = arith.mulf %parallel_loop3A_156, %parallel_loop3A_692 : vector<32xbf16>
        %parallel_loop3A_699 = arith.addf %parallel_loop3A_697, %parallel_loop3A_698 : vector<32xbf16>
        %parallel_loop3A_700 = arith.mulf %parallel_loop3A_157, %parallel_loop3A_694 : vector<32xbf16>
        %parallel_loop3A_701 = arith.addf %parallel_loop3A_699, %parallel_loop3A_700 : vector<32xbf16>
        %parallel_loop3A_702 = tpu.unpack_subelements %parallel_loop3A_701, 0 {pack_format = #tpu.pack_format<interleaved>} : vector<32xbf16> -> vector<16xf32>
        %parallel_loop3A_703 = tpu.unpack_subelements %parallel_loop3A_701, 1 {pack_format = #tpu.pack_format<interleaved>} : vector<32xbf16> -> vector<16xf32>
        %parallel_loop3A_704 = arith.addi %parallel_loop3A_682, %parallel_loop3A_682 : vector<16xi32>
        %parallel_loop3A_705 = arith.addi %parallel_loop3A_164, %parallel_loop3A_704 : vector<16xi32>
        tpu.vector_store_idx %arg10[%parallel_loop3A_705], %parallel_loop3A_702 : memref<32768xf32, #tpu.memory_space<vmem>>[vector<16xi32>], vector<16xf32>,
        %parallel_loop3A_706 = arith.constant 1 : i32
        %parallel_loop3A_707 = vector.broadcast %parallel_loop3A_706 : i32 to vector<16xi32>
        %parallel_loop3A_708 = arith.addi %parallel_loop3A_705, %parallel_loop3A_707 : vector<16xi32>
        tpu.vector_store_idx %arg10[%parallel_loop3A_708], %parallel_loop3A_703 : memref<32768xf32, #tpu.memory_space<vmem>>[vector<16xi32>], vector<16xf32>,
        %parallel_loop3A_709 = arith.constant 17 : i32
        %parallel_loop3A_710 = vector.broadcast %parallel_loop3A_709 : i32 to vector<16xi32>
        %parallel_loop3A_711 = arith.addi %iota3A, %parallel_loop3A_710 : vector<16xi32>
        %parallel_loop3A_712 = arith.constant 31 : i32
        %parallel_loop3A_713 = vector.broadcast %parallel_loop3A_712 : i32 to vector<16xi32>
        %parallel_loop3A_714 = arith.andi %parallel_loop3A_711, %parallel_loop3A_713 : vector<16xi32>
        %parallel_loop3A_715 = arith.addi %parallel_loop3A_160, %parallel_loop3A_714 : vector<16xi32>
        %parallel_loop3A_716 = arith.constant 32 : i32
        %parallel_loop3A_717 = vector.broadcast %parallel_loop3A_716 : i32 to vector<16xi32>
        %parallel_loop3A_718 = arith.addi %parallel_loop3A_715, %parallel_loop3A_717 : vector<16xi32>
        %parallel_loop3A_719 = tpu.vector_load_idx %arg5[%parallel_loop3A_715] : memref<16640xf32, #tpu.memory_space<vmem>>[vector<16xi32>], vector<16xf32>,
        %parallel_loop3A_720 = vector.bitcast %parallel_loop3A_719 : vector<16xf32> to vector<32xbf16>
        %parallel_loop3A_721 = tpu.vector_load_idx %arg5[%parallel_loop3A_718] : memref<16640xf32, #tpu.memory_space<vmem>>[vector<16xi32>], vector<16xf32>,
        %parallel_loop3A_722 = vector.bitcast %parallel_loop3A_721 : vector<16xf32> to vector<32xbf16>
        %parallel_loop3A_723 = tpu.vector_load_idx %arg6[%parallel_loop3A_715] : memref<16576xf32, #tpu.memory_space<vmem>>[vector<16xi32>], vector<16xf32>,
        %parallel_loop3A_724 = vector.bitcast %parallel_loop3A_723 : vector<16xf32> to vector<32xbf16>
        %parallel_loop3A_725 = tpu.vector_load_idx %arg6[%parallel_loop3A_718] : memref<16576xf32, #tpu.memory_space<vmem>>[vector<16xi32>], vector<16xf32>,
        %parallel_loop3A_726 = vector.bitcast %parallel_loop3A_725 : vector<16xf32> to vector<32xbf16>
        %parallel_loop3A_727 = arith.mulf %parallel_loop3A_154, %parallel_loop3A_720 : vector<32xbf16>
        %parallel_loop3A_728 = arith.mulf %parallel_loop3A_155, %parallel_loop3A_722 : vector<32xbf16>
        %parallel_loop3A_729 = arith.addf %parallel_loop3A_727, %parallel_loop3A_728 : vector<32xbf16>
        %parallel_loop3A_730 = arith.mulf %parallel_loop3A_156, %parallel_loop3A_724 : vector<32xbf16>
        %parallel_loop3A_731 = arith.addf %parallel_loop3A_729, %parallel_loop3A_730 : vector<32xbf16>
        %parallel_loop3A_732 = arith.mulf %parallel_loop3A_157, %parallel_loop3A_726 : vector<32xbf16>
        %parallel_loop3A_733 = arith.addf %parallel_loop3A_731, %parallel_loop3A_732 : vector<32xbf16>
        %parallel_loop3A_734 = tpu.unpack_subelements %parallel_loop3A_733, 0 {pack_format = #tpu.pack_format<interleaved>} : vector<32xbf16> -> vector<16xf32>
        %parallel_loop3A_735 = tpu.unpack_subelements %parallel_loop3A_733, 1 {pack_format = #tpu.pack_format<interleaved>} : vector<32xbf16> -> vector<16xf32>
        %parallel_loop3A_736 = arith.addi %parallel_loop3A_714, %parallel_loop3A_714 : vector<16xi32>
        %parallel_loop3A_737 = arith.addi %parallel_loop3A_164, %parallel_loop3A_736 : vector<16xi32>
        tpu.vector_store_idx %arg10[%parallel_loop3A_737], %parallel_loop3A_734 : memref<32768xf32, #tpu.memory_space<vmem>>[vector<16xi32>], vector<16xf32>,
        %parallel_loop3A_738 = arith.constant 1 : i32
        %parallel_loop3A_739 = vector.broadcast %parallel_loop3A_738 : i32 to vector<16xi32>
        %parallel_loop3A_740 = arith.addi %parallel_loop3A_737, %parallel_loop3A_739 : vector<16xi32>
        tpu.vector_store_idx %arg10[%parallel_loop3A_740], %parallel_loop3A_735 : memref<32768xf32, #tpu.memory_space<vmem>>[vector<16xi32>], vector<16xf32>,
        %parallel_loop3A_741 = arith.constant 18 : i32
        %parallel_loop3A_742 = vector.broadcast %parallel_loop3A_741 : i32 to vector<16xi32>
        %parallel_loop3A_743 = arith.addi %iota3A, %parallel_loop3A_742 : vector<16xi32>
        %parallel_loop3A_744 = arith.constant 31 : i32
        %parallel_loop3A_745 = vector.broadcast %parallel_loop3A_744 : i32 to vector<16xi32>
        %parallel_loop3A_746 = arith.andi %parallel_loop3A_743, %parallel_loop3A_745 : vector<16xi32>
        %parallel_loop3A_747 = arith.addi %parallel_loop3A_160, %parallel_loop3A_746 : vector<16xi32>
        %parallel_loop3A_748 = arith.constant 32 : i32
        %parallel_loop3A_749 = vector.broadcast %parallel_loop3A_748 : i32 to vector<16xi32>
        %parallel_loop3A_750 = arith.addi %parallel_loop3A_747, %parallel_loop3A_749 : vector<16xi32>
        %parallel_loop3A_751 = tpu.vector_load_idx %arg5[%parallel_loop3A_747] : memref<16640xf32, #tpu.memory_space<vmem>>[vector<16xi32>], vector<16xf32>,
        %parallel_loop3A_752 = vector.bitcast %parallel_loop3A_751 : vector<16xf32> to vector<32xbf16>
        %parallel_loop3A_753 = tpu.vector_load_idx %arg5[%parallel_loop3A_750] : memref<16640xf32, #tpu.memory_space<vmem>>[vector<16xi32>], vector<16xf32>,
        %parallel_loop3A_754 = vector.bitcast %parallel_loop3A_753 : vector<16xf32> to vector<32xbf16>
        %parallel_loop3A_755 = tpu.vector_load_idx %arg6[%parallel_loop3A_747] : memref<16576xf32, #tpu.memory_space<vmem>>[vector<16xi32>], vector<16xf32>,
        %parallel_loop3A_756 = vector.bitcast %parallel_loop3A_755 : vector<16xf32> to vector<32xbf16>
        %parallel_loop3A_757 = tpu.vector_load_idx %arg6[%parallel_loop3A_750] : memref<16576xf32, #tpu.memory_space<vmem>>[vector<16xi32>], vector<16xf32>,
        %parallel_loop3A_758 = vector.bitcast %parallel_loop3A_757 : vector<16xf32> to vector<32xbf16>
        %parallel_loop3A_759 = arith.mulf %parallel_loop3A_154, %parallel_loop3A_752 : vector<32xbf16>
        %parallel_loop3A_760 = arith.mulf %parallel_loop3A_155, %parallel_loop3A_754 : vector<32xbf16>
        %parallel_loop3A_761 = arith.addf %parallel_loop3A_759, %parallel_loop3A_760 : vector<32xbf16>
        %parallel_loop3A_762 = arith.mulf %parallel_loop3A_156, %parallel_loop3A_756 : vector<32xbf16>
        %parallel_loop3A_763 = arith.addf %parallel_loop3A_761, %parallel_loop3A_762 : vector<32xbf16>
        %parallel_loop3A_764 = arith.mulf %parallel_loop3A_157, %parallel_loop3A_758 : vector<32xbf16>
        %parallel_loop3A_765 = arith.addf %parallel_loop3A_763, %parallel_loop3A_764 : vector<32xbf16>
        %parallel_loop3A_766 = tpu.unpack_subelements %parallel_loop3A_765, 0 {pack_format = #tpu.pack_format<interleaved>} : vector<32xbf16> -> vector<16xf32>
        %parallel_loop3A_767 = tpu.unpack_subelements %parallel_loop3A_765, 1 {pack_format = #tpu.pack_format<interleaved>} : vector<32xbf16> -> vector<16xf32>
        %parallel_loop3A_768 = arith.addi %parallel_loop3A_746, %parallel_loop3A_746 : vector<16xi32>
        %parallel_loop3A_769 = arith.addi %parallel_loop3A_164, %parallel_loop3A_768 : vector<16xi32>
        tpu.vector_store_idx %arg10[%parallel_loop3A_769], %parallel_loop3A_766 : memref<32768xf32, #tpu.memory_space<vmem>>[vector<16xi32>], vector<16xf32>,
        %parallel_loop3A_770 = arith.constant 1 : i32
        %parallel_loop3A_771 = vector.broadcast %parallel_loop3A_770 : i32 to vector<16xi32>
        %parallel_loop3A_772 = arith.addi %parallel_loop3A_769, %parallel_loop3A_771 : vector<16xi32>
        tpu.vector_store_idx %arg10[%parallel_loop3A_772], %parallel_loop3A_767 : memref<32768xf32, #tpu.memory_space<vmem>>[vector<16xi32>], vector<16xf32>,
        %parallel_loop3A_773 = arith.constant 19 : i32
        %parallel_loop3A_774 = vector.broadcast %parallel_loop3A_773 : i32 to vector<16xi32>
        %parallel_loop3A_775 = arith.addi %iota3A, %parallel_loop3A_774 : vector<16xi32>
        %parallel_loop3A_776 = arith.constant 31 : i32
        %parallel_loop3A_777 = vector.broadcast %parallel_loop3A_776 : i32 to vector<16xi32>
        %parallel_loop3A_778 = arith.andi %parallel_loop3A_775, %parallel_loop3A_777 : vector<16xi32>
        %parallel_loop3A_779 = arith.addi %parallel_loop3A_160, %parallel_loop3A_778 : vector<16xi32>
        %parallel_loop3A_780 = arith.constant 32 : i32
        %parallel_loop3A_781 = vector.broadcast %parallel_loop3A_780 : i32 to vector<16xi32>
        %parallel_loop3A_782 = arith.addi %parallel_loop3A_779, %parallel_loop3A_781 : vector<16xi32>
        %parallel_loop3A_783 = tpu.vector_load_idx %arg5[%parallel_loop3A_779] : memref<16640xf32, #tpu.memory_space<vmem>>[vector<16xi32>], vector<16xf32>,
        %parallel_loop3A_784 = vector.bitcast %parallel_loop3A_783 : vector<16xf32> to vector<32xbf16>
        %parallel_loop3A_785 = tpu.vector_load_idx %arg5[%parallel_loop3A_782] : memref<16640xf32, #tpu.memory_space<vmem>>[vector<16xi32>], vector<16xf32>,
        %parallel_loop3A_786 = vector.bitcast %parallel_loop3A_785 : vector<16xf32> to vector<32xbf16>
        %parallel_loop3A_787 = tpu.vector_load_idx %arg6[%parallel_loop3A_779] : memref<16576xf32, #tpu.memory_space<vmem>>[vector<16xi32>], vector<16xf32>,
        %parallel_loop3A_788 = vector.bitcast %parallel_loop3A_787 : vector<16xf32> to vector<32xbf16>
        %parallel_loop3A_789 = tpu.vector_load_idx %arg6[%parallel_loop3A_782] : memref<16576xf32, #tpu.memory_space<vmem>>[vector<16xi32>], vector<16xf32>,
        %parallel_loop3A_790 = vector.bitcast %parallel_loop3A_789 : vector<16xf32> to vector<32xbf16>
        %parallel_loop3A_791 = arith.mulf %parallel_loop3A_154, %parallel_loop3A_784 : vector<32xbf16>
        %parallel_loop3A_792 = arith.mulf %parallel_loop3A_155, %parallel_loop3A_786 : vector<32xbf16>
        %parallel_loop3A_793 = arith.addf %parallel_loop3A_791, %parallel_loop3A_792 : vector<32xbf16>
        %parallel_loop3A_794 = arith.mulf %parallel_loop3A_156, %parallel_loop3A_788 : vector<32xbf16>
        %parallel_loop3A_795 = arith.addf %parallel_loop3A_793, %parallel_loop3A_794 : vector<32xbf16>
        %parallel_loop3A_796 = arith.mulf %parallel_loop3A_157, %parallel_loop3A_790 : vector<32xbf16>
        %parallel_loop3A_797 = arith.addf %parallel_loop3A_795, %parallel_loop3A_796 : vector<32xbf16>
        %parallel_loop3A_798 = tpu.unpack_subelements %parallel_loop3A_797, 0 {pack_format = #tpu.pack_format<interleaved>} : vector<32xbf16> -> vector<16xf32>
        %parallel_loop3A_799 = tpu.unpack_subelements %parallel_loop3A_797, 1 {pack_format = #tpu.pack_format<interleaved>} : vector<32xbf16> -> vector<16xf32>
        %parallel_loop3A_800 = arith.addi %parallel_loop3A_778, %parallel_loop3A_778 : vector<16xi32>
        %parallel_loop3A_801 = arith.addi %parallel_loop3A_164, %parallel_loop3A_800 : vector<16xi32>
        tpu.vector_store_idx %arg10[%parallel_loop3A_801], %parallel_loop3A_798 : memref<32768xf32, #tpu.memory_space<vmem>>[vector<16xi32>], vector<16xf32>,
        %parallel_loop3A_802 = arith.constant 1 : i32
        %parallel_loop3A_803 = vector.broadcast %parallel_loop3A_802 : i32 to vector<16xi32>
        %parallel_loop3A_804 = arith.addi %parallel_loop3A_801, %parallel_loop3A_803 : vector<16xi32>
        tpu.vector_store_idx %arg10[%parallel_loop3A_804], %parallel_loop3A_799 : memref<32768xf32, #tpu.memory_space<vmem>>[vector<16xi32>], vector<16xf32>,
        %parallel_loop3A_805 = arith.constant 20 : i32
        %parallel_loop3A_806 = vector.broadcast %parallel_loop3A_805 : i32 to vector<16xi32>
        %parallel_loop3A_807 = arith.addi %iota3A, %parallel_loop3A_806 : vector<16xi32>
        %parallel_loop3A_808 = arith.constant 31 : i32
        %parallel_loop3A_809 = vector.broadcast %parallel_loop3A_808 : i32 to vector<16xi32>
        %parallel_loop3A_810 = arith.andi %parallel_loop3A_807, %parallel_loop3A_809 : vector<16xi32>
        %parallel_loop3A_811 = arith.addi %parallel_loop3A_160, %parallel_loop3A_810 : vector<16xi32>
        %parallel_loop3A_812 = arith.constant 32 : i32
        %parallel_loop3A_813 = vector.broadcast %parallel_loop3A_812 : i32 to vector<16xi32>
        %parallel_loop3A_814 = arith.addi %parallel_loop3A_811, %parallel_loop3A_813 : vector<16xi32>
        %parallel_loop3A_815 = tpu.vector_load_idx %arg5[%parallel_loop3A_811] : memref<16640xf32, #tpu.memory_space<vmem>>[vector<16xi32>], vector<16xf32>,
        %parallel_loop3A_816 = vector.bitcast %parallel_loop3A_815 : vector<16xf32> to vector<32xbf16>
        %parallel_loop3A_817 = tpu.vector_load_idx %arg5[%parallel_loop3A_814] : memref<16640xf32, #tpu.memory_space<vmem>>[vector<16xi32>], vector<16xf32>,
        %parallel_loop3A_818 = vector.bitcast %parallel_loop3A_817 : vector<16xf32> to vector<32xbf16>
        %parallel_loop3A_819 = tpu.vector_load_idx %arg6[%parallel_loop3A_811] : memref<16576xf32, #tpu.memory_space<vmem>>[vector<16xi32>], vector<16xf32>,
        %parallel_loop3A_820 = vector.bitcast %parallel_loop3A_819 : vector<16xf32> to vector<32xbf16>
        %parallel_loop3A_821 = tpu.vector_load_idx %arg6[%parallel_loop3A_814] : memref<16576xf32, #tpu.memory_space<vmem>>[vector<16xi32>], vector<16xf32>,
        %parallel_loop3A_822 = vector.bitcast %parallel_loop3A_821 : vector<16xf32> to vector<32xbf16>
        %parallel_loop3A_823 = arith.mulf %parallel_loop3A_154, %parallel_loop3A_816 : vector<32xbf16>
        %parallel_loop3A_824 = arith.mulf %parallel_loop3A_155, %parallel_loop3A_818 : vector<32xbf16>
        %parallel_loop3A_825 = arith.addf %parallel_loop3A_823, %parallel_loop3A_824 : vector<32xbf16>
        %parallel_loop3A_826 = arith.mulf %parallel_loop3A_156, %parallel_loop3A_820 : vector<32xbf16>
        %parallel_loop3A_827 = arith.addf %parallel_loop3A_825, %parallel_loop3A_826 : vector<32xbf16>
        %parallel_loop3A_828 = arith.mulf %parallel_loop3A_157, %parallel_loop3A_822 : vector<32xbf16>
        %parallel_loop3A_829 = arith.addf %parallel_loop3A_827, %parallel_loop3A_828 : vector<32xbf16>
        %parallel_loop3A_830 = tpu.unpack_subelements %parallel_loop3A_829, 0 {pack_format = #tpu.pack_format<interleaved>} : vector<32xbf16> -> vector<16xf32>
        %parallel_loop3A_831 = tpu.unpack_subelements %parallel_loop3A_829, 1 {pack_format = #tpu.pack_format<interleaved>} : vector<32xbf16> -> vector<16xf32>
        %parallel_loop3A_832 = arith.addi %parallel_loop3A_810, %parallel_loop3A_810 : vector<16xi32>
        %parallel_loop3A_833 = arith.addi %parallel_loop3A_164, %parallel_loop3A_832 : vector<16xi32>
        tpu.vector_store_idx %arg10[%parallel_loop3A_833], %parallel_loop3A_830 : memref<32768xf32, #tpu.memory_space<vmem>>[vector<16xi32>], vector<16xf32>,
        %parallel_loop3A_834 = arith.constant 1 : i32
        %parallel_loop3A_835 = vector.broadcast %parallel_loop3A_834 : i32 to vector<16xi32>
        %parallel_loop3A_836 = arith.addi %parallel_loop3A_833, %parallel_loop3A_835 : vector<16xi32>
        tpu.vector_store_idx %arg10[%parallel_loop3A_836], %parallel_loop3A_831 : memref<32768xf32, #tpu.memory_space<vmem>>[vector<16xi32>], vector<16xf32>,
        %parallel_loop3A_837 = arith.constant 21 : i32
        %parallel_loop3A_838 = vector.broadcast %parallel_loop3A_837 : i32 to vector<16xi32>
        %parallel_loop3A_839 = arith.addi %iota3A, %parallel_loop3A_838 : vector<16xi32>
        %parallel_loop3A_840 = arith.constant 31 : i32
        %parallel_loop3A_841 = vector.broadcast %parallel_loop3A_840 : i32 to vector<16xi32>
        %parallel_loop3A_842 = arith.andi %parallel_loop3A_839, %parallel_loop3A_841 : vector<16xi32>
        %parallel_loop3A_843 = arith.addi %parallel_loop3A_160, %parallel_loop3A_842 : vector<16xi32>
        %parallel_loop3A_844 = arith.constant 32 : i32
        %parallel_loop3A_845 = vector.broadcast %parallel_loop3A_844 : i32 to vector<16xi32>
        %parallel_loop3A_846 = arith.addi %parallel_loop3A_843, %parallel_loop3A_845 : vector<16xi32>
        %parallel_loop3A_847 = tpu.vector_load_idx %arg5[%parallel_loop3A_843] : memref<16640xf32, #tpu.memory_space<vmem>>[vector<16xi32>], vector<16xf32>,
        %parallel_loop3A_848 = vector.bitcast %parallel_loop3A_847 : vector<16xf32> to vector<32xbf16>
        %parallel_loop3A_849 = tpu.vector_load_idx %arg5[%parallel_loop3A_846] : memref<16640xf32, #tpu.memory_space<vmem>>[vector<16xi32>], vector<16xf32>,
        %parallel_loop3A_850 = vector.bitcast %parallel_loop3A_849 : vector<16xf32> to vector<32xbf16>
        %parallel_loop3A_851 = tpu.vector_load_idx %arg6[%parallel_loop3A_843] : memref<16576xf32, #tpu.memory_space<vmem>>[vector<16xi32>], vector<16xf32>,
        %parallel_loop3A_852 = vector.bitcast %parallel_loop3A_851 : vector<16xf32> to vector<32xbf16>
        %parallel_loop3A_853 = tpu.vector_load_idx %arg6[%parallel_loop3A_846] : memref<16576xf32, #tpu.memory_space<vmem>>[vector<16xi32>], vector<16xf32>,
        %parallel_loop3A_854 = vector.bitcast %parallel_loop3A_853 : vector<16xf32> to vector<32xbf16>
        %parallel_loop3A_855 = arith.mulf %parallel_loop3A_154, %parallel_loop3A_848 : vector<32xbf16>
        %parallel_loop3A_856 = arith.mulf %parallel_loop3A_155, %parallel_loop3A_850 : vector<32xbf16>
        %parallel_loop3A_857 = arith.addf %parallel_loop3A_855, %parallel_loop3A_856 : vector<32xbf16>
        %parallel_loop3A_858 = arith.mulf %parallel_loop3A_156, %parallel_loop3A_852 : vector<32xbf16>
        %parallel_loop3A_859 = arith.addf %parallel_loop3A_857, %parallel_loop3A_858 : vector<32xbf16>
        %parallel_loop3A_860 = arith.mulf %parallel_loop3A_157, %parallel_loop3A_854 : vector<32xbf16>
        %parallel_loop3A_861 = arith.addf %parallel_loop3A_859, %parallel_loop3A_860 : vector<32xbf16>
        %parallel_loop3A_862 = tpu.unpack_subelements %parallel_loop3A_861, 0 {pack_format = #tpu.pack_format<interleaved>} : vector<32xbf16> -> vector<16xf32>
        %parallel_loop3A_863 = tpu.unpack_subelements %parallel_loop3A_861, 1 {pack_format = #tpu.pack_format<interleaved>} : vector<32xbf16> -> vector<16xf32>
        %parallel_loop3A_864 = arith.addi %parallel_loop3A_842, %parallel_loop3A_842 : vector<16xi32>
        %parallel_loop3A_865 = arith.addi %parallel_loop3A_164, %parallel_loop3A_864 : vector<16xi32>
        tpu.vector_store_idx %arg10[%parallel_loop3A_865], %parallel_loop3A_862 : memref<32768xf32, #tpu.memory_space<vmem>>[vector<16xi32>], vector<16xf32>,
        %parallel_loop3A_866 = arith.constant 1 : i32
        %parallel_loop3A_867 = vector.broadcast %parallel_loop3A_866 : i32 to vector<16xi32>
        %parallel_loop3A_868 = arith.addi %parallel_loop3A_865, %parallel_loop3A_867 : vector<16xi32>
        tpu.vector_store_idx %arg10[%parallel_loop3A_868], %parallel_loop3A_863 : memref<32768xf32, #tpu.memory_space<vmem>>[vector<16xi32>], vector<16xf32>,
        %parallel_loop3A_869 = arith.constant 22 : i32
        %parallel_loop3A_870 = vector.broadcast %parallel_loop3A_869 : i32 to vector<16xi32>
        %parallel_loop3A_871 = arith.addi %iota3A, %parallel_loop3A_870 : vector<16xi32>
        %parallel_loop3A_872 = arith.constant 31 : i32
        %parallel_loop3A_873 = vector.broadcast %parallel_loop3A_872 : i32 to vector<16xi32>
        %parallel_loop3A_874 = arith.andi %parallel_loop3A_871, %parallel_loop3A_873 : vector<16xi32>
        %parallel_loop3A_875 = arith.addi %parallel_loop3A_160, %parallel_loop3A_874 : vector<16xi32>
        %parallel_loop3A_876 = arith.constant 32 : i32
        %parallel_loop3A_877 = vector.broadcast %parallel_loop3A_876 : i32 to vector<16xi32>
        %parallel_loop3A_878 = arith.addi %parallel_loop3A_875, %parallel_loop3A_877 : vector<16xi32>
        %parallel_loop3A_879 = tpu.vector_load_idx %arg5[%parallel_loop3A_875] : memref<16640xf32, #tpu.memory_space<vmem>>[vector<16xi32>], vector<16xf32>,
        %parallel_loop3A_880 = vector.bitcast %parallel_loop3A_879 : vector<16xf32> to vector<32xbf16>
        %parallel_loop3A_881 = tpu.vector_load_idx %arg5[%parallel_loop3A_878] : memref<16640xf32, #tpu.memory_space<vmem>>[vector<16xi32>], vector<16xf32>,
        %parallel_loop3A_882 = vector.bitcast %parallel_loop3A_881 : vector<16xf32> to vector<32xbf16>
        %parallel_loop3A_883 = tpu.vector_load_idx %arg6[%parallel_loop3A_875] : memref<16576xf32, #tpu.memory_space<vmem>>[vector<16xi32>], vector<16xf32>,
        %parallel_loop3A_884 = vector.bitcast %parallel_loop3A_883 : vector<16xf32> to vector<32xbf16>
        %parallel_loop3A_885 = tpu.vector_load_idx %arg6[%parallel_loop3A_878] : memref<16576xf32, #tpu.memory_space<vmem>>[vector<16xi32>], vector<16xf32>,
        %parallel_loop3A_886 = vector.bitcast %parallel_loop3A_885 : vector<16xf32> to vector<32xbf16>
        %parallel_loop3A_887 = arith.mulf %parallel_loop3A_154, %parallel_loop3A_880 : vector<32xbf16>
        %parallel_loop3A_888 = arith.mulf %parallel_loop3A_155, %parallel_loop3A_882 : vector<32xbf16>
        %parallel_loop3A_889 = arith.addf %parallel_loop3A_887, %parallel_loop3A_888 : vector<32xbf16>
        %parallel_loop3A_890 = arith.mulf %parallel_loop3A_156, %parallel_loop3A_884 : vector<32xbf16>
        %parallel_loop3A_891 = arith.addf %parallel_loop3A_889, %parallel_loop3A_890 : vector<32xbf16>
        %parallel_loop3A_892 = arith.mulf %parallel_loop3A_157, %parallel_loop3A_886 : vector<32xbf16>
        %parallel_loop3A_893 = arith.addf %parallel_loop3A_891, %parallel_loop3A_892 : vector<32xbf16>
        %parallel_loop3A_894 = tpu.unpack_subelements %parallel_loop3A_893, 0 {pack_format = #tpu.pack_format<interleaved>} : vector<32xbf16> -> vector<16xf32>
        %parallel_loop3A_895 = tpu.unpack_subelements %parallel_loop3A_893, 1 {pack_format = #tpu.pack_format<interleaved>} : vector<32xbf16> -> vector<16xf32>
        %parallel_loop3A_896 = arith.addi %parallel_loop3A_874, %parallel_loop3A_874 : vector<16xi32>
        %parallel_loop3A_897 = arith.addi %parallel_loop3A_164, %parallel_loop3A_896 : vector<16xi32>
        tpu.vector_store_idx %arg10[%parallel_loop3A_897], %parallel_loop3A_894 : memref<32768xf32, #tpu.memory_space<vmem>>[vector<16xi32>], vector<16xf32>,
        %parallel_loop3A_898 = arith.constant 1 : i32
        %parallel_loop3A_899 = vector.broadcast %parallel_loop3A_898 : i32 to vector<16xi32>
        %parallel_loop3A_900 = arith.addi %parallel_loop3A_897, %parallel_loop3A_899 : vector<16xi32>
        tpu.vector_store_idx %arg10[%parallel_loop3A_900], %parallel_loop3A_895 : memref<32768xf32, #tpu.memory_space<vmem>>[vector<16xi32>], vector<16xf32>,
        %parallel_loop3A_901 = arith.constant 23 : i32
        %parallel_loop3A_902 = vector.broadcast %parallel_loop3A_901 : i32 to vector<16xi32>
        %parallel_loop3A_903 = arith.addi %iota3A, %parallel_loop3A_902 : vector<16xi32>
        %parallel_loop3A_904 = arith.constant 31 : i32
        %parallel_loop3A_905 = vector.broadcast %parallel_loop3A_904 : i32 to vector<16xi32>
        %parallel_loop3A_906 = arith.andi %parallel_loop3A_903, %parallel_loop3A_905 : vector<16xi32>
        %parallel_loop3A_907 = arith.addi %parallel_loop3A_160, %parallel_loop3A_906 : vector<16xi32>
        %parallel_loop3A_908 = arith.constant 32 : i32
        %parallel_loop3A_909 = vector.broadcast %parallel_loop3A_908 : i32 to vector<16xi32>
        %parallel_loop3A_910 = arith.addi %parallel_loop3A_907, %parallel_loop3A_909 : vector<16xi32>
        %parallel_loop3A_911 = tpu.vector_load_idx %arg5[%parallel_loop3A_907] : memref<16640xf32, #tpu.memory_space<vmem>>[vector<16xi32>], vector<16xf32>,
        %parallel_loop3A_912 = vector.bitcast %parallel_loop3A_911 : vector<16xf32> to vector<32xbf16>
        %parallel_loop3A_913 = tpu.vector_load_idx %arg5[%parallel_loop3A_910] : memref<16640xf32, #tpu.memory_space<vmem>>[vector<16xi32>], vector<16xf32>,
        %parallel_loop3A_914 = vector.bitcast %parallel_loop3A_913 : vector<16xf32> to vector<32xbf16>
        %parallel_loop3A_915 = tpu.vector_load_idx %arg6[%parallel_loop3A_907] : memref<16576xf32, #tpu.memory_space<vmem>>[vector<16xi32>], vector<16xf32>,
        %parallel_loop3A_916 = vector.bitcast %parallel_loop3A_915 : vector<16xf32> to vector<32xbf16>
        %parallel_loop3A_917 = tpu.vector_load_idx %arg6[%parallel_loop3A_910] : memref<16576xf32, #tpu.memory_space<vmem>>[vector<16xi32>], vector<16xf32>,
        %parallel_loop3A_918 = vector.bitcast %parallel_loop3A_917 : vector<16xf32> to vector<32xbf16>
        %parallel_loop3A_919 = arith.mulf %parallel_loop3A_154, %parallel_loop3A_912 : vector<32xbf16>
        %parallel_loop3A_920 = arith.mulf %parallel_loop3A_155, %parallel_loop3A_914 : vector<32xbf16>
        %parallel_loop3A_921 = arith.addf %parallel_loop3A_919, %parallel_loop3A_920 : vector<32xbf16>
        %parallel_loop3A_922 = arith.mulf %parallel_loop3A_156, %parallel_loop3A_916 : vector<32xbf16>
        %parallel_loop3A_923 = arith.addf %parallel_loop3A_921, %parallel_loop3A_922 : vector<32xbf16>
        %parallel_loop3A_924 = arith.mulf %parallel_loop3A_157, %parallel_loop3A_918 : vector<32xbf16>
        %parallel_loop3A_925 = arith.addf %parallel_loop3A_923, %parallel_loop3A_924 : vector<32xbf16>
        %parallel_loop3A_926 = tpu.unpack_subelements %parallel_loop3A_925, 0 {pack_format = #tpu.pack_format<interleaved>} : vector<32xbf16> -> vector<16xf32>
        %parallel_loop3A_927 = tpu.unpack_subelements %parallel_loop3A_925, 1 {pack_format = #tpu.pack_format<interleaved>} : vector<32xbf16> -> vector<16xf32>
        %parallel_loop3A_928 = arith.addi %parallel_loop3A_906, %parallel_loop3A_906 : vector<16xi32>
        %parallel_loop3A_929 = arith.addi %parallel_loop3A_164, %parallel_loop3A_928 : vector<16xi32>
        tpu.vector_store_idx %arg10[%parallel_loop3A_929], %parallel_loop3A_926 : memref<32768xf32, #tpu.memory_space<vmem>>[vector<16xi32>], vector<16xf32>,
        %parallel_loop3A_930 = arith.constant 1 : i32
        %parallel_loop3A_931 = vector.broadcast %parallel_loop3A_930 : i32 to vector<16xi32>
        %parallel_loop3A_932 = arith.addi %parallel_loop3A_929, %parallel_loop3A_931 : vector<16xi32>
        tpu.vector_store_idx %arg10[%parallel_loop3A_932], %parallel_loop3A_927 : memref<32768xf32, #tpu.memory_space<vmem>>[vector<16xi32>], vector<16xf32>,
        %parallel_loop3A_933 = arith.constant 24 : i32
        %parallel_loop3A_934 = vector.broadcast %parallel_loop3A_933 : i32 to vector<16xi32>
        %parallel_loop3A_935 = arith.addi %iota3A, %parallel_loop3A_934 : vector<16xi32>
        %parallel_loop3A_936 = arith.constant 31 : i32
        %parallel_loop3A_937 = vector.broadcast %parallel_loop3A_936 : i32 to vector<16xi32>
        %parallel_loop3A_938 = arith.andi %parallel_loop3A_935, %parallel_loop3A_937 : vector<16xi32>
        %parallel_loop3A_939 = arith.addi %parallel_loop3A_160, %parallel_loop3A_938 : vector<16xi32>
        %parallel_loop3A_940 = arith.constant 32 : i32
        %parallel_loop3A_941 = vector.broadcast %parallel_loop3A_940 : i32 to vector<16xi32>
        %parallel_loop3A_942 = arith.addi %parallel_loop3A_939, %parallel_loop3A_941 : vector<16xi32>
        %parallel_loop3A_943 = tpu.vector_load_idx %arg5[%parallel_loop3A_939] : memref<16640xf32, #tpu.memory_space<vmem>>[vector<16xi32>], vector<16xf32>,
        %parallel_loop3A_944 = vector.bitcast %parallel_loop3A_943 : vector<16xf32> to vector<32xbf16>
        %parallel_loop3A_945 = tpu.vector_load_idx %arg5[%parallel_loop3A_942] : memref<16640xf32, #tpu.memory_space<vmem>>[vector<16xi32>], vector<16xf32>,
        %parallel_loop3A_946 = vector.bitcast %parallel_loop3A_945 : vector<16xf32> to vector<32xbf16>
        %parallel_loop3A_947 = tpu.vector_load_idx %arg6[%parallel_loop3A_939] : memref<16576xf32, #tpu.memory_space<vmem>>[vector<16xi32>], vector<16xf32>,
        %parallel_loop3A_948 = vector.bitcast %parallel_loop3A_947 : vector<16xf32> to vector<32xbf16>
        %parallel_loop3A_949 = tpu.vector_load_idx %arg6[%parallel_loop3A_942] : memref<16576xf32, #tpu.memory_space<vmem>>[vector<16xi32>], vector<16xf32>,
        %parallel_loop3A_950 = vector.bitcast %parallel_loop3A_949 : vector<16xf32> to vector<32xbf16>
        %parallel_loop3A_951 = arith.mulf %parallel_loop3A_154, %parallel_loop3A_944 : vector<32xbf16>
        %parallel_loop3A_952 = arith.mulf %parallel_loop3A_155, %parallel_loop3A_946 : vector<32xbf16>
        %parallel_loop3A_953 = arith.addf %parallel_loop3A_951, %parallel_loop3A_952 : vector<32xbf16>
        %parallel_loop3A_954 = arith.mulf %parallel_loop3A_156, %parallel_loop3A_948 : vector<32xbf16>
        %parallel_loop3A_955 = arith.addf %parallel_loop3A_953, %parallel_loop3A_954 : vector<32xbf16>
        %parallel_loop3A_956 = arith.mulf %parallel_loop3A_157, %parallel_loop3A_950 : vector<32xbf16>
        %parallel_loop3A_957 = arith.addf %parallel_loop3A_955, %parallel_loop3A_956 : vector<32xbf16>
        %parallel_loop3A_958 = tpu.unpack_subelements %parallel_loop3A_957, 0 {pack_format = #tpu.pack_format<interleaved>} : vector<32xbf16> -> vector<16xf32>
        %parallel_loop3A_959 = tpu.unpack_subelements %parallel_loop3A_957, 1 {pack_format = #tpu.pack_format<interleaved>} : vector<32xbf16> -> vector<16xf32>
        %parallel_loop3A_960 = arith.addi %parallel_loop3A_938, %parallel_loop3A_938 : vector<16xi32>
        %parallel_loop3A_961 = arith.addi %parallel_loop3A_164, %parallel_loop3A_960 : vector<16xi32>
        tpu.vector_store_idx %arg10[%parallel_loop3A_961], %parallel_loop3A_958 : memref<32768xf32, #tpu.memory_space<vmem>>[vector<16xi32>], vector<16xf32>,
        %parallel_loop3A_962 = arith.constant 1 : i32
        %parallel_loop3A_963 = vector.broadcast %parallel_loop3A_962 : i32 to vector<16xi32>
        %parallel_loop3A_964 = arith.addi %parallel_loop3A_961, %parallel_loop3A_963 : vector<16xi32>
        tpu.vector_store_idx %arg10[%parallel_loop3A_964], %parallel_loop3A_959 : memref<32768xf32, #tpu.memory_space<vmem>>[vector<16xi32>], vector<16xf32>,
        %parallel_loop3A_965 = arith.constant 25 : i32
        %parallel_loop3A_966 = vector.broadcast %parallel_loop3A_965 : i32 to vector<16xi32>
        %parallel_loop3A_967 = arith.addi %iota3A, %parallel_loop3A_966 : vector<16xi32>
        %parallel_loop3A_968 = arith.constant 31 : i32
        %parallel_loop3A_969 = vector.broadcast %parallel_loop3A_968 : i32 to vector<16xi32>
        %parallel_loop3A_970 = arith.andi %parallel_loop3A_967, %parallel_loop3A_969 : vector<16xi32>
        %parallel_loop3A_971 = arith.addi %parallel_loop3A_160, %parallel_loop3A_970 : vector<16xi32>
        %parallel_loop3A_972 = arith.constant 32 : i32
        %parallel_loop3A_973 = vector.broadcast %parallel_loop3A_972 : i32 to vector<16xi32>
        %parallel_loop3A_974 = arith.addi %parallel_loop3A_971, %parallel_loop3A_973 : vector<16xi32>
        %parallel_loop3A_975 = tpu.vector_load_idx %arg5[%parallel_loop3A_971] : memref<16640xf32, #tpu.memory_space<vmem>>[vector<16xi32>], vector<16xf32>,
        %parallel_loop3A_976 = vector.bitcast %parallel_loop3A_975 : vector<16xf32> to vector<32xbf16>
        %parallel_loop3A_977 = tpu.vector_load_idx %arg5[%parallel_loop3A_974] : memref<16640xf32, #tpu.memory_space<vmem>>[vector<16xi32>], vector<16xf32>,
        %parallel_loop3A_978 = vector.bitcast %parallel_loop3A_977 : vector<16xf32> to vector<32xbf16>
        %parallel_loop3A_979 = tpu.vector_load_idx %arg6[%parallel_loop3A_971] : memref<16576xf32, #tpu.memory_space<vmem>>[vector<16xi32>], vector<16xf32>,
        %parallel_loop3A_980 = vector.bitcast %parallel_loop3A_979 : vector<16xf32> to vector<32xbf16>
        %parallel_loop3A_981 = tpu.vector_load_idx %arg6[%parallel_loop3A_974] : memref<16576xf32, #tpu.memory_space<vmem>>[vector<16xi32>], vector<16xf32>,
        %parallel_loop3A_982 = vector.bitcast %parallel_loop3A_981 : vector<16xf32> to vector<32xbf16>
        %parallel_loop3A_983 = arith.mulf %parallel_loop3A_154, %parallel_loop3A_976 : vector<32xbf16>
        %parallel_loop3A_984 = arith.mulf %parallel_loop3A_155, %parallel_loop3A_978 : vector<32xbf16>
        %parallel_loop3A_985 = arith.addf %parallel_loop3A_983, %parallel_loop3A_984 : vector<32xbf16>
        %parallel_loop3A_986 = arith.mulf %parallel_loop3A_156, %parallel_loop3A_980 : vector<32xbf16>
        %parallel_loop3A_987 = arith.addf %parallel_loop3A_985, %parallel_loop3A_986 : vector<32xbf16>
        %parallel_loop3A_988 = arith.mulf %parallel_loop3A_157, %parallel_loop3A_982 : vector<32xbf16>
        %parallel_loop3A_989 = arith.addf %parallel_loop3A_987, %parallel_loop3A_988 : vector<32xbf16>
        %parallel_loop3A_990 = tpu.unpack_subelements %parallel_loop3A_989, 0 {pack_format = #tpu.pack_format<interleaved>} : vector<32xbf16> -> vector<16xf32>
        %parallel_loop3A_991 = tpu.unpack_subelements %parallel_loop3A_989, 1 {pack_format = #tpu.pack_format<interleaved>} : vector<32xbf16> -> vector<16xf32>
        %parallel_loop3A_992 = arith.addi %parallel_loop3A_970, %parallel_loop3A_970 : vector<16xi32>
        %parallel_loop3A_993 = arith.addi %parallel_loop3A_164, %parallel_loop3A_992 : vector<16xi32>
        tpu.vector_store_idx %arg10[%parallel_loop3A_993], %parallel_loop3A_990 : memref<32768xf32, #tpu.memory_space<vmem>>[vector<16xi32>], vector<16xf32>,
        %parallel_loop3A_994 = arith.constant 1 : i32
        %parallel_loop3A_995 = vector.broadcast %parallel_loop3A_994 : i32 to vector<16xi32>
        %parallel_loop3A_996 = arith.addi %parallel_loop3A_993, %parallel_loop3A_995 : vector<16xi32>
        tpu.vector_store_idx %arg10[%parallel_loop3A_996], %parallel_loop3A_991 : memref<32768xf32, #tpu.memory_space<vmem>>[vector<16xi32>], vector<16xf32>,
        %parallel_loop3A_997 = arith.constant 26 : i32
        %parallel_loop3A_998 = vector.broadcast %parallel_loop3A_997 : i32 to vector<16xi32>
        %parallel_loop3A_999 = arith.addi %iota3A, %parallel_loop3A_998 : vector<16xi32>
        %parallel_loop3A_1000 = arith.constant 31 : i32
        %parallel_loop3A_1001 = vector.broadcast %parallel_loop3A_1000 : i32 to vector<16xi32>
        %parallel_loop3A_1002 = arith.andi %parallel_loop3A_999, %parallel_loop3A_1001 : vector<16xi32>
        %parallel_loop3A_1003 = arith.addi %parallel_loop3A_160, %parallel_loop3A_1002 : vector<16xi32>
        %parallel_loop3A_1004 = arith.constant 32 : i32
        %parallel_loop3A_1005 = vector.broadcast %parallel_loop3A_1004 : i32 to vector<16xi32>
        %parallel_loop3A_1006 = arith.addi %parallel_loop3A_1003, %parallel_loop3A_1005 : vector<16xi32>
        %parallel_loop3A_1007 = tpu.vector_load_idx %arg5[%parallel_loop3A_1003] : memref<16640xf32, #tpu.memory_space<vmem>>[vector<16xi32>], vector<16xf32>,
        %parallel_loop3A_1008 = vector.bitcast %parallel_loop3A_1007 : vector<16xf32> to vector<32xbf16>
        %parallel_loop3A_1009 = tpu.vector_load_idx %arg5[%parallel_loop3A_1006] : memref<16640xf32, #tpu.memory_space<vmem>>[vector<16xi32>], vector<16xf32>,
        %parallel_loop3A_1010 = vector.bitcast %parallel_loop3A_1009 : vector<16xf32> to vector<32xbf16>
        %parallel_loop3A_1011 = tpu.vector_load_idx %arg6[%parallel_loop3A_1003] : memref<16576xf32, #tpu.memory_space<vmem>>[vector<16xi32>], vector<16xf32>,
        %parallel_loop3A_1012 = vector.bitcast %parallel_loop3A_1011 : vector<16xf32> to vector<32xbf16>
        %parallel_loop3A_1013 = tpu.vector_load_idx %arg6[%parallel_loop3A_1006] : memref<16576xf32, #tpu.memory_space<vmem>>[vector<16xi32>], vector<16xf32>,
        %parallel_loop3A_1014 = vector.bitcast %parallel_loop3A_1013 : vector<16xf32> to vector<32xbf16>
        %parallel_loop3A_1015 = arith.mulf %parallel_loop3A_154, %parallel_loop3A_1008 : vector<32xbf16>
        %parallel_loop3A_1016 = arith.mulf %parallel_loop3A_155, %parallel_loop3A_1010 : vector<32xbf16>
        %parallel_loop3A_1017 = arith.addf %parallel_loop3A_1015, %parallel_loop3A_1016 : vector<32xbf16>
        %parallel_loop3A_1018 = arith.mulf %parallel_loop3A_156, %parallel_loop3A_1012 : vector<32xbf16>
        %parallel_loop3A_1019 = arith.addf %parallel_loop3A_1017, %parallel_loop3A_1018 : vector<32xbf16>
        %parallel_loop3A_1020 = arith.mulf %parallel_loop3A_157, %parallel_loop3A_1014 : vector<32xbf16>
        %parallel_loop3A_1021 = arith.addf %parallel_loop3A_1019, %parallel_loop3A_1020 : vector<32xbf16>
        %parallel_loop3A_1022 = tpu.unpack_subelements %parallel_loop3A_1021, 0 {pack_format = #tpu.pack_format<interleaved>} : vector<32xbf16> -> vector<16xf32>
        %parallel_loop3A_1023 = tpu.unpack_subelements %parallel_loop3A_1021, 1 {pack_format = #tpu.pack_format<interleaved>} : vector<32xbf16> -> vector<16xf32>
        %parallel_loop3A_1024 = arith.addi %parallel_loop3A_1002, %parallel_loop3A_1002 : vector<16xi32>
        %parallel_loop3A_1025 = arith.addi %parallel_loop3A_164, %parallel_loop3A_1024 : vector<16xi32>
        tpu.vector_store_idx %arg10[%parallel_loop3A_1025], %parallel_loop3A_1022 : memref<32768xf32, #tpu.memory_space<vmem>>[vector<16xi32>], vector<16xf32>,
        %parallel_loop3A_1026 = arith.constant 1 : i32
        %parallel_loop3A_1027 = vector.broadcast %parallel_loop3A_1026 : i32 to vector<16xi32>
        %parallel_loop3A_1028 = arith.addi %parallel_loop3A_1025, %parallel_loop3A_1027 : vector<16xi32>
        tpu.vector_store_idx %arg10[%parallel_loop3A_1028], %parallel_loop3A_1023 : memref<32768xf32, #tpu.memory_space<vmem>>[vector<16xi32>], vector<16xf32>,
        %parallel_loop3A_1029 = arith.constant 27 : i32
        %parallel_loop3A_1030 = vector.broadcast %parallel_loop3A_1029 : i32 to vector<16xi32>
        %parallel_loop3A_1031 = arith.addi %iota3A, %parallel_loop3A_1030 : vector<16xi32>
        %parallel_loop3A_1032 = arith.constant 31 : i32
        %parallel_loop3A_1033 = vector.broadcast %parallel_loop3A_1032 : i32 to vector<16xi32>
        %parallel_loop3A_1034 = arith.andi %parallel_loop3A_1031, %parallel_loop3A_1033 : vector<16xi32>
        %parallel_loop3A_1035 = arith.addi %parallel_loop3A_160, %parallel_loop3A_1034 : vector<16xi32>
        %parallel_loop3A_1036 = arith.constant 32 : i32
        %parallel_loop3A_1037 = vector.broadcast %parallel_loop3A_1036 : i32 to vector<16xi32>
        %parallel_loop3A_1038 = arith.addi %parallel_loop3A_1035, %parallel_loop3A_1037 : vector<16xi32>
        %parallel_loop3A_1039 = tpu.vector_load_idx %arg5[%parallel_loop3A_1035] : memref<16640xf32, #tpu.memory_space<vmem>>[vector<16xi32>], vector<16xf32>,
        %parallel_loop3A_1040 = vector.bitcast %parallel_loop3A_1039 : vector<16xf32> to vector<32xbf16>
        %parallel_loop3A_1041 = tpu.vector_load_idx %arg5[%parallel_loop3A_1038] : memref<16640xf32, #tpu.memory_space<vmem>>[vector<16xi32>], vector<16xf32>,
        %parallel_loop3A_1042 = vector.bitcast %parallel_loop3A_1041 : vector<16xf32> to vector<32xbf16>
        %parallel_loop3A_1043 = tpu.vector_load_idx %arg6[%parallel_loop3A_1035] : memref<16576xf32, #tpu.memory_space<vmem>>[vector<16xi32>], vector<16xf32>,
        %parallel_loop3A_1044 = vector.bitcast %parallel_loop3A_1043 : vector<16xf32> to vector<32xbf16>
        %parallel_loop3A_1045 = tpu.vector_load_idx %arg6[%parallel_loop3A_1038] : memref<16576xf32, #tpu.memory_space<vmem>>[vector<16xi32>], vector<16xf32>,
        %parallel_loop3A_1046 = vector.bitcast %parallel_loop3A_1045 : vector<16xf32> to vector<32xbf16>
        %parallel_loop3A_1047 = arith.mulf %parallel_loop3A_154, %parallel_loop3A_1040 : vector<32xbf16>
        %parallel_loop3A_1048 = arith.mulf %parallel_loop3A_155, %parallel_loop3A_1042 : vector<32xbf16>
        %parallel_loop3A_1049 = arith.addf %parallel_loop3A_1047, %parallel_loop3A_1048 : vector<32xbf16>
        %parallel_loop3A_1050 = arith.mulf %parallel_loop3A_156, %parallel_loop3A_1044 : vector<32xbf16>
        %parallel_loop3A_1051 = arith.addf %parallel_loop3A_1049, %parallel_loop3A_1050 : vector<32xbf16>
        %parallel_loop3A_1052 = arith.mulf %parallel_loop3A_157, %parallel_loop3A_1046 : vector<32xbf16>
        %parallel_loop3A_1053 = arith.addf %parallel_loop3A_1051, %parallel_loop3A_1052 : vector<32xbf16>
        %parallel_loop3A_1054 = tpu.unpack_subelements %parallel_loop3A_1053, 0 {pack_format = #tpu.pack_format<interleaved>} : vector<32xbf16> -> vector<16xf32>
        %parallel_loop3A_1055 = tpu.unpack_subelements %parallel_loop3A_1053, 1 {pack_format = #tpu.pack_format<interleaved>} : vector<32xbf16> -> vector<16xf32>
        %parallel_loop3A_1056 = arith.addi %parallel_loop3A_1034, %parallel_loop3A_1034 : vector<16xi32>
        %parallel_loop3A_1057 = arith.addi %parallel_loop3A_164, %parallel_loop3A_1056 : vector<16xi32>
        tpu.vector_store_idx %arg10[%parallel_loop3A_1057], %parallel_loop3A_1054 : memref<32768xf32, #tpu.memory_space<vmem>>[vector<16xi32>], vector<16xf32>,
        %parallel_loop3A_1058 = arith.constant 1 : i32
        %parallel_loop3A_1059 = vector.broadcast %parallel_loop3A_1058 : i32 to vector<16xi32>
        %parallel_loop3A_1060 = arith.addi %parallel_loop3A_1057, %parallel_loop3A_1059 : vector<16xi32>
        tpu.vector_store_idx %arg10[%parallel_loop3A_1060], %parallel_loop3A_1055 : memref<32768xf32, #tpu.memory_space<vmem>>[vector<16xi32>], vector<16xf32>,
        %parallel_loop3A_1061 = arith.constant 28 : i32
        %parallel_loop3A_1062 = vector.broadcast %parallel_loop3A_1061 : i32 to vector<16xi32>
        %parallel_loop3A_1063 = arith.addi %iota3A, %parallel_loop3A_1062 : vector<16xi32>
        %parallel_loop3A_1064 = arith.constant 31 : i32
        %parallel_loop3A_1065 = vector.broadcast %parallel_loop3A_1064 : i32 to vector<16xi32>
        %parallel_loop3A_1066 = arith.andi %parallel_loop3A_1063, %parallel_loop3A_1065 : vector<16xi32>
        %parallel_loop3A_1067 = arith.addi %parallel_loop3A_160, %parallel_loop3A_1066 : vector<16xi32>
        %parallel_loop3A_1068 = arith.constant 32 : i32
        %parallel_loop3A_1069 = vector.broadcast %parallel_loop3A_1068 : i32 to vector<16xi32>
        %parallel_loop3A_1070 = arith.addi %parallel_loop3A_1067, %parallel_loop3A_1069 : vector<16xi32>
        %parallel_loop3A_1071 = tpu.vector_load_idx %arg5[%parallel_loop3A_1067] : memref<16640xf32, #tpu.memory_space<vmem>>[vector<16xi32>], vector<16xf32>,
        %parallel_loop3A_1072 = vector.bitcast %parallel_loop3A_1071 : vector<16xf32> to vector<32xbf16>
        %parallel_loop3A_1073 = tpu.vector_load_idx %arg5[%parallel_loop3A_1070] : memref<16640xf32, #tpu.memory_space<vmem>>[vector<16xi32>], vector<16xf32>,
        %parallel_loop3A_1074 = vector.bitcast %parallel_loop3A_1073 : vector<16xf32> to vector<32xbf16>
        %parallel_loop3A_1075 = tpu.vector_load_idx %arg6[%parallel_loop3A_1067] : memref<16576xf32, #tpu.memory_space<vmem>>[vector<16xi32>], vector<16xf32>,
        %parallel_loop3A_1076 = vector.bitcast %parallel_loop3A_1075 : vector<16xf32> to vector<32xbf16>
        %parallel_loop3A_1077 = tpu.vector_load_idx %arg6[%parallel_loop3A_1070] : memref<16576xf32, #tpu.memory_space<vmem>>[vector<16xi32>], vector<16xf32>,
        %parallel_loop3A_1078 = vector.bitcast %parallel_loop3A_1077 : vector<16xf32> to vector<32xbf16>
        %parallel_loop3A_1079 = arith.mulf %parallel_loop3A_154, %parallel_loop3A_1072 : vector<32xbf16>
        %parallel_loop3A_1080 = arith.mulf %parallel_loop3A_155, %parallel_loop3A_1074 : vector<32xbf16>
        %parallel_loop3A_1081 = arith.addf %parallel_loop3A_1079, %parallel_loop3A_1080 : vector<32xbf16>
        %parallel_loop3A_1082 = arith.mulf %parallel_loop3A_156, %parallel_loop3A_1076 : vector<32xbf16>
        %parallel_loop3A_1083 = arith.addf %parallel_loop3A_1081, %parallel_loop3A_1082 : vector<32xbf16>
        %parallel_loop3A_1084 = arith.mulf %parallel_loop3A_157, %parallel_loop3A_1078 : vector<32xbf16>
        %parallel_loop3A_1085 = arith.addf %parallel_loop3A_1083, %parallel_loop3A_1084 : vector<32xbf16>
        %parallel_loop3A_1086 = tpu.unpack_subelements %parallel_loop3A_1085, 0 {pack_format = #tpu.pack_format<interleaved>} : vector<32xbf16> -> vector<16xf32>
        %parallel_loop3A_1087 = tpu.unpack_subelements %parallel_loop3A_1085, 1 {pack_format = #tpu.pack_format<interleaved>} : vector<32xbf16> -> vector<16xf32>
        %parallel_loop3A_1088 = arith.addi %parallel_loop3A_1066, %parallel_loop3A_1066 : vector<16xi32>
        %parallel_loop3A_1089 = arith.addi %parallel_loop3A_164, %parallel_loop3A_1088 : vector<16xi32>
        tpu.vector_store_idx %arg10[%parallel_loop3A_1089], %parallel_loop3A_1086 : memref<32768xf32, #tpu.memory_space<vmem>>[vector<16xi32>], vector<16xf32>,
        %parallel_loop3A_1090 = arith.constant 1 : i32
        %parallel_loop3A_1091 = vector.broadcast %parallel_loop3A_1090 : i32 to vector<16xi32>
        %parallel_loop3A_1092 = arith.addi %parallel_loop3A_1089, %parallel_loop3A_1091 : vector<16xi32>
        tpu.vector_store_idx %arg10[%parallel_loop3A_1092], %parallel_loop3A_1087 : memref<32768xf32, #tpu.memory_space<vmem>>[vector<16xi32>], vector<16xf32>,
        %parallel_loop3A_1093 = arith.constant 29 : i32
        %parallel_loop3A_1094 = vector.broadcast %parallel_loop3A_1093 : i32 to vector<16xi32>
        %parallel_loop3A_1095 = arith.addi %iota3A, %parallel_loop3A_1094 : vector<16xi32>
        %parallel_loop3A_1096 = arith.constant 31 : i32
        %parallel_loop3A_1097 = vector.broadcast %parallel_loop3A_1096 : i32 to vector<16xi32>
        %parallel_loop3A_1098 = arith.andi %parallel_loop3A_1095, %parallel_loop3A_1097 : vector<16xi32>
        %parallel_loop3A_1099 = arith.addi %parallel_loop3A_160, %parallel_loop3A_1098 : vector<16xi32>
        %parallel_loop3A_1100 = arith.constant 32 : i32
        %parallel_loop3A_1101 = vector.broadcast %parallel_loop3A_1100 : i32 to vector<16xi32>
        %parallel_loop3A_1102 = arith.addi %parallel_loop3A_1099, %parallel_loop3A_1101 : vector<16xi32>
        %parallel_loop3A_1103 = tpu.vector_load_idx %arg5[%parallel_loop3A_1099] : memref<16640xf32, #tpu.memory_space<vmem>>[vector<16xi32>], vector<16xf32>,
        %parallel_loop3A_1104 = vector.bitcast %parallel_loop3A_1103 : vector<16xf32> to vector<32xbf16>
        %parallel_loop3A_1105 = tpu.vector_load_idx %arg5[%parallel_loop3A_1102] : memref<16640xf32, #tpu.memory_space<vmem>>[vector<16xi32>], vector<16xf32>,
        %parallel_loop3A_1106 = vector.bitcast %parallel_loop3A_1105 : vector<16xf32> to vector<32xbf16>
        %parallel_loop3A_1107 = tpu.vector_load_idx %arg6[%parallel_loop3A_1099] : memref<16576xf32, #tpu.memory_space<vmem>>[vector<16xi32>], vector<16xf32>,
        %parallel_loop3A_1108 = vector.bitcast %parallel_loop3A_1107 : vector<16xf32> to vector<32xbf16>
        %parallel_loop3A_1109 = tpu.vector_load_idx %arg6[%parallel_loop3A_1102] : memref<16576xf32, #tpu.memory_space<vmem>>[vector<16xi32>], vector<16xf32>,
        %parallel_loop3A_1110 = vector.bitcast %parallel_loop3A_1109 : vector<16xf32> to vector<32xbf16>
        %parallel_loop3A_1111 = arith.mulf %parallel_loop3A_154, %parallel_loop3A_1104 : vector<32xbf16>
        %parallel_loop3A_1112 = arith.mulf %parallel_loop3A_155, %parallel_loop3A_1106 : vector<32xbf16>
        %parallel_loop3A_1113 = arith.addf %parallel_loop3A_1111, %parallel_loop3A_1112 : vector<32xbf16>
        %parallel_loop3A_1114 = arith.mulf %parallel_loop3A_156, %parallel_loop3A_1108 : vector<32xbf16>
        %parallel_loop3A_1115 = arith.addf %parallel_loop3A_1113, %parallel_loop3A_1114 : vector<32xbf16>
        %parallel_loop3A_1116 = arith.mulf %parallel_loop3A_157, %parallel_loop3A_1110 : vector<32xbf16>
        %parallel_loop3A_1117 = arith.addf %parallel_loop3A_1115, %parallel_loop3A_1116 : vector<32xbf16>
        %parallel_loop3A_1118 = tpu.unpack_subelements %parallel_loop3A_1117, 0 {pack_format = #tpu.pack_format<interleaved>} : vector<32xbf16> -> vector<16xf32>
        %parallel_loop3A_1119 = tpu.unpack_subelements %parallel_loop3A_1117, 1 {pack_format = #tpu.pack_format<interleaved>} : vector<32xbf16> -> vector<16xf32>
        %parallel_loop3A_1120 = arith.addi %parallel_loop3A_1098, %parallel_loop3A_1098 : vector<16xi32>
        %parallel_loop3A_1121 = arith.addi %parallel_loop3A_164, %parallel_loop3A_1120 : vector<16xi32>
        tpu.vector_store_idx %arg10[%parallel_loop3A_1121], %parallel_loop3A_1118 : memref<32768xf32, #tpu.memory_space<vmem>>[vector<16xi32>], vector<16xf32>,
        %parallel_loop3A_1122 = arith.constant 1 : i32
        %parallel_loop3A_1123 = vector.broadcast %parallel_loop3A_1122 : i32 to vector<16xi32>
        %parallel_loop3A_1124 = arith.addi %parallel_loop3A_1121, %parallel_loop3A_1123 : vector<16xi32>
        tpu.vector_store_idx %arg10[%parallel_loop3A_1124], %parallel_loop3A_1119 : memref<32768xf32, #tpu.memory_space<vmem>>[vector<16xi32>], vector<16xf32>,
        %parallel_loop3A_1125 = arith.constant 30 : i32
        %parallel_loop3A_1126 = vector.broadcast %parallel_loop3A_1125 : i32 to vector<16xi32>
        %parallel_loop3A_1127 = arith.addi %iota3A, %parallel_loop3A_1126 : vector<16xi32>
        %parallel_loop3A_1128 = arith.constant 31 : i32
        %parallel_loop3A_1129 = vector.broadcast %parallel_loop3A_1128 : i32 to vector<16xi32>
        %parallel_loop3A_1130 = arith.andi %parallel_loop3A_1127, %parallel_loop3A_1129 : vector<16xi32>
        %parallel_loop3A_1131 = arith.addi %parallel_loop3A_160, %parallel_loop3A_1130 : vector<16xi32>
        %parallel_loop3A_1132 = arith.constant 32 : i32
        %parallel_loop3A_1133 = vector.broadcast %parallel_loop3A_1132 : i32 to vector<16xi32>
        %parallel_loop3A_1134 = arith.addi %parallel_loop3A_1131, %parallel_loop3A_1133 : vector<16xi32>
        %parallel_loop3A_1135 = tpu.vector_load_idx %arg5[%parallel_loop3A_1131] : memref<16640xf32, #tpu.memory_space<vmem>>[vector<16xi32>], vector<16xf32>,
        %parallel_loop3A_1136 = vector.bitcast %parallel_loop3A_1135 : vector<16xf32> to vector<32xbf16>
        %parallel_loop3A_1137 = tpu.vector_load_idx %arg5[%parallel_loop3A_1134] : memref<16640xf32, #tpu.memory_space<vmem>>[vector<16xi32>], vector<16xf32>,
        %parallel_loop3A_1138 = vector.bitcast %parallel_loop3A_1137 : vector<16xf32> to vector<32xbf16>
        %parallel_loop3A_1139 = tpu.vector_load_idx %arg6[%parallel_loop3A_1131] : memref<16576xf32, #tpu.memory_space<vmem>>[vector<16xi32>], vector<16xf32>,
        %parallel_loop3A_1140 = vector.bitcast %parallel_loop3A_1139 : vector<16xf32> to vector<32xbf16>
        %parallel_loop3A_1141 = tpu.vector_load_idx %arg6[%parallel_loop3A_1134] : memref<16576xf32, #tpu.memory_space<vmem>>[vector<16xi32>], vector<16xf32>,
        %parallel_loop3A_1142 = vector.bitcast %parallel_loop3A_1141 : vector<16xf32> to vector<32xbf16>
        %parallel_loop3A_1143 = arith.mulf %parallel_loop3A_154, %parallel_loop3A_1136 : vector<32xbf16>
        %parallel_loop3A_1144 = arith.mulf %parallel_loop3A_155, %parallel_loop3A_1138 : vector<32xbf16>
        %parallel_loop3A_1145 = arith.addf %parallel_loop3A_1143, %parallel_loop3A_1144 : vector<32xbf16>
        %parallel_loop3A_1146 = arith.mulf %parallel_loop3A_156, %parallel_loop3A_1140 : vector<32xbf16>
        %parallel_loop3A_1147 = arith.addf %parallel_loop3A_1145, %parallel_loop3A_1146 : vector<32xbf16>
        %parallel_loop3A_1148 = arith.mulf %parallel_loop3A_157, %parallel_loop3A_1142 : vector<32xbf16>
        %parallel_loop3A_1149 = arith.addf %parallel_loop3A_1147, %parallel_loop3A_1148 : vector<32xbf16>
        %parallel_loop3A_1150 = tpu.unpack_subelements %parallel_loop3A_1149, 0 {pack_format = #tpu.pack_format<interleaved>} : vector<32xbf16> -> vector<16xf32>
        %parallel_loop3A_1151 = tpu.unpack_subelements %parallel_loop3A_1149, 1 {pack_format = #tpu.pack_format<interleaved>} : vector<32xbf16> -> vector<16xf32>
        %parallel_loop3A_1152 = arith.addi %parallel_loop3A_1130, %parallel_loop3A_1130 : vector<16xi32>
        %parallel_loop3A_1153 = arith.addi %parallel_loop3A_164, %parallel_loop3A_1152 : vector<16xi32>
        tpu.vector_store_idx %arg10[%parallel_loop3A_1153], %parallel_loop3A_1150 : memref<32768xf32, #tpu.memory_space<vmem>>[vector<16xi32>], vector<16xf32>,
        %parallel_loop3A_1154 = arith.constant 1 : i32
        %parallel_loop3A_1155 = vector.broadcast %parallel_loop3A_1154 : i32 to vector<16xi32>
        %parallel_loop3A_1156 = arith.addi %parallel_loop3A_1153, %parallel_loop3A_1155 : vector<16xi32>
        tpu.vector_store_idx %arg10[%parallel_loop3A_1156], %parallel_loop3A_1151 : memref<32768xf32, #tpu.memory_space<vmem>>[vector<16xi32>], vector<16xf32>,
        %parallel_loop3A_1157 = arith.constant 31 : i32
        %parallel_loop3A_1158 = vector.broadcast %parallel_loop3A_1157 : i32 to vector<16xi32>
        %parallel_loop3A_1159 = arith.addi %iota3A, %parallel_loop3A_1158 : vector<16xi32>
        %parallel_loop3A_1160 = arith.constant 31 : i32
        %parallel_loop3A_1161 = vector.broadcast %parallel_loop3A_1160 : i32 to vector<16xi32>
        %parallel_loop3A_1162 = arith.andi %parallel_loop3A_1159, %parallel_loop3A_1161 : vector<16xi32>
        %parallel_loop3A_1163 = arith.addi %parallel_loop3A_160, %parallel_loop3A_1162 : vector<16xi32>
        %parallel_loop3A_1164 = arith.constant 32 : i32
        %parallel_loop3A_1165 = vector.broadcast %parallel_loop3A_1164 : i32 to vector<16xi32>
        %parallel_loop3A_1166 = arith.addi %parallel_loop3A_1163, %parallel_loop3A_1165 : vector<16xi32>
        %parallel_loop3A_1167 = tpu.vector_load_idx %arg5[%parallel_loop3A_1163] : memref<16640xf32, #tpu.memory_space<vmem>>[vector<16xi32>], vector<16xf32>,
        %parallel_loop3A_1168 = vector.bitcast %parallel_loop3A_1167 : vector<16xf32> to vector<32xbf16>
        %parallel_loop3A_1169 = tpu.vector_load_idx %arg5[%parallel_loop3A_1166] : memref<16640xf32, #tpu.memory_space<vmem>>[vector<16xi32>], vector<16xf32>,
        %parallel_loop3A_1170 = vector.bitcast %parallel_loop3A_1169 : vector<16xf32> to vector<32xbf16>
        %parallel_loop3A_1171 = tpu.vector_load_idx %arg6[%parallel_loop3A_1163] : memref<16576xf32, #tpu.memory_space<vmem>>[vector<16xi32>], vector<16xf32>,
        %parallel_loop3A_1172 = vector.bitcast %parallel_loop3A_1171 : vector<16xf32> to vector<32xbf16>
        %parallel_loop3A_1173 = tpu.vector_load_idx %arg6[%parallel_loop3A_1166] : memref<16576xf32, #tpu.memory_space<vmem>>[vector<16xi32>], vector<16xf32>,
        %parallel_loop3A_1174 = vector.bitcast %parallel_loop3A_1173 : vector<16xf32> to vector<32xbf16>
        %parallel_loop3A_1175 = arith.mulf %parallel_loop3A_154, %parallel_loop3A_1168 : vector<32xbf16>
        %parallel_loop3A_1176 = arith.mulf %parallel_loop3A_155, %parallel_loop3A_1170 : vector<32xbf16>
        %parallel_loop3A_1177 = arith.addf %parallel_loop3A_1175, %parallel_loop3A_1176 : vector<32xbf16>
        %parallel_loop3A_1178 = arith.mulf %parallel_loop3A_156, %parallel_loop3A_1172 : vector<32xbf16>
        %parallel_loop3A_1179 = arith.addf %parallel_loop3A_1177, %parallel_loop3A_1178 : vector<32xbf16>
        %parallel_loop3A_1180 = arith.mulf %parallel_loop3A_157, %parallel_loop3A_1174 : vector<32xbf16>
        %parallel_loop3A_1181 = arith.addf %parallel_loop3A_1179, %parallel_loop3A_1180 : vector<32xbf16>
        %parallel_loop3A_1182 = tpu.unpack_subelements %parallel_loop3A_1181, 0 {pack_format = #tpu.pack_format<interleaved>} : vector<32xbf16> -> vector<16xf32>
        %parallel_loop3A_1183 = tpu.unpack_subelements %parallel_loop3A_1181, 1 {pack_format = #tpu.pack_format<interleaved>} : vector<32xbf16> -> vector<16xf32>
        %parallel_loop3A_1184 = arith.addi %parallel_loop3A_1162, %parallel_loop3A_1162 : vector<16xi32>
        %parallel_loop3A_1185 = arith.addi %parallel_loop3A_164, %parallel_loop3A_1184 : vector<16xi32>
        tpu.vector_store_idx %arg10[%parallel_loop3A_1185], %parallel_loop3A_1182 : memref<32768xf32, #tpu.memory_space<vmem>>[vector<16xi32>], vector<16xf32>,
        %parallel_loop3A_1186 = arith.constant 1 : i32
        %parallel_loop3A_1187 = vector.broadcast %parallel_loop3A_1186 : i32 to vector<16xi32>
        %parallel_loop3A_1188 = arith.addi %parallel_loop3A_1185, %parallel_loop3A_1187 : vector<16xi32>
        tpu.vector_store_idx %arg10[%parallel_loop3A_1188], %parallel_loop3A_1183 : memref<32768xf32, #tpu.memory_space<vmem>>[vector<16xi32>], vector<16xf32>,
      } {sc.loop_unroll_factor = 2 : i64, sc.parallel_access}
      %mul3A_73 = arith.constant 512 : i32
      %mul3A_74 = arith.muli %add3A_59, %mul3A_73 : i32
      %add3A_75 = arith.addi %mul3A_2, %mul3A_74 : i32
      %mul3A_76 = arith.constant 64 : i32
      %mul3A_77 = arith.muli %add3A_75, %mul3A_76 : i32
      %dma_start3A_78 = tpu.memref_slice %arg4[%mul3A_77] : memref<33554432xf32, #tpu.memory_space<hbm>> -> memref<32768xf32, #tpu.memory_space<hbm>>
      %dma_start3A_79 = tpu.memref_slice %arg4[%mul3A_77] : memref<33554432xf32, #tpu.memory_space<hbm>> -> memref<32768xf32, #tpu.memory_space<hbm>>
      tpu.enqueue_dma source(%arg10 : memref<32768xf32, #tpu.memory_space<vmem>>) target(%dma_start3A_79 : memref<32768xf32, #tpu.memory_space<hbm>>) target_semaphore(%arg14 : memref<!tpu.dma_semaphore, #tpu.memory_space<semaphore_mem>>)
      %add3A_80 = arith.constant 2 : i32
      %add3A_81 = arith.addi %add3A_59, %add3A_80 : i32
      %lt3A_82 = arith.constant 32 : i32
      %lt3A_83 = arith.cmpi slt, %add3A_81, %lt3A_82 : i32
      %convert_element_type3A_84 = arith.extui %lt3A_83 : i1 to i32
      %cond3A_85 = arith.constant 0 : i32
      %cond3A_86 = arith.cmpi ne, %convert_element_type3A_84, %cond3A_85 : i32
      scf.if %cond3A_86 {
        %add3A_88 = arith.constant 2 : i32
        %add3A_89 = arith.addi %add3A_59, %add3A_88 : i32
        %mul3A_90 = arith.constant 512 : i32
        %mul3A_91 = arith.muli %add3A_89, %mul3A_90 : i32
        %add3A_92 = arith.addi %mul3A_2, %mul3A_91 : i32
        %dma_start3A_93 = tpu.memref_slice %arg2[%add3A_92] : memref<524288xf32, #tpu.memory_space<hbm>> -> memref<512xf32, #tpu.memory_space<hbm>>
        %dma_start3A_94 = tpu.memref_slice %arg2[%add3A_92] : memref<524288xf32, #tpu.memory_space<hbm>> -> memref<512xf32, #tpu.memory_space<hbm>>
        tpu.enqueue_dma source(%dma_start3A_94 : memref<512xf32, #tpu.memory_space<hbm>>) target(%arg8 : memref<512xf32, #tpu.memory_space<vmem>>) target_semaphore(%arg12 : memref<!tpu.dma_semaphore, #tpu.memory_space<semaphore_mem>>)
      } else {
      }
      %scan3A_87 = arith.constant 0 : i32
      scf.yield %scan3A_87 : i32
    }
    %scan3A_18 = arith.constant 16 : i32
    %add3A_19 = arith.constant 15360 : i32
    %add3A_20 = arith.addi %mul3A_2, %add3A_19 : i32
    %mul3A_21 = arith.constant 64 : i32
    %mul3A_22 = arith.muli %add3A_20, %mul3A_21 : i32
    %dma_wait3A = tpu.memref_slice %arg4[%mul3A_22] : memref<33554432xf32, #tpu.memory_space<hbm>> -> memref<32768xf32, #tpu.memory_space<hbm>>
    %dma_wait3A_23 = tpu.memref_slice %arg4[%mul3A_22] : memref<33554432xf32, #tpu.memory_space<hbm>> -> memref<32768xf32, #tpu.memory_space<hbm>>
    tpu.wait_dma2 semaphore(%arg13 : memref<!tpu.dma_semaphore, #tpu.memory_space<semaphore_mem>>) src(%arg9 : memref<32768xf32, #tpu.memory_space<vmem>>) dst(%dma_wait3A_23 : memref<32768xf32, #tpu.memory_space<hbm>>)
    %add3A_24 = arith.constant 15872 : i32
    %add3A_25 = arith.addi %mul3A_2, %add3A_24 : i32
    %mul3A_26 = arith.constant 64 : i32
    %mul3A_27 = arith.muli %add3A_25, %mul3A_26 : i32
    %dma_wait3A_28 = tpu.memref_slice %arg4[%mul3A_27] : memref<33554432xf32, #tpu.memory_space<hbm>> -> memref<32768xf32, #tpu.memory_space<hbm>>
    %dma_wait3A_29 = tpu.memref_slice %arg4[%mul3A_27] : memref<33554432xf32, #tpu.memory_space<hbm>> -> memref<32768xf32, #tpu.memory_space<hbm>>
    tpu.wait_dma2 semaphore(%arg14 : memref<!tpu.dma_semaphore, #tpu.memory_space<semaphore_mem>>) src(%arg10 : memref<32768xf32, #tpu.memory_space<vmem>>) dst(%dma_wait3A_29 : memref<32768xf32, #tpu.memory_space<hbm>>)
    return
  }
}

module attributes {stable_mosaic.version = 14 : i64} {
  func.func @_coefs_body(%arg0: memref<520x512xf32, #tpu.memory_space<vmem>>, %arg1: memref<64x512xf32, #tpu.memory_space<vmem>>, %arg2: memref<520x64xf32, #tpu.memory_space<vmem>>) attributes {dimension_semantics = [], scalar_prefetch = 0 : i64, scratch_operands = 0 : i64, tpu.core_type = #tpu.core_type<tc>} {
    %get3A = arith.constant 0 : index
    %get3A_0 = arith.constant 0 : index
    %get3A_1 = vector.load %arg0[%get3A, %get3A_0] : memref<520x512xf32, #tpu.memory_space<vmem>>, vector<520x512xf32>
    %get3A_2 = arith.constant 0 : index
    %get3A_3 = arith.constant 0 : index
    %get3A_4 = vector.load %arg1[%get3A_2, %get3A_3] : memref<64x512xf32, #tpu.memory_space<vmem>>, vector<64x512xf32>
    %dot_general3A = arith.constant dense<0.000000e+00> : vector<520x64xf32>
    %dot_general3A_5 = tpu.matmul %get3A_1, %get3A_4, %dot_general3A {dimension_numbers = #tpu.dot_dimension_numbers<[1], [1], [0], [0], [0, 0, 1, 0], [], []>, transpose_lhs_hint = false} : vector<520x512xf32>, vector<64x512xf32>, vector<520x64xf32> -> vector<520x64xf32>
    %swap3A = arith.constant 0 : index
    %swap3A_6 = arith.constant 0 : index
    %swap3A_7 = vector.load %arg2[%swap3A, %swap3A_6] : memref<520x64xf32, #tpu.memory_space<vmem>>, vector<520x64xf32>
    tpu.vector_store %arg2[%swap3A, %swap3A_6], %dot_general3A_5 {strides = array<i32>} : memref<520x64xf32, #tpu.memory_space<vmem>>, vector<520x64xf32>,
    return
  }
}

</mosaic_0001>

<sc_bundles>
// kernel: kernel.4.cloned.1.call-start
scs
__scs_entry_jumppad:
0x0: {  	(pc) =	sbr.rel $0x88, $3  }
0x1: {  	(tag) =	ssettag $0x0;
	lr =	simm.s32 $0x1  }
0x2: {  	[smem:$0x3F9F] =	sst lr;
	_ =	strace $0xD0000000  }
0x3: {  	_ = 	snop  }
0x4: {  	_ = 	snop  }
0x5: {  	_ = 	snop  }
0x6: {  	_ = 	snop  }
0x7: {  	_ = 	snop  }
__scs_overlays_trampoline_lowered:
0x8: {  	[smem:$0x3FAE] =	sst s0  }
0x9: {  	[smem:$0x3FAF] =	sst s1  }
0xa: {  	[smem:$0x3FB0] =	sst s2  }
0xb: {  	[smem:$0x3FB1] =	sst s3  }
0xc: {  	[smem:$0x3FB2] =	sst s4  }
0xd: {  	[smem:$0x3FB3] =	sst s5  }
0xe: {  	[smem:$0x3FB4] =	sst s6  }
0xf: {  	[smem:$0x3FB5] =	sst s7  }
0x10: {  	[smem:$0x3FB6] =	sst s8  }
0x11: {  	[smem:$0x3FB7] =	sst s9;
	s0 =	simm.s32 @!p0 $0x0  }
0x12: {  	s1 =	sld [smem:$0x3F9D];
	s0 =	simm.s32 @p0 $0x1  }
0x13: {  	[smem:$0x3FB8] =	sst s0;
	s0 =	simm.s32 @!p1 $0x0  }
0x14: {  	s2 =	sld [smem:$0x3F9C];
	s0 =	simm.s32 @p1 $0x1  }
0x15: {  	[smem:$0x3FB9] =	sst s0;
	s0 =	simm.s32 @!p2 $0x0  }
0x16: {  	s3 =	sld [smem:$0x3FDB];
	s0 =	simm.s32 @p2 $0x1  }
0x17: {  	s4 =	simm.s32 $0x1BF5;
	[smem:$0x3FBB] =	sst s0  }
0x18: {  	s0 =	sld [smem:$0x3F9E];
	_ =	swait.ge [sflag:s4], $0x0  }
0x19: {  	s7 =	sld [smem:$0x3F9F]  }
0x1a: {  	s8 =	sadd.s32 $0xFFFFE003, lr  }
0x1b: {  	s9 =	sadd.s32 $0xFFFFFEF7, lr;
	s5 =	simm.s32 $0xFFFFFFFF;
	p2 =	slt.u32 s8, $0xFFFFF086  }
0x1c: {  	p1 =	slt.u32 s9, $0xF7A;
	s5 =	simm.s32 @!p2 $0x0  }
0x1d: {  	s5 =	simm.s32 @p1 $0x1;
	p0 =	seq.s32 s7, s2  }
0x1e: {  	s7 =	smul.u32 @!p0 $0xF7A, s2;
	p2 =	seq.s32 @!p0 s5, $0x0  }
0x1f: {  	s9 =	smul.u32 $0xF7A, s1;
	s8 =	simm.s32 @!p0 $0x1BF5;
	p2 =	por !p2, p0  }
0x20: {  	[sflag:s8] =	ssyncset.s32 @!p0 $0xFFFFF086;
	s6 =	sadd.s32 @!p0 s3, s7;
	s7 =	simm.s32 @!p0 $0x108  }
0x21: {  	s3 =	sadd.s32 s3, s9;
	s6 =	sadd.s32 @!p0 $0x88, s6;
	s7 =	simm.s32 @p2 $0x1082  }
0x22: {  	[simem:s7], [sflag:s8] =	dma.local @!p0 [hbm:s6], $0xF7A  }
0x23: {  	s9 =	sor.u32 $0xD0000000, s2;
	s6 =	simm.s32 $0x108;
	_ =	swait.ge @!p0 [sflag:s8], $0x0  }
0x24: {  	s3 =	sadd.s32 $0x88, s3;
	s6 =	simm.s32 @!p1 $0x1082;
	[sflag:s4] =	ssyncset.s32 $0xFFFFF086  }
0x25: {  	[simem:s6], [sflag:s4] =	dma.local [hbm:s3], $0xF7A  }
0x26: {  	[smem:$0x3F9F] =	sst s1;
	(tag) =	ssettag s2;
	_ =	strace s9  }
0x27: {  	s1 =	sld [smem:$0x3FAF]  }
0x28: {  	s2 =	sld [smem:$0x3FB0]  }
0x29: {  	s4 =	sld [smem:$0x3FB2]  }
0x2a: {  	p0 =	seq.s32 s5, $0x0;
	s5 =	sld [smem:$0x3FB3]  }
0x2b: {  	s6 =	sld [smem:$0x3FB4]  }
0x2c: {  	s7 =	sld [smem:$0x3FB5]  }
0x2d: {  	s3 =	simm.s32 $0x108;
	s8 =	sld [smem:$0x3FB6]  }
0x2e: {  	s3 =	simm.s32 @!p0 $0x1082;
	s9 =	sld [smem:$0x3FB7]  }
0x2f: {  	lr =	sadd.s32 s0, s3;
	s0 =	sld [smem:$0x3FAE]  }
0x30: {  	s3 =	sld [smem:$0x3FB1]  }
0x31: {  	[smem:$0x3FBA] =	sst s10  }
0x32: {  	s10 =	sld [smem:$0x3FB8];
	_ =	sdelay $0x3  }
0x33: {  	p0 =	seq.s32 s10, $0x1;
	s10 =	sld [smem:$0x3FBA];
	_ =	sdelay $0x3  }
0x34: {  	[smem:$0x3FBA] =	sst s10  }
0x35: {  	s10 =	sld [smem:$0x3FB9];
	_ =	sdelay $0x3  }
0x36: {  	p1 =	seq.s32 s10, $0x1;
	s10 =	sld [smem:$0x3FBA];
	_ =	sdelay $0x3  }
0x37: {  	[smem:$0x3FBA] =	sst s10  }
0x38: {  	s10 =	sld [smem:$0x3FBB]  }
0x39: {  	_ = 	snop;
	(pc) =	sbr.ind lr, $3  }
0x3a: {  	_ = 	snop  }
0x3b: {  	_ = 	snop  }
0x3c: {  	p2 =	seq.s32 s10, $0x1;
	s10 =	sld [smem:$0x3FBA]  }
0x3d: {  	_ =	shalt  }
0x3e: {  	_ =	shalt  }
0x3f: {  	_ =	shalt  }
0x40: {  	_ =	shalt  }
0x41: {  	_ =	shalt  }
0x42: {  	_ =	shalt  }
0x43: {  	_ =	shalt  }
0x44: {  	_ =	shalt  }
0x45: {  	_ =	shalt  }
0x46: {  	_ =	shalt  }
0x47: {  	_ =	shalt  }
0x48: {  	_ =	shalt  }
0x49: {  	_ =	shalt  }
0x4a: {  	_ =	shalt  }
0x4b: {  	_ =	shalt  }
0x4c: {  	_ =	shalt  }
0x4d: {  	_ =	shalt  }
0x4e: {  	_ =	shalt  }
0x4f: {  	_ =	shalt  }
0x50: {  	_ =	shalt  }
0x51: {  	_ =	shalt  }
0x52: {  	_ =	shalt  }
0x53: {  	_ =	shalt  }
0x54: {  	_ =	shalt  }
0x55: {  	_ =	shalt  }
0x56: {  	_ =	shalt  }
0x57: {  	_ =	shalt  }
0x58: {  	_ =	shalt  }
0x59: {  	_ =	shalt  }
0x5a: {  	_ =	shalt  }
0x5b: {  	_ =	shalt  }
0x5c: {  	_ =	shalt  }
0x5d: {  	_ =	shalt  }
0x5e: {  	_ =	shalt  }
0x5f: {  	_ =	shalt  }
0x60: {  	_ =	shalt  }
0x61: {  	_ =	shalt  }
0x62: {  	_ =	shalt  }
0x63: {  	_ =	shalt  }
0x64: {  	_ =	shalt  }
0x65: {  	_ =	shalt  }
0x66: {  	_ =	shalt  }
0x67: {  	_ =	shalt  }
0x68: {  	_ =	shalt  }
0x69: {  	_ =	shalt  }
0x6a: {  	_ =	shalt  }
0x6b: {  	_ =	shalt  }
0x6c: {  	_ =	shalt  }
0x6d: {  	_ =	shalt  }
0x6e: {  	_ =	shalt  }
0x6f: {  	_ =	shalt  }
0x70: {  	_ =	shalt  }
0x71: {  	_ =	shalt  }
0x72: {  	_ =	shalt  }
0x73: {  	_ =	shalt  }
0x74: {  	_ =	shalt  }
0x75: {  	_ =	shalt  }
0x76: {  	_ =	shalt  }
0x77: {  	_ =	shalt  }
0x78: {  	_ =	shalt  }
0x79: {  	_ =	shalt  }
0x7a: {  	_ =	shalt  }
0x7b: {  	_ =	shalt  }
0x7c: {  	_ =	shalt  }
0x7d: {  	_ =	shalt  }
0x7e: {  	_ =	shalt  }
0x7f: {  	_ =	shalt  }
0x80: {  	_ =	shalt  }
0x81: {  	_ =	shalt  }
0x82: {  	_ =	shalt  }
0x83: {  	_ =	shalt  }
0x84: {  	_ =	shalt  }
0x85: {  	_ =	shalt  }
0x86: {  	_ =	shalt  }
0x87: {  	_ =	shalt  }
.Lfunc_end0:
.L_simem_size_0:
called_computation.1_lowered:
.L_overlay_start_0:
0x88: {  	s2 =	sld [smem:$0x3FD9]  }
0x89: {  	s3 =	sld [smem:$0x3FFE];
	_ =	sdelay $0x1  }
0x8a: {  	s1 =	srdreg.scid  }
0x8b: {  	s0 =	sand.u32 $0x1, s1  }
0x8c: {  	s17 =	sshll.u32 s0, $0xA;
	s2 =	sadd.s32 s3, s2  }
0x8d: {  	s2 =	sadd.s32 s2, s17  }
0x8e: {  	[smem:$0x3FC6] =	sst s2  }
0x8f: {  	_ = 	snop  }
0x90: {  	s2 =	sld [smem:$0x3FC9]  }
0x91: {  	s18 =	sld [smem:$0x3FD0];
	(tm) =	ssettm $0x1  }
0x92: {  	s4 =	sld [smem:$0x3FFB];
	_ =	sdelay $0x3  }
0x93: {  	_ =	strace s4  }
0x94: {  	s4 =	sld [smem:$0x3FFC];
	_ =	sdelay $0x3  }
0x95: {  	_ =	strace s4  }
0x96: {  	s4 =	sld [smem:$0x3FFD];
	_ =	sdelay $0x3  }
0x97: {  	_ =	strace s4  }
0x98: {  	_ =	strace $0x8FFFFFFF  }
0x99: {  	s19 =	sld [smem:$0x3FDB];
	_ =	sdelay $0x1  }
0x9a: {  	s5 =	simm.s32 $_scs_section_size  }
0x9b: {  	s6 =	simm.s32 $_size__tile_overlayer_lowered;
	s7 =	simm.s32 $_tile_overlayer_lowered  }
0x9c: {  	s22 =	simm.s32 $0x1BFF;
	s21 =	sshll.u32 s7, $0x1;
	s4 =	sadd.s32 s5, s19  }
0x9d: {  	s8 =	simm.s32 $0x0;
	s20 =	sshll.u32 s6, $0x1;
	s6 =	sadd.s32 s21, s4  }
0x9e: {  	[timem:s8], [sflag:s22] =	dma.local [hbm:s6], s20  }
0x9f: {  	_ =	swait.ge [sflag:s22], s20  }
0xa0: {  	s5 =	ssub.s32 $0x0, s20;
	[sflag:s22] =	ssyncset.done $0x0  }
0xa1: {  	[sflag:s22] =	ssyncadd.s32 s5;
	_ =	sdelay $0x1  }
0xa2: {  	s23 =	simm.s32 $0x1B8B  }
0xa3: {  	_ =	swait.ge [sflag:s23], $0x1  }
0xa4: {  	[sflag:s23] =	ssyncset.done $0x0  }
0xa5: {  	s25 =	simm.s32 $0x1B8E;
	s24 =	sld [smem:$0x3FFE];
	[sflag:s23] =	ssyncadd.s32 $0xFFFFFFFF  }
0xa6: {  	s26 =	simm.s32 $execute0_lowered;
	[smem:$0x3FD2] =	sst s25  }
0xa7: {  	s6 =	sshll.u32 s26, $0x1;
	_ =	strace $0x80000046;
	[dreg:$0x1] =	wrdreg $0xFFFFFFFF  }
0xa8: {  	s28 =	simm.s32 $_size_execute0_lowered;
	s4 =	sadd.s32 s4, s6;
	[dreg:$0x0] =	wrdreg $0x0  }
0xa9: {  	s6 =	sshll.u32 s28, $0x1;
	[dreg:$0x2] =	wrdreg s4  }
0xaa: {  	[dreg:$0x3] =	wrdreg s6  }
0xab: {  	[dreg:$0x4] =	wrdreg $0xC0  }
0xac: {  	_ =	task [dreg:s8], $0x5FFFF  }
0xad: {  	[dreg:$0x1] =	wrdreg $0xFFFFFFFF  }
0xae: {  	[dreg:$0x0] =	wrdreg $0x60  }
0xaf: {  	[dreg:$0x2] =	wrdreg s2  }
0xb0: {  	[dreg:$0x3] =	wrdreg s24  }
0xb1: {  	[dreg:$0x4] =	wrdreg s18  }
0xb2: {  	[dreg:$0x5] =	wrdreg $0x9  }
0xb3: {  	_ =	task.clear_ibuf [dreg:s8], $0x6FFFF;
	_ =	strace $0x90000046  }
0xb4: {  	s29 =	simm.s32 $0x9;
	_ =	strace $0x80000048  }
0xb5: {  	_ =	swait.ge [sflag:s29], $0x1  }
0xb6: {  	[sflag:s29] =	ssyncadd.s32 $0xFFFFFFFF  }
0xb7: {  	_ =	strace $0x90000048  }
0xb8: {  	_ =	sfence  }
0xb9: {  	s30 =	sld [smem:$0x0];
	_ =	sdelay $0x2  }
0xba: {  	s31 =	sshll.u32 s1, $0xD;
	s1 =	sshrl.u32 s1, $0x2  }
0xbb: {  	s3 =	sand.u32 $0x4000, s31;
	s1 =	sadd.s32 s1, s30  }
0xbc: {  	s0 =	sor.u32 s3, s0;
	s1 =	sshll.u32 s1, $0x11  }
0xbd: {  	s0 =	sor.u32 s1, s0  }
0xbe: {  	s0 =	sadd.s32 $0x8F2B, s0  }
0xbf: {  	[sflag:s0] =	ssyncadd.remote.s32 $0x1  }
0xc0: {  	_ =	sfence.sel $0xFFFF  }
0xc1: {  	[dreg:$0x0] =	wrdreg $0xFFFFFFFF;
	(pc) =	sbr.abs _section_cstart, $3  }
0xc2: {  	[dreg:$0x1] =	wrdreg $0xFFFFFFFF  }
0xc3: {  	_ =	task.clear_ibuf [dreg:s8], $0x2FFFF;
	_ =	strace $0x9FFFFFFF  }
0xc4: {  	(tm) =	ssettm $0x7FFFFFFF  }
0xc5: {  	_ =	shalt  }
tec
execute0_lowered:
.L_overlay_start_1:
0x0: {  	(tag) =	ssettag $0x1  }
0x1: {  	vm2 =	vcmask $0x300  }
0x2: {  	v0 =	vimm.s32 $0xFFFFFBDE;
	vm1 =	vcmask $0x704;
	v1 =	vimm.s32 $0x1F1E1D  }
0x3: {  	v2 =	vimm.s32 $0x32107654;
	v26 =	vimm.s32 $0x1001F1E;
	v27 =	vimm.s32 $0x201001F  }
0x4: {  	v3 =	vimm.s32 $0x43218765;
	v4 =	vimm.s32 $0x1F1E1D1C;
	v28 =	vimm.s32 $0x54329876  }
0x5: {  	vm0 =	vcmask $0x2F10;
	v29 =	vimm.s32 $0xB0A0908;
	v5 =	vimm.s32 $0x6543A987  }
0x6: {  	v6 =	vimm.s32 $0xC0B0A09;
	v30 =	vimm.s32 $0xD0C0B0A;
	v8 =	vimm.s32 $0xE0D0C0B  }
0x7: {  	v33 =	vimm.s32 $0xFFFFFBE0;
	v34 =	vimm.s32 $0xFFFFFBE2;
	v35 =	vimm.s32 $0xFFFFFBE4  }
0x8: {  	v36 =	vimm.s32 $0xFFFFFBE6;
	v37 =	vimm.s32 $0xFFFFFBE8;
	v38 =	vimm.s32 $0xFFFFFBEA  }
0x9: {  	v39 =	vimm.s32 $0xFFFFFBEC;
	v40 =	vimm.s32 $0xFFFFFBEE;
	v9 =	vimm.s32 $0xFFFFFBF0  }
0xa: {  	v10 =	vimm.s32 $0xFFFFFBF2;
	v11 =	vimm.s32 $0xFFFFFBF4;
	v12 =	vimm.s32 $0xFFFFFBF6  }
0xb: {  	v13 =	vimm.s32 $0xFFFFFBF8;
	v14 =	vimm.s32 $0xFFFFFBFA;
	v15 =	vimm.s32 $0xFFFFFBFC  }
0xc: {  	v16 =	vimm.s32 $0xFFFFFBFE;
	v17 =	vimm.s32 $0xFFFFFBC0;
	v18 =	vimm.s32 $0xFFFFFBC2  }
0xd: {  	v19 =	vimm.s32 $0xFFFFFBC4;
	v20 =	vimm.s32 $0xFFFFFBC6;
	v21 =	vimm.s32 $0xFFFFFBC8  }
0xe: {  	v22 =	vimm.s32 $0xFFFFFBCA;
	v23 =	vimm.s32 $0xFFFFFBCC;
	v24 =	vimm.s32 $0xFFFFFBCE  }
0xf: {  	v25 =	vimm.s32 $0xFFFFFBD0;
	vm3 =	vcmask $0xF0C;
	v45 =	vimm.s32 $0xE8A66422  }
0x10: {  	v0 =	vsel vm2, $0xFFFFFB80, v0;
	v63 =	vunpack.c.0.s8.s32 v1;
	v2 =	vunpack.c.l.s4.s8 v2  }
0x11: {  	v7 =	vunpack.c.0.s8.s32 v26;
	v3 =	vunpack.c.l.s4.s8 v3;
	v62 =	vunpack.c.0.s8.s32 v27  }
0x12: {  	v42 =	vunpack.c.0.s8.s32 v4;
	v1 =	vunpack.c.l.s4.s8 v28;
	v5 =	vunpack.c.l.s4.s8 v5  }
0x13: {  	v4 =	vunpack.c.0.s8.s32 v29;
	v6 =	vunpack.c.0.s8.s32 v6;
	v8 =	vunpack.c.0.s8.s32 v8  }
0x14: {  	v9 =	vsel vm2, $0xFFFFFB92, v9;
	v10 =	vsel vm2, $0xFFFFFB94, v10;
	v11 =	vsel vm2, $0xFFFFFB96, v11  }
0x15: {  	v12 =	vsel vm2, $0xFFFFFB98, v12;
	v13 =	vsel vm2, $0xFFFFFB9A, v13;
	v14 =	vsel vm2, $0xFFFFFB9C, v14  }
0x16: {  	v15 =	vsel vm2, $0xFFFFFB9E, v15;
	v16 =	vsel vm2, $0xFFFFFBA0, v16;
	v17 =	vsel vm2, $0xFFFFFBA2, v17  }
0x17: {  	v18 =	vsel vm2, $0xFFFFFBA4, v18;
	v19 =	vsel vm2, $0xFFFFFBA6, v19;
	v20 =	vsel vm2, $0xFFFFFBA8, v20  }
0x18: {  	v21 =	vsel vm2, $0xFFFFFBAA, v21;
	v22 =	vsel vm2, $0xFFFFFBAC, v22;
	v23 =	vsel vm2, $0xFFFFFBAE, v23  }
0x19: {  	v24 =	vsel vm2, $0xFFFFFBB0, v24;
	v25 =	vsel vm2, $0xFFFFFBB2, v25;
	v26 =	vimm.s32 $0xFFFFFBD2  }
0x1a: {  	v27 =	vimm.s32 $0xFFFFFBD4;
	v28 =	vimm.s32 $0xFFFFFBD6;
	v29 =	vimm.s32 $0xFFFFFBD8  }
0x1b: {  	v0 =	vsel vm1, $0xFFFFFBC2, v0;
	v26 =	vsel vm2, $0xFFFFFBB4, v26;
	v27 =	vsel vm2, $0xFFFFFBB6, v27  }
0x1c: {  	v28 =	vsel vm2, $0xFFFFFBB8, v28;
	v29 =	vsel vm2, $0xFFFFFBBA, v29;
	v9 =	vsel vm1, $0xFFFFFBD4, v9  }
0x1d: {  	v11 =	vsel vm1, $0xFFFFFBD8, v11;
	v15 =	vsel vm1, $0xFFFFFBE0, v15;
	v17 =	vsel vm1, $0xFFFFFBE4, v17  }
0x1e: {  	v19 =	vsel vm1, $0xFFFFFBE8, v19;
	v22 =	vsel vm1, $0xFFFFFBEE, v22;
	v23 =	vsel vm1, $0xFFFFFBF0, v23  }
0x1f: {  	v24 =	vsel vm1, $0xFFFFFBF2, v24;
	v25 =	vsel vm1, $0xFFFFFBF4, v25;
	v2 =	vunpack.c.0.s8.s32 v2  }
0x20: {  	v3 =	vunpack.c.0.s8.s32 v3;
	v1 =	vunpack.c.0.s8.s32 v1;
	v5 =	vunpack.c.0.s8.s32 v5  }
0x21: {  	v26 =	vsel vm1, $0xFFFFFBF6, v26;
	v27 =	vsel vm1, $0xFFFFFBF8, v27;
	v28 =	vsel vm1, $0xFFFFFBFA, v28  }
0x22: {  	v29 =	vsel vm1, $0xFFFFFBFC, v29;
	v2 =	vand.u32 $0xF, v2;
	v3 =	vand.u32 $0xF, v3  }
0x23: {  	v1 =	vand.u32 $0xF, v1;
	v5 =	vand.u32 $0xF, v5;
	v2 =	vsel vm0, v2, v42  }
0x24: {  	[tilespmem:$0x1F760] =	vst v7;
	v3 =	vsel vm0, v3, v63;
	v1 =	vsel vm0, v1, v7;
	v7 =	vunpack.c.0.s8.s32 v30  }
0x25: {  	v5 =	vsel vm0, v5, v62;
	vm0 =	vcmask $0x3F30;
	v30 =	vimm.s32 $0xFFFFFBDA  }
0x26: {  	v2 =	vsel vm0, v4, v2;
	v31 =	vsel vm0, v6, v3;
	v32 =	vsel vm0, v8, v5  }
0x27: {  	v3 =	vsel vm2, $0xFFFFFB86, v35;
	v4 =	vsel vm2, $0xFFFFFB88, v36;
	v5 =	vsel vm2, $0xFFFFFB8A, v37  }
0x28: {  	v6 =	vsel vm2, $0xFFFFFB8C, v38;
	v8 =	vsel vm2, $0xFFFFFB90, v40;
	v30 =	vsel vm2, $0xFFFFFBBC, v30  }
0x29: {  	v35 =	vsel vm1, $0xFFFFFBDE, v14;
	v36 =	vsel vm1, $0xFFFFFBE2, v16;
	v37 =	vsel vm1, $0xFFFFFBE6, v18  }
0x2a: {  	v38 =	vsel vm1, $0xFFFFFBEA, v20;
	[tilespmem:$0x1F3B0] =	vst v2;
	v1 =	vsel vm0, v7, v1;
	vm0 =	vcmask $0xB08  }
0x2b: {  	[tilespmem:$0x1F3C0] =	vst v31;
	v2 =	vsel vm2, $0xFFFFFB84, v34;
	v7 =	vsel vm2, $0xFFFFFB8E, v39;
	v31 =	vimm.s32 $0xFFFFFBDC  }
0x2c: {  	v3 =	vsel vm1, $0xFFFFFBC8, v3;
	v4 =	vsel vm1, $0xFFFFFBCA, v4;
	v5 =	vsel vm1, $0xFFFFFBCC, v5  }
0x2d: {  	[tilespmem:$0x1F3E0] =	vst v32;
	v6 =	vsel vm1, $0xFFFFFBCE, v6;
	v8 =	vsel vm1, $0xFFFFFBD2, v8;
	v32 =	vsel vm1, $0xFFFFFBD6, v10  }
0x2e: {  	v34 =	vsel vm1, $0xFFFFFBDC, v13;
	v39 =	vsel vm1, $0xFFFFFBEC, v21;
	v30 =	vsel vm1, $0xFFFFFBFE, v30  }
0x2f: {  	[tilespmem:$0x1F3D0] =	vst v1;
	v0 =	vsel vm0, $0xFFFFFB84, v0;
	v1 =	vsel vm2, $0xFFFFFB82, v33;
	v31 =	vsel vm2, $0xFFFFFBBE, v31  }
0x30: {  	v2 =	vsel vm1, $0xFFFFFBC6, v2;
	v7 =	vsel vm1, $0xFFFFFBD0, v7;
	v33 =	vsel vm1, $0xFFFFFBDA, v12  }
0x31: {  	v3 =	vsel vm0, $0xFFFFFB8A, v3;
	v4 =	vsel vm0, $0xFFFFFB8C, v4;
	v5 =	vsel vm0, $0xFFFFFB8E, v5  }
0x32: {  	v6 =	vsel vm0, $0xFFFFFB90, v6;
	v8 =	vsel vm0, $0xFFFFFB94, v8;
	v9 =	vsel vm0, $0xFFFFFB96, v9  }
0x33: {  	v41 =	vsel vm0, $0xFFFFFB98, v32;
	v11 =	vsel vm0, $0xFFFFFB9A, v11;
	v44 =	vsel vm0, $0xFFFFFB9E, v34  }
0x34: {  	v46 =	vsel vm0, $0xFFFFFBA0, v35;
	v47 =	vsel vm0, $0xFFFFFBA2, v15;
	v48 =	vsel vm0, $0xFFFFFBA4, v36  }
0x35: {  	v50 =	vsel vm0, $0xFFFFFBA6, v17;
	v51 =	vsel vm0, $0xFFFFFBA8, v37;
	v52 =	vsel vm0, $0xFFFFFBAA, v19  }
0x36: {  	v53 =	vsel vm0, $0xFFFFFBAC, v38;
	v54 =	vsel vm0, $0xFFFFFBAE, v39;
	v22 =	vsel vm0, $0xFFFFFBB0, v22  }
0x37: {  	v23 =	vsel vm0, $0xFFFFFBB2, v23;
	v24 =	vsel vm0, $0xFFFFFBB4, v24;
	v55 =	vsel vm0, $0xFFFFFBB6, v25  }
0x38: {  	v56 =	vsel vm0, $0xFFFFFBB8, v26;
	v57 =	vsel vm0, $0xFFFFFBBA, v27;
	v58 =	vsel vm0, $0xFFFFFBBC, v28  }
0x39: {  	v59 =	vsel vm0, $0xFFFFFBBE, v29;
	v60 =	vsel vm0, $0xFFFFFB80, v30;
	vm2 =	vcmask $0xF00  }
0x3a: {  	v0 =	vsel vm3, $0xFFFFFBC6, v0;
	v1 =	vsel vm1, $0xFFFFFBC4, v1;
	v31 =	vsel vm1, $0xFFFFFBC0, v31  }
0x3b: {  	vm1 =	vcmask $0x1310;
	v2 =	vsel vm0, $0xFFFFFB88, v2;
	v3 =	vsel vm3, $0xFFFFFBCC, v3  }
0x3c: {  	v4 =	vsel vm3, $0xFFFFFBCE, v4;
	v5 =	vsel vm3, $0xFFFFFBD0, v5;
	v6 =	vsel vm3, $0xFFFFFBD2, v6  }
0x3d: {  	v7 =	vsel vm0, $0xFFFFFB92, v7;
	v8 =	vsel vm3, $0xFFFFFBD6, v8;
	v10 =	vsel vm3, $0xFFFFFBD8, v9  }
0x3e: {  	v12 =	vsel vm3, $0xFFFFFBDA, v41;
	v13 =	vsel vm3, $0xFFFFFBDC, v11;
	v43 =	vsel vm0, $0xFFFFFB9C, v33  }
0x3f: {  	v16 =	vsel vm3, $0xFFFFFBE0, v44;
	v11 =	vunpack.c.0.s8.s32 v45;
	v18 =	vsel vm3, $0xFFFFFBE2, v46  }
0x40: {  	v20 =	vsel vm3, $0xFFFFFBE4, v47;
	v21 =	vsel vm3, $0xFFFFFBE6, v48;
	v30 =	vsel vm3, $0xFFFFFBE8, v50  }
0x41: {  	v41 =	vimm.s32 $0xE9A76523;
	v29 =	vsel vm3, $0xFFFFFBEC, v52;
	v28 =	vsel vm3, $0xFFFFFBEE, v53  }
0x42: {  	v27 =	vsel vm3, $0xFFFFFBF0, v54;
	v26 =	vsel vm3, $0xFFFFFBF2, v22;
	v25 =	vsel vm3, $0xFFFFFBF4, v23  }
0x43: {  	v24 =	vsel vm3, $0xFFFFFBF6, v24;
	v23 =	vsel vm3, $0xFFFFFBF8, v55;
	v22 =	vsel vm3, $0xFFFFFBFA, v56  }
0x44: {  	v19 =	vsel vm3, $0xFFFFFBFC, v57;
	v17 =	vsel vm3, $0xFFFFFBFE, v58;
	v15 =	vsel vm3, $0xFFFFFBC0, v59  }
0x45: {  	v46 =	vimm.s32 $0xEBA96725;
	v47 =	vimm.s32 $0xECAA6826;
	v52 =	vimm.s32 $0x3020100  }
0x46: {  	v53 =	vimm.s32 $0x17161514;
	v54 =	vimm.s32 $0x1B1A1918;
	v56 =	vimm.s32 $0xEFAD6B29  }
0x47: {  	v57 =	vimm.s32 $0xF0AE6C2A;
	v59 =	vimm.s32 $0xF1AF6D2B;
	v0 =	vsel vm1, $0xFFFFFB88, v0  }
0x48: {  	v1 =	vsel vm0, $0xFFFFFB86, v1;
	v2 =	vsel vm3, $0xFFFFFBCA, v2;
	v7 =	vsel vm3, $0xFFFFFBD4, v7  }
0x49: {  	v14 =	vsel vm3, $0xFFFFFBDE, v43;
	v61 =	vsel vm0, $0xFFFFFB82, v31;
	v40 =	vunpack.c.0.s8.s32 v41  }
0x4a: {  	v31 =	vsel vm3, $0xFFFFFBEA, v51;
	vm0 =	vcmask $0x1F10;
	v43 =	vimm.s32 $0xEAA86624  }
0x4b: {  	v36 =	vunpack.c.0.s8.s32 v46;
	v48 =	vunpack.c.0.s8.s32 v47;
	v37 =	vunpack.c.0.s8.s32 v52  }
0x4c: {  	v41 =	vimm.s32 $0xEEAC6A28;
	v39 =	vunpack.c.0.s8.s32 v53;
	v46 =	vimm.s32 $0xF6B47230  }
0x4d: {  	v47 =	vimm.s32 $0xF7B57331;
	v52 =	vimm.s32 $0xFCBA7836;
	v53 =	vimm.s32 $0xFDBB7937  }
0x4e: {  	v3 =	vsel vm1, $0xFFFFFB8E, v3;
	v4 =	vsel vm1, $0xFFFFFB90, v4;
	v5 =	vsel vm1, $0xFFFFFB92, v5  }
0x4f: {  	v6 =	vsel vm1, $0xFFFFFB94, v6;
	v8 =	vsel vm1, $0xFFFFFB98, v8;
	v10 =	vsel vm1, $0xFFFFFB9A, v10  }
0x50: {  	v12 =	vsel vm1, $0xFFFFFB9C, v12;
	v13 =	vsel vm1, $0xFFFFFB9E, v13;
	v16 =	vsel vm1, $0xFFFFFBA2, v16  }
0x51: {  	v18 =	vsel vm1, $0xFFFFFBA4, v18;
	v20 =	vsel vm1, $0xFFFFFBA6, v20;
	v21 =	vsel vm1, $0xFFFFFBA8, v21  }
0x52: {  	v30 =	vsel vm1, $0xFFFFFBAA, v30;
	v29 =	vsel vm1, $0xFFFFFBAE, v29;
	v28 =	vsel vm1, $0xFFFFFBB0, v28  }
0x53: {  	v27 =	vsel vm1, $0xFFFFFBB2, v27;
	v26 =	vsel vm1, $0xFFFFFBB4, v26;
	v25 =	vsel vm1, $0xFFFFFBB6, v25  }
0x54: {  	v24 =	vsel vm1, $0xFFFFFBB8, v24;
	v23 =	vsel vm1, $0xFFFFFBBA, v23;
	v22 =	vsel vm1, $0xFFFFFBBC, v22  }
0x55: {  	v19 =	vsel vm1, $0xFFFFFBBE, v19;
	v17 =	vsel vm1, $0xFFFFFB80, v17;
	v15 =	vsel vm1, $0xFFFFFB82, v15  }
0x56: {  	v1 =	vsel vm3, $0xFFFFFBC8, v1;
	v49 =	vand.u32 $0xFF, v11;
	v11 =	vsel vm3, $0xFFFFFBC2, v60  }
0x57: {  	v9 =	vsel vm3, $0xFFFFFBC4, v61;
	v45 =	vunpack.c.0.s8.s32 v43;
	v43 =	vunpack.c.0.s8.s32 v54  }
0x58: {  	v55 =	vunpack.c.0.s8.s32 v41;
	v41 =	vunpack.c.0.s8.s32 v56;
	v60 =	vimm.s32 $0xF2B06E2C  }
0x59: {  	v61 =	vimm.s32 $0xF3B16F2D;
	v46 =	vunpack.c.0.s8.s32 v46;
	v47 =	vunpack.c.0.s8.s32 v47  }
0x5a: {  	v52 =	vunpack.c.0.s8.s32 v52;
	v53 =	vunpack.c.0.s8.s32 v53;
	v54 =	vimm.s32 $0xFEBC7A38  }
0x5b: {  	v56 =	vimm.s32 $0xC0BE7C3A;
	v2 =	vsel vm1, $0xFFFFFB8C, v2;
	v7 =	vsel vm1, $0xFFFFFB96, v7  }
0x5c: {  	v14 =	vsel vm1, $0xFFFFFBA0, v14;
	v31 =	vsel vm1, $0xFFFFFBAC, v31;
	v32 =	vnsel vm2, $0x3C0, v49  }
0x5d: {  	v44 =	vand.u32 $0xFF, v40;
	v49 =	vimm.s32 $0xEDAB6927;
	v50 =	vand.u32 $0xFF, v36  }
0x5e: {  	[tilespmem:$0x1F3F0] =	vst v42;
	v51 =	vand.u32 $0xFF, v48;
	v37 =	vsel vm0, v37, v42;
	v42 =	vunpack.c.0.s8.s32 v60  }
0x5f: {  	v48 =	vimm.s32 $0xF8B67432;
	v54 =	vunpack.c.0.s8.s32 v54;
	v56 =	vunpack.c.0.s8.s32 v56  }
0x60: {  	v60 =	vimm.s32 $0xC482403E;
	v1 =	vsel vm1, $0xFFFFFB8A, v1;
	v11 =	vsel vm1, $0xFFFFFB84, v11  }
0x61: {  	v9 =	vsel vm1, $0xFFFFFB86, v9;
	v33 =	vnsel vm2, $0x3C1, v44;
	v35 =	vand.u32 $0xFF, v45  }
0x62: {  	v38 =	vunpack.c.0.s8.s32 v49;
	v36 =	vnsel vm2, $0x3C4, v51;
	v39 =	vsel vm0, v43, v39  }
0x63: {  	v40 =	vand.u32 $0xFF, v55;
	v58 =	vand.u32 $0xFF, v41;
	v41 =	vunpack.c.0.s8.s32 v59  }
0x64: {  	[tilespmem:$0x1F400] =	vst v43;
	v43 =	vunpack.c.0.s8.s32 v61;
	v44 =	vimm.s32 $0xF4B2702E;
	v45 =	vimm.s32 $0xF5B3712F  }
0x65: {  	v46 =	vand.u32 $0xFF, v46;
	v47 =	vand.u32 $0xFF, v47;
	v48 =	vunpack.c.0.s8.s32 v48  }
0x66: {  	v49 =	vimm.s32 $0xF9B77533;
	v51 =	vimm.s32 $0xFBB97735;
	v52 =	vand.u32 $0xFF, v52  }
0x67: {  	v53 =	vand.u32 $0xFF, v53;
	v55 =	vimm.s32 $0xFFBD7B39;
	v59 =	vimm.s32 $0xC3817F3D  }
0x68: {  	v61 =	vimm.s32 $0xC583413F;
	v60 =	vunpack.c.0.s8.s32 v60;
	v32 =	vsel vm1, $0x12A, v32  }
0x69: {  	v34 =	vnsel vm2, $0x3C2, v35;
	v35 =	vnsel vm2, $0x3C3, v50;
	v37 =	vcombine.low v39, v37  }
0x6a: {  	v39 =	vunpack.c.0.s8.s32 v57;
	v42 =	vand.u32 $0xFF, v42;
	v44 =	vunpack.c.0.s8.s32 v44  }
0x6b: {  	v45 =	vunpack.c.0.s8.s32 v45;
	v46 =	vnsel vm2, $0x3CE, v46;
	v47 =	vnsel vm2, $0x3CF, v47  }
0x6c: {  	v49 =	vunpack.c.0.s8.s32 v49;
	v50 =	vimm.s32 $0xFAB87634;
	v51 =	vunpack.c.0.s8.s32 v51  }
0x6d: {  	v52 =	vnsel vm2, $0x3D4, v52;
	v54 =	vand.u32 $0xFF, v54;
	v55 =	vunpack.c.0.s8.s32 v55  }
0x6e: {  	v53 =	vnsel vm2, $0x3D5, v53;
	v57 =	vimm.s32 $0xC1BF7D3B;
	v56 =	vand.u32 $0xFF, v56  }
0x6f: {  	v59 =	vunpack.c.0.s8.s32 v59;
	v61 =	vunpack.c.0.s8.s32 v61;
	v33 =	vsel vm1, $0x12B, v33  }
0x70: {  	v36 =	vsel vm1, $0x12E, v36;
	v38 =	vand.u32 $0xFF, v38;
	v41 =	vand.u32 $0xFF, v41  }
0x71: {  	v43 =	vand.u32 $0xFF, v43;
	v42 =	vnsel vm2, $0x3CA, v42;
	v48 =	vand.u32 $0xFF, v48  }
0x72: {  	v50 =	vunpack.c.0.s8.s32 v50;
	v54 =	vnsel vm2, $0x3D6, v54;
	v57 =	vunpack.c.0.s8.s32 v57  }
0x73: {  	v56 =	vnsel vm2, $0x3D8, v56;
	v60 =	vand.u32 $0xFF, v60;
	v34 =	vsel vm1, $0x12C, v34  }
0x74: {  	v35 =	vsel vm1, $0x12D, v35;
	v46 =	vsel vm1, $0x138, v46;
	v47 =	vsel vm1, $0x139, v47  }
0x75: {  	v52 =	vsel vm1, $0x13E, v52;
	v53 =	vsel vm1, $0x13F, v53;
	v38 =	vnsel vm2, $0x3C5, v38  }
0x76: {  	[tilespmem:$0x1F410] =	vst v37;
	v37 =	vnsel vm2, $0x3C6, v40;
	v40 =	vnsel vm2, $0x3C7, v58;
	v39 =	vand.u32 $0xFF, v39  }
0x77: {  	v41 =	vnsel vm2, $0x3C9, v41;
	v43 =	vnsel vm2, $0x3CB, v43;
	v44 =	vand.u32 $0xFF, v44  }
0x78: {  	v45 =	vand.u32 $0xFF, v45;
	v48 =	vnsel vm2, $0x3D0, v48;
	v49 =	vand.u32 $0xFF, v49  }
0x79: {  	v51 =	vand.u32 $0xFF, v51;
	v55 =	vand.u32 $0xFF, v55;
	v58 =	vimm.s32 $0xC2807E3C  }
0x7a: {  	v59 =	vand.u32 $0xFF, v59;
	v61 =	vand.u32 $0xFF, v61;
	v60 =	vnsel vm2, $0x3DC, v60  }
0x7b: {  	v42 =	vsel vm1, $0x134, v42;
	v54 =	vsel vm1, $0x100, v54;
	v56 =	vsel vm1, $0x102, v56  }
0x7c: {  	v39 =	vnsel vm2, $0x3C8, v39;
	v44 =	vnsel vm2, $0x3CC, v44;
	v45 =	vnsel vm2, $0x3CD, v45  }
0x7d: {  	v49 =	vnsel vm2, $0x3D1, v49;
	v50 =	vand.u32 $0xFF, v50;
	v51 =	vnsel vm2, $0x3D3, v51  }
0x7e: {  	v55 =	vnsel vm2, $0x3D7, v55;
	v57 =	vand.u32 $0xFF, v57;
	v58 =	vunpack.c.0.s8.s32 v58  }
0x7f: {  	v59 =	vnsel vm2, $0x3DB, v59;
	v61 =	vnsel vm2, $0x3DD, v61;
	v38 =	vsel vm1, $0x12F, v38  }
0x80: {  	v37 =	vsel vm1, $0x130, v37;
	v40 =	vsel vm1, $0x131, v40;
	v41 =	vsel vm1, $0x133, v41  }
0x81: {  	v43 =	vsel vm1, $0x135, v43;
	v48 =	vsel vm1, $0x13A, v48;
	v60 =	vsel vm1, $0x106, v60  }
0x82: {  	v50 =	vnsel vm2, $0x3D2, v50;
	v57 =	vnsel vm2, $0x3D9, v57;
	v39 =	vsel vm1, $0x132, v39  }
0x83: {  	v44 =	vsel vm1, $0x136, v44;
	v45 =	vsel vm1, $0x137, v45;
	v49 =	vsel vm1, $0x13B, v49  }
0x84: {  	v51 =	vsel vm1, $0x13D, v51;
	v55 =	vsel vm1, $0x101, v55;
	v59 =	vsel vm1, $0x105, v59  }
0x85: {  	v61 =	vsel vm1, $0x107, v61;
	v58 =	vand.u32 $0xFF, v58;
	v50 =	vsel vm1, $0x13C, v50  }
0x86: {  	v57 =	vsel vm1, $0x103, v57;
	v58 =	vnsel vm2, $0x3DA, v58;
	vm2 =	vcmask $0x1714  }
0x87: {  	v0 =	vsel vm2, $0xFFFFFBCA, v0;
	v58 =	vsel vm1, $0x104, v58;
	vm1 =	vcmask $0x1B18  }
0x88: {  	v1 =	vsel vm2, $0xFFFFFBCC, v1;
	v2 =	vsel vm2, $0xFFFFFBCE, v2;
	v3 =	vsel vm2, $0xFFFFFBD0, v3  }
0x89: {  	v4 =	vsel vm2, $0xFFFFFBD2, v4;
	v5 =	vsel vm2, $0xFFFFFBD4, v5;
	v6 =	vsel vm2, $0xFFFFFBD6, v6  }
0x8a: {  	v7 =	vsel vm2, $0xFFFFFBD8, v7;
	v8 =	vsel vm2, $0xFFFFFBDA, v8;
	v10 =	vsel vm2, $0xFFFFFBDC, v10  }
0x8b: {  	v12 =	vsel vm2, $0xFFFFFBDE, v12;
	v13 =	vsel vm2, $0xFFFFFBE0, v13;
	v14 =	vsel vm2, $0xFFFFFBE2, v14  }
0x8c: {  	v16 =	vsel vm2, $0xFFFFFBE4, v16;
	v18 =	vsel vm2, $0xFFFFFBE6, v18;
	v20 =	vsel vm2, $0xFFFFFBE8, v20  }
0x8d: {  	v21 =	vsel vm2, $0xFFFFFBEA, v21;
	v32 =	vsel vm2, $0x16C, v32;
	v30 =	vsel vm2, $0xFFFFFBEC, v30  }
0x8e: {  	v33 =	vsel vm2, $0x16D, v33;
	v34 =	vsel vm2, $0x16E, v34;
	v31 =	vsel vm2, $0xFFFFFBEE, v31  }
0x8f: {  	v35 =	vsel vm2, $0x16F, v35;
	v36 =	vsel vm2, $0x170, v36;
	v29 =	vsel vm2, $0xFFFFFBF0, v29  }
0x90: {  	v38 =	vsel vm2, $0x171, v38;
	v37 =	vsel vm2, $0x172, v37;
	v28 =	vsel vm2, $0xFFFFFBF2, v28  }
0x91: {  	v40 =	vsel vm2, $0x173, v40;
	v39 =	vsel vm2, $0x174, v39;
	v27 =	vsel vm2, $0xFFFFFBF4, v27  }
0x92: {  	v41 =	vsel vm2, $0x175, v41;
	v42 =	vsel vm2, $0x176, v42;
	v26 =	vsel vm2, $0xFFFFFBF6, v26  }
0x93: {  	v43 =	vsel vm2, $0x177, v43;
	v44 =	vsel vm2, $0x178, v44;
	v25 =	vsel vm2, $0xFFFFFBF8, v25  }
0x94: {  	v45 =	vsel vm2, $0x179, v45;
	v46 =	vsel vm2, $0x17A, v46;
	v24 =	vsel vm2, $0xFFFFFBFA, v24  }
0x95: {  	v47 =	vsel vm2, $0x17B, v47;
	v48 =	vsel vm2, $0x17C, v48;
	v23 =	vsel vm2, $0xFFFFFBFC, v23  }
0x96: {  	v49 =	vsel vm2, $0x17D, v49;
	v50 =	vsel vm2, $0x17E, v50;
	v22 =	vsel vm2, $0xFFFFFBFE, v22  }
0x97: {  	v51 =	vsel vm2, $0x17F, v51;
	v52 =	vsel vm2, $0x140, v52;
	v19 =	vsel vm2, $0xFFFFFBC0, v19  }
0x98: {  	v53 =	vsel vm2, $0x141, v53;
	v54 =	vsel vm2, $0x142, v54;
	v17 =	vsel vm2, $0xFFFFFBC2, v17  }
0x99: {  	v55 =	vsel vm2, $0x143, v55;
	v56 =	vsel vm2, $0x144, v56;
	v15 =	vsel vm2, $0xFFFFFBC4, v15  }
0x9a: {  	v57 =	vsel vm2, $0x145, v57;
	v11 =	vsel vm2, $0xFFFFFBC6, v11;
	v59 =	vsel vm2, $0x147, v59  }
0x9b: {  	v60 =	vsel vm2, $0x148, v60;
	v9 =	vsel vm2, $0xFFFFFBC8, v9;
	v61 =	vsel vm2, $0x149, v61  }
0x9c: {  	v0 =	vsel vm1, $0xFFFFFB8C, v0;
	v58 =	vsel vm2, $0x146, v58;
	vm2 =	vcmask $0x1F1C  }
0x9d: {  	v1 =	vsel vm1, $0xFFFFFB8E, v1;
	v2 =	vsel vm1, $0xFFFFFB90, v2;
	v3 =	vsel vm1, $0xFFFFFB92, v3  }
0x9e: {  	v4 =	vsel vm1, $0xFFFFFB94, v4;
	v5 =	vsel vm1, $0xFFFFFB96, v5;
	v6 =	vsel vm1, $0xFFFFFB98, v6  }
0x9f: {  	v7 =	vsel vm1, $0xFFFFFB9A, v7;
	v8 =	vsel vm1, $0xFFFFFB9C, v8;
	v10 =	vsel vm1, $0xFFFFFB9E, v10  }
0xa0: {  	v12 =	vsel vm1, $0xFFFFFBA0, v12;
	v13 =	vsel vm1, $0xFFFFFBA2, v13;
	v14 =	vsel vm1, $0xFFFFFBA4, v14  }
0xa1: {  	v16 =	vsel vm1, $0xFFFFFBA6, v16;
	v18 =	vsel vm1, $0xFFFFFBA8, v18;
	v20 =	vsel vm1, $0xFFFFFBAA, v20  }
0xa2: {  	v21 =	vsel vm1, $0xFFFFFBAC, v21;
	v32 =	vsel vm1, $0x1AE, v32;
	v30 =	vsel vm1, $0xFFFFFBAE, v30  }
0xa3: {  	v33 =	vsel vm1, $0x1AF, v33;
	v34 =	vsel vm1, $0x1B0, v34;
	v31 =	vsel vm1, $0xFFFFFBB0, v31  }
0xa4: {  	v35 =	vsel vm1, $0x1B1, v35;
	v36 =	vsel vm1, $0x1B2, v36;
	v29 =	vsel vm1, $0xFFFFFBB2, v29  }
0xa5: {  	v38 =	vsel vm1, $0x1B3, v38;
	v37 =	vsel vm1, $0x1B4, v37;
	v28 =	vsel vm1, $0xFFFFFBB4, v28  }
0xa6: {  	v40 =	vsel vm1, $0x1B5, v40;
	v39 =	vsel vm1, $0x1B6, v39;
	v27 =	vsel vm1, $0xFFFFFBB6, v27  }
0xa7: {  	v41 =	vsel vm1, $0x1B7, v41;
	v42 =	vsel vm1, $0x1B8, v42;
	v26 =	vsel vm1, $0xFFFFFBB8, v26  }
0xa8: {  	v43 =	vsel vm1, $0x1B9, v43;
	v44 =	vsel vm1, $0x1BA, v44;
	v25 =	vsel vm1, $0xFFFFFBBA, v25  }
0xa9: {  	v45 =	vsel vm1, $0x1BB, v45;
	v46 =	vsel vm1, $0x1BC, v46;
	v24 =	vsel vm1, $0xFFFFFBBC, v24  }
0xaa: {  	v47 =	vsel vm1, $0x1BD, v47;
	v48 =	vsel vm1, $0x1BE, v48;
	v23 =	vsel vm1, $0xFFFFFBBE, v23  }
0xab: {  	v49 =	vsel vm1, $0x1BF, v49;
	v50 =	vsel vm1, $0x180, v50;
	v22 =	vsel vm1, $0xFFFFFB80, v22  }
0xac: {  	v51 =	vsel vm1, $0x181, v51;
	v52 =	vsel vm1, $0x182, v52;
	v19 =	vsel vm1, $0xFFFFFB82, v19  }
0xad: {  	v53 =	vsel vm1, $0x183, v53;
	v54 =	vsel vm1, $0x184, v54;
	v17 =	vsel vm1, $0xFFFFFB84, v17  }
0xae: {  	v55 =	vsel vm1, $0x185, v55;
	v56 =	vsel vm1, $0x186, v56;
	v15 =	vsel vm1, $0xFFFFFB86, v15  }
0xaf: {  	v57 =	vsel vm1, $0x187, v57;
	v11 =	vsel vm1, $0xFFFFFB88, v11;
	v59 =	vsel vm1, $0x189, v59  }
0xb0: {  	v60 =	vsel vm1, $0x18A, v60;
	v9 =	vsel vm1, $0xFFFFFB8A, v9;
	v61 =	vsel vm1, $0x18B, v61  }
0xb1: {  	v0 =	vsel vm2, $0xFFFFFBCE, v0;
	v58 =	vsel vm1, $0x188, v58;
	vm1 =	vcmask $0x2320  }
0xb2: {  	v1 =	vsel vm2, $0xFFFFFBD0, v1;
	v2 =	vsel vm2, $0xFFFFFBD2, v2;
	v3 =	vsel vm2, $0xFFFFFBD4, v3  }
0xb3: {  	v4 =	vsel vm2, $0xFFFFFBD6, v4;
	v5 =	vsel vm2, $0xFFFFFBD8, v5;
	v6 =	vsel vm2, $0xFFFFFBDA, v6  }
0xb4: {  	v7 =	vsel vm2, $0xFFFFFBDC, v7;
	v8 =	vsel vm2, $0xFFFFFBDE, v8;
	v10 =	vsel vm2, $0xFFFFFBE0, v10  }
0xb5: {  	v12 =	vsel vm2, $0xFFFFFBE2, v12;
	v13 =	vsel vm2, $0xFFFFFBE4, v13;
	v14 =	vsel vm2, $0xFFFFFBE6, v14  }
0xb6: {  	v16 =	vsel vm2, $0xFFFFFBE8, v16;
	v18 =	vsel vm2, $0xFFFFFBEA, v18;
	v20 =	vsel vm2, $0xFFFFFBEC, v20  }
0xb7: {  	v21 =	vsel vm2, $0xFFFFFBEE, v21;
	v32 =	vsel vm2, $0x1F0, v32;
	v30 =	vsel vm2, $0xFFFFFBF0, v30  }
0xb8: {  	v33 =	vsel vm2, $0x1F1, v33;
	v34 =	vsel vm2, $0x1F2, v34;
	v31 =	vsel vm2, $0xFFFFFBF2, v31  }
0xb9: {  	v35 =	vsel vm2, $0x1F3, v35;
	v36 =	vsel vm2, $0x1F4, v36;
	v29 =	vsel vm2, $0xFFFFFBF4, v29  }
0xba: {  	v38 =	vsel vm2, $0x1F5, v38;
	v37 =	vsel vm2, $0x1F6, v37;
	v28 =	vsel vm2, $0xFFFFFBF6, v28  }
0xbb: {  	v40 =	vsel vm2, $0x1F7, v40;
	v39 =	vsel vm2, $0x1F8, v39;
	v27 =	vsel vm2, $0xFFFFFBF8, v27  }
0xbc: {  	v41 =	vsel vm2, $0x1F9, v41;
	v42 =	vsel vm2, $0x1FA, v42;
	v26 =	vsel vm2, $0xFFFFFBFA, v26  }
0xbd: {  	v43 =	vsel vm2, $0x1FB, v43;
	v44 =	vsel vm2, $0x1FC, v44;
	v25 =	vsel vm2, $0xFFFFFBFC, v25  }
0xbe: {  	v45 =	vsel vm2, $0x1FD, v45;
	v46 =	vsel vm2, $0x1FE, v46;
	v24 =	vsel vm2, $0xFFFFFBFE, v24  }
0xbf: {  	v47 =	vsel vm2, $0x1FF, v47;
	v48 =	vsel vm2, $0x1C0, v48;
	v23 =	vsel vm2, $0xFFFFFBC0, v23  }
0xc0: {  	v49 =	vsel vm2, $0x1C1, v49;
	v50 =	vsel vm2, $0x1C2, v50;
	v22 =	vsel vm2, $0xFFFFFBC2, v22  }
0xc1: {  	v51 =	vsel vm2, $0x1C3, v51;
	v52 =	vsel vm2, $0x1C4, v52;
	v19 =	vsel vm2, $0xFFFFFBC4, v19  }
0xc2: {  	v53 =	vsel vm2, $0x1C5, v53;
	v54 =	vsel vm2, $0x1C6, v54;
	v17 =	vsel vm2, $0xFFFFFBC6, v17  }
0xc3: {  	v55 =	vsel vm2, $0x1C7, v55;
	v56 =	vsel vm2, $0x1C8, v56;
	v15 =	vsel vm2, $0xFFFFFBC8, v15  }
0xc4: {  	v57 =	vsel vm2, $0x1C9, v57;
	v11 =	vsel vm2, $0xFFFFFBCA, v11;
	v59 =	vsel vm2, $0x1CB, v59  }
0xc5: {  	v60 =	vsel vm2, $0x1CC, v60;
	v9 =	vsel vm2, $0xFFFFFBCC, v9;
	v61 =	vsel vm2, $0x1CD, v61  }
0xc6: {  	v0 =	vsel vm1, $0xFFFFFB90, v0;
	v58 =	vsel vm2, $0x1CA, v58;
	vm2 =	vcmask $0x2724  }
0xc7: {  	v1 =	vsel vm1, $0xFFFFFB92, v1;
	v2 =	vsel vm1, $0xFFFFFB94, v2;
	v3 =	vsel vm1, $0xFFFFFB96, v3  }
0xc8: {  	v4 =	vsel vm1, $0xFFFFFB98, v4;
	v5 =	vsel vm1, $0xFFFFFB9A, v5;
	v6 =	vsel vm1, $0xFFFFFB9C, v6  }
0xc9: {  	v7 =	vsel vm1, $0xFFFFFB9E, v7;
	v8 =	vsel vm1, $0xFFFFFBA0, v8;
	v10 =	vsel vm1, $0xFFFFFBA2, v10  }
0xca: {  	v12 =	vsel vm1, $0xFFFFFBA4, v12;
	v13 =	vsel vm1, $0xFFFFFBA6, v13;
	v14 =	vsel vm1, $0xFFFFFBA8, v14  }
0xcb: {  	v16 =	vsel vm1, $0xFFFFFBAA, v16;
	v18 =	vsel vm1, $0xFFFFFBAC, v18;
	v20 =	vsel vm1, $0xFFFFFBAE, v20  }
0xcc: {  	v21 =	vsel vm1, $0xFFFFFBB0, v21;
	v32 =	vsel vm1, $0x232, v32;
	v30 =	vsel vm1, $0xFFFFFBB2, v30  }
0xcd: {  	v33 =	vsel vm1, $0x233, v33;
	v34 =	vsel vm1, $0x234, v34;
	v31 =	vsel vm1, $0xFFFFFBB4, v31  }
0xce: {  	v35 =	vsel vm1, $0x235, v35;
	v36 =	vsel vm1, $0x236, v36;
	v29 =	vsel vm1, $0xFFFFFBB6, v29  }
0xcf: {  	v38 =	vsel vm1, $0x237, v38;
	v37 =	vsel vm1, $0x238, v37;
	v28 =	vsel vm1, $0xFFFFFBB8, v28  }
0xd0: {  	v40 =	vsel vm1, $0x239, v40;
	v39 =	vsel vm1, $0x23A, v39;
	v27 =	vsel vm1, $0xFFFFFBBA, v27  }
0xd1: {  	v41 =	vsel vm1, $0x23B, v41;
	v42 =	vsel vm1, $0x23C, v42;
	v26 =	vsel vm1, $0xFFFFFBBC, v26  }
0xd2: {  	v43 =	vsel vm1, $0x23D, v43;
	v44 =	vsel vm1, $0x23E, v44;
	v25 =	vsel vm1, $0xFFFFFBBE, v25  }
0xd3: {  	v45 =	vsel vm1, $0x23F, v45;
	v46 =	vsel vm1, $0x200, v46;
	v24 =	vsel vm1, $0xFFFFFB80, v24  }
0xd4: {  	v47 =	vsel vm1, $0x201, v47;
	v48 =	vsel vm1, $0x202, v48;
	v23 =	vsel vm1, $0xFFFFFB82, v23  }
0xd5: {  	v49 =	vsel vm1, $0x203, v49;
	v50 =	vsel vm1, $0x204, v50;
	v22 =	vsel vm1, $0xFFFFFB84, v22  }
0xd6: {  	v51 =	vsel vm1, $0x205, v51;
	v52 =	vsel vm1, $0x206, v52;
	v19 =	vsel vm1, $0xFFFFFB86, v19  }
0xd7: {  	v53 =	vsel vm1, $0x207, v53;
	v54 =	vsel vm1, $0x208, v54;
	v17 =	vsel vm1, $0xFFFFFB88, v17  }
0xd8: {  	v55 =	vsel vm1, $0x209, v55;
	v56 =	vsel vm1, $0x20A, v56;
	v15 =	vsel vm1, $0xFFFFFB8A, v15  }
0xd9: {  	v57 =	vsel vm1, $0x20B, v57;
	v11 =	vsel vm1, $0xFFFFFB8C, v11;
	v59 =	vsel vm1, $0x20D, v59  }
0xda: {  	v60 =	vsel vm1, $0x20E, v60;
	v9 =	vsel vm1, $0xFFFFFB8E, v9;
	v61 =	vsel vm1, $0x20F, v61  }
0xdb: {  	v0 =	vsel vm2, $0xFFFFFBD2, v0;
	v58 =	vsel vm1, $0x20C, v58;
	vm1 =	vcmask $0x2B28  }
0xdc: {  	v1 =	vsel vm2, $0xFFFFFBD4, v1;
	v2 =	vsel vm2, $0xFFFFFBD6, v2;
	v3 =	vsel vm2, $0xFFFFFBD8, v3  }
0xdd: {  	v4 =	vsel vm2, $0xFFFFFBDA, v4;
	v5 =	vsel vm2, $0xFFFFFBDC, v5;
	v6 =	vsel vm2, $0xFFFFFBDE, v6  }
0xde: {  	v7 =	vsel vm2, $0xFFFFFBE0, v7;
	v8 =	vsel vm2, $0xFFFFFBE2, v8;
	v10 =	vsel vm2, $0xFFFFFBE4, v10  }
0xdf: {  	v12 =	vsel vm2, $0xFFFFFBE6, v12;
	v13 =	vsel vm2, $0xFFFFFBE8, v13;
	v14 =	vsel vm2, $0xFFFFFBEA, v14  }
0xe0: {  	v16 =	vsel vm2, $0xFFFFFBEC, v16;
	v18 =	vsel vm2, $0xFFFFFBEE, v18;
	v20 =	vsel vm2, $0xFFFFFBF0, v20  }
0xe1: {  	v21 =	vsel vm2, $0xFFFFFBF2, v21;
	v32 =	vsel vm2, $0x274, v32;
	v30 =	vsel vm2, $0xFFFFFBF4, v30  }
0xe2: {  	v33 =	vsel vm2, $0x275, v33;
	v34 =	vsel vm2, $0x276, v34;
	v31 =	vsel vm2, $0xFFFFFBF6, v31  }
0xe3: {  	v35 =	vsel vm2, $0x277, v35;
	v36 =	vsel vm2, $0x278, v36;
	v29 =	vsel vm2, $0xFFFFFBF8, v29  }
0xe4: {  	v38 =	vsel vm2, $0x279, v38;
	v37 =	vsel vm2, $0x27A, v37;
	v28 =	vsel vm2, $0xFFFFFBFA, v28  }
0xe5: {  	v40 =	vsel vm2, $0x27B, v40;
	v39 =	vsel vm2, $0x27C, v39;
	v27 =	vsel vm2, $0xFFFFFBFC, v27  }
0xe6: {  	v41 =	vsel vm2, $0x27D, v41;
	v42 =	vsel vm2, $0x27E, v42;
	v26 =	vsel vm2, $0xFFFFFBFE, v26  }
0xe7: {  	v43 =	vsel vm2, $0x27F, v43;
	v44 =	vsel vm2, $0x240, v44;
	v25 =	vsel vm2, $0xFFFFFBC0, v25  }
0xe8: {  	v45 =	vsel vm2, $0x241, v45;
	v46 =	vsel vm2, $0x242, v46;
	v24 =	vsel vm2, $0xFFFFFBC2, v24  }
0xe9: {  	v47 =	vsel vm2, $0x243, v47;
	v48 =	vsel vm2, $0x244, v48;
	v23 =	vsel vm2, $0xFFFFFBC4, v23  }
0xea: {  	v49 =	vsel vm2, $0x245, v49;
	v50 =	vsel vm2, $0x246, v50;
	v22 =	vsel vm2, $0xFFFFFBC6, v22  }
0xeb: {  	v51 =	vsel vm2, $0x247, v51;
	v52 =	vsel vm2, $0x248, v52;
	v19 =	vsel vm2, $0xFFFFFBC8, v19  }
0xec: {  	v53 =	vsel vm2, $0x249, v53;
	v54 =	vsel vm2, $0x24A, v54;
	v17 =	vsel vm2, $0xFFFFFBCA, v17  }
0xed: {  	v55 =	vsel vm2, $0x24B, v55;
	v56 =	vsel vm2, $0x24C, v56;
	v15 =	vsel vm2, $0xFFFFFBCC, v15  }
0xee: {  	v57 =	vsel vm2, $0x24D, v57;
	v11 =	vsel vm2, $0xFFFFFBCE, v11;
	v59 =	vsel vm2, $0x24F, v59  }
0xef: {  	v60 =	vsel vm2, $0x250, v60;
	v9 =	vsel vm2, $0xFFFFFBD0, v9;
	v61 =	vsel vm2, $0x251, v61  }
0xf0: {  	v0 =	vsel vm1, $0xFFFFFB94, v0;
	v58 =	vsel vm2, $0x24E, v58;
	vm2 =	vcmask $0x2F2C  }
0xf1: {  	v1 =	vsel vm1, $0xFFFFFB96, v1;
	v2 =	vsel vm1, $0xFFFFFB98, v2;
	v3 =	vsel vm1, $0xFFFFFB9A, v3  }
0xf2: {  	v4 =	vsel vm1, $0xFFFFFB9C, v4;
	v5 =	vsel vm1, $0xFFFFFB9E, v5;
	v6 =	vsel vm1, $0xFFFFFBA0, v6  }
0xf3: {  	v7 =	vsel vm1, $0xFFFFFBA2, v7;
	v8 =	vsel vm1, $0xFFFFFBA4, v8;
	v10 =	vsel vm1, $0xFFFFFBA6, v10  }
0xf4: {  	v12 =	vsel vm1, $0xFFFFFBA8, v12;
	v13 =	vsel vm1, $0xFFFFFBAA, v13;
	v14 =	vsel vm1, $0xFFFFFBAC, v14  }
0xf5: {  	v16 =	vsel vm1, $0xFFFFFBAE, v16;
	v18 =	vsel vm1, $0xFFFFFBB0, v18;
	v20 =	vsel vm1, $0xFFFFFBB2, v20  }
0xf6: {  	v21 =	vsel vm1, $0xFFFFFBB4, v21;
	v32 =	vsel vm1, $0x2B6, v32;
	v30 =	vsel vm1, $0xFFFFFBB6, v30  }
0xf7: {  	v33 =	vsel vm1, $0x2B7, v33;
	v34 =	vsel vm1, $0x2B8, v34;
	v31 =	vsel vm1, $0xFFFFFBB8, v31  }
0xf8: {  	v35 =	vsel vm1, $0x2B9, v35;
	v36 =	vsel vm1, $0x2BA, v36;
	v29 =	vsel vm1, $0xFFFFFBBA, v29  }
0xf9: {  	v38 =	vsel vm1, $0x2BB, v38;
	v37 =	vsel vm1, $0x2BC, v37;
	v28 =	vsel vm1, $0xFFFFFBBC, v28  }
0xfa: {  	v40 =	vsel vm1, $0x2BD, v40;
	v39 =	vsel vm1, $0x2BE, v39;
	v27 =	vsel vm1, $0xFFFFFBBE, v27  }
0xfb: {  	v41 =	vsel vm1, $0x2BF, v41;
	v42 =	vsel vm1, $0x280, v42;
	v26 =	vsel vm1, $0xFFFFFB80, v26  }
0xfc: {  	v43 =	vsel vm1, $0x281, v43;
	v44 =	vsel vm1, $0x282, v44;
	v25 =	vsel vm1, $0xFFFFFB82, v25  }
0xfd: {  	v45 =	vsel vm1, $0x283, v45;
	v46 =	vsel vm1, $0x284, v46;
	v24 =	vsel vm1, $0xFFFFFB84, v24  }
0xfe: {  	v47 =	vsel vm1, $0x285, v47;
	v48 =	vsel vm1, $0x286, v48;
	v23 =	vsel vm1, $0xFFFFFB86, v23  }
0xff: {  	v49 =	vsel vm1, $0x287, v49;
	v50 =	vsel vm1, $0x288, v50;
	v22 =	vsel vm1, $0xFFFFFB88, v22  }
0x100: {  	v51 =	vsel vm1, $0x289, v51;
	v52 =	vsel vm1, $0x28A, v52;
	v19 =	vsel vm1, $0xFFFFFB8A, v19  }
0x101: {  	v53 =	vsel vm1, $0x28B, v53;
	v54 =	vsel vm1, $0x28C, v54;
	v17 =	vsel vm1, $0xFFFFFB8C, v17  }
0x102: {  	v55 =	vsel vm1, $0x28D, v55;
	v56 =	vsel vm1, $0x28E, v56;
	v15 =	vsel vm1, $0xFFFFFB8E, v15  }
0x103: {  	v57 =	vsel vm1, $0x28F, v57;
	v11 =	vsel vm1, $0xFFFFFB90, v11;
	v59 =	vsel vm1, $0x291, v59  }
0x104: {  	v60 =	vsel vm1, $0x292, v60;
	v9 =	vsel vm1, $0xFFFFFB92, v9;
	v61 =	vsel vm1, $0x293, v61  }
0x105: {  	v0 =	vsel vm2, $0xFFFFFBD6, v0;
	v58 =	vsel vm1, $0x290, v58;
	vm1 =	vcmask $0x3330  }
0x106: {  	v1 =	vsel vm2, $0xFFFFFBD8, v1;
	v2 =	vsel vm2, $0xFFFFFBDA, v2;
	v3 =	vsel vm2, $0xFFFFFBDC, v3  }
0x107: {  	v4 =	vsel vm2, $0xFFFFFBDE, v4;
	v5 =	vsel vm2, $0xFFFFFBE0, v5;
	v6 =	vsel vm2, $0xFFFFFBE2, v6  }
0x108: {  	v7 =	vsel vm2, $0xFFFFFBE4, v7;
	v8 =	vsel vm2, $0xFFFFFBE6, v8;
	v10 =	vsel vm2, $0xFFFFFBE8, v10  }
0x109: {  	v12 =	vsel vm2, $0xFFFFFBEA, v12;
	v13 =	vsel vm2, $0xFFFFFBEC, v13;
	v14 =	vsel vm2, $0xFFFFFBEE, v14  }
0x10a: {  	v16 =	vsel vm2, $0xFFFFFBF0, v16;
	v18 =	vsel vm2, $0xFFFFFBF2, v18;
	v20 =	vsel vm2, $0xFFFFFBF4, v20  }
0x10b: {  	v21 =	vsel vm2, $0xFFFFFBF6, v21;
	v32 =	vsel vm2, $0x2F8, v32;
	v30 =	vsel vm2, $0xFFFFFBF8, v30  }
0x10c: {  	v33 =	vsel vm2, $0x2F9, v33;
	v34 =	vsel vm2, $0x2FA, v34;
	v31 =	vsel vm2, $0xFFFFFBFA, v31  }
0x10d: {  	v35 =	vsel vm2, $0x2FB, v35;
	v36 =	vsel vm2, $0x2FC, v36;
	v29 =	vsel vm2, $0xFFFFFBFC, v29  }
0x10e: {  	v38 =	vsel vm2, $0x2FD, v38;
	v37 =	vsel vm2, $0x2FE, v37;
	v28 =	vsel vm2, $0xFFFFFBFE, v28  }
0x10f: {  	v40 =	vsel vm2, $0x2FF, v40;
	v39 =	vsel vm2, $0x2C0, v39;
	v27 =	vsel vm2, $0xFFFFFBC0, v27  }
0x110: {  	v41 =	vsel vm2, $0x2C1, v41;
	v42 =	vsel vm2, $0x2C2, v42;
	v26 =	vsel vm2, $0xFFFFFBC2, v26  }
0x111: {  	v43 =	vsel vm2, $0x2C3, v43;
	v44 =	vsel vm2, $0x2C4, v44;
	v25 =	vsel vm2, $0xFFFFFBC4, v25  }
0x112: {  	v45 =	vsel vm2, $0x2C5, v45;
	v46 =	vsel vm2, $0x2C6, v46;
	v24 =	vsel vm2, $0xFFFFFBC6, v24  }
0x113: {  	v47 =	vsel vm2, $0x2C7, v47;
	v48 =	vsel vm2, $0x2C8, v48;
	v23 =	vsel vm2, $0xFFFFFBC8, v23  }
0x114: {  	v49 =	vsel vm2, $0x2C9, v49;
	v50 =	vsel vm2, $0x2CA, v50;
	v22 =	vsel vm2, $0xFFFFFBCA, v22  }
0x115: {  	v51 =	vsel vm2, $0x2CB, v51;
	v52 =	vsel vm2, $0x2CC, v52;
	v19 =	vsel vm2, $0xFFFFFBCC, v19  }
0x116: {  	v53 =	vsel vm2, $0x2CD, v53;
	v54 =	vsel vm2, $0x2CE, v54;
	v17 =	vsel vm2, $0xFFFFFBCE, v17  }
0x117: {  	v55 =	vsel vm2, $0x2CF, v55;
	v56 =	vsel vm2, $0x2D0, v56;
	v15 =	vsel vm2, $0xFFFFFBD0, v15  }
0x118: {  	v57 =	vsel vm2, $0x2D1, v57;
	v11 =	vsel vm2, $0xFFFFFBD2, v11;
	v59 =	vsel vm2, $0x2D3, v59  }
0x119: {  	v60 =	vsel vm2, $0x2D4, v60;
	v9 =	vsel vm2, $0xFFFFFBD4, v9;
	v61 =	vsel vm2, $0x2D5, v61  }
0x11a: {  	v0 =	vsel vm1, $0xFFFFFB98, v0;
	v58 =	vsel vm2, $0x2D2, v58;
	vm2 =	vcmask $0x3734  }
0x11b: {  	v1 =	vsel vm1, $0xFFFFFB9A, v1;
	v2 =	vsel vm1, $0xFFFFFB9C, v2;
	v3 =	vsel vm1, $0xFFFFFB9E, v3  }
0x11c: {  	v4 =	vsel vm1, $0xFFFFFBA0, v4;
	v5 =	vsel vm1, $0xFFFFFBA2, v5;
	v6 =	vsel vm1, $0xFFFFFBA4, v6  }
0x11d: {  	v7 =	vsel vm1, $0xFFFFFBA6, v7;
	v8 =	vsel vm1, $0xFFFFFBA8, v8;
	v10 =	vsel vm1, $0xFFFFFBAA, v10  }
0x11e: {  	v12 =	vsel vm1, $0xFFFFFBAC, v12;
	v13 =	vsel vm1, $0xFFFFFBAE, v13;
	v14 =	vsel vm1, $0xFFFFFBB0, v14  }
0x11f: {  	v16 =	vsel vm1, $0xFFFFFBB2, v16;
	v18 =	vsel vm1, $0xFFFFFBB4, v18;
	v20 =	vsel vm1, $0xFFFFFBB6, v20  }
0x120: {  	v21 =	vsel vm1, $0xFFFFFBB8, v21;
	v32 =	vsel vm1, $0x33A, v32;
	v30 =	vsel vm1, $0xFFFFFBBA, v30  }
0x121: {  	v33 =	vsel vm1, $0x33B, v33;
	v34 =	vsel vm1, $0x33C, v34;
	v31 =	vsel vm1, $0xFFFFFBBC, v31  }
0x122: {  	v35 =	vsel vm1, $0x33D, v35;
	v36 =	vsel vm1, $0x33E, v36;
	v29 =	vsel vm1, $0xFFFFFBBE, v29  }
0x123: {  	v38 =	vsel vm1, $0x33F, v38;
	v37 =	vsel vm1, $0x300, v37;
	v28 =	vsel vm1, $0xFFFFFB80, v28  }
0x124: {  	v40 =	vsel vm1, $0x301, v40;
	v39 =	vsel vm1, $0x302, v39;
	v27 =	vsel vm1, $0xFFFFFB82, v27  }
0x125: {  	v41 =	vsel vm1, $0x303, v41;
	v42 =	vsel vm1, $0x304, v42;
	v26 =	vsel vm1, $0xFFFFFB84, v26  }
0x126: {  	v43 =	vsel vm1, $0x305, v43;
	v44 =	vsel vm1, $0x306, v44;
	v25 =	vsel vm1, $0xFFFFFB86, v25  }
0x127: {  	v45 =	vsel vm1, $0x307, v45;
	v46 =	vsel vm1, $0x308, v46;
	v24 =	vsel vm1, $0xFFFFFB88, v24  }
0x128: {  	v47 =	vsel vm1, $0x309, v47;
	v48 =	vsel vm1, $0x30A, v48;
	v23 =	vsel vm1, $0xFFFFFB8A, v23  }
0x129: {  	v49 =	vsel vm1, $0x30B, v49;
	v50 =	vsel vm1, $0x30C, v50;
	v22 =	vsel vm1, $0xFFFFFB8C, v22  }
0x12a: {  	v51 =	vsel vm1, $0x30D, v51;
	v52 =	vsel vm1, $0x30E, v52;
	v19 =	vsel vm1, $0xFFFFFB8E, v19  }
0x12b: {  	v53 =	vsel vm1, $0x30F, v53;
	v54 =	vsel vm1, $0x310, v54;
	v17 =	vsel vm1, $0xFFFFFB90, v17  }
0x12c: {  	v55 =	vsel vm1, $0x311, v55;
	v56 =	vsel vm1, $0x312, v56;
	v15 =	vsel vm1, $0xFFFFFB92, v15  }
0x12d: {  	v57 =	vsel vm1, $0x313, v57;
	v11 =	vsel vm1, $0xFFFFFB94, v11;
	v59 =	vsel vm1, $0x315, v59  }
0x12e: {  	v60 =	vsel vm1, $0x316, v60;
	v9 =	vsel vm1, $0xFFFFFB96, v9;
	v61 =	vsel vm1, $0x317, v61  }
0x12f: {  	v0 =	vsel vm2, $0xFFFFFBDA, v0;
	v58 =	vsel vm1, $0x314, v58;
	vm1 =	vcmask $0x3B38  }
0x130: {  	v1 =	vsel vm2, $0xFFFFFBDC, v1;
	v2 =	vsel vm2, $0xFFFFFBDE, v2;
	v3 =	vsel vm2, $0xFFFFFBE0, v3  }
0x131: {  	v4 =	vsel vm2, $0xFFFFFBE2, v4;
	v5 =	vsel vm2, $0xFFFFFBE4, v5;
	v6 =	vsel vm2, $0xFFFFFBE6, v6  }
0x132: {  	v7 =	vsel vm2, $0xFFFFFBE8, v7;
	v8 =	vsel vm2, $0xFFFFFBEA, v8;
	v10 =	vsel vm2, $0xFFFFFBEC, v10  }
0x133: {  	[tilespmem:$0x1F7C0] =	vst v63;
	v12 =	vsel vm2, $0xFFFFFBEE, v12;
	v13 =	vsel vm2, $0xFFFFFBF0, v13;
	v14 =	vsel vm2, $0xFFFFFBF2, v14  }
0x134: {  	[tilespmem:$0x1F7F0] =	vst v62;
	v16 =	vsel vm2, $0xFFFFFBF4, v16;
	v18 =	vsel vm2, $0xFFFFFBF6, v18;
	v0 =	vsel vm1, $0xFFFFFB9C, v0  }
0x135: {  	v20 =	vsel vm2, $0xFFFFFBF8, v20;
	v21 =	vsel vm2, $0xFFFFFBFA, v21;
	v4 =	vsel vm1, $0xFFFFFBA4, v4;
	[tilespmem:$0x1F420] =	vst v0  }
0x136: {  	v32 =	vsel vm2, $0x37C, v32;
	v30 =	vsel vm2, $0xFFFFFBFC, v30;
	v5 =	vsel vm1, $0xFFFFFBA6, v5;
	[tilespmem:$0x1F460] =	vst v4  }
0x137: {  	v33 =	vsel vm2, $0x37D, v33;
	v34 =	vsel vm2, $0x37E, v34;
	v6 =	vsel vm1, $0xFFFFFBA8, v6;
	[tilespmem:$0x1F470] =	vst v5  }
0x138: {  	v31 =	vsel vm2, $0xFFFFFBFE, v31;
	v35 =	vsel vm2, $0x37F, v35;
	v7 =	vsel vm1, $0xFFFFFBAA, v7;
	[tilespmem:$0x1F480] =	vst v6  }
0x139: {  	v36 =	vsel vm2, $0x340, v36;
	v29 =	vsel vm2, $0xFFFFFBC0, v29;
	v0 =	vsel vm1, $0xFFFFFB9E, v1;
	[tilespmem:$0x1F490] =	vst v7  }
0x13a: {  	v38 =	vsel vm2, $0x341, v38;
	v37 =	vsel vm2, $0x342, v37;
	v4 =	vsel vm1, $0xFFFFFBAC, v8;
	[tilespmem:$0x1F430] =	vst v0  }
0x13b: {  	v28 =	vsel vm2, $0xFFFFFBC2, v28;
	v40 =	vsel vm2, $0x343, v40;
	v5 =	vsel vm1, $0xFFFFFBAE, v10;
	[tilespmem:$0x1F4A0] =	vst v4  }
0x13c: {  	v39 =	vsel vm2, $0x344, v39;
	v27 =	vsel vm2, $0xFFFFFBC4, v27;
	v6 =	vsel vm1, $0xFFFFFBB0, v12;
	[tilespmem:$0x1F4B0] =	vst v5  }
0x13d: {  	v41 =	vsel vm2, $0x345, v41;
	v42 =	vsel vm2, $0x346, v42;
	v7 =	vsel vm1, $0xFFFFFBB2, v13;
	[tilespmem:$0x1F4C0] =	vst v6  }
0x13e: {  	v26 =	vsel vm2, $0xFFFFFBC6, v26;
	v43 =	vsel vm2, $0x347, v43;
	v8 =	vsel vm1, $0xFFFFFBB4, v14;
	[tilespmem:$0x1F4D0] =	vst v7  }
0x13f: {  	v44 =	vsel vm2, $0x348, v44;
	v25 =	vsel vm2, $0xFFFFFBC8, v25;
	v10 =	vsel vm1, $0xFFFFFBB6, v16;
	[tilespmem:$0x1F4E0] =	vst v8  }
0x140: {  	v45 =	vsel vm2, $0x349, v45;
	v46 =	vsel vm2, $0x34A, v46;
	v12 =	vsel vm1, $0xFFFFFBB8, v18;
	[tilespmem:$0x1F4F0] =	vst v10  }
0x141: {  	v24 =	vsel vm2, $0xFFFFFBCA, v24;
	v47 =	vsel vm2, $0x34B, v47;
	v13 =	vsel vm1, $0xFFFFFBBA, v20;
	[tilespmem:$0x1F500] =	vst v12  }
0x142: {  	v48 =	vsel vm2, $0x34C, v48;
	v23 =	vsel vm2, $0xFFFFFBCC, v23;
	v14 =	vsel vm1, $0xFFFFFBBC, v21;
	[tilespmem:$0x1F510] =	vst v13  }
0x143: {  	v49 =	vsel vm2, $0x34D, v49;
	v50 =	vsel vm2, $0x34E, v50;
	v16 =	vsel vm1, $0x3BE, v32;
	[tilespmem:$0x1F520] =	vst v14  }
0x144: {  	v22 =	vsel vm2, $0xFFFFFBCE, v22;
	v51 =	vsel vm2, $0x34F, v51;
	v18 =	vsel vm1, $0xFFFFFBBE, v30;
	[tilespmem:$0x1F530] =	vst v16  }
0x145: {  	v52 =	vsel vm2, $0x350, v52;
	v19 =	vsel vm2, $0xFFFFFBD0, v19;
	v20 =	vsel vm1, $0x3BF, v33;
	[tilespmem:$0x1F540] =	vst v18  }
0x146: {  	v53 =	vsel vm2, $0x351, v53;
	v54 =	vsel vm2, $0x352, v54;
	v21 =	vsel vm1, $0x380, v34;
	[tilespmem:$0x1F550] =	vst v20  }
0x147: {  	v17 =	vsel vm2, $0xFFFFFBD2, v17;
	v55 =	vsel vm2, $0x353, v55;
	v30 =	vsel vm1, $0xFFFFFB80, v31;
	[tilespmem:$0x1F560] =	vst v21  }
0x148: {  	v56 =	vsel vm2, $0x354, v56;
	v15 =	vsel vm2, $0xFFFFFBD4, v15;
	v31 =	vsel vm1, $0x381, v35;
	[tilespmem:$0x1F570] =	vst v30  }
0x149: {  	v57 =	vsel vm2, $0x355, v57;
	v59 =	vsel vm2, $0x357, v59;
	v32 =	vsel vm1, $0x382, v36;
	[tilespmem:$0x1F580] =	vst v31  }
0x14a: {  	v60 =	vsel vm2, $0x358, v60;
	v9 =	vsel vm2, $0xFFFFFBD8, v9;
	v33 =	vsel vm1, $0xFFFFFB82, v29;
	[tilespmem:$0x1F590] =	vst v32  }
0x14b: {  	v61 =	vsel vm2, $0x359, v61;
	v58 =	vsel vm2, $0x356, v58;
	v34 =	vsel vm1, $0x383, v38;
	[tilespmem:$0x1F5A0] =	vst v33  }
0x14c: {  	v35 =	vsel vm1, $0x384, v37;
	v36 =	vsel vm1, $0xFFFFFB84, v28;
	v37 =	vsel vm1, $0x385, v40;
	[tilespmem:$0x1F5B0] =	vst v34  }
0x14d: {  	v38 =	vsel vm1, $0x386, v39;
	v39 =	vsel vm1, $0xFFFFFB86, v27;
	v40 =	vsel vm1, $0x387, v41;
	[tilespmem:$0x1F5C0] =	vst v35  }
0x14e: {  	v41 =	vsel vm1, $0x388, v42;
	v42 =	vsel vm1, $0xFFFFFB88, v26;
	v27 =	vimm.s32 $0x14131211;
	[tilespmem:$0x1F5D0] =	vst v36  }
0x14f: {  	v26 =	vsel vm1, $0xFFFFFB94, v17;
	v28 =	vimm.s32 $0x18171615;
	v29 =	vimm.s32 $0x34333231;
	[tilespmem:$0x1F5E0] =	vst v37  }
0x150: {  	v0 =	vsel vm1, $0xFFFFFBA0, v2;
	[tilespmem:$0x1F5F0] =	vst v38;
	v4 =	vsel vm1, $0x389, v43;
	v5 =	vsel vm1, $0x38A, v44  }
0x151: {  	[tilespmem:$0x1F600] =	vst v39;
	v6 =	vsel vm1, $0xFFFFFB8A, v25;
	v7 =	vsel vm1, $0x38B, v45;
	v8 =	vsel vm1, $0x38C, v46  }
0x152: {  	[tilespmem:$0x1F610] =	vst v40;
	v10 =	vsel vm1, $0xFFFFFB8C, v24;
	v12 =	vsel vm1, $0x38D, v47;
	v13 =	vsel vm1, $0x38E, v48  }
0x153: {  	[tilespmem:$0x1F620] =	vst v41;
	v14 =	vsel vm1, $0xFFFFFB8E, v23;
	v16 =	vsel vm1, $0x38F, v49;
	v18 =	vsel vm1, $0x390, v50  }
0x154: {  	[tilespmem:$0x1F630] =	vst v42;
	v20 =	vsel vm1, $0xFFFFFB90, v22;
	v30 =	vimm.s32 $0x38373635;
	v31 =	vimm.s32 $0x1C1B1A19  }
0x155: {  	v32 =	vimm.s32 $0x15141312;
	v33 =	vimm.s32 $0x19181716;
	v35 =	vimm.s32 $0x3C3B3A39  }
0x156: {  	v21 =	vsel vm1, $0x391, v51;
	v37 =	vimm.s32 $0x1D1C1B1A;
	v38 =	vimm.s32 $0x35343332;
	[tilespmem:$0x1F440] =	vst v0  }
0x157: {  	v22 =	vsel vm1, $0x392, v52;
	v39 =	vimm.s32 $0x39383736;
	v40 =	vimm.s32 $0x16151413;
	[tilespmem:$0x1F660] =	vst v6  }
0x158: {  	v23 =	vsel vm1, $0xFFFFFB92, v19;
	v43 =	vimm.s32 $0x1A191817;
	v45 =	vimm.s32 $0x3D3C3B3A;
	[tilespmem:$0x1F670] =	vst v7  }
0x159: {  	v24 =	vsel vm1, $0x393, v53;
	v46 =	vimm.s32 $0x21203F3E;
	v47 =	vimm.s32 $0x1E1D1C1B;
	[tilespmem:$0x1F680] =	vst v8  }
0x15a: {  	v25 =	vsel vm1, $0x394, v54;
	v48 =	vimm.s32 $0x36353433;
	v50 =	vimm.s32 $0x3A393837;
	[tilespmem:$0x1F690] =	vst v10  }
0x15b: {  	v1 =	vunpack.c.0.s8.s32 v29;
	v52 =	vimm.s32 $0x37363534;
	v53 =	vimm.s32 $0x3B3A3938;
	[tilespmem:$0x1F6A0] =	vst v12  }
0x15c: {  	v0 =	vsel vm1, $0xFFFFFBA2, v3;
	[tilespmem:$0x1F6B0] =	vst v13;
	v6 =	vsel vm1, $0x395, v55;
	v7 =	vsel vm1, $0x396, v56  }
0x15d: {  	[tilespmem:$0x1F6D0] =	vst v16;
	v8 =	vsel vm1, $0xFFFFFB96, v15;
	v10 =	vsel vm1, $0x397, v57;
	v55 =	vsel vm1, $0x398, v58  }
0x15e: {  	[tilespmem:$0x1F6E0] =	vst v18;
	v12 =	vsel vm1, $0x399, v59;
	v15 =	vsel vm1, $0x39A, v60;
	v16 =	vsel vm1, $0xFFFFFB9A, v9  }
0x15f: {  	[tilespmem:$0x1F6F0] =	vst v20;
	v20 =	vsel vm1, $0x39B, v61;
	v9 =	vunpack.c.0.s8.s32 v28;
	v13 =	vunpack.c.0.s8.s32 v30  }
0x160: {  	[tilespmem:$0x1F700] =	vst v21;
	v18 =	vunpack.c.0.s8.s32 v31;
	v34 =	vunpack.c.0.s8.s32 v33;
	v21 =	vunpack.c.0.s8.s32 v35  }
0x161: {  	[tilespmem:$0x1F730] =	vst v24;
	v24 =	vunpack.c.0.s8.s32 v37;
	v41 =	vunpack.c.0.s8.s32 v39;
	v42 =	vunpack.c.0.s8.s32 v40  }
0x162: {  	[tilespmem:$0x1F750] =	vst v26;
	v44 =	vunpack.c.0.s8.s32 v43;
	v26 =	vunpack.c.0.s8.s32 v45;
	v29 =	vunpack.c.0.s8.s32 v47  }
0x163: {  	[tilespmem:$0x1F640] =	vst v4;
	v49 =	vunpack.c.0.s8.s32 v48;
	v51 =	vunpack.c.0.s8.s32 v50;
	v54 =	vunpack.c.0.s8.s32 v53  }
0x164: {  	v56 =	vimm.s32 $0x3E3D3C3B;
	v57 =	vimm.s32 $0x2221203F;
	v58 =	vimm.s32 $0x4030201  }
0x165: {  	v59 =	vimm.s32 $0x3F3E3D3C;
	v60 =	vimm.s32 $0x5040302;
	v39 =	vimm.s32 $0x25242322  }
0x166: {  	v40 =	vimm.s32 $0x6050403;
	v43 =	vimm.s32 $0x26252423;
	v48 =	vimm.s32 $0x27262524  }
0x167: {  	v50 =	vimm.s32 $0x28272625;
	[tilespmem:$0x1F450] =	vst v0;
	v0 =	vunpack.c.0.s8.s32 v27;
	v27 =	vunpack.c.0.s8.s32 v46  }
0x168: {  	[tilespmem:$0x1F650] =	vst v5;
	v31 =	vunpack.c.0.s8.s32 v56;
	v35 =	vunpack.c.0.s8.s32 v59;
	v61 =	vunpack.c.0.s8.s32 v60  }
0x169: {  	[tilespmem:$0x1F6C0] =	vst v14;
	v45 =	vunpack.c.0.s8.s32 v43;
	v59 =	vimm.s32 $0x2A292827;
	v60 =	vimm.s32 $0x2D2C2B2A  }
0x16a: {  	[tilespmem:$0x1F710] =	vst v22;
	v19 =	vsel vm0, v13, v1;
	v28 =	vsel vm0, v44, v42;
	v1 =	vunpack.c.0.s8.s32 v52  }
0x16b: {  	[tilespmem:$0x1F790] =	vst v44;
	v30 =	vsel vm0, v51, v49;
	v42 =	vimm.s32 $0x87654321;
	v44 =	vimm.s32 $0x98765432  }
0x16c: {  	v17 =	vld [tilespmem:$0x1F760];
	[tilespmem:$0x1F7A0] =	vst v51;
	v49 =	vunpack.c.0.s8.s32 v48;
	v51 =	vunpack.c.0.s8.s32 v50;
	v52 =	vimm.s32 $0xA9876543  }
0x16d: {  	[tilespmem:$0x1F720] =	vst v23;
	v50 =	vimm.s32 $0xE09EDC9A;
	v14 =	vsel vm0, v9, v0;
	v0 =	vunpack.c.0.s8.s32 v32  }
0x16e: {  	[tilespmem:$0x1F740] =	vst v25;
	v32 =	vunpack.c.0.s8.s32 v57;
	v2 =	vunpack.c.l.s4.s8 v42;
	v46 =	vunpack.c.l.s4.s8 v44  }
0x16f: {  	[tilespmem:$0x1F770] =	vst v34;
	v53 =	vunpack.c.l.s4.s8 v52;
	v57 =	vimm.s32 $0x2B2A2928;
	v52 =	vimm.s32 $0xC886C482  }
0x170: {  	[tilespmem:$0x1F7B0] =	vst v54;
	v33 =	vsel vm0, v54, v1;
	v54 =	vimm.s32 $0x29282726;
	v23 =	vsel vm0, v34, v0  }
0x171: {  	[tilespmem:$0x1F780] =	vst v41;
	v0 =	vunpack.c.0.s8.s32 v38;
	v34 =	vsel vm0, v61, v17;
	v47 =	vunpack.c.0.s8.s32 v2  }
0x172: {  	[tilespmem:$0x1F810] =	vst v45;
	v56 =	vunpack.c.0.s8.s32 v54;
	v61 =	vimm.s32 $0x2E2D2C2B;
	v54 =	vimm.s32 $0xE2A0DE9C  }
0x173: {  	[tilespmem:$0x1F860] =	vst v49;
	v25 =	vsel vm0, v41, v0;
	v0 =	vunpack.c.0.s8.s32 v58;
	v41 =	vimm.s32 $0x76543210  }
0x174: {  	[tilespmem:$0x1F880] =	vst v51;
	v17 =	vunpack.c.0.s8.s32 v61;
	v58 =	vimm.s32 $0x2C2B2A29;
	v1 =	vunpack.c.l.s4.s8 v41  }
0x175: {  	[tilespmem:$0x1F7D0] =	vst v34;
	v2 =	vunpack.c.0.s8.s32 v58;
	v37 =	vsel vm0, v0, v63;
	v0 =	vunpack.c.0.s8.s32 v39  }
0x176: {  	v42 =	vunpack.c.0.s8.s32 v54;
	v34 =	vimm.s32 $0xE8A6E4A2;
	v54 =	vimm.s32 $0xEEACEAA8;
	[tilespmem:$0x1F8A0] =	vst v56  }
0x177: {  	v63 =	vunpack.c.0.s8.s32 v60;
	v1 =	vunpack.c.0.s8.s32 v1;
	v43 =	vsel vm0, v2, v51;
	[tilespmem:$0x1F7E0] =	vst v0  }
0x178: {  	v60 =	vimm.s32 $0xDC9AD896;
	v51 =	vimm.s32 $0xD896D492;
	v0 =	vunpack.c.0.s8.s32 v40;
	[tilespmem:$0x1F890] =	vst v43  }
0x179: {  	v44 =	vsel vm0, v63, v56;
	v40 =	vunpack.c.0.s8.s32 v52;
	v56 =	vimm.s32 $0xDA98D694;
	[tilespmem:$0x1F820] =	vst v1  }
0x17a: {  	v63 =	vimm.s32 $0xE6A4E2A0;
	v52 =	vimm.s32 $0xEAA8E6A4;
	v1 =	vand.u32 $0xF, v47;
	[tilespmem:$0x1F8B0] =	vst v44  }
0x17b: {  	v43 =	vunpack.c.0.s8.s32 v56;
	v56 =	vunpack.c.0.s8.s32 v54;
	v0 =	vsel vm0, v0, v62;
	[tilespmem:$0x1F830] =	vst v1  }
0x17c: {  	v47 =	vimm.s32 $0xD694D290;
	v1 =	vunpack.c.0.s8.s32 v57;
	v62 =	vunpack.c.0.s8.s32 v59;
	[tilespmem:$0x1F800] =	vst v0  }
0x17d: {  	v3 =	vunpack.c.0.s8.s32 v47;
	v59 =	vimm.s32 $0xE4A2E09E;
	v0 =	vunpack.c.0.s8.s32 v46;
	[tilespmem:$0x1F910] =	vst v56  }
0x17e: {  	v47 =	vunpack.c.0.s8.s32 v60;
	v46 =	vimm.s32 $0xDE9CDA98;
	v39 =	vsel vm0, v1, v49;
	[tilespmem:$0x1F8C0] =	vst v62  }
0x17f: {  	v45 =	vsel vm0, v17, v62;
	v2 =	vunpack.c.0.s8.s32 v46;
	v0 =	vand.u32 $0xF, v0;
	[tilespmem:$0x1F870] =	vst v39  }
0x180: {  	v39 =	vunpack.c.0.s8.s32 v51;
	v51 =	vunpack.c.0.s8.s32 v34;
	[tilespmem:$0x1F840] =	vst v0;
	v0 =	vunpack.c.0.s8.s32 v53  }
0x181: {  	v17 =	vunpack.c.0.s8.s32 v50;
	v46 =	vunpack.c.0.s8.s32 v59;
	v59 =	vimm.s32 $0xF4B2F0AE;
	[tilespmem:$0x1F8D0] =	vst v45  }
0x182: {  	v50 =	vunpack.c.0.s8.s32 v63;
	v60 =	vunpack.c.0.s8.s32 v59;
	[tilespmem:$0x1F8E0] =	vst v51;
	v0 =	vand.u32 $0xF, v0  }
0x183: {  	v63 =	vimm.s32 $0xFAB8F6B4;
	v53 =	vimm.s32 $0xD08ECC8A;
	[tilespmem:$0x1F850] =	vst v0;
	v0 =	vunpack.c.0.s8.s32 v52  }
0x184: {  	v34 =	vunpack.c.0.s8.s32 v63;
	v41 =	vunpack.c.0.s8.s32 v53;
	v53 =	vimm.s32 $0xECAAE8A6;
	[tilespmem:$0x1F940] =	vst v60  }
0x185: {  	[tilespmem:$0x1F8F0] =	vst v0;
	v0 =	vunpack.c.0.s8.s32 v53;
	v53 =	vimm.s32 $0xC0BEFCBA  }
0x186: {  	v57 =	vimm.s32 $0xCA88C684;
	[tilespmem:$0x1F970] =	vst v34;
	v54 =	vunpack.c.0.s8.s32 v53  }
0x187: {  	v44 =	vunpack.c.0.s8.s32 v57;
	v57 =	vimm.s32 $0xF0AEECAA;
	v53 =	vlaneseq.u32;
	[tilespmem:$0x1F900] =	vst v0  }
0x188: {  	v0 =	vunpack.c.0.s8.s32 v57;
	v59 =	vor.u32 $0x20, v53;
	[tilespmem:$0x1F9A0] =	vst v54  }
0x189: {  	[tilespmem:$0x1F9D0] =	vst v59  }
0x18a: {  	v34 =	vmul.u32 $0x42, v53;
	v54 =	vadd.s32 $0x22, v53;
	[tilespmem:$0x1F920] =	vst v0  }
0x18b: {  	v58 =	vimm.s32 $0xD290CE8C;
	v59 =	vadd.s32 $0x23, v53;
	[tilespmem:$0x1FA40] =	vst v54  }
0x18c: {  	v45 =	vunpack.c.0.s8.s32 v58;
	v60 =	vor.u32 $0x1, v34;
	[tilespmem:$0x1FA80] =	vst v59  }
0x18d: {  	v58 =	vimm.s32 $0xF2B0EEAC;
	v57 =	vimm.s32 $0xC482C0BE;
	v63 =	vadd.s32 $0x2, v34;
	[tilespmem:$0x1F9E0] =	vst v60  }
0x18e: {  	v0 =	vunpack.c.0.s8.s32 v58;
	v58 =	vunpack.c.0.s8.s32 v57;
	v57 =	vadd.s32 $0x5, v34;
	[tilespmem:$0x1FA10] =	vst v63  }
0x18f: {  	v54 =	vadd.s32 $0x5, v53;
	[tilespmem:$0x1FA60] =	vst v57  }
0x190: {  	v59 =	vadd.s32 $0x6, v53;
	[tilespmem:$0x1FAF0] =	vst v54  }
0x191: {  	v36 =	vimm.s32 $0x203F3E3D;
	[tilespmem:$0x1FB30] =	vst v59  }
0x192: {  	v22 =	vunpack.c.0.s8.s32 v36;
	v4 =	vimm.s32 $0x23222120;
	[tilespmem:$0x1F930] =	vst v0  }
0x193: {  	v36 =	vunpack.c.0.s8.s32 v4;
	v48 =	vimm.s32 $0xC684C280;
	v60 =	vadd.s32 $0x6, v34;
	[tilespmem:$0x1F9C0] =	vst v58  }
0x194: {  	v4 =	vunpack.c.0.s8.s32 v48;
	v61 =	vimm.s32 $0xCC8AC886;
	v63 =	vadd.s32 $0x24, v53;
	[tilespmem:$0x1FA90] =	vst v60  }
0x195: {  	v48 =	vunpack.c.0.s8.s32 v61;
	v61 =	vimm.s32 $0xF6B4F2B0;
	v57 =	vadd.s32 $0xA, v34;
	[tilespmem:$0x1FAC0] =	vst v63  }
0x196: {  	v0 =	vunpack.c.0.s8.s32 v61;
	v61 =	vadd.s32 $0x1, v53;
	[tilespmem:$0x1FB10] =	vst v57  }
0x197: {  	v58 =	vadd.s32 $0x3, v53;
	[tilespmem:$0x1F9F0] =	vst v61  }
0x198: {  	v5 =	vimm.s32 $0x24232221;
	v60 =	vadd.s32 $0x26, v53;
	[tilespmem:$0x1FA70] =	vst v58  }
0x199: {  	v38 =	vunpack.c.0.s8.s32 v5;
	v49 =	vimm.s32 $0xCE8CCA88;
	[tilespmem:$0x1FB40] =	vst v60  }
0x19a: {  	v62 =	vimm.s32 $0xD492D08E;
	v5 =	vunpack.c.0.s8.s32 v49;
	v61 =	vadd.s32 $0x7, v34;
	[tilespmem:$0x1F950] =	vst v0  }
0x19b: {  	v49 =	vunpack.c.0.s8.s32 v62;
	v62 =	vimm.s32 $0xF8B6F4B2;
	v58 =	vadd.s32 $0xB, v34;
	[tilespmem:$0x1FAA0] =	vst v61  }
0x19c: {  	v0 =	vunpack.c.0.s8.s32 v62;
	v62 =	vadd.s32 $0x21, v53;
	[tilespmem:$0x1FB20] =	vst v58  }
0x19d: {  	v61 =	vadd.s32 $0xC, v34;
	[tilespmem:$0x1FA00] =	vst v62  }
0x19e: {  	[tilespmem:$0x1FB50] =	vst v61  }
0x19f: {  	v51 =	vimm.s32 $0xFCBAF8B6;
	v62 =	vadd.s32 $0x4, v53;
	[tilespmem:$0x1F960] =	vst v0  }
0x1a0: {  	v0 =	vunpack.c.0.s8.s32 v51;
	v51 =	vadd.s32 $0x3, v34;
	[tilespmem:$0x1FAB0] =	vst v62  }
0x1a1: {  	[tilespmem:$0x1FA20] =	vst v51  }
0x1a2: {  	v52 =	vimm.s32 $0xFEBCFAB8;
	v51 =	vadd.s32 $0x8, v34;
	[tilespmem:$0x1F980] =	vst v0  }
0x1a3: {  	v0 =	vunpack.c.0.s8.s32 v52;
	v52 =	vadd.s32 $0x2, v53;
	[tilespmem:$0x1FAD0] =	vst v51  }
0x1a4: {  	[tilespmem:$0x1FA30] =	vst v52  }
0x1a5: {  	v56 =	vimm.s32 $0xC280FEBC;
	v52 =	vadd.s32 $0x9, v34;
	[tilespmem:$0x1F990] =	vst v0  }
0x1a6: {  	v0 =	vunpack.c.0.s8.s32 v56;
	v56 =	vadd.s32 $0x4, v34;
	[tilespmem:$0x1FAE0] =	vst v52  }
0x1a7: {  	s0 =	rddreg [dreg:$0x0];
	s4 =	srdreg.scid;
	[tilespmem:$0x1FA50] =	vst v56  }
0x1a8: {  	s1 =	rddreg [dreg:$0x1];
	s5 =	sand.u32 $0x1, s4;
	s4 =	simm.s32 $0x0;
	v56 =	vadd.s32 $0x25, v53;
	[tilespmem:$0x1F9B0] =	vst v0  }
0x1a9: {  	[smem:$0x7FF] =	sst s4;
	v62 =	vadd.s32 $0xD, v34;
	[tilespmem:$0x1FB00] =	vst v56  }
0x1aa: {  	s2 =	rddreg [dreg:$0x2];
	v63 =	vadd.s32 $0x7, v53;
	_ =	strace $0x80000047;
	[tilespmem:$0x1FB60] =	vst v62  }
0x1ab: {  	v51 =	vadd.s32 $0x27, v53;
	[tilespmem:$0x1FB70] =	vst v63  }
0x1ac: {  	v52 =	vadd.s32 $0xE, v34;
	[tilespmem:$0x1FB80] =	vst v51  }
0x1ad: {  	v54 =	vadd.s32 $0xF, v34;
	[tilespmem:$0x1FB90] =	vst v52  }
0x1ae: {  	v56 =	vadd.s32 $0x8, v53;
	[tilespmem:$0x1FBA0] =	vst v54  }
0x1af: {  	v57 =	vadd.s32 $0x28, v53;
	[tilespmem:$0x1FBB0] =	vst v56  }
0x1b0: {  	v58 =	vadd.s32 $0x10, v34;
	[tilespmem:$0x1FBC0] =	vst v57  }
0x1b1: {  	v59 =	vadd.s32 $0x11, v34;
	[tilespmem:$0x1FBD0] =	vst v58  }
0x1b2: {  	v60 =	vadd.s32 $0x9, v53;
	[tilespmem:$0x1FBE0] =	vst v59  }
0x1b3: {  	v61 =	vadd.s32 $0x29, v53;
	[tilespmem:$0x1FBF0] =	vst v60  }
0x1b4: {  	[tilespmem:$0x1FC00] =	vst v61  }
0x1b5: {  	[tilespmem:$0x1FCE0] =	vst v6  }
0x1b6: {  	[tilespmem:$0x1FCF0] =	vst v7  }
0x1b7: {  	[tilespmem:$0x1FD00] =	vst v8  }
0x1b8: {  	v11 =	vsel vm2, $0xFFFFFBD6, v11;
	[tilespmem:$0x1FD10] =	vst v10  }
0x1b9: {  	v11 =	vsel vm1, $0xFFFFFB98, v11;
	[tilespmem:$0x1FD20] =	vst v55  }
0x1ba: {  	[tilespmem:$0x1FD30] =	vst v11  }
0x1bb: {  	[tilespmem:$0x1FD40] =	vst v15  }
0x1bc: {  	[tilespmem:$0x1FD50] =	vst v16  }
0x1bd: {  	[tilespmem:$0x1FD60] =	vst v20  }
0x1be: {  	[tilespmem:$0x1FD70] =	vst v9  }
0x1bf: {  	[tilespmem:$0x1FD80] =	vst v13  }
0x1c0: {  	[tilespmem:$0x1FD90] =	vst v14  }
0x1c1: {  	[tilespmem:$0x1FDA0] =	vst v18  }
0x1c2: {  	[tilespmem:$0x1FDB0] =	vst v19  }
0x1c3: {  	[tilespmem:$0x1FDC0] =	vst v21  }
0x1c4: {  	[tilespmem:$0x1FDD0] =	vst v22  }
0x1c5: {  	[tilespmem:$0x1FDE0] =	vst v23  }
0x1c6: {  	[tilespmem:$0x1FDF0] =	vst v24  }
0x1c7: {  	[tilespmem:$0x1FE00] =	vst v25  }
0x1c8: {  	[tilespmem:$0x1FE10] =	vst v26  }
0x1c9: {  	[tilespmem:$0x1FE20] =	vst v27  }
0x1ca: {  	[tilespmem:$0x1FE30] =	vst v28  }
0x1cb: {  	[tilespmem:$0x1FE40] =	vst v29  }
0x1cc: {  	[tilespmem:$0x1FE50] =	vst v30  }
0x1cd: {  	[tilespmem:$0x1FE60] =	vst v31  }
0x1ce: {  	[tilespmem:$0x1FE70] =	vst v32  }
0x1cf: {  	[tilespmem:$0x1FE80] =	vst v33  }
0x1d0: {  	[tilespmem:$0x1FE90] =	vst v35  }
0x1d1: {  	[tilespmem:$0x1FEA0] =	vst v36  }
0x1d2: {  	[tilespmem:$0x1FEB0] =	vst v37  }
0x1d3: {  	[tilespmem:$0x1FEC0] =	vst v38  }
0x1d4: {  	[tilespmem:$0x1FED0] =	vst v2  }
0x1d5: {  	[tilespmem:$0x1FEE0] =	vst v3  }
0x1d6: {  	[tilespmem:$0x1FEF0] =	vst v4  }
0x1d7: {  	[tilespmem:$0x1FF00] =	vst v5  }
0x1d8: {  	[tilespmem:$0x1FF10] =	vst v17  }
0x1d9: {  	[tilespmem:$0x1FF20] =	vst v39  }
0x1da: {  	[tilespmem:$0x1FF30] =	vst v40  }
0x1db: {  	[tilespmem:$0x1FF40] =	vst v41  }
0x1dc: {  	[tilespmem:$0x1FF50] =	vst v42  }
0x1dd: {  	[tilespmem:$0x1FF60] =	vst v43  }
0x1de: {  	[tilespmem:$0x1FF70] =	vst v44  }
0x1df: {  	[tilespmem:$0x1FF80] =	vst v45  }
0x1e0: {  	[tilespmem:$0x1FF90] =	vst v46  }
0x1e1: {  	[tilespmem:$0x1FFA0] =	vst v47  }
0x1e2: {  	[tilespmem:$0x1FFB0] =	vst v48  }
0x1e3: {  	[tilespmem:$0x1FFC0] =	vst v49  }
0x1e4: {  	[tilespmem:$0x1FFD0] =	vst v50  }
0x1e5: {  	[tilespmem:$0x1FFE0] =	vst v12  }
0x1e6: {  	v62 =	vadd.s32 $0x12, v34;
	[tilespmem:$0x1FFF0] =	vst v34  }
0x1e7: {  	v63 =	vadd.s32 $0x13, v34;
	[tilespmem:$0x1FC10] =	vst v62  }
0x1e8: {  	v51 =	vadd.s32 $0xA, v53;
	[tilespmem:$0x1FC20] =	vst v63  }
0x1e9: {  	v52 =	vadd.s32 $0x2A, v53;
	[tilespmem:$0x1FC30] =	vst v51  }
0x1ea: {  	s3 =	stileid.u32;
	s14 =	simm.s32 $0x5;
	v54 =	vadd.s32 $0x14, v34;
	[tilespmem:$0x1FC40] =	vst v52  }
0x1eb: {  	s15 =	simm.s32 $0x4100;
	s16 =	simm.s32 $0x8200;
	s17 =	simm.s32 $0x8400;
	v56 =	vadd.s32 $0x15, v34;
	[tilespmem:$0x1FC50] =	vst v54  }
0x1ec: {  	s18 =	simm.s32 $0x1;
	s19 =	simm.s32 $0x8600;
	s20 =	simm.s32 $0x2;
	v57 =	vadd.s32 $0xB, v53;
	[tilespmem:$0x1FC60] =	vst v56  }
0x1ed: {  	s21 =	simm.s32 $0x10600;
	s22 =	simm.s32 $0x3;
	s23 =	simm.s32 $0x4;
	v58 =	vadd.s32 $0x2B, v53;
	[tilespmem:$0x1FC70] =	vst v57  }
0x1ee: {  	s24 =	simm.s32 $0x0;
	s6 =	sshll.u32 s3, $0xF;
	s7 =	sshll.u32 s5, $0xE;
	v59 =	vadd.s32 $0x16, v34;
	[tilespmem:$0x1FC80] =	vst v58  }
.Ltmp0:
0x1ef: {  	s8 =	ssub.s32 $0x2, s5;
	s5 =	sor.u32 s7, s6;
	v60 =	vadd.s32 $0x17, v34;
	[tilespmem:$0x1FC90] =	vst v59;
	(pc) =	sbr.rel .LBB2_1-.Ltmp0, $4  }
0x1f0: {  	s30 =	sshrl.u32 s8, $0x1;
	s6 =	sadd.s32 $0x800, s1;
	s9 =	sshrl.u32 s5, $0x3;
	v61 =	vadd.s32 $0xC, v53;
	[tilespmem:$0x1FCA0] =	vst v60  }
0x1f1: {  	s13 =	ssub.s32 s8, s30;
	s8 =	sadd.s32 $0x808, s1;
	s31 =	sshll.u32 s5, $0x3;
	[tilespmem:$0x1FCB0] =	vst v61;
	v62 =	vadd.s32 $0x2C, v53  }
0x1f2: {  	s11 =	sor.u32 $0x400, s5;
	s12 =	sor.u32 $0x600, s5;
	s7 =	sadd.s32 s0, s9;
	v63 =	vadd.s32 $0x18, v34;
	[tilespmem:$0x1FCC0] =	vst v62  }
0x1f3: {  	s10 =	sadd.s32 s2, s31;
	s13 =	smax.u32 s13, $0x1;
	s9 =	sadd.s32 $0x40, s7;
	[tilespmem:$0x1FCD0] =	vst v63  }
.LBB2_8:
0x1f4: {  	s24 =	sadd.s32 $0x1, s24  }
0x1f5: {  	_ =	swait.ge [sflag:s22], $0x8000;
	p0 =	sne.s32 s24, s13  }
.Ltmp1:
0x1f6: {  	[sflag:s22] =	ssyncset.done $0x0;
	(pc) =	sbr.rel @!p0 .LBB2_9-.Ltmp1, $4  }
0x1f7: {  	[sflag:s22] =	ssyncadd.s32 $0xFFFF8000  }
0x1f8: {  	_ =	swait.ge [sflag:s23], $0x8000  }
0x1f9: {  	[sflag:s23] =	ssyncset.done $0x0  }
0x1fa: {  	[sflag:s23] =	ssyncadd.s32 $0xFFFF8000  }
.LBB2_1:
0x1fb: {  	[tilespmem:s4], [sflag:$0x5] =	stream.linear.gather [hbm4b:s6+s4], $0x4100, $0x38;
	[tilespmem:$0x18600] =	vst v63  }
0x1fc: {  	_ =	swait.ge [sflag:s14], $0x4100  }
0x1fd: {  	[sflag:s14] =	ssyncset.done $0x0  }
0x1fe: {  	[sflag:s14] =	ssyncadd.s32 $0xFFFFBF00  }
0x1ff: {  	[tilespmem:s15], [sflag:$0x5] =	stream.linear.gather [hbm4b:s8+s4], $0x40C0, $0x38;
	[tilespmem:$0x18600] =	vst v63  }
0x200: {  	_ =	swait.ge [sflag:s14], $0x40C0  }
0x201: {  	[sflag:s14] =	ssyncset.done $0x0  }
0x202: {  	[sflag:s14] =	ssyncadd.s32 $0xFFFFBF40  }
0x203: {  	[tilespmem:s16], [sflag:$0x1] =	stream.linear.gather [hbm4b:s7+s4], $0x200, $0x38;
	[tilespmem:$0x18600] =	vst v63  }
0x204: {  	s25 =	simm.s32 $0x0  }
0x205: {  	[tilespmem:s17], [sflag:$0x2] =	stream.linear.gather [hbm4b:s9+s4], $0x200, $0x38;
	[tilespmem:$0x18600] =	vst v63  }
.LBB2_2:
0x206: {  	_ =	swait.ge [sflag:s18], $0x200  }
0x207: {  	p0 =	seq.s32 s25, $0x0;
	[sflag:s18] =	ssyncset.done $0x0  }
0x208: {  	s1 =	simm.s32 @!p0 $0x3;
	[sflag:s18] =	ssyncadd.s32 $0xFFFFFE00  }
0x209: {  	_ =	swait.ge @!p0 [sflag:s1], $0x8000  }
0x20a: {  	v43 =	vld [tilespmem:$0x1F9D0]  }
0x20b: {  	v29 =	vld [tilespmem:$0x1F9E0]  }
0x20c: {  	s26 =	sshll.u32 s25, $0xA;
	s28 =	simm.s32 $0xFFFFFFFE;
	[sflag:s1] =	ssyncset.done @!p0 $0x0;
	v58 =	vld [tilespmem:$0x1FA50]  }
0x20d: {  	s29 =	simm.s32 $0x400;
	s30 =	simm.s32 $0x8210;
	v38 =	vlaneseq.u32;
	v34 =	vld [tilespmem:$0x1FFF0];
	[sflag:s1] =	ssyncadd.s32 @!p0 $0xFFFF8000  }
.LBB2_3:
0x20e: {  	v0 =	vld [tilespmem:s30+$0xFFFFFFF0];
	_ =	sdelay $0x4  }
0x20f: {  	v0 =	vmul.f32 $5.110000000e+02, v0;
	_ =	sdelay $0x1  }
0x210: {  	v1 =	vtrunc.f32 v0  }
0x211: {  	v1 =	vcvt.f32.s32 v1;
	_ =	sdelay $0x1  }
0x212: {  	vm1 =	vgt.s32 v1, $0x0  }
0x213: {  	v1 =	vnsel vm1, $0x0, v1  }
0x214: {  	v1 =	vmin.u32 v1, $0x1FE  }
0x215: {  	v2 =	vcvt.s32.f32 v1;
	_ =	sdelay $0x1  }
0x216: {  	v0 =	vsub.f32 v0, v2;
	_ =	sdelay $0x1  }
0x217: {  	v2 =	vsub.f32 $3.000000000e+00, v0;
	v3 =	vmul.f32 $3.000000000e+00, v0  }
0x218: {  	v8 =	vshll.u32 v1, $0x5  }
0x219: {  	v4 =	vor.u32 v38, v8;
	v1 =	vmul.f32 v2, v0;
	v2 =	vsub.f32 $3.000000000e+00, v3  }
0x21a: {  	v6 =	vadd.s32 v43, v8;
	v5 =	vmul.f32 v0, v0  }
0x21b: {  	v3 =	vadd.f32 $-6.000000000e+00, v3;
	v1 =	vadd.f32 $-3.000000000e+00, v1;
	v2 =	vmul.f32 v2, v0;
	_ =	sdelay $0x1  }
0x21c: {  	v3 =	vmul.f32 v3, v5;
	v1 =	vmul.f32 v1, v0;
	v2 =	vadd.f32 $3.000000000e+00, v2  }
0x21d: {  	v7 =	vld.idx.msk [tilespmem:v4+s4+$0x0], $0xffff  }
0x21e: {  	v9 =	vld.idx.msk [tilespmem:v6+s4+$0x0], $0xffff;
	v3 =	vadd.f32 $4.000000000e+00, v3;
	v1 =	vadd.f32 $1.000000000e+00, v1;
	v2 =	vmul.f32 v2, v0;
	_ =	sdelay $0x1  }
0x21f: {  	v4 =	vld.idx.msk [tilespmem:v4+s15+$0x0], $0xffff;
	v3 =	vmul.f32 $1.666666720e-01, v3;
	v1 =	vmul.f32 $1.666666720e-01, v1;
	v2 =	vadd.f32 $1.000000000e+00, v2  }
0x220: {  	v0 =	vmul.f32 v5, v0  }
0x221: {  	v49 =	vpack.i.f32.bf16 v3, v3;
	v2 =	vmul.f32 $1.666666720e-01, v2;
	v10 =	vpack.i.f32.bf16 v1, v1  }
0x222: {  	v5 =	vmul.bf16 v9, v49;
	v3 =	vmul.bf16 v7, v10  }
0x223: {  	v48 =	vmul.f32 $1.666666720e-01, v0;
	v0 =	vpack.i.f32.bf16 v2, v2  }
0x224: {  	v3 =	vadd.bf16 v5, v3;
	v4 =	vmul.bf16 v4, v0  }
0x225: {  	v1 =	vld.idx.msk [tilespmem:v6+s15+$0x0], $0xffff  }
0x226: {  	v3 =	vadd.bf16 v4, v3;
	v4 =	vld [tilespmem:$0x1F420]  }
0x227: {  	v18 =	vld [tilespmem:$0x1F9F0]  }
0x228: {  	v19 =	vld [tilespmem:$0x1FA00]  }
0x229: {  	s31 =	sadd.s32 $0xFFFFFC00, s29;
	v2 =	vld [tilespmem:s30+$0x0]  }
0x22a: {  	v15 =	vpack.i.f32.bf16 v48, v48;
	v5 =	vor.u32 s31, v34  }
0x22b: {  	v1 =	vmul.bf16 v1, v15;
	v4 =	vand.u32 v4, v5  }
0x22c: {  	v5 =	vor.u32 s31, v29  }
0x22d: {  	v1 =	vadd.bf16 v1, v3;
	v3 =	vor.u32 v18, v8  }
0x22e: {  	v50 =	vadd.s32 v19, v8;
	v2 =	vmul.f32 $5.110000000e+02, v2  }
0x22f: {  	v51 =	vunpack.i.l.bf16.f32 v1  }
0x230: {  	v52 =	vtrunc.f32 v2;
	v1 =	vunpack.i.u.bf16.f32 v1;
	[tilespmem:v4+s19+$0x0] =	vst.idx.msk $0xffff, v51  }
0x231: {  	v4 =	vcvt.f32.s32 v52;
	[tilespmem:v5+s19+$0x0] =	vst.idx.msk $0xffff, v1  }
0x232: {  	v1 =	vld.idx.msk [tilespmem:v3+s4+$0x0], $0xffff  }
0x233: {  	vm1 =	vgt.s32 v4, $0x0;
	v5 =	vld.idx.msk [tilespmem:v50+s4+$0x0], $0xffff  }
0x234: {  	v4 =	vnsel vm1, $0x0, v4  }
0x235: {  	v21 =	vld [tilespmem:$0x1FA10];
	v4 =	vmin.u32 v4, $0x1FE  }
0x236: {  	v3 =	vld.idx.msk [tilespmem:v3+s15+$0x0], $0xffff;
	v53 =	vcvt.s32.f32 v4;
	_ =	sdelay $0x1  }
0x237: {  	v2 =	vsub.f32 v2, v53;
	v1 =	vmul.bf16 v1, v10;
	v5 =	vmul.bf16 v5, v49  }
0x238: {  	v13 =	vld [tilespmem:$0x1F430]  }
0x239: {  	v6 =	vld.idx.msk [tilespmem:v50+s15+$0x0], $0xffff;
	v7 =	vmul.f32 $3.000000000e+00, v2;
	v1 =	vadd.bf16 v5, v1;
	v5 =	vsub.f32 $3.000000000e+00, v2  }
0x23a: {  	v22 =	vld [tilespmem:$0x1FA20];
	v12 =	vor.u32 s31, v21;
	v20 =	vshll.u32 v4, $0x5;
	v3 =	vmul.bf16 v3, v0  }
0x23b: {  	v23 =	vld [tilespmem:$0x1FA30];
	v55 =	vadd.s32 v43, v20;
	v54 =	vsub.f32 $3.000000000e+00, v7;
	v4 =	vmul.f32 v5, v2  }
0x23c: {  	v24 =	vld [tilespmem:$0x1FA40];
	v11 =	vmul.f32 v2, v2;
	v5 =	vor.u32 v38, v20;
	v1 =	vadd.bf16 v3, v1  }
0x23d: {  	v31 =	vld [tilespmem:$0x1FED0];
	v7 =	vadd.f32 $-6.000000000e+00, v7;
	v3 =	vmul.f32 v54, v2;
	v4 =	vadd.f32 $-3.000000000e+00, v4  }
0x23e: {  	v61 =	vld [tilespmem:$0x1FEF0];
	v12 =	vand.u32 v13, v12;
	v6 =	vmul.bf16 v6, v15  }
0x23f: {  	v33 =	vld [tilespmem:$0x1FF00];
	v7 =	vmul.f32 v7, v11;
	v3 =	vadd.f32 $3.000000000e+00, v3;
	v4 =	vmul.f32 v4, v2  }
0x240: {  	v57 =	vor.u32 s31, v22;
	v14 =	vld.idx.msk [tilespmem:v55+s4+$0x0], $0xffff;
	v1 =	vadd.bf16 v6, v1  }
0x241: {  	v7 =	vadd.f32 $4.000000000e+00, v7;
	v56 =	vld.idx.msk [tilespmem:v5+s4+$0x0], $0xffff;
	v3 =	vmul.f32 v3, v2;
	v4 =	vadd.f32 $1.000000000e+00, v4  }
0x242: {  	v32 =	vld [tilespmem:$0x1FEE0];
	v59 =	vor.u32 v23, v8;
	v40 =	vadd.s32 v24, v8;
	v16 =	vunpack.i.l.bf16.f32 v1  }
0x243: {  	v17 =	vld.idx.msk [tilespmem:v5+s15+$0x0], $0xffff;
	v7 =	vmul.f32 $1.666666720e-01, v7;
	v3 =	vadd.f32 $1.000000000e+00, v3;
	v4 =	vmul.f32 $1.666666720e-01, v4  }
0x244: {  	v42 =	vsel vm0, v33, v61;
	v1 =	vunpack.i.u.bf16.f32 v1;
	[tilespmem:v12+s19+$0x0] =	vst.idx.msk $0xffff, v16;
	v2 =	vmul.f32 v11, v2  }
0x245: {  	v5 =	vpack.i.f32.bf16 v7, v7;
	v3 =	vmul.f32 $1.666666720e-01, v3;
	v37 =	vpack.i.f32.bf16 v4, v4;
	v4 =	vld.idx.msk [tilespmem:v55+s15+$0x0], $0xffff  }
0x246: {  	v26 =	vld [tilespmem:$0x1FA80];
	[tilespmem:v57+s19+$0x0] =	vst.idx.msk $0xffff, v1;
	v41 =	vmul.bf16 v14, v5;
	v1 =	vmul.bf16 v56, v37  }
0x247: {  	v43 =	vld.idx.msk [tilespmem:v59+s4+$0x0], $0xffff;
	v2 =	vmul.f32 $1.666666720e-01, v2;
	v25 =	vpack.i.f32.bf16 v3, v3;
	v3 =	vsel vm0, v31, v32  }
0x248: {  	v13 =	vld.idx.msk [tilespmem:v40+s4+$0x0], $0xffff;
	v1 =	vadd.bf16 v41, v1;
	v44 =	vmul.bf16 v17, v25;
	v45 =	vcombine.low v42, v3  }
0x249: {  	v35 =	vld [tilespmem:$0x1FF10];
	v7 =	vpack.i.f32.bf16 v2, v2;
	v2 =	vor.u32 s29, v34  }
0x24a: {  	v46 =	vld.idx.msk [tilespmem:v59+s15+$0x0], $0xffff;
	v1 =	vadd.bf16 v44, v1;
	v4 =	vmul.bf16 v4, v7;
	v2 =	vand.u32 v45, v2  }
0x24b: {  	v47 =	vor.u32 s29, v29;
	v53 =	vld [tilespmem:$0x1F440]  }
0x24c: {  	v12 =	vld.idx.msk [tilespmem:v40+s15+$0x0], $0xffff;
	v1 =	vadd.bf16 v4, v1;
	v4 =	vor.u32 v18, v20  }
0x24d: {  	v48 =	vadd.s32 v19, v20;
	v9 =	vmul.bf16 v43, v10;
	v13 =	vmul.bf16 v13, v49;
	v18 =	vld [tilespmem:$0x1FA60]  }
0x24e: {  	v19 =	vld [tilespmem:$0x1FA70];
	v50 =	vunpack.i.l.bf16.f32 v1  }
0x24f: {  	v36 =	vld [tilespmem:$0x1FF20];
	v6 =	vmul.bf16 v46, v0;
	v1 =	vunpack.i.u.bf16.f32 v1;
	[tilespmem:v2+s19+$0x0] =	vst.idx.msk $0xffff, v50;
	v2 =	vadd.bf16 v13, v9  }
0x250: {  	v63 =	vld [tilespmem:$0x1FF30];
	[tilespmem:v47+s19+$0x0] =	vst.idx.msk $0xffff, v1;
	v1 =	vor.u32 s31, v58  }
0x251: {  	v52 =	vmul.bf16 v12, v15;
	v51 =	vld.idx.msk [tilespmem:v4+s4+$0x0], $0xffff;
	v2 =	vadd.bf16 v6, v2;
	v1 =	vand.u32 v53, v1  }
0x252: {  	v54 =	vld.idx.msk [tilespmem:v48+s4+$0x0], $0xffff;
	v55 =	vor.u32 s31, v18  }
0x253: {  	v39 =	vld [tilespmem:$0x1FF40];
	v56 =	vor.u32 v19, v8;
	v2 =	vadd.bf16 v52, v2  }
0x254: {  	v57 =	vadd.s32 v26, v8;
	v4 =	vld.idx.msk [tilespmem:v4+s15+$0x0], $0xffff  }
0x255: {  	v6 =	vunpack.i.l.bf16.f32 v2  }
0x256: {  	v14 =	vld.idx.msk [tilespmem:v48+s15+$0x0], $0xffff;
	v2 =	vunpack.i.u.bf16.f32 v2;
	[tilespmem:v1+s19+$0x0] =	vst.idx.msk $0xffff, v6  }
0x257: {  	v1 =	vmul.bf16 v51, v37;
	v59 =	vmul.bf16 v54, v5;
	[tilespmem:v55+s19+$0x0] =	vst.idx.msk $0xffff, v2  }
0x258: {  	v12 =	vsel vm0, v39, v63;
	v6 =	vsel vm0, v35, v36;
	v2 =	vld.idx.msk [tilespmem:v56+s4+$0x0], $0xffff  }
0x259: {  	v4 =	vmul.bf16 v4, v25;
	v17 =	vcombine.low v12, v6;
	v1 =	vadd.bf16 v59, v1;
	v40 =	vld.idx.msk [tilespmem:v57+s4+$0x0], $0xffff  }
0x25a: {  	[tilespmem:$0x1F330] =	vst v42;
	v41 =	vor.u32 s29, v21;
	v21 =	vld [tilespmem:$0x1FA90]  }
0x25b: {  	v42 =	vld.idx.msk [tilespmem:v56+s15+$0x0], $0xffff;
	v11 =	vand.u32 v17, v41;
	v1 =	vadd.bf16 v4, v1;
	v4 =	vmul.bf16 v14, v7  }
0x25c: {  	v43 =	vor.u32 s29, v22;
	v50 =	vld [tilespmem:$0x1F450]  }
0x25d: {  	v44 =	vld.idx.msk [tilespmem:v57+s15+$0x0], $0xffff;
	v1 =	vadd.bf16 v4, v1  }
0x25e: {  	v22 =	vld [tilespmem:$0x1FAA0];
	v2 =	vmul.bf16 v2, v10;
	v9 =	vmul.bf16 v40, v49  }
0x25f: {  	[tilespmem:$0x1F060] =	vst v45;
	v46 =	vunpack.i.l.bf16.f32 v1  }
0x260: {  	v47 =	vmul.bf16 v42, v0;
	v1 =	vunpack.i.u.bf16.f32 v1;
	[tilespmem:v11+s19+$0x0] =	vst.idx.msk $0xffff, v46;
	v2 =	vadd.bf16 v9, v2  }
0x261: {  	v45 =	vadd.s32 v24, v20;
	v24 =	vld [tilespmem:$0x1FAC0];
	v4 =	vor.u32 v23, v20;
	[tilespmem:v43+s19+$0x0] =	vst.idx.msk $0xffff, v1;
	v1 =	vor.u32 s31, v21  }
0x262: {  	v41 =	vld [tilespmem:$0x1FF60];
	v48 =	vmul.bf16 v44, v15;
	v2 =	vadd.bf16 v47, v2;
	v1 =	vand.u32 v50, v1  }
0x263: {  	v52 =	vor.u32 s31, v22;
	v23 =	vld [tilespmem:$0x1FAB0]  }
0x264: {  	v40 =	vld [tilespmem:$0x1FF50];
	v2 =	vadd.bf16 v48, v2  }
0x265: {  	v42 =	vld [tilespmem:$0x1FF80]  }
0x266: {  	v11 =	vld.idx.msk [tilespmem:v4+s4+$0x0], $0xffff;
	v9 =	vunpack.i.l.bf16.f32 v2  }
0x267: {  	v51 =	vld.idx.msk [tilespmem:v45+s4+$0x0], $0xffff;
	v2 =	vunpack.i.u.bf16.f32 v2;
	[tilespmem:v1+s19+$0x0] =	vst.idx.msk $0xffff, v9  }
0x268: {  	v54 =	vadd.s32 v24, v8;
	[tilespmem:v52+s19+$0x0] =	vst.idx.msk $0xffff, v2;
	v2 =	vld [tilespmem:$0x1FF70]  }
0x269: {  	v53 =	vor.u32 v23, v8;
	v4 =	vld.idx.msk [tilespmem:v4+s15+$0x0], $0xffff;
	_ =	sdelay $0x1  }
0x26a: {  	v16 =	vld.idx.msk [tilespmem:v45+s15+$0x0], $0xffff  }
0x26b: {  	v1 =	vmul.bf16 v11, v37;
	v55 =	vmul.bf16 v51, v5  }
0x26c: {  	v9 =	vsel vm0, v40, v41;
	v59 =	vld.idx.msk [tilespmem:v54+s4+$0x0], $0xffff;
	v56 =	vsel vm0, v42, v2  }
0x26d: {  	v4 =	vmul.bf16 v4, v25;
	v1 =	vadd.bf16 v55, v1;
	v2 =	vld.idx.msk [tilespmem:v53+s4+$0x0], $0xffff;
	v57 =	vcombine.low v56, v9  }
0x26e: {  	v60 =	vor.u32 s29, v58;
	[tilespmem:$0x1F340] =	vst v12;
	v45 =	vadd.s32 v26, v20;
	v26 =	vld [tilespmem:$0x1FAD0]  }
0x26f: {  	v62 =	vld.idx.msk [tilespmem:v53+s15+$0x0], $0xffff;
	v1 =	vadd.bf16 v4, v1;
	v4 =	vmul.bf16 v16, v7;
	v12 =	vand.u32 v57, v60  }
0x270: {  	v43 =	vor.u32 s29, v18;
	v50 =	vld [tilespmem:$0x1F460]  }
0x271: {  	v44 =	vld.idx.msk [tilespmem:v54+s15+$0x0], $0xffff;
	v1 =	vadd.bf16 v4, v1  }
0x272: {  	v27 =	vld [tilespmem:$0x1FAE0];
	v11 =	vmul.bf16 v59, v49;
	v2 =	vmul.bf16 v2, v10  }
0x273: {  	v4 =	vor.u32 v19, v20;
	v46 =	vunpack.i.l.bf16.f32 v1  }
0x274: {  	v28 =	vld [tilespmem:$0x1FAF0];
	v47 =	vmul.bf16 v62, v0;
	v1 =	vunpack.i.u.bf16.f32 v1;
	v2 =	vadd.bf16 v11, v2;
	[tilespmem:v12+s19+$0x0] =	vst.idx.msk $0xffff, v46  }
0x275: {  	v29 =	vld [tilespmem:$0x1FB00];
	[tilespmem:v43+s19+$0x0] =	vst.idx.msk $0xffff, v1;
	v1 =	vor.u32 s31, v26  }
0x276: {  	v48 =	vmul.bf16 v44, v15;
	v44 =	vld [tilespmem:$0x1FFA0];
	v2 =	vadd.bf16 v47, v2;
	v1 =	vand.u32 v50, v1  }
0x277: {  	v52 =	vor.u32 s31, v27;
	v43 =	vld [tilespmem:$0x1FF90]  }
0x278: {  	v12 =	vld.idx.msk [tilespmem:v4+s4+$0x0], $0xffff;
	v2 =	vadd.bf16 v48, v2  }
0x279: {  	v51 =	vld.idx.msk [tilespmem:v45+s4+$0x0], $0xffff  }
0x27a: {  	[tilespmem:$0x1F070] =	vst v17;
	v17 =	vld.idx.msk [tilespmem:v45+s15+$0x0], $0xffff;
	v55 =	vunpack.i.l.bf16.f32 v2  }
0x27b: {  	v45 =	vld [tilespmem:$0x1FFC0];
	v2 =	vunpack.i.u.bf16.f32 v2;
	[tilespmem:v1+s19+$0x0] =	vst.idx.msk $0xffff, v55  }
0x27c: {  	[tilespmem:v52+s19+$0x0] =	vst.idx.msk $0xffff, v2;
	v2 =	vld [tilespmem:$0x1FFB0]  }
0x27d: {  	v54 =	vadd.s32 v29, v8;
	v4 =	vld.idx.msk [tilespmem:v4+s15+$0x0], $0xffff  }
0x27e: {  	v53 =	vor.u32 v28, v8;
	_ =	sdelay $0x1  }
0x27f: {  	[tilespmem:$0x1F350] =	vst v56;
	v1 =	vmul.bf16 v12, v37;
	v56 =	vmul.bf16 v51, v5  }
0x280: {  	[tilespmem:$0x1F080] =	vst v57;
	v14 =	vsel vm0, v43, v44;
	v57 =	vsel vm0, v45, v2  }
0x281: {  	v4 =	vmul.bf16 v4, v25;
	v1 =	vadd.bf16 v56, v1;
	v59 =	vld.idx.msk [tilespmem:v54+s4+$0x0], $0xffff;
	v58 =	vcombine.low v57, v14  }
0x282: {  	v62 =	vor.u32 s29, v22;
	v60 =	vor.u32 s29, v21;
	v2 =	vld.idx.msk [tilespmem:v53+s4+$0x0], $0xffff  }
0x283: {  	v22 =	vld [tilespmem:$0x1FB10];
	v1 =	vadd.bf16 v4, v1;
	v4 =	vmul.bf16 v17, v7;
	v13 =	vand.u32 v58, v60  }
0x284: {  	v11 =	vld.idx.msk [tilespmem:v53+s15+$0x0], $0xffff  }
0x285: {  	v51 =	vld [tilespmem:$0x1F470];
	v1 =	vadd.bf16 v4, v1;
	v4 =	vor.u32 v23, v20  }
0x286: {  	v46 =	vadd.s32 v24, v20;
	v16 =	vld.idx.msk [tilespmem:v54+s15+$0x0], $0xffff  }
0x287: {  	v23 =	vld [tilespmem:$0x1FB20];
	v12 =	vmul.bf16 v59, v49;
	v47 =	vunpack.i.l.bf16.f32 v1;
	v2 =	vmul.bf16 v2, v10  }
0x288: {  	v24 =	vld [tilespmem:$0x1FB30];
	v1 =	vunpack.i.u.bf16.f32 v1;
	[tilespmem:v13+s19+$0x0] =	vst.idx.msk $0xffff, v47  }
0x289: {  	v30 =	vld [tilespmem:$0x1FB40];
	v11 =	vmul.bf16 v11, v0;
	v2 =	vadd.bf16 v12, v2;
	[tilespmem:v62+s19+$0x0] =	vst.idx.msk $0xffff, v1  }
0x28a: {  	v1 =	vor.u32 s31, v22;
	v48 =	vld.idx.msk [tilespmem:v4+s4+$0x0], $0xffff  }
0x28b: {  	v50 =	vmul.bf16 v16, v15;
	v2 =	vadd.bf16 v11, v2;
	v1 =	vand.u32 v51, v1;
	v52 =	vld.idx.msk [tilespmem:v46+s4+$0x0], $0xffff  }
0x28c: {  	v53 =	vor.u32 s31, v23;
	v18 =	vld.idx.msk [tilespmem:v46+s15+$0x0], $0xffff  }
0x28d: {  	v54 =	vor.u32 v24, v8;
	v46 =	vld [tilespmem:$0x1FFD0];
	v2 =	vadd.bf16 v50, v2  }
0x28e: {  	v55 =	vadd.s32 v30, v8;
	v4 =	vld.idx.msk [tilespmem:v4+s15+$0x0], $0xffff  }
0x28f: {  	[tilespmem:$0x1F360] =	vst v57;
	v56 =	vunpack.i.l.bf16.f32 v2  }
0x290: {  	v2 =	vunpack.i.u.bf16.f32 v2;
	[tilespmem:v1+s19+$0x0] =	vst.idx.msk $0xffff, v56  }
0x291: {  	v1 =	vmul.bf16 v48, v37;
	v57 =	vmul.bf16 v52, v5;
	[tilespmem:v53+s19+$0x0] =	vst.idx.msk $0xffff, v2  }
0x292: {  	[tilespmem:$0x1F090] =	vst v58;
	v58 =	vsel vm0, v32, v33;
	v13 =	vsel vm0, v46, v31;
	v2 =	vld.idx.msk [tilespmem:v54+s4+$0x0], $0xffff  }
0x293: {  	v4 =	vmul.bf16 v4, v25;
	v59 =	vcombine.low v58, v13;
	v1 =	vadd.bf16 v57, v1;
	v60 =	vld.idx.msk [tilespmem:v55+s4+$0x0], $0xffff  }
0x294: {  	v62 =	vor.u32 s29, v26;
	v26 =	vld [tilespmem:$0x1FB50]  }
0x295: {  	v11 =	vld.idx.msk [tilespmem:v54+s15+$0x0], $0xffff;
	v16 =	vand.u32 v59, v62;
	v1 =	vadd.bf16 v4, v1;
	v4 =	vmul.bf16 v18, v7  }
0x296: {  	v32 =	vor.u32 s29, v27;
	v50 =	vld [tilespmem:$0x1F480]  }
0x297: {  	v17 =	vld.idx.msk [tilespmem:v55+s15+$0x0], $0xffff;
	v1 =	vadd.bf16 v4, v1;
	v4 =	vor.u32 v28, v20  }
0x298: {  	v2 =	vmul.bf16 v2, v10;
	v12 =	vmul.bf16 v60, v49  }
0x299: {  	v21 =	vunpack.i.l.bf16.f32 v1  }
0x29a: {  	v11 =	vmul.bf16 v11, v0;
	v1 =	vunpack.i.u.bf16.f32 v1;
	[tilespmem:v16+s19+$0x0] =	vst.idx.msk $0xffff, v21;
	v2 =	vadd.bf16 v12, v2  }
0x29b: {  	v33 =	vadd.s32 v29, v20;
	[tilespmem:v32+s19+$0x0] =	vst.idx.msk $0xffff, v1;
	v1 =	vor.u32 s31, v26  }
0x29c: {  	v48 =	vmul.bf16 v17, v15;
	v47 =	vld.idx.msk [tilespmem:v4+s4+$0x0], $0xffff;
	v2 =	vadd.bf16 v11, v2;
	v1 =	vand.u32 v50, v1  }
0x29d: {  	v27 =	vld [tilespmem:$0x1FB60]  }
0x29e: {  	v31 =	vld [tilespmem:$0x1FB80];
	v2 =	vadd.bf16 v48, v2  }
0x29f: {  	v28 =	vld [tilespmem:$0x1FB70]  }
0x2a0: {  	v51 =	vld.idx.msk [tilespmem:v33+s4+$0x0], $0xffff;
	v11 =	vunpack.i.l.bf16.f32 v2  }
0x2a1: {  	[tilespmem:v1+s19+$0x0] =	vst.idx.msk $0xffff, v11;
	v1 =	vmul.bf16 v47, v37;
	v47 =	vld [tilespmem:$0x1F8E0]  }
0x2a2: {  	v4 =	vld.idx.msk [tilespmem:v4+s15+$0x0], $0xffff;
	_ =	sdelay $0x1  }
0x2a3: {  	v19 =	vld.idx.msk [tilespmem:v33+s15+$0x0], $0xffff  }
0x2a4: {  	v52 =	vor.u32 s31, v27;
	v55 =	vsel vm0, v36, v39;
	v54 =	vmul.bf16 v51, v5  }
0x2a5: {  	v21 =	vadd.s32 v31, v8;
	v53 =	vor.u32 v28, v8;
	v11 =	vsel vm0, v47, v35  }
0x2a6: {  	v4 =	vmul.bf16 v4, v25;
	v1 =	vadd.bf16 v54, v1;
	v56 =	vcombine.low v55, v11  }
0x2a7: {  	[tilespmem:$0x1F370] =	vst v58;
	v58 =	vor.u32 s29, v22;
	v2 =	vunpack.i.u.bf16.f32 v2  }
0x2a8: {  	v1 =	vadd.bf16 v4, v1;
	v4 =	vmul.bf16 v19, v7;
	v16 =	vand.u32 v56, v58  }
0x2a9: {  	v60 =	vor.u32 s29, v23;
	[tilespmem:v52+s19+$0x0] =	vst.idx.msk $0xffff, v2  }
0x2aa: {  	[tilespmem:$0x1F0A0] =	vst v59;
	v2 =	vld.idx.msk [tilespmem:v53+s4+$0x0], $0xffff;
	v1 =	vadd.bf16 v4, v1;
	v4 =	vor.u32 v24, v20  }
0x2ab: {  	[tilespmem:$0x1F380] =	vst v55;
	v57 =	vld.idx.msk [tilespmem:v21+s4+$0x0], $0xffff  }
0x2ac: {  	v62 =	vld.idx.msk [tilespmem:v21+s15+$0x0], $0xffff;
	v21 =	vadd.s32 v30, v20;
	[tilespmem:$0x1F0B0] =	vst v56;
	v22 =	vunpack.i.l.bf16.f32 v1  }
0x2ad: {  	v1 =	vunpack.i.u.bf16.f32 v1;
	[tilespmem:v16+s19+$0x0] =	vst.idx.msk $0xffff, v22  }
0x2ae: {  	v59 =	vld.idx.msk [tilespmem:v53+s15+$0x0], $0xffff;
	[tilespmem:v60+s19+$0x0] =	vst.idx.msk $0xffff, v1  }
0x2af: {  	v1 =	vld.idx.msk [tilespmem:v4+s4+$0x0], $0xffff  }
0x2b0: {  	v30 =	vld [tilespmem:$0x1FB90]  }
0x2b1: {  	v2 =	vmul.bf16 v2, v10;
	v12 =	vmul.bf16 v57, v49;
	v36 =	vld.idx.msk [tilespmem:v21+s4+$0x0], $0xffff  }
0x2b2: {  	v39 =	vld [tilespmem:$0x1F490]  }
0x2b3: {  	v32 =	vmul.bf16 v59, v0;
	v2 =	vadd.bf16 v12, v2;
	v48 =	vld [tilespmem:$0x1FBA0]  }
0x2b4: {  	v52 =	vld [tilespmem:$0x1FBB0]  }
0x2b5: {  	v33 =	vmul.bf16 v62, v15;
	v2 =	vadd.bf16 v32, v2;
	v54 =	vld [tilespmem:$0x1FBC0]  }
0x2b6: {  	v35 =	vor.u32 s31, v30  }
0x2b7: {  	v2 =	vadd.bf16 v33, v2;
	v16 =	vand.u32 v39, v35  }
0x2b8: {  	v50 =	vor.u32 s31, v48;
	v17 =	vmul.bf16 v36, v5;
	v36 =	vld [tilespmem:$0x1F8F0]  }
0x2b9: {  	v4 =	vld.idx.msk [tilespmem:v4+s15+$0x0], $0xffff;
	v51 =	vunpack.i.l.bf16.f32 v2;
	v53 =	vor.u32 v52, v8  }
0x2ba: {  	v23 =	vunpack.i.u.bf16.f32 v2;
	v2 =	vsel vm0, v41, v42;
	v22 =	vadd.s32 v54, v8  }
0x2bb: {  	v21 =	vld.idx.msk [tilespmem:v21+s15+$0x0], $0xffff;
	[tilespmem:$0x1F390] =	vst v2  }
0x2bc: {  	v1 =	vmul.bf16 v1, v37;
	[tilespmem:v16+s19+$0x0] =	vst.idx.msk $0xffff, v51  }
0x2bd: {  	v16 =	vsel vm0, v36, v40;
	[tilespmem:v50+s19+$0x0] =	vst.idx.msk $0xffff, v23  }
0x2be: {  	v4 =	vmul.bf16 v4, v25;
	v1 =	vadd.bf16 v17, v1;
	v2 =	vcombine.low v2, v16;
	v56 =	vld.idx.msk [tilespmem:v53+s4+$0x0], $0xffff  }
0x2bf: {  	v55 =	vor.u32 s29, v26;
	v18 =	vld.idx.msk [tilespmem:v22+s4+$0x0], $0xffff  }
0x2c0: {  	v1 =	vadd.bf16 v4, v1;
	v4 =	vmul.bf16 v21, v7;
	v12 =	vand.u32 v2, v55  }
0x2c1: {  	v21 =	vor.u32 s29, v27;
	v19 =	vld.idx.msk [tilespmem:v53+s15+$0x0], $0xffff  }
0x2c2: {  	v27 =	vld [tilespmem:$0x1FBD0];
	v1 =	vadd.bf16 v4, v1;
	v4 =	vor.u32 v28, v20  }
0x2c3: {  	v23 =	vadd.s32 v31, v20;
	v22 =	vld.idx.msk [tilespmem:v22+s15+$0x0], $0xffff  }
0x2c4: {  	v24 =	vunpack.i.l.bf16.f32 v1;
	[tilespmem:$0x1F0C0] =	vst v2;
	v2 =	vld [tilespmem:$0x1F4A0];
	v57 =	vmul.bf16 v56, v10;
	v58 =	vmul.bf16 v18, v49  }
0x2c5: {  	v31 =	vld [tilespmem:$0x1F900];
	v1 =	vunpack.i.u.bf16.f32 v1;
	[tilespmem:v12+s19+$0x0] =	vst.idx.msk $0xffff, v24  }
0x2c6: {  	v59 =	vmul.bf16 v19, v0;
	[tilespmem:v21+s19+$0x0] =	vst.idx.msk $0xffff, v1;
	v12 =	vadd.bf16 v58, v57  }
0x2c7: {  	v1 =	vld.idx.msk [tilespmem:v4+s4+$0x0], $0xffff  }
0x2c8: {  	v40 =	vor.u32 s31, v27;
	v62 =	vmul.bf16 v22, v15;
	v60 =	vld.idx.msk [tilespmem:v23+s4+$0x0], $0xffff;
	v12 =	vadd.bf16 v59, v12  }
0x2c9: {  	v28 =	vld [tilespmem:$0x1FBF0];
	v21 =	vand.u32 v2, v40  }
0x2ca: {  	v2 =	vsel vm0, v44, v45;
	v4 =	vld.idx.msk [tilespmem:v4+s15+$0x0], $0xffff;
	v17 =	vadd.bf16 v62, v12;
	v12 =	vsel vm0, v31, v43  }
0x2cb: {  	[tilespmem:$0x1F3A0] =	vst v2;
	v24 =	vcombine.low v2, v12;
	v2 =	vld [tilespmem:$0x1FBE0]  }
0x2cc: {  	v39 =	vld.idx.msk [tilespmem:v23+s15+$0x0], $0xffff  }
0x2cd: {  	v23 =	vor.u32 s29, v30;
	v30 =	vld [tilespmem:$0x1FC00];
	v1 =	vmul.bf16 v1, v37;
	v18 =	vmul.bf16 v60, v5;
	_ =	sdelay $0x1  }
0x2ce: {  	v4 =	vmul.bf16 v4, v25;
	v1 =	vadd.bf16 v18, v1  }
0x2cf: {  	v22 =	vor.u32 v28, v8;
	v41 =	vor.u32 s31, v2  }
0x2d0: {  	v42 =	vand.u32 v24, v23;
	v1 =	vadd.bf16 v4, v1;
	v4 =	vmul.bf16 v39, v7  }
0x2d1: {  	[tilespmem:$0x1F0D0] =	vst v24;
	v23 =	vadd.s32 v30, v8;
	v24 =	vor.u32 s29, v48  }
0x2d2: {  	v26 =	vunpack.i.l.bf16.f32 v17;
	v1 =	vadd.bf16 v4, v1;
	v4 =	vor.u32 v52, v20  }
0x2d3: {  	v17 =	vunpack.i.u.bf16.f32 v17;
	[tilespmem:v21+s19+$0x0] =	vst.idx.msk $0xffff, v26  }
0x2d4: {  	v32 =	vld [tilespmem:$0x1F910];
	v43 =	vunpack.i.l.bf16.f32 v1;
	[tilespmem:v41+s19+$0x0] =	vst.idx.msk $0xffff, v17  }
0x2d5: {  	v1 =	vunpack.i.u.bf16.f32 v1;
	[tilespmem:v42+s19+$0x0] =	vst.idx.msk $0xffff, v43;
	v18 =	vld.idx.msk [tilespmem:v22+s4+$0x0], $0xffff  }
0x2d6: {  	v44 =	vld.idx.msk [tilespmem:v23+s4+$0x0], $0xffff;
	[tilespmem:v24+s19+$0x0] =	vst.idx.msk $0xffff, v1  }
0x2d7: {  	v21 =	vadd.s32 v54, v20;
	v1 =	vld.idx.msk [tilespmem:v4+s4+$0x0], $0xffff  }
0x2d8: {  	v22 =	vld.idx.msk [tilespmem:v22+s15+$0x0], $0xffff;
	_ =	sdelay $0x2  }
0x2d9: {  	v48 =	vor.u32 s29, v27;
	v27 =	vld [tilespmem:$0x1FC10];
	v18 =	vmul.bf16 v18, v10;
	v17 =	vmul.bf16 v44, v49  }
0x2da: {  	v19 =	vld.idx.msk [tilespmem:v21+s4+$0x0], $0xffff;
	v24 =	vmul.bf16 v1, v37;
	v1 =	vsel vm0, v32, v46  }
0x2db: {  	v4 =	vld.idx.msk [tilespmem:v4+s15+$0x0], $0xffff;
	v45 =	vmul.bf16 v22, v0;
	v17 =	vadd.bf16 v17, v18;
	v22 =	vcombine.low v3, v1  }
0x2dc: {  	v21 =	vld.idx.msk [tilespmem:v21+s15+$0x0], $0xffff  }
0x2dd: {  	v3 =	vadd.bf16 v45, v17;
	[tilespmem:$0x1F0E0] =	vst v22;
	v17 =	vand.u32 v22, v48;
	v22 =	vor.u32 s29, v2;
	v2 =	vld [tilespmem:$0x1F4B0];
	_ =	sdelay $0x2  }
0x2de: {  	v19 =	vmul.bf16 v19, v5  }
0x2df: {  	v23 =	vld.idx.msk [tilespmem:v23+s15+$0x0], $0xffff;
	v50 =	vmul.bf16 v21, v7;
	v21 =	vor.u32 s31, v27  }
0x2e0: {  	v4 =	vmul.bf16 v4, v25;
	v19 =	vadd.bf16 v19, v24;
	v21 =	vand.u32 v2, v21;
	v2 =	vld [tilespmem:$0x1FC20]  }
0x2e1: {  	v52 =	vor.u32 v28, v20;
	v28 =	vld [tilespmem:$0x1FC30]  }
0x2e2: {  	v24 =	vadd.s32 v30, v20;
	v30 =	vld [tilespmem:$0x1FC40];
	v4 =	vadd.bf16 v4, v19;
	_ =	sdelay $0x1  }
0x2e3: {  	v51 =	vmul.bf16 v23, v15;
	v4 =	vadd.bf16 v50, v4  }
0x2e4: {  	v23 =	vor.u32 s31, v2  }
0x2e5: {  	v53 =	vor.u32 v28, v8;
	v3 =	vadd.bf16 v51, v3;
	v26 =	vunpack.i.l.bf16.f32 v4  }
0x2e6: {  	v4 =	vunpack.i.u.bf16.f32 v4;
	[tilespmem:v17+s19+$0x0] =	vst.idx.msk $0xffff, v26;
	v26 =	vadd.s32 v30, v8  }
0x2e7: {  	v54 =	vunpack.i.l.bf16.f32 v3;
	[tilespmem:v22+s19+$0x0] =	vst.idx.msk $0xffff, v4  }
0x2e8: {  	v3 =	vunpack.i.u.bf16.f32 v3;
	v4 =	vld.idx.msk [tilespmem:v52+s4+$0x0], $0xffff;
	[tilespmem:v21+s19+$0x0] =	vst.idx.msk $0xffff, v54  }
0x2e9: {  	[tilespmem:v23+s19+$0x0] =	vst.idx.msk $0xffff, v3;
	v3 =	vld.idx.msk [tilespmem:v24+s4+$0x0], $0xffff  }
0x2ea: {  	v17 =	vld.idx.msk [tilespmem:v53+s4+$0x0], $0xffff  }
0x2eb: {  	v21 =	vld.idx.msk [tilespmem:v26+s4+$0x0], $0xffff;
	_ =	sdelay $0x1  }
0x2ec: {  	v33 =	vld [tilespmem:$0x1F920]  }
0x2ed: {  	v18 =	vld.idx.msk [tilespmem:v52+s15+$0x0], $0xffff  }
0x2ee: {  	v22 =	vld.idx.msk [tilespmem:v24+s15+$0x0], $0xffff;
	v23 =	vmul.bf16 v4, v37;
	v3 =	vmul.bf16 v3, v5  }
0x2ef: {  	v19 =	vld.idx.msk [tilespmem:v53+s15+$0x0], $0xffff;
	v17 =	vmul.bf16 v17, v10;
	v21 =	vmul.bf16 v21, v49  }
0x2f0: {  	v3 =	vadd.bf16 v3, v23;
	v23 =	vor.u32 s29, v27;
	v27 =	vld [tilespmem:$0x1FC50]  }
0x2f1: {  	v17 =	vadd.bf16 v21, v17;
	v21 =	vor.u32 s29, v2;
	v2 =	vld [tilespmem:$0x1F4C0]  }
0x2f2: {  	v4 =	vsel vm0, v33, v47  }
0x2f3: {  	v24 =	vcombine.low v6, v4  }
0x2f4: {  	v18 =	vmul.bf16 v18, v25;
	v19 =	vmul.bf16 v19, v0  }
0x2f5: {  	v56 =	vmul.bf16 v22, v7;
	v55 =	vld.idx.msk [tilespmem:v26+s15+$0x0], $0xffff;
	v22 =	vand.u32 v24, v23;
	v58 =	vor.u32 s31, v27  }
0x2f6: {  	v3 =	vadd.bf16 v18, v3;
	v17 =	vadd.bf16 v19, v17;
	v19 =	vand.u32 v2, v58;
	v2 =	vld [tilespmem:$0x1FC60]  }
0x2f7: {  	v23 =	vadd.s32 v30, v20;
	v30 =	vld [tilespmem:$0x1FC80]  }
0x2f8: {  	v57 =	vor.u32 v28, v20;
	v28 =	vld [tilespmem:$0x1FC70];
	v3 =	vadd.bf16 v56, v3;
	_ =	sdelay $0x1  }
0x2f9: {  	[tilespmem:$0x1F0F0] =	vst v24;
	v6 =	vmul.bf16 v55, v15;
	v24 =	vunpack.i.l.bf16.f32 v3  }
0x2fa: {  	v3 =	vunpack.i.u.bf16.f32 v3;
	[tilespmem:v22+s19+$0x0] =	vst.idx.msk $0xffff, v24;
	v26 =	vor.u32 s31, v2  }
0x2fb: {  	v39 =	vld [tilespmem:$0x1F930];
	v6 =	vadd.bf16 v6, v17;
	v22 =	vadd.s32 v30, v8;
	[tilespmem:v21+s19+$0x0] =	vst.idx.msk $0xffff, v3  }
0x2fc: {  	v59 =	vor.u32 v28, v8;
	v3 =	vld.idx.msk [tilespmem:v57+s4+$0x0], $0xffff  }
0x2fd: {  	v21 =	vunpack.i.l.bf16.f32 v6;
	v24 =	vld.idx.msk [tilespmem:v23+s4+$0x0], $0xffff  }
0x2fe: {  	v6 =	vunpack.i.u.bf16.f32 v6;
	v18 =	vld.idx.msk [tilespmem:v57+s15+$0x0], $0xffff;
	[tilespmem:v19+s19+$0x0] =	vst.idx.msk $0xffff, v21  }
0x2ff: {  	v21 =	vld.idx.msk [tilespmem:v23+s15+$0x0], $0xffff;
	[tilespmem:v26+s19+$0x0] =	vst.idx.msk $0xffff, v6  }
0x300: {  	v23 =	vld.idx.msk [tilespmem:v22+s4+$0x0], $0xffff  }
0x301: {  	v19 =	vld.idx.msk [tilespmem:v59+s4+$0x0], $0xffff  }
0x302: {  	v60 =	vor.u32 s29, v27;
	v27 =	vld [tilespmem:$0x1FC90]  }
0x303: {  	v3 =	vmul.bf16 v3, v37;
	v24 =	vmul.bf16 v24, v5;
	v17 =	vld.idx.msk [tilespmem:v59+s15+$0x0], $0xffff  }
0x304: {  	v18 =	vmul.bf16 v18, v25;
	v6 =	vsel vm0, v39, v36;
	v62 =	vmul.bf16 v21, v7;
	v21 =	vld.idx.msk [tilespmem:v22+s15+$0x0], $0xffff  }
0x305: {  	v3 =	vadd.bf16 v24, v3;
	v22 =	vmul.bf16 v23, v49;
	v23 =	vor.u32 s29, v2;
	v2 =	vld [tilespmem:$0x1F4D0]  }
0x306: {  	v24 =	vcombine.low v9, v6;
	v19 =	vmul.bf16 v19, v10  }
0x307: {  	v3 =	vadd.bf16 v18, v3  }
0x308: {  	v9 =	vand.u32 v24, v60;
	v17 =	vmul.bf16 v17, v0;
	v19 =	vadd.bf16 v22, v19  }
0x309: {  	v35 =	vor.u32 v28, v20;
	v36 =	vor.u32 s31, v27  }
0x30a: {  	v3 =	vadd.bf16 v62, v3;
	v17 =	vadd.bf16 v17, v19;
	v19 =	vand.u32 v2, v36;
	v2 =	vld [tilespmem:$0x1FCA0]  }
0x30b: {  	v28 =	vld [tilespmem:$0x1FCB0];
	v22 =	vadd.s32 v30, v20  }
0x30c: {  	[tilespmem:$0x1F100] =	vst v24;
	v24 =	vunpack.i.l.bf16.f32 v3;
	v30 =	vld [tilespmem:$0x1FCC0]  }
0x30d: {  	v3 =	vunpack.i.u.bf16.f32 v3;
	[tilespmem:v9+s19+$0x0] =	vst.idx.msk $0xffff, v24  }
0x30e: {  	v40 =	vmul.bf16 v21, v15;
	[tilespmem:v23+s19+$0x0] =	vst.idx.msk $0xffff, v3  }
0x30f: {  	v21 =	vld.idx.msk [tilespmem:v35+s4+$0x0], $0xffff;
	v3 =	vor.u32 s31, v2  }
0x310: {  	v41 =	vor.u32 v28, v8;
	v9 =	vadd.bf16 v40, v17;
	v23 =	vld.idx.msk [tilespmem:v22+s4+$0x0], $0xffff  }
0x311: {  	v36 =	vld [tilespmem:$0x1F940];
	v24 =	vadd.s32 v30, v8  }
0x312: {  	v18 =	vld.idx.msk [tilespmem:v35+s15+$0x0], $0xffff;
	v26 =	vunpack.i.l.bf16.f32 v9  }
0x313: {  	v9 =	vunpack.i.u.bf16.f32 v9;
	[tilespmem:v19+s19+$0x0] =	vst.idx.msk $0xffff, v26  }
0x314: {  	[tilespmem:v3+s19+$0x0] =	vst.idx.msk $0xffff, v9;
	v3 =	vld.idx.msk [tilespmem:v22+s15+$0x0], $0xffff  }
0x315: {  	v21 =	vmul.bf16 v21, v37;
	v22 =	vmul.bf16 v23, v5;
	v19 =	vld.idx.msk [tilespmem:v41+s4+$0x0], $0xffff  }
0x316: {  	v9 =	vsel vm0, v36, v31;
	v23 =	vld.idx.msk [tilespmem:v24+s4+$0x0], $0xffff  }
0x317: {  	v18 =	vmul.bf16 v18, v25;
	v21 =	vadd.bf16 v22, v21;
	v22 =	vcombine.low v14, v9  }
0x318: {  	v43 =	vor.u32 s29, v27;
	v42 =	vld.idx.msk [tilespmem:v41+s15+$0x0], $0xffff  }
0x319: {  	v27 =	vld [tilespmem:$0x1FCD0];
	v18 =	vadd.bf16 v18, v21;
	v17 =	vand.u32 v22, v43;
	v3 =	vmul.bf16 v3, v7  }
0x31a: {  	v44 =	vor.u32 v28, v20;
	[tilespmem:$0x1F110] =	vst v22;
	v21 =	vor.u32 s29, v2;
	v22 =	vld.idx.msk [tilespmem:v24+s15+$0x0], $0xffff  }
0x31b: {  	v2 =	vld [tilespmem:$0x1F4E0];
	v19 =	vmul.bf16 v19, v10;
	v23 =	vmul.bf16 v23, v49;
	v3 =	vadd.bf16 v3, v18  }
0x31c: {  	v24 =	vadd.s32 v30, v20  }
0x31d: {  	v14 =	vmul.bf16 v42, v0;
	v19 =	vadd.bf16 v23, v19;
	v23 =	vunpack.i.l.bf16.f32 v3  }
0x31e: {  	v3 =	vunpack.i.u.bf16.f32 v3;
	[tilespmem:v17+s19+$0x0] =	vst.idx.msk $0xffff, v23  }
0x31f: {  	v45 =	vor.u32 s31, v27;
	v14 =	vadd.bf16 v14, v19;
	[tilespmem:v21+s19+$0x0] =	vst.idx.msk $0xffff, v3  }
0x320: {  	v17 =	vand.u32 v2, v45;
	v2 =	vadd.s32 $0x19, v34;
	v3 =	vmul.bf16 v22, v15;
	v46 =	vld.idx.msk [tilespmem:v44+s4+$0x0], $0xffff  }
0x321: {  	v21 =	vor.u32 s31, v2;
	v22 =	vld.idx.msk [tilespmem:v24+s4+$0x0], $0xffff  }
0x322: {  	v41 =	vld [tilespmem:$0x1F950];
	v3 =	vadd.bf16 v3, v14  }
0x323: {  	v28 =	vadd.s32 $0xD, v38;
	v18 =	vld.idx.msk [tilespmem:v44+s15+$0x0], $0xffff  }
0x324: {  	v47 =	vor.u32 v28, v8;
	v31 =	vadd.s32 $0x2D, v38;
	v26 =	vunpack.i.l.bf16.f32 v3  }
0x325: {  	v23 =	vadd.s32 v31, v8;
	v48 =	vld.idx.msk [tilespmem:v24+s15+$0x0], $0xffff;
	v3 =	vunpack.i.u.bf16.f32 v3;
	[tilespmem:v17+s19+$0x0] =	vst.idx.msk $0xffff, v26  }
0x326: {  	[tilespmem:v21+s19+$0x0] =	vst.idx.msk $0xffff, v3;
	v3 =	vmul.bf16 v46, v37;
	v50 =	vmul.bf16 v22, v5  }
0x327: {  	v30 =	vsel vm0, v41, v32  }
0x328: {  	v51 =	vcombine.low v13, v30;
	v18 =	vmul.bf16 v18, v25;
	v3 =	vadd.bf16 v50, v3  }
0x329: {  	v52 =	vor.u32 s29, v27  }
0x32a: {  	v13 =	vand.u32 v51, v52;
	v17 =	vmul.bf16 v48, v7;
	v21 =	vld.idx.msk [tilespmem:v47+s4+$0x0], $0xffff;
	v3 =	vadd.bf16 v18, v3  }
0x32b: {  	v53 =	vor.u32 s29, v2;
	v22 =	vld.idx.msk [tilespmem:v23+s4+$0x0], $0xffff  }
0x32c: {  	v54 =	vor.u32 v28, v20;
	v14 =	vld.idx.msk [tilespmem:v47+s15+$0x0], $0xffff;
	v3 =	vadd.bf16 v17, v3  }
0x32d: {  	v55 =	vld.idx.msk [tilespmem:v23+s15+$0x0], $0xffff;
	v23 =	vadd.s32 v31, v20  }
0x32e: {  	[tilespmem:$0x1F130] =	vst v2;
	v24 =	vunpack.i.l.bf16.f32 v3  }
0x32f: {  	v2 =	vld [tilespmem:$0x1F4F0];
	v3 =	vunpack.i.u.bf16.f32 v3;
	[tilespmem:v13+s19+$0x0] =	vst.idx.msk $0xffff, v24  }
0x330: {  	v43 =	vld [tilespmem:$0x1F960];
	v21 =	vmul.bf16 v21, v10;
	v22 =	vmul.bf16 v22, v49;
	[tilespmem:v53+s19+$0x0] =	vst.idx.msk $0xffff, v3  }
0x331: {  	v57 =	vld.idx.msk [tilespmem:v54+s4+$0x0], $0xffff  }
0x332: {  	v26 =	vadd.s32 $0x1A, v34;
	v14 =	vmul.bf16 v14, v0;
	v21 =	vadd.bf16 v22, v21;
	v59 =	vld.idx.msk [tilespmem:v23+s4+$0x0], $0xffff  }
0x333: {  	v56 =	vor.u32 s31, v26;
	v58 =	vmul.bf16 v55, v15  }
0x334: {  	v13 =	vand.u32 v2, v56;
	v2 =	vadd.s32 $0x1B, v34;
	v3 =	vadd.bf16 v14, v21;
	v17 =	vld.idx.msk [tilespmem:v54+s15+$0x0], $0xffff  }
0x335: {  	[tilespmem:$0x1F140] =	vst v28;
	v28 =	vadd.s32 $0x2E, v38;
	v27 =	vadd.s32 $0xE, v38;
	v21 =	vor.u32 s31, v2  }
0x336: {  	v60 =	vor.u32 v27, v8;
	v35 =	vsel vm0, v43, v33;
	v23 =	vld.idx.msk [tilespmem:v23+s15+$0x0], $0xffff;
	v3 =	vadd.bf16 v58, v3  }
0x337: {  	v22 =	vadd.s32 v28, v8;
	v62 =	vmul.bf16 v57, v37;
	v19 =	vmul.bf16 v59, v5  }
0x338: {  	v33 =	vcombine.low v11, v35;
	v24 =	vunpack.i.l.bf16.f32 v3  }
0x339: {  	v3 =	vunpack.i.u.bf16.f32 v3;
	[tilespmem:v13+s19+$0x0] =	vst.idx.msk $0xffff, v24;
	v32 =	vmul.bf16 v17, v25;
	v13 =	vadd.bf16 v19, v62  }
0x33a: {  	v42 =	vor.u32 s29, v26;
	[tilespmem:v21+s19+$0x0] =	vst.idx.msk $0xffff, v3  }
0x33b: {  	v44 =	vmul.bf16 v23, v7;
	v17 =	vand.u32 v33, v42;
	v3 =	vld.idx.msk [tilespmem:v60+s4+$0x0], $0xffff;
	v13 =	vadd.bf16 v32, v13  }
0x33c: {  	v45 =	vor.u32 s29, v2;
	v40 =	vld.idx.msk [tilespmem:v22+s4+$0x0], $0xffff  }
0x33d: {  	v46 =	vor.u32 v27, v20;
	v18 =	vld.idx.msk [tilespmem:v60+s15+$0x0], $0xffff;
	v13 =	vadd.bf16 v44, v13  }
0x33e: {  	v21 =	vld.idx.msk [tilespmem:v22+s15+$0x0], $0xffff;
	v22 =	vadd.s32 v28, v20  }
0x33f: {  	[tilespmem:$0x1F180] =	vst v2;
	v23 =	vunpack.i.l.bf16.f32 v13  }
0x340: {  	v2 =	vld [tilespmem:$0x1F500];
	v13 =	vunpack.i.u.bf16.f32 v13;
	[tilespmem:v17+s19+$0x0] =	vst.idx.msk $0xffff, v23  }
0x341: {  	v3 =	vmul.bf16 v3, v10;
	v11 =	vmul.bf16 v40, v49;
	[tilespmem:v45+s19+$0x0] =	vst.idx.msk $0xffff, v13  }
0x342: {  	v48 =	vld.idx.msk [tilespmem:v46+s4+$0x0], $0xffff  }
0x343: {  	v47 =	vmul.bf16 v18, v0;
	v11 =	vadd.bf16 v11, v3;
	v3 =	vadd.s32 $0x1C, v34;
	v19 =	vld.idx.msk [tilespmem:v22+s4+$0x0], $0xffff  }
0x344: {  	[tilespmem:$0x1F120] =	vst v51;
	v51 =	vor.u32 s31, v3;
	v23 =	vld.idx.msk [tilespmem:v46+s15+$0x0], $0xffff  }
0x345: {  	v50 =	vmul.bf16 v21, v15;
	v11 =	vadd.bf16 v47, v11;
	v17 =	vand.u32 v2, v51;
	v46 =	vld [tilespmem:$0x1F970]  }
0x346: {  	v2 =	vadd.s32 $0x1D, v34  }
0x347: {  	[tilespmem:$0x1F1A0] =	vst v28;
	v52 =	vadd.s32 $0xF, v38;
	v24 =	vor.u32 s31, v2;
	v21 =	vadd.bf16 v50, v11  }
0x348: {  	[tilespmem:$0x1F190] =	vst v27;
	v27 =	vor.u32 v52, v8;
	v53 =	vadd.s32 $0x2F, v38;
	v22 =	vld.idx.msk [tilespmem:v22+s15+$0x0], $0xffff  }
0x349: {  	[tilespmem:$0x1F160] =	vst v26;
	v26 =	vunpack.i.l.bf16.f32 v21;
	v18 =	vmul.bf16 v48, v37;
	v19 =	vmul.bf16 v19, v5  }
0x34a: {  	v28 =	vadd.s32 v53, v8;
	v21 =	vunpack.i.u.bf16.f32 v21;
	[tilespmem:v17+s19+$0x0] =	vst.idx.msk $0xffff, v26;
	v39 =	vsel vm0, v46, v39  }
0x34b: {  	v55 =	vmul.bf16 v23, v25;
	v56 =	vcombine.low v16, v39;
	v54 =	vadd.bf16 v19, v18  }
0x34c: {  	v57 =	vor.u32 s29, v3;
	[tilespmem:v24+s19+$0x0] =	vst.idx.msk $0xffff, v21  }
0x34d: {  	v59 =	vmul.bf16 v22, v7;
	v16 =	vand.u32 v56, v57;
	v17 =	vadd.bf16 v55, v54  }
0x34e: {  	v22 =	vor.u32 s29, v2;
	v58 =	vld.idx.msk [tilespmem:v27+s4+$0x0], $0xffff  }
0x34f: {  	v23 =	vor.u32 v52, v20;
	v21 =	vld.idx.msk [tilespmem:v28+s4+$0x0], $0xffff;
	v17 =	vadd.bf16 v59, v17  }
0x350: {  	[tilespmem:$0x1F1D0] =	vst v2;
	v24 =	vadd.s32 v53, v20;
	v2 =	vld [tilespmem:$0x1F510]  }
0x351: {  	v60 =	vld.idx.msk [tilespmem:v27+s15+$0x0], $0xffff;
	v26 =	vunpack.i.l.bf16.f32 v17  }
0x352: {  	v27 =	vld.idx.msk [tilespmem:v28+s15+$0x0], $0xffff;
	v17 =	vunpack.i.u.bf16.f32 v17;
	[tilespmem:v16+s19+$0x0] =	vst.idx.msk $0xffff, v26  }
0x353: {  	[tilespmem:v22+s19+$0x0] =	vst.idx.msk $0xffff, v17  }
0x354: {  	v62 =	vmul.bf16 v58, v10;
	v11 =	vmul.bf16 v21, v49;
	v21 =	vld.idx.msk [tilespmem:v23+s4+$0x0], $0xffff  }
0x355: {  	[tilespmem:$0x1F1B0] =	vst v3;
	v3 =	vadd.s32 $0x1E, v34;
	v22 =	vld.idx.msk [tilespmem:v24+s4+$0x0], $0xffff  }
0x356: {  	v14 =	vor.u32 s31, v3;
	v18 =	vmul.bf16 v60, v0;
	v13 =	vadd.bf16 v11, v62  }
0x357: {  	v26 =	vmul.bf16 v27, v15;
	v27 =	vand.u32 v2, v14  }
0x358: {  	[tilespmem:$0x1F1E0] =	vst v52;
	v52 =	vld [tilespmem:$0x1F980];
	v2 =	vadd.s32 $0x1F, v34;
	v16 =	vor.u32 $0x10, v38;
	v19 =	vadd.bf16 v18, v13  }
0x359: {  	v28 =	vor.u32 s31, v2;
	v17 =	vor.u32 v16, v8;
	v18 =	vor.u32 $0x30, v38;
	v23 =	vld.idx.msk [tilespmem:v23+s15+$0x0], $0xffff  }
0x35a: {  	v26 =	vadd.bf16 v26, v19;
	v21 =	vmul.bf16 v21, v37;
	v22 =	vmul.bf16 v22, v5  }
0x35b: {  	v24 =	vld.idx.msk [tilespmem:v24+s15+$0x0], $0xffff;
	v19 =	vadd.s32 v18, v8  }
0x35c: {  	v21 =	vadd.bf16 v22, v21;
	v22 =	vunpack.i.l.bf16.f32 v26  }
0x35d: {  	[tilespmem:v27+s19+$0x0] =	vst.idx.msk $0xffff, v22;
	v22 =	vunpack.i.u.bf16.f32 v26  }
0x35e: {  	v29 =	vsel vm0, v52, v36;
	v23 =	vmul.bf16 v23, v25;
	[tilespmem:v28+s19+$0x0] =	vst.idx.msk $0xffff, v22  }
0x35f: {  	v36 =	vcombine.low v12, v29;
	v22 =	vld.idx.msk [tilespmem:v17+s4+$0x0], $0xffff  }
0x360: {  	v38 =	vor.u32 s29, v3;
	v21 =	vadd.bf16 v23, v21;
	v23 =	vmul.bf16 v24, v7;
	v24 =	vld.idx.msk [tilespmem:v19+s4+$0x0], $0xffff  }
0x361: {  	v12 =	vand.u32 v36, v38  }
0x362: {  	v26 =	vld.idx.msk [tilespmem:v17+s15+$0x0], $0xffff;
	v21 =	vadd.bf16 v23, v21;
	v23 =	vor.u32 s29, v2;
	_ =	sdelay $0x2  }
0x363: {  	[tilespmem:$0x1F220] =	vst v2;
	v2 =	vld [tilespmem:$0x1F520];
	v28 =	vunpack.i.l.bf16.f32 v21;
	v22 =	vmul.bf16 v22, v10;
	v24 =	vmul.bf16 v24, v49  }
0x364: {  	v21 =	vunpack.i.u.bf16.f32 v21;
	[tilespmem:v12+s19+$0x0] =	vst.idx.msk $0xffff, v28  }
0x365: {  	[tilespmem:v23+s19+$0x0] =	vst.idx.msk $0xffff, v21;
	v23 =	vmul.bf16 v26, v0;
	v22 =	vadd.bf16 v24, v22  }
0x366: {  	[tilespmem:$0x1F200] =	vst v3;
	v3 =	vadd.s32 $0x20, v34  }
0x367: {  	v14 =	vld [tilespmem:$0x1FDA0];
	v24 =	vadd.bf16 v23, v22;
	v22 =	vor.u32 s31, v3  }
0x368: {  	v48 =	vand.u32 v2, v22;
	v2 =	vld [tilespmem:$0x1F7C0];
	_ =	sdelay $0x2  }
0x369: {  	v27 =	vor.u32 v16, v20  }
0x36a: {  	[tilespmem:$0x1F230] =	vst v16;
	v40 =	vadd.s32 v18, v20;
	v16 =	vld [tilespmem:$0x1FDC0]  }
0x36b: {  	v44 =	vsel vm0, v2, v14;
	v2 =	vld [tilespmem:$0x1FD90]  }
0x36c: {  	v47 =	vld.idx.msk [tilespmem:v19+s15+$0x0], $0xffff  }
0x36d: {  	v17 =	vld [tilespmem:$0x1FDD0]  }
0x36e: {  	v26 =	vld.idx.msk [tilespmem:v27+s4+$0x0], $0xffff  }
0x36f: {  	v28 =	vld.idx.msk [tilespmem:v40+s4+$0x0], $0xffff  }
0x370: {  	v51 =	vcombine.low v2, v44;
	v2 =	vld [tilespmem:$0x1FDB0]  }
0x371: {  	v12 =	vmul.bf16 v47, v15  }
0x372: {  	v27 =	vld.idx.msk [tilespmem:v27+s15+$0x0], $0xffff  }
0x373: {  	v50 =	vadd.s32 $0x21, v34;
	v12 =	vadd.bf16 v12, v24;
	v24 =	vld [tilespmem:$0x1F990]  }
0x374: {  	[tilespmem:$0x1F1F0] =	vst v53;
	v53 =	vor.u32 s31, v50;
	v45 =	vsel vm0, v17, v16;
	v26 =	vmul.bf16 v26, v37  }
0x375: {  	v28 =	vmul.bf16 v28, v5;
	v55 =	vor.u32 v51, v8;
	v54 =	vcombine.low v2, v45  }
0x376: {  	[tilespmem:$0x1F150] =	vst v31  }
0x377: {  	[tilespmem:$0x1F1C0] =	vst v56;
	v32 =	vld.idx.msk [tilespmem:v40+s15+$0x0], $0xffff;
	v26 =	vadd.bf16 v28, v26;
	v28 =	vunpack.i.l.bf16.f32 v12;
	v56 =	vadd.s32 v54, v8  }
0x378: {  	v27 =	vmul.bf16 v27, v25;
	v12 =	vunpack.i.u.bf16.f32 v12;
	[tilespmem:v48+s19+$0x0] =	vst.idx.msk $0xffff, v28;
	v47 =	vsel vm0, v24, v41  }
0x379: {  	v31 =	vld [tilespmem:$0x1FDF0];
	[tilespmem:v53+s19+$0x0] =	vst.idx.msk $0xffff, v12;
	v2 =	vcombine.low v1, v47  }
0x37a: {  	v57 =	vadd.bf16 v27, v26;
	v1 =	vor.u32 s29, v3;
	v27 =	vld.idx.msk [tilespmem:v55+s4+$0x0], $0xffff  }
0x37b: {  	[tilespmem:$0x1F260] =	vst v2;
	v1 =	vand.u32 v2, v1;
	v2 =	vld [tilespmem:$0x1F760]  }
0x37c: {  	v26 =	vmul.bf16 v32, v7;
	v28 =	vld.idx.msk [tilespmem:v56+s4+$0x0], $0xffff;
	_ =	sdelay $0x1  }
0x37d: {  	v12 =	vadd.bf16 v26, v57;
	v26 =	vor.u32 s29, v50;
	v58 =	vld.idx.msk [tilespmem:v55+s15+$0x0], $0xffff;
	_ =	sdelay $0x1  }
0x37e: {  	[tilespmem:$0x1F250] =	vst v3;
	v60 =	vunpack.i.l.bf16.f32 v12;
	v3 =	vld [tilespmem:$0x1F530]  }
0x37f: {  	[tilespmem:$0x1F270] =	vst v50;
	v27 =	vmul.bf16 v27, v10;
	v50 =	vsel vm0, v2, v31;
	v2 =	vld [tilespmem:$0x1F540];
	v28 =	vmul.bf16 v28, v49  }
0x380: {  	v12 =	vunpack.i.u.bf16.f32 v12;
	[tilespmem:v1+s19+$0x0] =	vst.idx.msk $0xffff, v60  }
0x381: {  	[tilespmem:v26+s19+$0x0] =	vst.idx.msk $0xffff, v12;
	v26 =	vmul.bf16 v58, v0;
	v41 =	vadd.bf16 v28, v27;
	_ =	sdelay $0x1  }
0x382: {  	v12 =	vadd.bf16 v26, v41;
	v26 =	vor.u32 s31, v3  }
0x383: {  	[tilespmem:$0x1F210] =	vst v36;
	v36 =	vand.u32 v2, v26;
	v2 =	vld [tilespmem:$0x1FDE0]  }
0x384: {  	v62 =	vadd.s32 v54, v20  }
0x385: {  	v59 =	vor.u32 v51, v20;
	_ =	sdelay $0x1  }
0x386: {  	v1 =	vld.idx.msk [tilespmem:v56+s15+$0x0], $0xffff  }
0x387: {  	v13 =	vcombine.low v2, v50;
	v2 =	vld [tilespmem:$0x1F550]  }
0x388: {  	v42 =	vld.idx.msk [tilespmem:v62+s4+$0x0], $0xffff  }
0x389: {  	v27 =	vld.idx.msk [tilespmem:v59+s4+$0x0], $0xffff  }
0x38a: {  	v19 =	vld [tilespmem:$0x1F9A0]  }
0x38b: {  	[tilespmem:$0x1F170] =	vst v33;
	v33 =	vld.idx.msk [tilespmem:v59+s15+$0x0], $0xffff;
	v1 =	vmul.bf16 v1, v15  }
0x38c: {  	v55 =	vld [tilespmem:$0x1FE10];
	v59 =	vor.u32 s31, v2  }
0x38d: {  	v38 =	vld.idx.msk [tilespmem:v62+s15+$0x0], $0xffff;
	v1 =	vadd.bf16 v1, v12;
	v62 =	vor.u32 v13, v8  }
0x38e: {  	[tilespmem:$0x1F280] =	vst v51;
	v58 =	vld [tilespmem:$0x1FE20];
	v32 =	vmul.bf16 v42, v5;
	v27 =	vmul.bf16 v27, v37  }
0x38f: {  	[tilespmem:$0x1F290] =	vst v54;
	v60 =	vld [tilespmem:$0x1FE00];
	v42 =	vunpack.i.l.bf16.f32 v1  }
0x390: {  	v54 =	vmul.bf16 v33, v25;
	v1 =	vunpack.i.u.bf16.f32 v1;
	v27 =	vadd.bf16 v32, v27;
	[tilespmem:v36+s19+$0x0] =	vst.idx.msk $0xffff, v42  }
0x391: {  	v51 =	vsel vm0, v19, v43;
	[tilespmem:v59+s19+$0x0] =	vst.idx.msk $0xffff, v1  }
0x392: {  	v56 =	vcombine.low v4, v51;
	v4 =	vadd.bf16 v54, v27;
	v27 =	vld.idx.msk [tilespmem:v62+s4+$0x0], $0xffff  }
0x393: {  	v48 =	vsel vm0, v58, v55;
	v62 =	vld.idx.msk [tilespmem:v62+s15+$0x0], $0xffff  }
0x394: {  	[tilespmem:$0x1F240] =	vst v18;
	v18 =	vcombine.low v60, v48;
	_ =	sdelay $0x1  }
0x395: {  	v41 =	vadd.s32 v18, v8  }
0x396: {  	v60 =	vor.u32 s29, v2;
	v2 =	vld [tilespmem:$0x1F7F0];
	v1 =	vor.u32 s29, v3  }
0x397: {  	[tilespmem:$0x1F2A0] =	vst v56;
	v1 =	vand.u32 v56, v1;
	v56 =	vmul.bf16 v62, v0;
	v62 =	vld [tilespmem:$0x1FE40];
	_ =	sdelay $0x1  }
0x398: {  	v57 =	vmul.bf16 v38, v7  }
0x399: {  	v59 =	vld.idx.msk [tilespmem:v41+s4+$0x0], $0xffff  }
0x39a: {  	v4 =	vadd.bf16 v57, v4;
	v3 =	vld [tilespmem:$0x1F560]  }
0x39b: {  	v53 =	vsel vm0, v2, v62;
	v2 =	vld [tilespmem:$0x1F570]  }
0x39c: {  	[tilespmem:$0x1F2B0] =	vst v13;
	v11 =	vor.u32 v13, v20;
	v13 =	vunpack.i.l.bf16.f32 v4  }
0x39d: {  	[tilespmem:v1+s19+$0x0] =	vst.idx.msk $0xffff, v13;
	v1 =	vld.idx.msk [tilespmem:v41+s15+$0x0], $0xffff  }
0x39e: {  	v27 =	vmul.bf16 v27, v10;
	v32 =	vmul.bf16 v59, v49  }
0x39f: {  	v4 =	vunpack.i.u.bf16.f32 v4;
	v59 =	vor.u32 s31, v3  }
0x3a0: {  	[tilespmem:v60+s19+$0x0] =	vst.idx.msk $0xffff, v4;
	v4 =	vadd.bf16 v32, v27;
	v12 =	vand.u32 v2, v59;
	v2 =	vld [tilespmem:$0x1FE30];
	_ =	sdelay $0x1  }
0x3a1: {  	v40 =	vld [tilespmem:$0x1FE70];
	[tilespmem:$0x1F2C0] =	vst v18;
	v18 =	vadd.s32 v18, v20;
	v4 =	vadd.bf16 v56, v4;
	v1 =	vmul.bf16 v1, v15  }
0x3a2: {  	v26 =	vld [tilespmem:$0x1FE60]  }
0x3a3: {  	v1 =	vadd.bf16 v1, v4;
	v4 =	vld [tilespmem:$0x1FE50]  }
0x3a4: {  	v13 =	vcombine.low v2, v53;
	v2 =	vld [tilespmem:$0x1F580]  }
0x3a5: {  	v27 =	vld.idx.msk [tilespmem:v11+s4+$0x0], $0xffff  }
0x3a6: {  	v57 =	vld.idx.msk [tilespmem:v18+s4+$0x0], $0xffff  }
0x3a7: {  	v28 =	vld [tilespmem:$0x1F9B0]  }
0x3a8: {  	v54 =	vsel vm0, v40, v26;
	v11 =	vld.idx.msk [tilespmem:v11+s15+$0x0], $0xffff  }
0x3a9: {  	v42 =	vcombine.low v4, v54;
	v60 =	vor.u32 s31, v2  }
0x3aa: {  	v41 =	vor.u32 v13, v8  }
0x3ab: {  	v27 =	vmul.bf16 v27, v37;
	v32 =	vmul.bf16 v57, v5;
	v43 =	vadd.s32 v42, v8  }
0x3ac: {  	v38 =	vld.idx.msk [tilespmem:v18+s15+$0x0], $0xffff;
	v56 =	vsel vm0, v28, v46;
	v18 =	vunpack.i.l.bf16.f32 v1  }
0x3ad: {  	v46 =	vmul.bf16 v11, v25;
	v27 =	vadd.bf16 v32, v27;
	v1 =	vunpack.i.u.bf16.f32 v1;
	[tilespmem:v12+s19+$0x0] =	vst.idx.msk $0xffff, v18  }
0x3ae: {  	[tilespmem:v60+s19+$0x0] =	vst.idx.msk $0xffff, v1  }
0x3af: {  	v57 =	vcombine.low v6, v56;
	v59 =	vadd.bf16 v46, v27;
	v27 =	vld.idx.msk [tilespmem:v41+s4+$0x0], $0xffff  }
0x3b0: {  	v1 =	vor.u32 s29, v3;
	v32 =	vld.idx.msk [tilespmem:v43+s4+$0x0], $0xffff  }
0x3b1: {  	v60 =	vmul.bf16 v38, v7;
	v1 =	vand.u32 v57, v1  }
0x3b2: {  	v11 =	vor.u32 s29, v2;
	v36 =	vld.idx.msk [tilespmem:v41+s15+$0x0], $0xffff  }
0x3b3: {  	v6 =	vadd.bf16 v60, v59  }
0x3b4: {  	v3 =	vld [tilespmem:$0x1F590]  }
0x3b5: {  	[tilespmem:$0x1F2D0] =	vst v57;
	v2 =	vld [tilespmem:$0x1F5A0];
	v57 =	vunpack.i.l.bf16.f32 v6;
	v59 =	vmul.bf16 v27, v10;
	v27 =	vmul.bf16 v32, v49  }
0x3b6: {  	v6 =	vunpack.i.u.bf16.f32 v6;
	[tilespmem:v1+s19+$0x0] =	vst.idx.msk $0xffff, v57  }
0x3b7: {  	[tilespmem:v11+s19+$0x0] =	vst.idx.msk $0xffff, v6;
	v6 =	vadd.bf16 v27, v59;
	v27 =	vmul.bf16 v36, v0  }
0x3b8: {  	v21 =	vld [tilespmem:$0x1FEA0]  }
0x3b9: {  	v4 =	vld [tilespmem:$0x1FE90];
	v6 =	vadd.bf16 v27, v6;
	v27 =	vor.u32 s31, v3  }
0x3ba: {  	v27 =	vand.u32 v2, v27;
	v2 =	vld [tilespmem:$0x1FE80]  }
0x3bb: {  	v18 =	vor.u32 v13, v20;
	v1 =	vld.idx.msk [tilespmem:v43+s15+$0x0], $0xffff  }
0x3bc: {  	v46 =	vadd.s32 v42, v20  }
0x3bd: {  	v11 =	vld [tilespmem:$0x1F5B0]  }
0x3be: {  	v57 =	vsel vm0, v21, v4  }
0x3bf: {  	v22 =	vcombine.low v2, v57;
	v2 =	vld [tilespmem:$0x1F410]  }
0x3c0: {  	v60 =	vld.idx.msk [tilespmem:v18+s4+$0x0], $0xffff;
	v1 =	vmul.bf16 v1, v15  }
0x3c1: {  	v33 =	vld.idx.msk [tilespmem:v46+s4+$0x0], $0xffff  }
0x3c2: {  	v12 =	vld.idx.msk [tilespmem:v18+s15+$0x0], $0xffff;
	v1 =	vadd.bf16 v1, v6;
	v6 =	vor.u32 s31, v11  }
0x3c3: {  	v18 =	vld [tilespmem:$0x1F9C0];
	v43 =	vadd.s32 v22, v8  }
0x3c4: {  	v41 =	vor.u32 v2, v8  }
0x3c5: {  	[tilespmem:$0x1F2E0] =	vst v13;
	v38 =	vld.idx.msk [tilespmem:v46+s15+$0x0], $0xffff;
	v13 =	vunpack.i.l.bf16.f32 v1  }
0x3c6: {  	v1 =	vunpack.i.u.bf16.f32 v1;
	[tilespmem:v27+s19+$0x0] =	vst.idx.msk $0xffff, v13  }
0x3c7: {  	v32 =	vmul.bf16 v60, v37;
	v33 =	vmul.bf16 v33, v5;
	[tilespmem:v6+s19+$0x0] =	vst.idx.msk $0xffff, v1  }
0x3c8: {  	v59 =	vsel vm0, v18, v52;
	v60 =	vld.idx.msk [tilespmem:v43+s4+$0x0], $0xffff  }
0x3c9: {  	v12 =	vmul.bf16 v12, v25;
	v32 =	vadd.bf16 v33, v32;
	v33 =	vcombine.low v9, v59;
	v27 =	vld.idx.msk [tilespmem:v41+s4+$0x0], $0xffff  }
0x3ca: {  	v52 =	vmul.bf16 v38, v7;
	v1 =	vor.u32 s29, v3  }
0x3cb: {  	v46 =	vadd.bf16 v12, v32;
	[tilespmem:$0x1F2F0] =	vst v33;
	v1 =	vand.u32 v33, v1;
	v33 =	vld.idx.msk [tilespmem:v41+s15+$0x0], $0xffff  }
0x3cc: {  	v36 =	vor.u32 v2, v20;
	v2 =	vld [tilespmem:$0x1F5C0]  }
0x3cd: {  	v3 =	vld [tilespmem:$0x1F5D0];
	v9 =	vadd.bf16 v52, v46  }
0x3ce: {  	v32 =	vmul.bf16 v60, v49;
	v27 =	vmul.bf16 v27, v10  }
0x3cf: {  	v13 =	vunpack.i.l.bf16.f32 v9  }
0x3d0: {  	[tilespmem:v1+s19+$0x0] =	vst.idx.msk $0xffff, v13;
	v1 =	vld.idx.msk [tilespmem:v43+s15+$0x0], $0xffff;
	v43 =	vmul.bf16 v33, v0;
	v38 =	vadd.bf16 v32, v27  }
0x3d1: {  	v60 =	vor.u32 s31, v2  }
0x3d2: {  	v6 =	vor.u32 s29, v11;
	v12 =	vadd.bf16 v43, v38;
	v38 =	vand.u32 v3, v60;
	v3 =	vld [tilespmem:$0x1FD70];
	_ =	sdelay $0x3  }
0x3d3: {  	v9 =	vunpack.i.u.bf16.f32 v9  }
0x3d4: {  	[tilespmem:v6+s19+$0x0] =	vst.idx.msk $0xffff, v9;
	v6 =	vsel vm0, v14, v3;
	v3 =	vld [tilespmem:$0x1FEB0];
	_ =	sdelay $0x4  }
0x3d5: {  	v23 =	vcombine.low v6, v3;
	v3 =	vld [tilespmem:$0x1FD80]  }
0x3d6: {  	v41 =	vadd.s32 v22, v20;
	_ =	sdelay $0x1  }
0x3d7: {  	v46 =	vld.idx.msk [tilespmem:v36+s4+$0x0], $0xffff  }
0x3d8: {  	v36 =	vld.idx.msk [tilespmem:v36+s15+$0x0], $0xffff  }
0x3d9: {  	v27 =	vsel vm0, v16, v3;
	v3 =	vld [tilespmem:$0x1F5E0]  }
0x3da: {  	v52 =	vld.idx.msk [tilespmem:v41+s4+$0x0], $0xffff  }
0x3db: {  	v6 =	vld [tilespmem:$0x1FEC0];
	_ =	sdelay $0x1  }
0x3dc: {  	v1 =	vmul.bf16 v1, v15  }
0x3dd: {  	v43 =	vor.u32 s31, v3  }
0x3de: {  	v41 =	vld.idx.msk [tilespmem:v41+s15+$0x0], $0xffff;
	v11 =	vmul.bf16 v46, v37;
	v1 =	vadd.bf16 v1, v12;
	v14 =	vmul.bf16 v52, v5  }
0x3df: {  	v36 =	vmul.bf16 v36, v25;
	v12 =	vsel vm0, v61, v24;
	v60 =	vsel vm0, v6, v17  }
0x3e0: {  	v32 =	vadd.bf16 v14, v11;
	v17 =	vunpack.i.l.bf16.f32 v1;
	v27 =	vcombine.low v27, v60  }
0x3e1: {  	v33 =	vor.u32 v23, v8;
	v1 =	vunpack.i.u.bf16.f32 v1;
	[tilespmem:v38+s19+$0x0] =	vst.idx.msk $0xffff, v17;
	v38 =	vcombine.low v30, v12  }
0x3e2: {  	v16 =	vadd.s32 v27, v8;
	[tilespmem:v43+s19+$0x0] =	vst.idx.msk $0xffff, v1;
	v1 =	vor.u32 s29, v2  }
0x3e3: {  	v52 =	vmul.bf16 v41, v7;
	v30 =	vadd.bf16 v36, v32;
	v1 =	vand.u32 v38, v1;
	_ =	sdelay $0x1  }
0x3e4: {  	v30 =	vadd.bf16 v52, v30  }
0x3e5: {  	v61 =	vld.idx.msk [tilespmem:v33+s4+$0x0], $0xffff  }
0x3e6: {  	[tilespmem:$0x1F300] =	vst v38;
	v13 =	vunpack.i.l.bf16.f32 v30;
	v38 =	vld.idx.msk [tilespmem:v16+s4+$0x0], $0xffff  }
0x3e7: {  	[tilespmem:v1+s19+$0x0] =	vst.idx.msk $0xffff, v13;
	v1 =	vld.idx.msk [tilespmem:v16+s15+$0x0], $0xffff;
	_ =	sdelay $0x1  }
0x3e8: {  	v9 =	vor.u32 s29, v3;
	v33 =	vld.idx.msk [tilespmem:v33+s15+$0x0], $0xffff  }
0x3e9: {  	v11 =	vor.u32 v23, v20  }
0x3ea: {  	v3 =	vld [tilespmem:$0x1F5F0];
	v36 =	vmul.bf16 v61, v10  }
0x3eb: {  	v38 =	vmul.bf16 v38, v49;
	v17 =	vmul.bf16 v1, v15;
	v1 =	vld [tilespmem:$0x1F600]  }
0x3ec: {  	v30 =	vunpack.i.u.bf16.f32 v30  }
0x3ed: {  	v2 =	vld [tilespmem:$0x1F7D0];
	v14 =	vmul.bf16 v33, v0;
	[tilespmem:v9+s19+$0x0] =	vst.idx.msk $0xffff, v30;
	v30 =	vadd.bf16 v38, v36  }
0x3ee: {  	v52 =	vadd.s32 v27, v20;
	v33 =	vld.idx.msk [tilespmem:v11+s4+$0x0], $0xffff  }
0x3ef: {  	v41 =	vld.idx.msk [tilespmem:v11+s15+$0x0], $0xffff;
	v32 =	vadd.bf16 v14, v30;
	v30 =	vor.u32 s31, v3  }
0x3f0: {  	v43 =	vand.u32 v1, v30;
	v1 =	vld [tilespmem:$0x1F770]  }
0x3f1: {  	v11 =	vld [tilespmem:$0x1F610];
	_ =	sdelay $0x1  }
0x3f2: {  	v16 =	vld.idx.msk [tilespmem:v52+s4+$0x0], $0xffff;
	_ =	sdelay $0x1  }
0x3f3: {  	v1 =	vsel vm0, v31, v1  }
0x3f4: {  	v14 =	vor.u32 s31, v11;
	v30 =	vcombine.low v1, v2;
	v1 =	vld [tilespmem:$0x1F780]  }
0x3f5: {  	v9 =	vld [tilespmem:$0x1F7E0];
	v13 =	vadd.bf16 v17, v32  }
0x3f6: {  	v36 =	vmul.bf16 v16, v5;
	v16 =	vor.u32 v30, v8  }
0x3f7: {  	v38 =	vsel vm0, v63, v19;
	v17 =	vunpack.i.l.bf16.f32 v13  }
0x3f8: {  	v19 =	vunpack.i.u.bf16.f32 v13;
	[tilespmem:v43+s19+$0x0] =	vst.idx.msk $0xffff, v17;
	v2 =	vcombine.low v35, v38  }
0x3f9: {  	v52 =	vld.idx.msk [tilespmem:v52+s15+$0x0], $0xffff;
	[tilespmem:v14+s19+$0x0] =	vst.idx.msk $0xffff, v19;
	v61 =	vsel vm0, v55, v1;
	v55 =	vor.u32 s29, v3  }
0x3fa: {  	[tilespmem:$0x1F310] =	vst v2;
	v1 =	vsel vm0, v9, v58;
	v35 =	vand.u32 v2, v55;
	v2 =	vld [tilespmem:$0x1F790]  }
0x3fb: {  	v32 =	vcombine.low v61, v1;
	v13 =	vld.idx.msk [tilespmem:v16+s4+$0x0], $0xffff  }
0x3fc: {  	v33 =	vmul.bf16 v33, v37  }
0x3fd: {  	v61 =	vadd.s32 v32, v8  }
0x3fe: {  	v41 =	vmul.bf16 v41, v25;
	v33 =	vadd.bf16 v36, v33  }
0x3ff: {  	v63 =	vmul.bf16 v52, v7  }
0x400: {  	v33 =	vadd.bf16 v41, v33;
	v41 =	vmul.bf16 v13, v10;
	v13 =	vsel vm0, v62, v2;
	v2 =	vld [tilespmem:$0x1F800];
	_ =	sdelay $0x1  }
0x401: {  	v33 =	vadd.bf16 v63, v33;
	v14 =	vor.u32 s29, v11;
	v43 =	vld.idx.msk [tilespmem:v61+s4+$0x0], $0xffff  }
0x402: {  	v46 =	vld.idx.msk [tilespmem:v16+s15+$0x0], $0xffff;
	v16 =	vor.u32 v30, v20  }
0x403: {  	v17 =	vunpack.i.l.bf16.f32 v33  }
0x404: {  	[tilespmem:v35+s19+$0x0] =	vst.idx.msk $0xffff, v17;
	v35 =	vcombine.low v13, v2;
	v2 =	vld [tilespmem:$0x1F7A0]  }
0x405: {  	v33 =	vunpack.i.u.bf16.f32 v33  }
0x406: {  	[tilespmem:v14+s19+$0x0] =	vst.idx.msk $0xffff, v33;
	v19 =	vld.idx.msk [tilespmem:v61+s15+$0x0], $0xffff;
	v43 =	vmul.bf16 v43, v49  }
0x407: {  	v52 =	vld.idx.msk [tilespmem:v16+s15+$0x0], $0xffff  }
0x408: {  	v58 =	vadd.s32 v32, v20;
	v55 =	vadd.bf16 v43, v41;
	v41 =	vld.idx.msk [tilespmem:v16+s4+$0x0], $0xffff  }
0x409: {  	v16 =	vsel vm0, v26, v2;
	v26 =	vld [tilespmem:$0x1F810]  }
0x40a: {  	v14 =	vld [tilespmem:$0x1F620]  }
0x40b: {  	v3 =	vld [tilespmem:$0x1F630];
	v61 =	vmul.bf16 v46, v0;
	_ =	sdelay $0x1  }
0x40c: {  	v11 =	vmul.bf16 v19, v15;
	v43 =	vld.idx.msk [tilespmem:v58+s4+$0x0], $0xffff;
	v36 =	vadd.bf16 v61, v55  }
0x40d: {  	v33 =	vsel vm0, v26, v40  }
0x40e: {  	v63 =	vor.u32 s31, v14;
	v46 =	vadd.bf16 v11, v36;
	v36 =	vcombine.low v16, v33;
	v16 =	vld [tilespmem:$0x1F640]  }
0x40f: {  	v55 =	vand.u32 v3, v63;
	v2 =	vld [tilespmem:$0x1FF70];
	_ =	sdelay $0x1  }
0x410: {  	v58 =	vld.idx.msk [tilespmem:v58+s15+$0x0], $0xffff;
	v41 =	vmul.bf16 v41, v37;
	v43 =	vmul.bf16 v43, v5  }
0x411: {  	v3 =	vor.u32 v35, v8  }
0x412: {  	v19 =	vunpack.i.l.bf16.f32 v46;
	v41 =	vadd.bf16 v43, v41;
	v17 =	vor.u32 s31, v16  }
0x413: {  	v43 =	vsel vm0, v2, v28;
	[tilespmem:v55+s19+$0x0] =	vst.idx.msk $0xffff, v19;
	v55 =	vmul.bf16 v52, v25  }
0x414: {  	v2 =	vcombine.low v39, v43  }
0x415: {  	v61 =	vor.u32 s29, v14;
	v63 =	vmul.bf16 v58, v7;
	v62 =	vadd.bf16 v55, v41  }
0x416: {  	v40 =	vunpack.i.u.bf16.f32 v46;
	[tilespmem:$0x1F320] =	vst v2;
	v13 =	vand.u32 v2, v61;
	v2 =	vld [tilespmem:$0x1F3F0]  }
0x417: {  	v39 =	vadd.bf16 v63, v62;
	v63 =	vld [tilespmem:$0x1F400];
	[tilespmem:v17+s19+$0x0] =	vst.idx.msk $0xffff, v40  }
0x418: {  	v14 =	vld.idx.msk [tilespmem:v3+s4+$0x0], $0xffff;
	_ =	sdelay $0x3  }
0x419: {  	v11 =	vadd.s32 v36, v8  }
0x41a: {  	v16 =	vor.u32 s29, v16;
	v19 =	vmul.bf16 v14, v10;
	v14 =	vsel vm0, v2, v63;
	v2 =	vld [tilespmem:$0x1F820];
	_ =	sdelay $0x2  }
0x41b: {  	v17 =	vunpack.i.l.bf16.f32 v39  }
0x41c: {  	v39 =	vunpack.i.u.bf16.f32 v39;
	v52 =	vld.idx.msk [tilespmem:v11+s4+$0x0], $0xffff;
	[tilespmem:v13+s19+$0x0] =	vst.idx.msk $0xffff, v17  }
0x41d: {  	[tilespmem:v16+s19+$0x0] =	vst.idx.msk $0xffff, v39;
	v39 =	vcombine.low v14, v2;
	v2 =	vld [tilespmem:$0x1F860]  }
0x41e: {  	v62 =	vld [tilespmem:$0x1F660]  }
0x41f: {  	v3 =	vld.idx.msk [tilespmem:v3+s15+$0x0], $0xffff  }
0x420: {  	v55 =	vor.u32 v35, v20;
	v11 =	vld.idx.msk [tilespmem:v11+s15+$0x0], $0xffff  }
0x421: {  	v61 =	vadd.s32 v36, v20;
	v17 =	vld [tilespmem:$0x1F650]  }
0x422: {  	v52 =	vmul.bf16 v52, v49;
	v16 =	vsel vm0, v2, v21;
	v2 =	vld [tilespmem:$0x1F7B0]  }
0x423: {  	v31 =	vld [tilespmem:$0x1F670]  }
0x424: {  	v3 =	vmul.bf16 v3, v0;
	v13 =	vadd.bf16 v52, v19  }
0x425: {  	v46 =	vld.idx.msk [tilespmem:v55+s4+$0x0], $0xffff  }
0x426: {  	v58 =	vor.u32 s31, v17;
	v11 =	vmul.bf16 v11, v15;
	v52 =	vld.idx.msk [tilespmem:v61+s4+$0x0], $0xffff;
	v3 =	vadd.bf16 v3, v13  }
0x427: {  	v55 =	vld.idx.msk [tilespmem:v55+s15+$0x0], $0xffff;
	v13 =	vand.u32 v62, v58;
	v19 =	vsel vm0, v4, v2  }
0x428: {  	v3 =	vadd.bf16 v11, v3;
	v11 =	vor.u32 s31, v31;
	v2 =	vld [tilespmem:$0x1FFB0];
	v41 =	vcombine.low v19, v16  }
0x429: {  	v58 =	vld.idx.msk [tilespmem:v61+s15+$0x0], $0xffff;
	v61 =	vor.u32 v39, v8  }
0x42a: {  	v14 =	vadd.s32 v41, v8  }
0x42b: {  	v46 =	vmul.bf16 v46, v37;
	v52 =	vmul.bf16 v52, v5;
	v40 =	vunpack.i.l.bf16.f32 v3  }
0x42c: {  	v3 =	vunpack.i.u.bf16.f32 v3;
	[tilespmem:v13+s19+$0x0] =	vst.idx.msk $0xffff, v40  }
0x42d: {  	v52 =	vadd.bf16 v52, v46;
	[tilespmem:v11+s19+$0x0] =	vst.idx.msk $0xffff, v3;
	v46 =	vsel vm0, v2, v18  }
0x42e: {  	v55 =	vmul.bf16 v55, v25;
	v16 =	vld.idx.msk [tilespmem:v61+s4+$0x0], $0xffff;
	v28 =	vcombine.low v29, v46  }
0x42f: {  	v3 =	vor.u32 s29, v17;
	v18 =	vld.idx.msk [tilespmem:v14+s4+$0x0], $0xffff  }
0x430: {  	v63 =	vmul.bf16 v58, v7;
	v62 =	vadd.bf16 v55, v52;
	v17 =	vld [tilespmem:$0x1F680];
	v3 =	vand.u32 v28, v3  }
0x431: {  	v19 =	vor.u32 s29, v31;
	v2 =	vld [tilespmem:$0x1F830]  }
0x432: {  	v11 =	vadd.bf16 v63, v62;
	v31 =	vld [tilespmem:$0x1F690]  }
0x433: {  	v58 =	vld.idx.msk [tilespmem:v61+s15+$0x0], $0xffff;
	v61 =	vadd.s32 v41, v20  }
0x434: {  	v40 =	vunpack.i.l.bf16.f32 v11;
	v62 =	vmul.bf16 v16, v10;
	v63 =	vmul.bf16 v18, v49  }
0x435: {  	v13 =	vor.u32 v39, v20;
	v11 =	vunpack.i.u.bf16.f32 v11;
	[tilespmem:v3+s19+$0x0] =	vst.idx.msk $0xffff, v40;
	v3 =	vld.idx.msk [tilespmem:v14+s15+$0x0], $0xffff  }
0x436: {  	v44 =	vcombine.low v44, v2;
	v2 =	vld [tilespmem:$0x1F880];
	[tilespmem:v19+s19+$0x0] =	vst.idx.msk $0xffff, v11;
	v11 =	vadd.bf16 v63, v62;
	v62 =	vor.u32 s31, v17  }
0x437: {  	v14 =	vand.u32 v31, v62;
	v31 =	vld [tilespmem:$0x1F6A0]  }
0x438: {  	v40 =	vmul.bf16 v58, v0;
	v58 =	vld.idx.msk [tilespmem:v61+s4+$0x0], $0xffff;
	_ =	sdelay $0x1  }
0x439: {  	v16 =	vld.idx.msk [tilespmem:v13+s4+$0x0], $0xffff;
	v11 =	vadd.bf16 v40, v11;
	v3 =	vmul.bf16 v3, v15  }
0x43a: {  	v63 =	vsel vm0, v2, v6;
	v2 =	vld [tilespmem:$0x1F330]  }
0x43b: {  	v13 =	vld.idx.msk [tilespmem:v13+s15+$0x0], $0xffff;
	v45 =	vcombine.low v45, v63;
	v3 =	vadd.bf16 v3, v11;
	v11 =	vor.u32 s31, v31  }
0x43c: {  	v52 =	vmul.bf16 v58, v5;
	v58 =	vor.u32 v44, v8  }
0x43d: {  	v6 =	vld.idx.msk [tilespmem:v61+s15+$0x0], $0xffff;
	v61 =	vadd.s32 v45, v8  }
0x43e: {  	v16 =	vmul.bf16 v16, v37;
	v40 =	vunpack.i.l.bf16.f32 v3  }
0x43f: {  	v47 =	vcombine.low v47, v2;
	v3 =	vunpack.i.u.bf16.f32 v3;
	[tilespmem:v14+s19+$0x0] =	vst.idx.msk $0xffff, v40  }
0x440: {  	v13 =	vmul.bf16 v13, v25;
	v16 =	vadd.bf16 v52, v16;
	[tilespmem:v11+s19+$0x0] =	vst.idx.msk $0xffff, v3  }
0x441: {  	v3 =	vor.u32 s29, v17;
	v14 =	vld.idx.msk [tilespmem:v58+s4+$0x0], $0xffff  }
0x442: {  	v63 =	vmul.bf16 v6, v7;
	v62 =	vadd.bf16 v13, v16;
	v3 =	vand.u32 v47, v3;
	v6 =	vld.idx.msk [tilespmem:v61+s4+$0x0], $0xffff  }
0x443: {  	v2 =	vld [tilespmem:$0x1F8A0];
	v19 =	vor.u32 s29, v31  }
0x444: {  	v11 =	vadd.bf16 v63, v62;
	v17 =	vld [tilespmem:$0x1F6B0]  }
0x445: {  	v31 =	vld [tilespmem:$0x1F6C0]  }
0x446: {  	v13 =	vor.u32 v44, v20;
	v55 =	vld.idx.msk [tilespmem:v58+s15+$0x0], $0xffff;
	v58 =	vadd.s32 v45, v20;
	v40 =	vunpack.i.l.bf16.f32 v11  }
0x447: {  	[tilespmem:v3+s19+$0x0] =	vst.idx.msk $0xffff, v40;
	v3 =	vunpack.i.u.bf16.f32 v11;
	v63 =	vmul.bf16 v14, v10;
	v6 =	vmul.bf16 v6, v49  }
0x448: {  	[tilespmem:v19+s19+$0x0] =	vst.idx.msk $0xffff, v3;
	v3 =	vld.idx.msk [tilespmem:v61+s15+$0x0], $0xffff  }
0x449: {  	v62 =	vor.u32 s31, v17;
	v11 =	vadd.bf16 v6, v63;
	v63 =	vsel vm0, v2, v9;
	v2 =	vld [tilespmem:$0x1F840]  }
0x44a: {  	v14 =	vand.u32 v31, v62;
	v31 =	vld [tilespmem:$0x1F6D0]  }
0x44b: {  	v40 =	vld.idx.msk [tilespmem:v13+s4+$0x0], $0xffff  }
0x44c: {  	v61 =	vmul.bf16 v55, v0;
	v52 =	vld.idx.msk [tilespmem:v58+s4+$0x0], $0xffff  }
0x44d: {  	v13 =	vld.idx.msk [tilespmem:v13+s15+$0x0], $0xffff  }
0x44e: {  	v11 =	vadd.bf16 v61, v11;
	v3 =	vmul.bf16 v3, v15;
	v50 =	vcombine.low v50, v2;
	v2 =	vld [tilespmem:$0x1F340]  }
0x44f: {  	v48 =	vcombine.low v48, v63;
	v55 =	vor.u32 s31, v31  }
0x450: {  	v6 =	vld.idx.msk [tilespmem:v58+s15+$0x0], $0xffff;
	v3 =	vadd.bf16 v3, v11  }
0x451: {  	v61 =	vadd.s32 v48, v8;
	v16 =	vmul.bf16 v40, v37;
	v52 =	vmul.bf16 v52, v5  }
0x452: {  	v13 =	vmul.bf16 v13, v25;
	v58 =	vor.u32 v50, v8;
	v40 =	vunpack.i.l.bf16.f32 v3  }
0x453: {  	v16 =	vadd.bf16 v52, v16;
	v3 =	vunpack.i.u.bf16.f32 v3;
	[tilespmem:v14+s19+$0x0] =	vst.idx.msk $0xffff, v40;
	v51 =	vcombine.low v51, v2  }
0x454: {  	v62 =	vld [tilespmem:$0x1F6E0];
	[tilespmem:v55+s19+$0x0] =	vst.idx.msk $0xffff, v3;
	v3 =	vor.u32 s29, v17  }
0x455: {  	v11 =	vmul.bf16 v6, v7;
	v13 =	vadd.bf16 v13, v16;
	v2 =	vld [tilespmem:$0x1F850];
	v3 =	vand.u32 v51, v3  }
0x456: {  	v6 =	vor.u32 s29, v31;
	v19 =	vld.idx.msk [tilespmem:v61+s4+$0x0], $0xffff  }
0x457: {  	v52 =	vor.u32 v50, v20;
	v11 =	vadd.bf16 v11, v13;
	v14 =	vld.idx.msk [tilespmem:v58+s4+$0x0], $0xffff  }
0x458: {  	v31 =	vld [tilespmem:$0x1F6F0];
	v55 =	vadd.s32 v48, v20  }
0x459: {  	v58 =	vld.idx.msk [tilespmem:v58+s15+$0x0], $0xffff;
	v40 =	vunpack.i.l.bf16.f32 v11  }
0x45a: {  	v53 =	vcombine.low v53, v2;
	v2 =	vld [tilespmem:$0x1F8C0];
	[tilespmem:v3+s19+$0x0] =	vst.idx.msk $0xffff, v40;
	v3 =	vunpack.i.u.bf16.f32 v11  }
0x45b: {  	[tilespmem:v6+s19+$0x0] =	vst.idx.msk $0xffff, v3;
	v3 =	vld.idx.msk [tilespmem:v61+s15+$0x0], $0xffff  }
0x45c: {  	v13 =	vmul.bf16 v19, v49;
	v6 =	vmul.bf16 v14, v10;
	v40 =	vld.idx.msk [tilespmem:v52+s4+$0x0], $0xffff  }
0x45d: {  	v63 =	vor.u32 s31, v62;
	v16 =	vld.idx.msk [tilespmem:v55+s4+$0x0], $0xffff  }
0x45e: {  	v11 =	vadd.bf16 v13, v6;
	v13 =	vand.u32 v31, v63;
	v31 =	vld [tilespmem:$0x1F700]  }
0x45f: {  	v61 =	vmul.bf16 v58, v0;
	v52 =	vld.idx.msk [tilespmem:v52+s15+$0x0], $0xffff  }
0x460: {  	v6 =	vsel vm0, v2, v26;
	v2 =	vld [tilespmem:$0x1F350]  }
0x461: {  	v11 =	vadd.bf16 v61, v11;
	v3 =	vmul.bf16 v3, v15  }
0x462: {  	v55 =	vld.idx.msk [tilespmem:v55+s15+$0x0], $0xffff;
	v14 =	vmul.bf16 v40, v37;
	v16 =	vmul.bf16 v16, v5  }
0x463: {  	v54 =	vcombine.low v54, v6;
	v3 =	vadd.bf16 v3, v11;
	v11 =	vor.u32 s31, v31  }
0x464: {  	v9 =	vmul.bf16 v52, v25;
	v52 =	vor.u32 v53, v8;
	v14 =	vadd.bf16 v16, v14  }
0x465: {  	v58 =	vadd.s32 v54, v8;
	v56 =	vcombine.low v56, v2  }
0x466: {  	v6 =	vor.u32 s29, v62;
	v40 =	vunpack.i.l.bf16.f32 v3;
	v14 =	vadd.bf16 v9, v14  }
0x467: {  	v3 =	vunpack.i.u.bf16.f32 v3;
	[tilespmem:v13+s19+$0x0] =	vst.idx.msk $0xffff, v40;
	v9 =	vmul.bf16 v55, v7;
	v40 =	vand.u32 v56, v6  }
0x468: {  	[tilespmem:v11+s19+$0x0] =	vst.idx.msk $0xffff, v3  }
0x469: {  	v11 =	vadd.bf16 v9, v14;
	v13 =	vld.idx.msk [tilespmem:v52+s4+$0x0], $0xffff  }
0x46a: {  	v3 =	vor.u32 s29, v31;
	v55 =	vld.idx.msk [tilespmem:v58+s4+$0x0], $0xffff  }
0x46b: {  	v63 =	vld [tilespmem:$0x1F710];
	v19 =	vunpack.i.l.bf16.f32 v11  }
0x46c: {  	v14 =	vor.u32 v53, v20;
	[tilespmem:v40+s19+$0x0] =	vst.idx.msk $0xffff, v19;
	v40 =	vld.idx.msk [tilespmem:v52+s15+$0x0], $0xffff  }
0x46d: {  	v2 =	vld [tilespmem:$0x1F870];
	v6 =	vadd.s32 v54, v20  }
0x46e: {  	v31 =	vld [tilespmem:$0x1F720];
	v11 =	vunpack.i.u.bf16.f32 v11  }
0x46f: {  	[tilespmem:v3+s19+$0x0] =	vst.idx.msk $0xffff, v11;
	v3 =	vld.idx.msk [tilespmem:v58+s15+$0x0], $0xffff;
	v13 =	vmul.bf16 v13, v10;
	v58 =	vmul.bf16 v55, v49  }
0x470: {  	v4 =	vld [tilespmem:$0x1F360]  }
0x471: {  	v11 =	vld.idx.msk [tilespmem:v14+s4+$0x0], $0xffff;
	v13 =	vadd.bf16 v58, v13;
	v16 =	vmul.bf16 v40, v0  }
0x472: {  	v9 =	vor.u32 s31, v63;
	v62 =	vld.idx.msk [tilespmem:v6+s4+$0x0], $0xffff  }
0x473: {  	v13 =	vadd.bf16 v16, v13;
	v16 =	vand.u32 v31, v9;
	v31 =	vld [tilespmem:$0x1F730]  }
0x474: {  	v57 =	vcombine.low v57, v2;
	v2 =	vld [tilespmem:$0x1F3B0]  }
0x475: {  	v14 =	vld.idx.msk [tilespmem:v14+s15+$0x0], $0xffff  }
0x476: {  	v19 =	vld.idx.msk [tilespmem:v6+s15+$0x0], $0xffff;
	v3 =	vmul.bf16 v3, v15  }
0x477: {  	v11 =	vmul.bf16 v11, v37;
	v55 =	vmul.bf16 v62, v5  }
0x478: {  	v3 =	vadd.bf16 v3, v13;
	v13 =	vor.u32 s31, v31  }
0x479: {  	v11 =	vadd.bf16 v55, v11;
	v55 =	vor.u32 v2, v8  }
0x47a: {  	v59 =	vcombine.low v59, v4;
	v58 =	vadd.s32 v57, v8;
	v14 =	vmul.bf16 v14, v25  }
0x47b: {  	v6 =	vor.u32 s29, v63;
	v9 =	vmul.bf16 v19, v7;
	v40 =	vunpack.i.l.bf16.f32 v3  }
0x47c: {  	v3 =	vunpack.i.u.bf16.f32 v3;
	v11 =	vadd.bf16 v14, v11;
	[tilespmem:v16+s19+$0x0] =	vst.idx.msk $0xffff, v40;
	v40 =	vand.u32 v59, v6  }
0x47d: {  	[tilespmem:v13+s19+$0x0] =	vst.idx.msk $0xffff, v3  }
0x47e: {  	v11 =	vadd.bf16 v9, v11;
	v13 =	vld.idx.msk [tilespmem:v55+s4+$0x0], $0xffff  }
0x47f: {  	v52 =	vld.idx.msk [tilespmem:v58+s4+$0x0], $0xffff  }
0x480: {  	v17 =	vld [tilespmem:$0x1F3C0];
	v19 =	vunpack.i.l.bf16.f32 v11;
	v3 =	vor.u32 s29, v31  }
0x481: {  	v14 =	vor.u32 v2, v20;
	[tilespmem:v40+s19+$0x0] =	vst.idx.msk $0xffff, v19;
	v40 =	vld.idx.msk [tilespmem:v55+s15+$0x0], $0xffff  }
0x482: {  	v6 =	vadd.s32 v57, v20;
	v31 =	vld [tilespmem:$0x1F740]  }
0x483: {  	v63 =	vld [tilespmem:$0x1F750]  }
0x484: {  	v2 =	vld [tilespmem:$0x1F890];
	v11 =	vunpack.i.u.bf16.f32 v11;
	v13 =	vmul.bf16 v13, v10;
	v52 =	vmul.bf16 v52, v49  }
0x485: {  	[tilespmem:v3+s19+$0x0] =	vst.idx.msk $0xffff, v11;
	v3 =	vld.idx.msk [tilespmem:v58+s15+$0x0], $0xffff  }
0x486: {  	v11 =	vld.idx.msk [tilespmem:v14+s4+$0x0], $0xffff;
	v16 =	vmul.bf16 v40, v0;
	v13 =	vadd.bf16 v52, v13  }
0x487: {  	v62 =	vor.u32 s31, v31;
	v58 =	vld.idx.msk [tilespmem:v6+s4+$0x0], $0xffff  }
0x488: {  	v13 =	vadd.bf16 v16, v13;
	v16 =	vand.u32 v63, v62;
	v62 =	vld [tilespmem:$0x1FCE0]  }
0x489: {  	v60 =	vcombine.low v60, v2;
	v2 =	vld [tilespmem:$0x1F370]  }
0x48a: {  	v14 =	vld.idx.msk [tilespmem:v14+s15+$0x0], $0xffff  }
0x48b: {  	v52 =	vld.idx.msk [tilespmem:v6+s15+$0x0], $0xffff;
	v3 =	vmul.bf16 v3, v15  }
0x48c: {  	v11 =	vmul.bf16 v11, v37;
	v55 =	vmul.bf16 v58, v5  }
0x48d: {  	v6 =	vor.u32 s31, v62  }
0x48e: {  	v13 =	vadd.bf16 v3, v13;
	v11 =	vadd.bf16 v55, v11;
	v55 =	vor.u32 v17, v8  }
0x48f: {  	v14 =	vmul.bf16 v14, v25;
	v3 =	vcombine.low v12, v2;
	v12 =	vadd.s32 v60, v8  }
0x490: {  	v40 =	vor.u32 s29, v31;
	v63 =	vmul.bf16 v52, v7;
	v19 =	vunpack.i.l.bf16.f32 v13  }
0x491: {  	v13 =	vunpack.i.u.bf16.f32 v13;
	v11 =	vadd.bf16 v14, v11;
	[tilespmem:v16+s19+$0x0] =	vst.idx.msk $0xffff, v19;
	v16 =	vand.u32 v3, v40  }
0x492: {  	v2 =	vld [tilespmem:$0x1F8B0];
	[tilespmem:v6+s19+$0x0] =	vst.idx.msk $0xffff, v13;
	v6 =	vor.u32 s29, v62  }
0x493: {  	v52 =	vor.u32 v17, v20;
	v11 =	vadd.bf16 v63, v11;
	v14 =	vld.idx.msk [tilespmem:v55+s4+$0x0], $0xffff  }
0x494: {  	v61 =	vadd.s32 v60, v20;
	v58 =	vld.idx.msk [tilespmem:v12+s4+$0x0], $0xffff  }
0x495: {  	v40 =	vunpack.i.l.bf16.f32 v11;
	v63 =	vld.idx.msk [tilespmem:v55+s15+$0x0], $0xffff  }
0x496: {  	v11 =	vunpack.i.u.bf16.f32 v11;
	[tilespmem:v16+s19+$0x0] =	vst.idx.msk $0xffff, v40;
	v62 =	vld [tilespmem:$0x1FCF0]  }
0x497: {  	[tilespmem:v6+s19+$0x0] =	vst.idx.msk $0xffff, v11;
	v6 =	vld.idx.msk [tilespmem:v12+s15+$0x0], $0xffff  }
0x498: {  	v12 =	vld.idx.msk [tilespmem:v52+s4+$0x0], $0xffff  }
0x499: {  	v40 =	vmul.bf16 v58, v49;
	v58 =	vld.idx.msk [tilespmem:v61+s4+$0x0], $0xffff  }
0x49a: {  	v19 =	vmul.bf16 v14, v10;
	v9 =	vmul.bf16 v63, v0;
	v63 =	vld [tilespmem:$0x1FD00]  }
0x49b: {  	v14 =	vor.u32 s31, v62;
	v62 =	vcombine.low v1, v2;
	v2 =	vld [tilespmem:$0x1F380]  }
0x49c: {  	v13 =	vadd.bf16 v40, v19;
	v40 =	vld.idx.msk [tilespmem:v52+s15+$0x0], $0xffff  }
0x49d: {  	v52 =	vld.idx.msk [tilespmem:v61+s15+$0x0], $0xffff  }
0x49e: {  	v55 =	vmul.bf16 v58, v5;
	v58 =	vld [tilespmem:$0x1FD10]  }
0x49f: {  	v61 =	vld [tilespmem:$0x1F3D0]  }
0x4a0: {  	v11 =	vmul.bf16 v6, v15;
	v6 =	vld [tilespmem:$0x1FCF0]  }
0x4a1: {  	v13 =	vadd.bf16 v9, v13  }
0x4a2: {  	v14 =	vand.u32 v63, v14;
	v12 =	vmul.bf16 v12, v37  }
0x4a3: {  	v63 =	vcombine.low v38, v2;
	v11 =	vadd.bf16 v11, v13;
	v1 =	vor.u32 s31, v58  }
0x4a4: {  	v12 =	vadd.bf16 v55, v12;
	v9 =	vmul.bf16 v40, v25;
	v16 =	vor.u32 v61, v8  }
0x4a5: {  	v38 =	vadd.s32 v62, v8;
	v52 =	vmul.bf16 v52, v7;
	v40 =	vor.u32 s29, v6  }
0x4a6: {  	v19 =	vunpack.i.l.bf16.f32 v11;
	v12 =	vadd.bf16 v9, v12;
	v6 =	vand.u32 v63, v40  }
0x4a7: {  	v11 =	vunpack.i.u.bf16.f32 v11;
	[tilespmem:v14+s19+$0x0] =	vst.idx.msk $0xffff, v19  }
0x4a8: {  	v17 =	vadd.bf16 v52, v12;
	[tilespmem:v1+s19+$0x0] =	vst.idx.msk $0xffff, v11  }
0x4a9: {  	v1 =	vor.u32 s29, v58;
	v18 =	vld.idx.msk [tilespmem:v16+s4+$0x0], $0xffff  }
0x4aa: {  	v40 =	vunpack.i.l.bf16.f32 v17;
	v19 =	vld.idx.msk [tilespmem:v38+s4+$0x0], $0xffff  }
0x4ab: {  	[tilespmem:v6+s19+$0x0] =	vst.idx.msk $0xffff, v40;
	v6 =	vld.idx.msk [tilespmem:v16+s15+$0x0], $0xffff;
	_ =	sdelay $0x1  }
0x4ac: {  	v11 =	vunpack.i.u.bf16.f32 v17  }
0x4ad: {  	[tilespmem:v1+s19+$0x0] =	vst.idx.msk $0xffff, v11;
	v1 =	vld.idx.msk [tilespmem:v38+s15+$0x0], $0xffff  }
0x4ae: {  	v12 =	vmul.bf16 v18, v10;
	v9 =	vmul.bf16 v19, v49  }
0x4af: {  	v14 =	vmul.bf16 v6, v0;
	v6 =	vld [tilespmem:$0x1FD20]  }
0x4b0: {  	v31 =	vld [tilespmem:$0x1FD30];
	v12 =	vadd.bf16 v9, v12  }
0x4b1: {  	v13 =	vor.u32 v61, v20  }
0x4b2: {  	v55 =	vadd.s32 v62, v20;
	v12 =	vadd.bf16 v14, v12;
	v1 =	vmul.bf16 v1, v15;
	_ =	sdelay $0x1  }
0x4b3: {  	v12 =	vadd.bf16 v1, v12;
	v1 =	vor.u32 s31, v6  }
0x4b4: {  	v16 =	vand.u32 v31, v1;
	v1 =	vld [tilespmem:$0x1F390]  }
0x4b5: {  	v11 =	vld.idx.msk [tilespmem:v13+s4+$0x0], $0xffff  }
0x4b6: {  	v19 =	vld.idx.msk [tilespmem:v55+s4+$0x0], $0xffff  }
0x4b7: {  	v29 =	vld [tilespmem:$0x1FFE0]  }
0x4b8: {  	v13 =	vld.idx.msk [tilespmem:v13+s15+$0x0], $0xffff  }
0x4b9: {  	v26 =	vcombine.low v43, v1;
	v1 =	vld [tilespmem:$0x1F8D0]  }
0x4ba: {  	v61 =	vld [tilespmem:$0x1F3E0]  }
0x4bb: {  	v40 =	vld.idx.msk [tilespmem:v55+s15+$0x0], $0xffff;
	v11 =	vmul.bf16 v11, v37;
	v9 =	vmul.bf16 v19, v5;
	_ =	sdelay $0x1  }
0x4bc: {  	v13 =	vmul.bf16 v13, v25;
	v11 =	vadd.bf16 v9, v11  }
0x4bd: {  	v17 =	vor.u32 s31, v29;
	v2 =	vcombine.low v33, v1  }
0x4be: {  	v18 =	vor.u32 s29, v6;
	v11 =	vadd.bf16 v13, v11;
	v13 =	vor.u32 v61, v8  }
0x4bf: {  	v14 =	vmul.bf16 v40, v7;
	v38 =	vand.u32 v26, v18;
	v8 =	vadd.s32 v2, v8  }
0x4c0: {  	v19 =	vunpack.i.l.bf16.f32 v12  }
0x4c1: {  	v6 =	vor.u32 s29, v29;
	v12 =	vunpack.i.u.bf16.f32 v12;
	v11 =	vadd.bf16 v14, v11;
	[tilespmem:v16+s19+$0x0] =	vst.idx.msk $0xffff, v19  }
0x4c2: {  	v55 =	vor.u32 v61, v20;
	[tilespmem:v17+s19+$0x0] =	vst.idx.msk $0xffff, v12  }
0x4c3: {  	v16 =	vld.idx.msk [tilespmem:v13+s4+$0x0], $0xffff;
	v12 =	vadd.s32 v2, v20;
	v20 =	vunpack.i.l.bf16.f32 v11  }
0x4c4: {  	[tilespmem:v38+s19+$0x0] =	vst.idx.msk $0xffff, v20;
	v20 =	vld.idx.msk [tilespmem:v8+s4+$0x0], $0xffff  }
0x4c5: {  	v18 =	vld [tilespmem:$0x1FD40];
	v11 =	vunpack.i.u.bf16.f32 v11  }
0x4c6: {  	[tilespmem:v6+s19+$0x0] =	vst.idx.msk $0xffff, v11;
	v11 =	vld.idx.msk [tilespmem:v13+s15+$0x0], $0xffff  }
0x4c7: {  	v61 =	vld.idx.msk [tilespmem:v55+s4+$0x0], $0xffff  }
0x4c8: {  	v14 =	vld.idx.msk [tilespmem:v55+s15+$0x0], $0xffff  }
0x4c9: {  	v10 =	vmul.bf16 v16, v10;
	v55 =	vld [tilespmem:$0x1FD50];
	v52 =	vmul.bf16 v20, v49  }
0x4ca: {  	v40 =	vld.idx.msk [tilespmem:v12+s4+$0x0], $0xffff  }
0x4cb: {  	v8 =	vld.idx.msk [tilespmem:v8+s15+$0x0], $0xffff;
	v0 =	vmul.bf16 v11, v0;
	v10 =	vadd.bf16 v52, v10  }
0x4cc: {  	v12 =	vld.idx.msk [tilespmem:v12+s15+$0x0], $0xffff  }
0x4cd: {  	v10 =	vadd.bf16 v0, v10;
	v0 =	vld [tilespmem:$0x1F3A0]  }
0x4ce: {  	v20 =	vld [tilespmem:$0x1FD60];
	_ =	sdelay $0x1  }
0x4cf: {  	v19 =	vor.u32 s31, v18;
	v61 =	vmul.bf16 v61, v37;
	v5 =	vmul.bf16 v40, v5  }
0x4d0: {  	v33 =	vmul.bf16 v14, v25;
	v11 =	vand.u32 v55, v19  }
0x4d1: {  	v8 =	vmul.bf16 v8, v15;
	v5 =	vadd.bf16 v5, v61;
	v0 =	vcombine.low v46, v0  }
0x4d2: {  	v40 =	vor.u32 s29, v18;
	v7 =	vmul.bf16 v12, v7;
	v37 =	vor.u32 s31, v20  }
0x4d3: {  	s28 =	sadd.s32 $0x2, s28;
	v5 =	vadd.bf16 v33, v5;
	v8 =	vadd.bf16 v8, v10;
	v46 =	vand.u32 v0, v40  }
0x4d4: {  	p1 =	slt.u32 s28, $0x1E;
	v49 =	vor.u32 s29, v20  }
.Ltmp2:
0x4d5: {  	v5 =	vadd.bf16 v7, v5;
	v52 =	vunpack.i.l.bf16.f32 v8;
	(pc) =	sbr.rel @p1 .LBB2_3-.Ltmp2, $4  }
0x4d6: {  	v55 =	vunpack.i.u.bf16.f32 v8;
	[tilespmem:v11+s19+$0x0] =	vst.idx.msk $0xffff, v52  }
0x4d7: {  	v58 =	vld [tilespmem:$0x1FA50];
	v61 =	vunpack.i.l.bf16.f32 v5;
	[tilespmem:v37+s19+$0x0] =	vst.idx.msk $0xffff, v55  }
0x4d8: {  	v29 =	vld [tilespmem:$0x1F9E0];
	v5 =	vunpack.i.u.bf16.f32 v5;
	[tilespmem:v46+s19+$0x0] =	vst.idx.msk $0xffff, v61  }
0x4d9: {  	s30 =	sadd.s32 $0x20, s30;
	v43 =	vld [tilespmem:$0x1F9D0];
	v38 =	vlaneseq.u32;
	s29 =	sadd.s32 $0x800, s29;
	[tilespmem:v49+s19+$0x0] =	vst.idx.msk $0xffff, v5  }
0x4da: {  	s1 =	sshll.u32 s25, $0xD  }
0x4db: {  	p1 =	seq.s32 s25, $0xF;
	s1 =	sadd.s32 s1, s10  }
0x4dc: {  	[hbm4b:s1+s4] =	stream.linear.scatter [tilespmem:s19], [sflag:$0x3], $0x8000, $0x38;
	[tilespmem:$0x18600] =	vst v63  }
0x4dd: {  	s1 =	sadd.s32 @!p1 s26, s11  }
0x4de: {  	s1 =	sshrl.u32 @!p1 s1, $0x3  }
0x4df: {  	s28 =	simm.s32 @!p1 $0x0;
	s29 =	simm.s32 @!p1 $0x8200;
	s1 =	sadd.s32 @!p1 s0, s1  }
0x4e0: {  	[tilespmem:s29], [sflag:$0x1] =	stream.linear.gather @!p1 [hbm4b:s1+s28], $0x200, $0x38;
	[tilespmem:$0x18600] =	vst v63  }
0x4e1: {  	_ =	swait.ge [sflag:s20], $0x200  }
0x4e2: {  	[sflag:s20] =	ssyncset.done $0x0  }
0x4e3: {  	s1 =	simm.s32 @!p0 $0x4;
	[sflag:s20] =	ssyncadd.s32 $0xFFFFFE00  }
0x4e4: {  	_ =	swait.ge @!p0 [sflag:s1], $0x8000  }
0x4e5: {  	s30 =	simm.s32 $0x400;
	v58 =	vld [tilespmem:$0x1F3B0]  }
0x4e6: {  	s31 =	simm.s32 $0x8410;
	s28 =	sadd.s32 s26, s5;
	[sflag:s1] =	ssyncset.done @!p0 $0x0;
	v24 =	vld [tilespmem:$0x1F2C0]  }
0x4e7: {  	v4 =	vmov v42;
	v6 =	vmov v22;
	v9 =	vmov v23;
	s29 =	simm.s32 $0xFFFFFFFE;
	s28 =	sadd.s32 $0x200, s28;
	v40 =	vld [tilespmem:$0x1F2E0];
	[sflag:s1] =	ssyncadd.s32 @!p0 $0xFFFF8000  }
.LBB2_5:
0x4e8: {  	v5 =	vld [tilespmem:s31+$0xFFFFFFF0];
	_ =	sdelay $0x4  }
0x4e9: {  	v5 =	vmul.f32 $5.110000000e+02, v5;
	_ =	sdelay $0x1  }
0x4ea: {  	v7 =	vtrunc.f32 v5  }
0x4eb: {  	v7 =	vcvt.f32.s32 v7;
	_ =	sdelay $0x1  }
0x4ec: {  	vm1 =	vgt.s32 v7, $0x0  }
0x4ed: {  	v7 =	vnsel vm1, $0x0, v7  }
0x4ee: {  	v7 =	vmin.u32 v7, $0x1FE  }
0x4ef: {  	v8 =	vcvt.s32.f32 v7;
	_ =	sdelay $0x1  }
0x4f0: {  	v10 =	vld [tilespmem:s31+$0x0];
	v8 =	vsub.f32 v5, v8;
	_ =	sdelay $0x1  }
0x4f1: {  	v5 =	vsub.f32 $3.000000000e+00, v8  }
0x4f2: {  	v11 =	vmul.f32 $3.000000000e+00, v8  }
0x4f3: {  	v5 =	vmul.f32 v5, v8  }
0x4f4: {  	v10 =	vmul.f32 $5.110000000e+02, v10;
	v12 =	vsub.f32 $3.000000000e+00, v11  }
0x4f5: {  	v15 =	vmul.f32 v8, v8;
	v13 =	vadd.f32 $-3.000000000e+00, v5;
	v5 =	vshll.u32 v7, $0x5  }
0x4f6: {  	v7 =	vtrunc.f32 v10;
	v12 =	vmul.f32 v12, v8;
	v14 =	vor.u32 v38, v5  }
0x4f7: {  	v11 =	vadd.f32 $-6.000000000e+00, v11;
	v7 =	vcvt.f32.s32 v7;
	v16 =	vadd.s32 v43, v5  }
0x4f8: {  	v13 =	vmul.f32 v13, v8;
	v12 =	vadd.f32 $3.000000000e+00, v12  }
0x4f9: {  	v11 =	vmul.f32 v11, v15;
	vm1 =	vgt.s32 v7, $0x0  }
0x4fa: {  	v7 =	vnsel vm1, $0x0, v7;
	v13 =	vadd.f32 $1.000000000e+00, v13;
	v12 =	vmul.f32 v12, v8  }
0x4fb: {  	v8 =	vmul.f32 v15, v8;
	v20 =	vmin.u32 v7, $0x1FE;
	v7 =	vadd.f32 $4.000000000e+00, v11;
	v11 =	vld.idx.msk [tilespmem:v14+s4+$0x0], $0xffff  }
0x4fc: {  	v25 =	vcvt.s32.f32 v20;
	v13 =	vmul.f32 $1.666666720e-01, v13;
	v29 =	vld.idx.msk [tilespmem:v16+s4+$0x0], $0xffff  }
0x4fd: {  	v12 =	vadd.f32 $1.000000000e+00, v12;
	v55 =	vmul.f32 $1.666666720e-01, v8;
	v20 =	vshll.u32 v20, $0x5  }
0x4fe: {  	v61 =	vld.idx.msk [tilespmem:v14+s15+$0x0], $0xffff;
	v52 =	vmul.f32 $1.666666720e-01, v7;
	v37 =	vor.u32 v38, v20;
	v25 =	vsub.f32 v10, v25  }
0x4ff: {  	v10 =	vmul.f32 $1.666666720e-01, v12;
	v7 =	vpack.i.f32.bf16 v13, v13;
	v15 =	vpack.i.f32.bf16 v55, v55  }
0x500: {  	v8 =	vpack.i.f32.bf16 v52, v52;
	v49 =	vsub.f32 $3.000000000e+00, v25;
	v52 =	vmul.f32 $3.000000000e+00, v25  }
0x501: {  	v10 =	vpack.i.f32.bf16 v10, v10;
	v11 =	vmul.bf16 v11, v7;
	v29 =	vmul.bf16 v29, v8  }
0x502: {  	v17 =	vld [tilespmem:$0x1F9D0];
	v38 =	vmul.f32 v25, v25;
	v14 =	vmul.f32 v49, v25;
	v46 =	vadd.f32 $-6.000000000e+00, v52  }
0x503: {  	v55 =	vmul.bf16 v61, v10;
	v33 =	vsub.f32 $3.000000000e+00, v52;
	v11 =	vadd.bf16 v29, v11  }
0x504: {  	v16 =	vld.idx.msk [tilespmem:v16+s15+$0x0], $0xffff;
	v14 =	vadd.f32 $-3.000000000e+00, v14;
	v21 =	vmul.f32 v46, v38  }
0x505: {  	v33 =	vmul.f32 v33, v25;
	v11 =	vadd.bf16 v55, v11;
	v55 =	vld [tilespmem:$0x1F420]  }
0x506: {  	v61 =	vmul.f32 v14, v25;
	v14 =	vadd.f32 $4.000000000e+00, v21;
	v21 =	vld [tilespmem:$0x1F9E0]  }
0x507: {  	v43 =	vadd.s32 v17, v20;
	v29 =	vadd.f32 $3.000000000e+00, v33  }
0x508: {  	s1 =	sadd.s32 $0xFFFFFC00, s30  }
0x509: {  	v23 =	vor.u32 s1, v34;
	v42 =	vld.idx.msk [tilespmem:v37+s4+$0x0], $0xffff;
	v13 =	vadd.f32 $1.000000000e+00, v61;
	v29 =	vmul.f32 v29, v25  }
0x50a: {  	v22 =	vmul.bf16 v16, v15;
	v12 =	vand.u32 v55, v23  }
0x50b: {  	v31 =	vld [tilespmem:$0x1F9F0];
	v13 =	vmul.f32 $1.666666720e-01, v13;
	v61 =	vadd.f32 $1.000000000e+00, v29;
	v52 =	vor.u32 s1, v21  }
0x50c: {  	v49 =	vld.idx.msk [tilespmem:v43+s4+$0x0], $0xffff;
	v11 =	vadd.bf16 v22, v11  }
0x50d: {  	v38 =	vmul.f32 v38, v25;
	v16 =	vmul.f32 $1.666666720e-01, v61;
	v25 =	vpack.i.f32.bf16 v13, v13;
	v61 =	vld [tilespmem:$0x1FA00]  }
0x50e: {  	v14 =	vmul.f32 $1.666666720e-01, v14;
	v29 =	vld.idx.msk [tilespmem:v37+s15+$0x0], $0xffff;
	v33 =	vmul.bf16 v42, v25;
	v42 =	vunpack.i.l.bf16.f32 v11  }
0x50f: {  	v22 =	vld.idx.msk [tilespmem:v43+s15+$0x0], $0xffff;
	v11 =	vunpack.i.u.bf16.f32 v11;
	[tilespmem:v12+s21+$0x0] =	vst.idx.msk $0xffff, v42  }
0x510: {  	v37 =	vpack.i.f32.bf16 v14, v14;
	[tilespmem:v52+s21+$0x0] =	vst.idx.msk $0xffff, v11;
	v52 =	vld [tilespmem:$0x1F060]  }
0x511: {  	v55 =	vor.u32 v31, v5;
	v23 =	vmul.bf16 v49, v37;
	v21 =	vld [tilespmem:$0x1F9E0]  }
0x512: {  	v38 =	vmul.f32 $1.666666720e-01, v38;
	v49 =	vpack.i.f32.bf16 v16, v16;
	v14 =	vadd.s32 v61, v5  }
0x513: {  	v46 =	vadd.bf16 v23, v33;
	v16 =	vmul.bf16 v29, v49  }
0x514: {  	v29 =	vpack.i.f32.bf16 v38, v38;
	v11 =	vor.u32 s30, v34  }
0x515: {  	v17 =	vld [tilespmem:$0x1FA10];
	v13 =	vmul.bf16 v22, v29;
	v12 =	vadd.bf16 v16, v46;
	v11 =	vand.u32 v52, v11  }
0x516: {  	v22 =	vor.u32 s30, v21;
	v33 =	vld.idx.msk [tilespmem:v55+s4+$0x0], $0xffff  }
0x517: {  	v12 =	vadd.bf16 v13, v12;
	v13 =	vor.u32 v31, v20;
	v16 =	vld.idx.msk [tilespmem:v14+s4+$0x0], $0xffff  }
0x518: {  	v23 =	vld.idx.msk [tilespmem:v55+s15+$0x0], $0xffff;
	v42 =	vadd.s32 v61, v20  }
0x519: {  	v61 =	vld [tilespmem:$0x1F430];
	v21 =	vunpack.i.l.bf16.f32 v12  }
0x51a: {  	v31 =	vld [tilespmem:$0x1FA20];
	v12 =	vunpack.i.u.bf16.f32 v12;
	[tilespmem:v11+s21+$0x0] =	vst.idx.msk $0xffff, v21  }
0x51b: {  	v14 =	vld.idx.msk [tilespmem:v14+s15+$0x0], $0xffff;
	[tilespmem:v22+s21+$0x0] =	vst.idx.msk $0xffff, v12  }
0x51c: {  	v11 =	vmul.bf16 v33, v7;
	v16 =	vmul.bf16 v16, v8;
	v12 =	vld.idx.msk [tilespmem:v13+s4+$0x0], $0xffff  }
0x51d: {  	v22 =	vmul.bf16 v23, v10;
	v23 =	vld.idx.msk [tilespmem:v42+s4+$0x0], $0xffff  }
0x51e: {  	v52 =	vor.u32 s1, v17;
	v13 =	vld.idx.msk [tilespmem:v13+s15+$0x0], $0xffff;
	v11 =	vadd.bf16 v16, v11  }
0x51f: {  	v16 =	vand.u32 v61, v52;
	v61 =	vld [tilespmem:$0x1FA30]  }
0x520: {  	v14 =	vmul.bf16 v14, v15;
	v11 =	vadd.bf16 v22, v11;
	v22 =	vld.idx.msk [tilespmem:v42+s15+$0x0], $0xffff  }
0x521: {  	v21 =	vor.u32 s1, v31;
	v42 =	vmov v58;
	v58 =	vld [tilespmem:$0x1FA40]  }
0x522: {  	v52 =	vld [tilespmem:$0x1F070];
	v11 =	vadd.bf16 v14, v11  }
0x523: {  	v12 =	vmul.bf16 v12, v25;
	v33 =	vmul.bf16 v23, v37  }
0x524: {  	v18 =	vmov v3;
	v13 =	vmul.bf16 v13, v49;
	v23 =	vunpack.i.l.bf16.f32 v11  }
0x525: {  	v14 =	vor.u32 v61, v5;
	v11 =	vunpack.i.u.bf16.f32 v11;
	v12 =	vadd.bf16 v33, v12;
	[tilespmem:v16+s21+$0x0] =	vst.idx.msk $0xffff, v23  }
0x526: {  	v3 =	vmovc v59;
	v59 =	vmov v56;
	v46 =	vadd.s32 v58, v5;
	[tilespmem:v21+s21+$0x0] =	vst.idx.msk $0xffff, v11;
	v11 =	vor.u32 s30, v17  }
0x527: {  	v56 =	vmovc v51;
	v51 =	vmul.bf16 v22, v29;
	v12 =	vadd.bf16 v13, v12;
	v11 =	vand.u32 v52, v11  }
0x528: {  	v55 =	vld [tilespmem:$0x1FD20];
	v21 =	vor.u32 s30, v31  }
0x529: {  	v22 =	vor.u32 v61, v20;
	v31 =	vld [tilespmem:$0x1FA50];
	v12 =	vadd.bf16 v51, v12  }
0x52a: {  	v43 =	vadd.s32 v58, v20;
	v16 =	vld.idx.msk [tilespmem:v14+s4+$0x0], $0xffff  }
0x52b: {  	v14 =	vld.idx.msk [tilespmem:v14+s15+$0x0], $0xffff;
	v23 =	vunpack.i.l.bf16.f32 v12  }
0x52c: {  	v19 =	vld.idx.msk [tilespmem:v46+s4+$0x0], $0xffff;
	v12 =	vunpack.i.u.bf16.f32 v12;
	[tilespmem:v11+s21+$0x0] =	vst.idx.msk $0xffff, v23  }
0x52d: {  	v46 =	vld.idx.msk [tilespmem:v46+s15+$0x0], $0xffff;
	[tilespmem:v21+s21+$0x0] =	vst.idx.msk $0xffff, v12  }
0x52e: {  	v12 =	vld.idx.msk [tilespmem:v22+s4+$0x0], $0xffff  }
0x52f: {  	v51 =	vld.idx.msk [tilespmem:v43+s4+$0x0], $0xffff  }
0x530: {  	v61 =	vld [tilespmem:$0x1F440]  }
0x531: {  	v11 =	vmul.bf16 v16, v7;
	v17 =	vld [tilespmem:$0x1FA60];
	v33 =	vmul.bf16 v19, v8;
	_ =	sdelay $0x1  }
0x532: {  	v14 =	vmul.bf16 v14, v10;
	v11 =	vadd.bf16 v33, v11  }
0x533: {  	v52 =	vor.u32 s1, v31;
	v13 =	vld.idx.msk [tilespmem:v22+s15+$0x0], $0xffff  }
0x534: {  	v22 =	vld [tilespmem:$0x1FA70];
	v58 =	vmul.bf16 v46, v15;
	v11 =	vadd.bf16 v14, v11;
	v33 =	vand.u32 v61, v52  }
0x535: {  	v21 =	vor.u32 s1, v17;
	v61 =	vld [tilespmem:$0x1FA80]  }
0x536: {  	v11 =	vadd.bf16 v58, v11;
	_ =	sdelay $0x1  }
0x537: {  	v23 =	vunpack.i.l.bf16.f32 v11  }
0x538: {  	v43 =	vld.idx.msk [tilespmem:v43+s15+$0x0], $0xffff;
	v14 =	vor.u32 v22, v5;
	v11 =	vunpack.i.u.bf16.f32 v11;
	[tilespmem:v33+s21+$0x0] =	vst.idx.msk $0xffff, v23  }
0x539: {  	v46 =	vadd.s32 v61, v5;
	[tilespmem:v21+s21+$0x0] =	vst.idx.msk $0xffff, v11;
	v11 =	vor.u32 s30, v31;
	v31 =	vld [tilespmem:$0x1F080]  }
0x53a: {  	v12 =	vmul.bf16 v12, v25;
	v16 =	vmul.bf16 v51, v37;
	_ =	sdelay $0x1  }
0x53b: {  	v13 =	vmul.bf16 v13, v49;
	v12 =	vadd.bf16 v16, v12  }
0x53c: {  	v16 =	vld.idx.msk [tilespmem:v14+s4+$0x0], $0xffff  }
0x53d: {  	v19 =	vmul.bf16 v43, v29;
	v12 =	vadd.bf16 v13, v12;
	v33 =	vld.idx.msk [tilespmem:v46+s4+$0x0], $0xffff;
	v11 =	vand.u32 v31, v11  }
0x53e: {  	v43 =	vadd.s32 v61, v20;
	v61 =	vld [tilespmem:$0x1F450];
	v21 =	vor.u32 s30, v17  }
0x53f: {  	v22 =	vor.u32 v22, v20;
	v12 =	vadd.bf16 v19, v12;
	v14 =	vld.idx.msk [tilespmem:v14+s15+$0x0], $0xffff  }
0x540: {  	v31 =	vld [tilespmem:$0x1FA90]  }
0x541: {  	v23 =	vunpack.i.l.bf16.f32 v12;
	v46 =	vld.idx.msk [tilespmem:v46+s15+$0x0], $0xffff  }
0x542: {  	v17 =	vld [tilespmem:$0x1FAA0];
	v12 =	vunpack.i.u.bf16.f32 v12;
	v33 =	vmul.bf16 v33, v8;
	[tilespmem:v11+s21+$0x0] =	vst.idx.msk $0xffff, v23;
	v11 =	vmul.bf16 v16, v7  }
0x543: {  	[tilespmem:v21+s21+$0x0] =	vst.idx.msk $0xffff, v12  }
0x544: {  	v14 =	vmul.bf16 v14, v10;
	v12 =	vld.idx.msk [tilespmem:v22+s4+$0x0], $0xffff;
	v11 =	vadd.bf16 v33, v11  }
0x545: {  	v52 =	vor.u32 s1, v31;
	v13 =	vld.idx.msk [tilespmem:v22+s15+$0x0], $0xffff  }
0x546: {  	v58 =	vmul.bf16 v46, v15;
	v33 =	vand.u32 v61, v52;
	v22 =	vld [tilespmem:$0x1FAB0];
	v11 =	vadd.bf16 v14, v11  }
0x547: {  	v21 =	vor.u32 s1, v17;
	v61 =	vld [tilespmem:$0x1FAC0]  }
0x548: {  	v51 =	vld.idx.msk [tilespmem:v43+s4+$0x0], $0xffff;
	v11 =	vadd.bf16 v58, v11;
	_ =	sdelay $0x1  }
0x549: {  	v23 =	vunpack.i.l.bf16.f32 v11  }
0x54a: {  	v43 =	vld.idx.msk [tilespmem:v43+s15+$0x0], $0xffff;
	v14 =	vor.u32 v22, v5;
	v11 =	vunpack.i.u.bf16.f32 v11;
	[tilespmem:v33+s21+$0x0] =	vst.idx.msk $0xffff, v23  }
0x54b: {  	v46 =	vadd.s32 v61, v5;
	[tilespmem:v21+s21+$0x0] =	vst.idx.msk $0xffff, v11;
	v11 =	vor.u32 s30, v31;
	v31 =	vld [tilespmem:$0x1F090]  }
0x54c: {  	v12 =	vmul.bf16 v12, v25;
	v16 =	vmul.bf16 v51, v37;
	_ =	sdelay $0x1  }
0x54d: {  	v13 =	vmul.bf16 v13, v49;
	v12 =	vadd.bf16 v16, v12  }
0x54e: {  	v16 =	vld.idx.msk [tilespmem:v14+s4+$0x0], $0xffff  }
0x54f: {  	v19 =	vmul.bf16 v43, v29;
	v12 =	vadd.bf16 v13, v12;
	v33 =	vld.idx.msk [tilespmem:v46+s4+$0x0], $0xffff;
	v11 =	vand.u32 v31, v11  }
0x550: {  	v43 =	vadd.s32 v61, v20;
	v61 =	vld [tilespmem:$0x1F460];
	v21 =	vor.u32 s30, v17  }
0x551: {  	v22 =	vor.u32 v22, v20;
	v14 =	vld.idx.msk [tilespmem:v14+s15+$0x0], $0xffff;
	v12 =	vadd.bf16 v19, v12  }
0x552: {  	v31 =	vld [tilespmem:$0x1FAD0]  }
0x553: {  	v46 =	vld.idx.msk [tilespmem:v46+s15+$0x0], $0xffff;
	v23 =	vunpack.i.l.bf16.f32 v12  }
0x554: {  	v17 =	vld [tilespmem:$0x1FAE0];
	v12 =	vunpack.i.u.bf16.f32 v12;
	v33 =	vmul.bf16 v33, v8;
	[tilespmem:v11+s21+$0x0] =	vst.idx.msk $0xffff, v23;
	v11 =	vmul.bf16 v16, v7  }
0x555: {  	[tilespmem:v21+s21+$0x0] =	vst.idx.msk $0xffff, v12  }
0x556: {  	v14 =	vmul.bf16 v14, v10;
	v12 =	vld.idx.msk [tilespmem:v22+s4+$0x0], $0xffff;
	v11 =	vadd.bf16 v33, v11  }
0x557: {  	v52 =	vor.u32 s1, v31;
	v13 =	vld.idx.msk [tilespmem:v22+s15+$0x0], $0xffff  }
0x558: {  	v58 =	vmul.bf16 v46, v15;
	v33 =	vand.u32 v61, v52;
	v22 =	vld [tilespmem:$0x1FAF0];
	v11 =	vadd.bf16 v14, v11  }
0x559: {  	v21 =	vor.u32 s1, v17;
	v61 =	vld [tilespmem:$0x1FB00]  }
0x55a: {  	v51 =	vld.idx.msk [tilespmem:v43+s4+$0x0], $0xffff;
	v11 =	vadd.bf16 v58, v11;
	_ =	sdelay $0x1  }
0x55b: {  	v23 =	vunpack.i.l.bf16.f32 v11  }
0x55c: {  	v43 =	vld.idx.msk [tilespmem:v43+s15+$0x0], $0xffff;
	v14 =	vor.u32 v22, v5;
	v11 =	vunpack.i.u.bf16.f32 v11;
	[tilespmem:v33+s21+$0x0] =	vst.idx.msk $0xffff, v23  }
0x55d: {  	v46 =	vadd.s32 v61, v5;
	[tilespmem:v21+s21+$0x0] =	vst.idx.msk $0xffff, v11;
	v11 =	vor.u32 s30, v31;
	v31 =	vld [tilespmem:$0x1F0A0]  }
0x55e: {  	v12 =	vmul.bf16 v12, v25;
	v16 =	vmul.bf16 v51, v37;
	_ =	sdelay $0x1  }
0x55f: {  	v13 =	vmul.bf16 v13, v49;
	v12 =	vadd.bf16 v16, v12  }
0x560: {  	v16 =	vld.idx.msk [tilespmem:v14+s4+$0x0], $0xffff  }
0x561: {  	v19 =	vmul.bf16 v43, v29;
	v12 =	vadd.bf16 v13, v12;
	v33 =	vld.idx.msk [tilespmem:v46+s4+$0x0], $0xffff;
	v11 =	vand.u32 v31, v11  }
0x562: {  	v43 =	vadd.s32 v61, v20;
	v61 =	vld [tilespmem:$0x1F470];
	v21 =	vor.u32 s30, v17  }
0x563: {  	v22 =	vor.u32 v22, v20;
	v14 =	vld.idx.msk [tilespmem:v14+s15+$0x0], $0xffff;
	v12 =	vadd.bf16 v19, v12  }
0x564: {  	v31 =	vld [tilespmem:$0x1FB10]  }
0x565: {  	v46 =	vld.idx.msk [tilespmem:v46+s15+$0x0], $0xffff;
	v23 =	vunpack.i.l.bf16.f32 v12  }
0x566: {  	v17 =	vld [tilespmem:$0x1FB20];
	v12 =	vunpack.i.u.bf16.f32 v12;
	v33 =	vmul.bf16 v33, v8;
	[tilespmem:v11+s21+$0x0] =	vst.idx.msk $0xffff, v23;
	v11 =	vmul.bf16 v16, v7  }
0x567: {  	[tilespmem:v21+s21+$0x0] =	vst.idx.msk $0xffff, v12  }
0x568: {  	v14 =	vmul.bf16 v14, v10;
	v12 =	vld.idx.msk [tilespmem:v22+s4+$0x0], $0xffff;
	v11 =	vadd.bf16 v33, v11  }
0x569: {  	v52 =	vor.u32 s1, v31;
	v13 =	vld.idx.msk [tilespmem:v22+s15+$0x0], $0xffff  }
0x56a: {  	v58 =	vmul.bf16 v46, v15;
	v33 =	vand.u32 v61, v52;
	v22 =	vld [tilespmem:$0x1FB30];
	v11 =	vadd.bf16 v14, v11  }
0x56b: {  	v21 =	vor.u32 s1, v17;
	v61 =	vld [tilespmem:$0x1FB40]  }
0x56c: {  	v51 =	vld.idx.msk [tilespmem:v43+s4+$0x0], $0xffff;
	v11 =	vadd.bf16 v58, v11;
	_ =	sdelay $0x1  }
0x56d: {  	v23 =	vunpack.i.l.bf16.f32 v11  }
0x56e: {  	v43 =	vld.idx.msk [tilespmem:v43+s15+$0x0], $0xffff;
	v14 =	vor.u32 v22, v5;
	v11 =	vunpack.i.u.bf16.f32 v11;
	[tilespmem:v33+s21+$0x0] =	vst.idx.msk $0xffff, v23  }
0x56f: {  	v46 =	vadd.s32 v61, v5;
	[tilespmem:v21+s21+$0x0] =	vst.idx.msk $0xffff, v11;
	v11 =	vor.u32 s30, v31;
	v31 =	vld [tilespmem:$0x1F0B0]  }
0x570: {  	v12 =	vmul.bf16 v12, v25;
	v16 =	vmul.bf16 v51, v37;
	_ =	sdelay $0x1  }
0x571: {  	v13 =	vmul.bf16 v13, v49;
	v12 =	vadd.bf16 v16, v12  }
0x572: {  	v16 =	vld.idx.msk [tilespmem:v14+s4+$0x0], $0xffff  }
0x573: {  	v19 =	vmul.bf16 v43, v29;
	v12 =	vadd.bf16 v13, v12;
	v33 =	vld.idx.msk [tilespmem:v46+s4+$0x0], $0xffff;
	v11 =	vand.u32 v31, v11  }
0x574: {  	v43 =	vadd.s32 v61, v20;
	v61 =	vld [tilespmem:$0x1F480];
	v21 =	vor.u32 s30, v17  }
0x575: {  	v22 =	vor.u32 v22, v20;
	v14 =	vld.idx.msk [tilespmem:v14+s15+$0x0], $0xffff;
	v12 =	vadd.bf16 v19, v12  }
0x576: {  	v31 =	vld [tilespmem:$0x1FB50]  }
0x577: {  	v46 =	vld.idx.msk [tilespmem:v46+s15+$0x0], $0xffff;
	v23 =	vunpack.i.l.bf16.f32 v12  }
0x578: {  	v17 =	vld [tilespmem:$0x1FB60];
	v12 =	vunpack.i.u.bf16.f32 v12;
	v33 =	vmul.bf16 v33, v8;
	[tilespmem:v11+s21+$0x0] =	vst.idx.msk $0xffff, v23;
	v11 =	vmul.bf16 v16, v7  }
0x579: {  	[tilespmem:v21+s21+$0x0] =	vst.idx.msk $0xffff, v12  }
0x57a: {  	v14 =	vmul.bf16 v14, v10;
	v12 =	vld.idx.msk [tilespmem:v22+s4+$0x0], $0xffff;
	v11 =	vadd.bf16 v33, v11  }
0x57b: {  	v52 =	vor.u32 s1, v31;
	v13 =	vld.idx.msk [tilespmem:v22+s15+$0x0], $0xffff  }
0x57c: {  	v58 =	vmul.bf16 v46, v15;
	v33 =	vand.u32 v61, v52;
	v22 =	vld [tilespmem:$0x1FB70];
	v11 =	vadd.bf16 v14, v11  }
0x57d: {  	v21 =	vor.u32 s1, v17;
	v61 =	vld [tilespmem:$0x1FB80]  }
0x57e: {  	v51 =	vld.idx.msk [tilespmem:v43+s4+$0x0], $0xffff;
	v11 =	vadd.bf16 v58, v11;
	_ =	sdelay $0x1  }
0x57f: {  	v23 =	vunpack.i.l.bf16.f32 v11  }
0x580: {  	v43 =	vld.idx.msk [tilespmem:v43+s15+$0x0], $0xffff;
	v14 =	vor.u32 v22, v5;
	v11 =	vunpack.i.u.bf16.f32 v11;
	[tilespmem:v33+s21+$0x0] =	vst.idx.msk $0xffff, v23  }
0x581: {  	v46 =	vadd.s32 v61, v5;
	[tilespmem:v21+s21+$0x0] =	vst.idx.msk $0xffff, v11;
	v11 =	vor.u32 s30, v31;
	v31 =	vld [tilespmem:$0x1F0C0]  }
0x582: {  	v12 =	vmul.bf16 v12, v25;
	v16 =	vmul.bf16 v51, v37;
	_ =	sdelay $0x1  }
0x583: {  	v13 =	vmul.bf16 v13, v49;
	v12 =	vadd.bf16 v16, v12  }
0x584: {  	v16 =	vld.idx.msk [tilespmem:v14+s4+$0x0], $0xffff  }
0x585: {  	v19 =	vmul.bf16 v43, v29;
	v12 =	vadd.bf16 v13, v12;
	v33 =	vld.idx.msk [tilespmem:v46+s4+$0x0], $0xffff;
	v11 =	vand.u32 v31, v11  }
0x586: {  	v43 =	vadd.s32 v61, v20;
	v61 =	vld [tilespmem:$0x1F490];
	v21 =	vor.u32 s30, v17  }
0x587: {  	v22 =	vor.u32 v22, v20;
	v14 =	vld.idx.msk [tilespmem:v14+s15+$0x0], $0xffff;
	v12 =	vadd.bf16 v19, v12  }
0x588: {  	v31 =	vld [tilespmem:$0x1FB90]  }
0x589: {  	v46 =	vld.idx.msk [tilespmem:v46+s15+$0x0], $0xffff;
	v23 =	vunpack.i.l.bf16.f32 v12  }
0x58a: {  	v17 =	vld [tilespmem:$0x1FBA0];
	v12 =	vunpack.i.u.bf16.f32 v12;
	v33 =	vmul.bf16 v33, v8;
	[tilespmem:v11+s21+$0x0] =	vst.idx.msk $0xffff, v23;
	v11 =	vmul.bf16 v16, v7  }
0x58b: {  	[tilespmem:v21+s21+$0x0] =	vst.idx.msk $0xffff, v12  }
0x58c: {  	v14 =	vmul.bf16 v14, v10;
	v12 =	vld.idx.msk [tilespmem:v22+s4+$0x0], $0xffff;
	v11 =	vadd.bf16 v33, v11  }
0x58d: {  	v52 =	vor.u32 s1, v31;
	v13 =	vld.idx.msk [tilespmem:v22+s15+$0x0], $0xffff  }
0x58e: {  	v58 =	vmul.bf16 v46, v15;
	v33 =	vand.u32 v61, v52;
	v22 =	vld [tilespmem:$0x1FBB0];
	v11 =	vadd.bf16 v14, v11  }
0x58f: {  	v21 =	vor.u32 s1, v17;
	v61 =	vld [tilespmem:$0x1FBC0]  }
0x590: {  	v51 =	vld.idx.msk [tilespmem:v43+s4+$0x0], $0xffff;
	v11 =	vadd.bf16 v58, v11;
	_ =	sdelay $0x1  }
0x591: {  	v23 =	vunpack.i.l.bf16.f32 v11  }
0x592: {  	v43 =	vld.idx.msk [tilespmem:v43+s15+$0x0], $0xffff;
	v14 =	vor.u32 v22, v5;
	v11 =	vunpack.i.u.bf16.f32 v11;
	[tilespmem:v33+s21+$0x0] =	vst.idx.msk $0xffff, v23  }
0x593: {  	v46 =	vadd.s32 v61, v5;
	[tilespmem:v21+s21+$0x0] =	vst.idx.msk $0xffff, v11;
	v11 =	vor.u32 s30, v31;
	v31 =	vld [tilespmem:$0x1F0D0]  }
0x594: {  	v12 =	vmul.bf16 v12, v25;
	v16 =	vmul.bf16 v51, v37;
	_ =	sdelay $0x1  }
0x595: {  	v13 =	vmul.bf16 v13, v49;
	v12 =	vadd.bf16 v16, v12  }
0x596: {  	v16 =	vld.idx.msk [tilespmem:v14+s4+$0x0], $0xffff  }
0x597: {  	v19 =	vmul.bf16 v43, v29;
	v12 =	vadd.bf16 v13, v12;
	v33 =	vld.idx.msk [tilespmem:v46+s4+$0x0], $0xffff;
	v11 =	vand.u32 v31, v11  }
0x598: {  	v43 =	vadd.s32 v61, v20;
	v61 =	vld [tilespmem:$0x1F4A0];
	v21 =	vor.u32 s30, v17  }
0x599: {  	v22 =	vor.u32 v22, v20;
	v14 =	vld.idx.msk [tilespmem:v14+s15+$0x0], $0xffff;
	v12 =	vadd.bf16 v19, v12  }
0x59a: {  	v31 =	vld [tilespmem:$0x1FBD0]  }
0x59b: {  	v46 =	vld.idx.msk [tilespmem:v46+s15+$0x0], $0xffff;
	v23 =	vunpack.i.l.bf16.f32 v12  }
0x59c: {  	v17 =	vld [tilespmem:$0x1FBE0];
	v12 =	vunpack.i.u.bf16.f32 v12;
	v33 =	vmul.bf16 v33, v8;
	[tilespmem:v11+s21+$0x0] =	vst.idx.msk $0xffff, v23;
	v11 =	vmul.bf16 v16, v7  }
0x59d: {  	[tilespmem:v21+s21+$0x0] =	vst.idx.msk $0xffff, v12  }
0x59e: {  	v14 =	vmul.bf16 v14, v10;
	v12 =	vld.idx.msk [tilespmem:v22+s4+$0x0], $0xffff;
	v11 =	vadd.bf16 v33, v11  }
0x59f: {  	v52 =	vor.u32 s1, v31;
	v13 =	vld.idx.msk [tilespmem:v22+s15+$0x0], $0xffff  }
0x5a0: {  	v58 =	vmul.bf16 v46, v15;
	v33 =	vand.u32 v61, v52;
	v22 =	vld [tilespmem:$0x1FBF0];
	v11 =	vadd.bf16 v14, v11  }
0x5a1: {  	v21 =	vor.u32 s1, v17;
	v61 =	vld [tilespmem:$0x1FC00]  }
0x5a2: {  	v51 =	vld.idx.msk [tilespmem:v43+s4+$0x0], $0xffff;
	v11 =	vadd.bf16 v58, v11;
	_ =	sdelay $0x1  }
0x5a3: {  	v23 =	vunpack.i.l.bf16.f32 v11  }
0x5a4: {  	v43 =	vld.idx.msk [tilespmem:v43+s15+$0x0], $0xffff;
	v14 =	vor.u32 v22, v5;
	v11 =	vunpack.i.u.bf16.f32 v11;
	[tilespmem:v33+s21+$0x0] =	vst.idx.msk $0xffff, v23  }
0x5a5: {  	v46 =	vadd.s32 v61, v5;
	[tilespmem:v21+s21+$0x0] =	vst.idx.msk $0xffff, v11;
	v11 =	vor.u32 s30, v31;
	v31 =	vld [tilespmem:$0x1F0E0]  }
0x5a6: {  	v12 =	vmul.bf16 v12, v25;
	v16 =	vmul.bf16 v51, v37;
	_ =	sdelay $0x1  }
0x5a7: {  	v13 =	vmul.bf16 v13, v49;
	v12 =	vadd.bf16 v16, v12  }
0x5a8: {  	v16 =	vld.idx.msk [tilespmem:v14+s4+$0x0], $0xffff  }
0x5a9: {  	v19 =	vmul.bf16 v43, v29;
	v12 =	vadd.bf16 v13, v12;
	v33 =	vld.idx.msk [tilespmem:v46+s4+$0x0], $0xffff;
	v11 =	vand.u32 v31, v11  }
0x5aa: {  	v43 =	vadd.s32 v61, v20;
	v61 =	vld [tilespmem:$0x1F4B0];
	v21 =	vor.u32 s30, v17  }
0x5ab: {  	v22 =	vor.u32 v22, v20;
	v14 =	vld.idx.msk [tilespmem:v14+s15+$0x0], $0xffff;
	v12 =	vadd.bf16 v19, v12  }
0x5ac: {  	v31 =	vld [tilespmem:$0x1FC10]  }
0x5ad: {  	v46 =	vld.idx.msk [tilespmem:v46+s15+$0x0], $0xffff;
	v23 =	vunpack.i.l.bf16.f32 v12  }
0x5ae: {  	v17 =	vld [tilespmem:$0x1FC20];
	v12 =	vunpack.i.u.bf16.f32 v12;
	v33 =	vmul.bf16 v33, v8;
	[tilespmem:v11+s21+$0x0] =	vst.idx.msk $0xffff, v23;
	v11 =	vmul.bf16 v16, v7  }
0x5af: {  	[tilespmem:v21+s21+$0x0] =	vst.idx.msk $0xffff, v12  }
0x5b0: {  	v14 =	vmul.bf16 v14, v10;
	v12 =	vld.idx.msk [tilespmem:v22+s4+$0x0], $0xffff;
	v11 =	vadd.bf16 v33, v11  }
0x5b1: {  	v52 =	vor.u32 s1, v31;
	v13 =	vld.idx.msk [tilespmem:v22+s15+$0x0], $0xffff  }
0x5b2: {  	v58 =	vmul.bf16 v46, v15;
	v33 =	vand.u32 v61, v52;
	v22 =	vld [tilespmem:$0x1FC30];
	v11 =	vadd.bf16 v14, v11  }
0x5b3: {  	v21 =	vor.u32 s1, v17;
	v61 =	vld [tilespmem:$0x1FC40]  }
0x5b4: {  	v51 =	vld.idx.msk [tilespmem:v43+s4+$0x0], $0xffff;
	v11 =	vadd.bf16 v58, v11;
	_ =	sdelay $0x1  }
0x5b5: {  	v23 =	vunpack.i.l.bf16.f32 v11  }
0x5b6: {  	v43 =	vld.idx.msk [tilespmem:v43+s15+$0x0], $0xffff;
	v14 =	vor.u32 v22, v5;
	v11 =	vunpack.i.u.bf16.f32 v11;
	[tilespmem:v33+s21+$0x0] =	vst.idx.msk $0xffff, v23  }
0x5b7: {  	v46 =	vadd.s32 v61, v5;
	[tilespmem:v21+s21+$0x0] =	vst.idx.msk $0xffff, v11;
	v11 =	vor.u32 s30, v31;
	v31 =	vld [tilespmem:$0x1F0F0]  }
0x5b8: {  	v12 =	vmul.bf16 v12, v25;
	v16 =	vmul.bf16 v51, v37;
	_ =	sdelay $0x1  }
0x5b9: {  	v13 =	vmul.bf16 v13, v49;
	v12 =	vadd.bf16 v16, v12  }
0x5ba: {  	v16 =	vld.idx.msk [tilespmem:v14+s4+$0x0], $0xffff  }
0x5bb: {  	v19 =	vmul.bf16 v43, v29;
	v12 =	vadd.bf16 v13, v12;
	v33 =	vld.idx.msk [tilespmem:v46+s4+$0x0], $0xffff;
	v11 =	vand.u32 v31, v11  }
0x5bc: {  	v43 =	vadd.s32 v61, v20;
	v61 =	vld [tilespmem:$0x1F4C0];
	v21 =	vor.u32 s30, v17  }
0x5bd: {  	v22 =	vor.u32 v22, v20;
	v14 =	vld.idx.msk [tilespmem:v14+s15+$0x0], $0xffff;
	v12 =	vadd.bf16 v19, v12  }
0x5be: {  	v31 =	vld [tilespmem:$0x1FC50]  }
0x5bf: {  	v46 =	vld.idx.msk [tilespmem:v46+s15+$0x0], $0xffff;
	v23 =	vunpack.i.l.bf16.f32 v12  }
0x5c0: {  	v17 =	vld [tilespmem:$0x1FC60];
	v12 =	vunpack.i.u.bf16.f32 v12;
	v33 =	vmul.bf16 v33, v8;
	[tilespmem:v11+s21+$0x0] =	vst.idx.msk $0xffff, v23;
	v11 =	vmul.bf16 v16, v7  }
0x5c1: {  	[tilespmem:v21+s21+$0x0] =	vst.idx.msk $0xffff, v12  }
0x5c2: {  	v14 =	vmul.bf16 v14, v10;
	v12 =	vld.idx.msk [tilespmem:v22+s4+$0x0], $0xffff;
	v11 =	vadd.bf16 v33, v11  }
0x5c3: {  	v52 =	vor.u32 s1, v31;
	v13 =	vld.idx.msk [tilespmem:v22+s15+$0x0], $0xffff  }
0x5c4: {  	v58 =	vmul.bf16 v46, v15;
	v33 =	vand.u32 v61, v52;
	v22 =	vld [tilespmem:$0x1FC70];
	v11 =	vadd.bf16 v14, v11  }
0x5c5: {  	v21 =	vor.u32 s1, v17;
	v61 =	vld [tilespmem:$0x1FC80]  }
0x5c6: {  	v51 =	vld.idx.msk [tilespmem:v43+s4+$0x0], $0xffff;
	v11 =	vadd.bf16 v58, v11;
	_ =	sdelay $0x1  }
0x5c7: {  	v23 =	vunpack.i.l.bf16.f32 v11  }
0x5c8: {  	v43 =	vld.idx.msk [tilespmem:v43+s15+$0x0], $0xffff;
	v14 =	vor.u32 v22, v5;
	v11 =	vunpack.i.u.bf16.f32 v11;
	[tilespmem:v33+s21+$0x0] =	vst.idx.msk $0xffff, v23  }
0x5c9: {  	v46 =	vadd.s32 v61, v5;
	[tilespmem:v21+s21+$0x0] =	vst.idx.msk $0xffff, v11;
	v11 =	vor.u32 s30, v31;
	v31 =	vld [tilespmem:$0x1F100]  }
0x5ca: {  	v12 =	vmul.bf16 v12, v25;
	v16 =	vmul.bf16 v51, v37;
	_ =	sdelay $0x1  }
0x5cb: {  	v13 =	vmul.bf16 v13, v49;
	v12 =	vadd.bf16 v16, v12  }
0x5cc: {  	v16 =	vld.idx.msk [tilespmem:v14+s4+$0x0], $0xffff  }
0x5cd: {  	v19 =	vmul.bf16 v43, v29;
	v12 =	vadd.bf16 v13, v12;
	v33 =	vld.idx.msk [tilespmem:v46+s4+$0x0], $0xffff;
	v11 =	vand.u32 v31, v11  }
0x5ce: {  	v43 =	vadd.s32 v61, v20;
	v61 =	vld [tilespmem:$0x1F4D0];
	v21 =	vor.u32 s30, v17  }
0x5cf: {  	v22 =	vor.u32 v22, v20;
	v14 =	vld.idx.msk [tilespmem:v14+s15+$0x0], $0xffff;
	v12 =	vadd.bf16 v19, v12  }
0x5d0: {  	v31 =	vld [tilespmem:$0x1FC90]  }
0x5d1: {  	v46 =	vld.idx.msk [tilespmem:v46+s15+$0x0], $0xffff;
	v23 =	vunpack.i.l.bf16.f32 v12  }
0x5d2: {  	v17 =	vld [tilespmem:$0x1FCA0];
	v12 =	vunpack.i.u.bf16.f32 v12;
	v33 =	vmul.bf16 v33, v8;
	[tilespmem:v11+s21+$0x0] =	vst.idx.msk $0xffff, v23;
	v11 =	vmul.bf16 v16, v7  }
0x5d3: {  	[tilespmem:v21+s21+$0x0] =	vst.idx.msk $0xffff, v12  }
0x5d4: {  	v14 =	vmul.bf16 v14, v10;
	v12 =	vld.idx.msk [tilespmem:v22+s4+$0x0], $0xffff;
	v11 =	vadd.bf16 v33, v11  }
0x5d5: {  	v52 =	vor.u32 s1, v31;
	v13 =	vld.idx.msk [tilespmem:v22+s15+$0x0], $0xffff  }
0x5d6: {  	v58 =	vmul.bf16 v46, v15;
	v33 =	vand.u32 v61, v52;
	v22 =	vld [tilespmem:$0x1FCB0];
	v11 =	vadd.bf16 v14, v11  }
0x5d7: {  	v21 =	vor.u32 s1, v17;
	v61 =	vld [tilespmem:$0x1FCC0]  }
0x5d8: {  	v51 =	vld.idx.msk [tilespmem:v43+s4+$0x0], $0xffff;
	v11 =	vadd.bf16 v58, v11;
	_ =	sdelay $0x1  }
0x5d9: {  	v23 =	vunpack.i.l.bf16.f32 v11  }
0x5da: {  	v43 =	vld.idx.msk [tilespmem:v43+s15+$0x0], $0xffff;
	v14 =	vor.u32 v22, v5;
	v11 =	vunpack.i.u.bf16.f32 v11;
	[tilespmem:v33+s21+$0x0] =	vst.idx.msk $0xffff, v23  }
0x5db: {  	v46 =	vadd.s32 v61, v5;
	[tilespmem:v21+s21+$0x0] =	vst.idx.msk $0xffff, v11;
	v11 =	vor.u32 s30, v31;
	v31 =	vld [tilespmem:$0x1F110]  }
0x5dc: {  	v12 =	vmul.bf16 v12, v25;
	v16 =	vmul.bf16 v51, v37;
	_ =	sdelay $0x1  }
0x5dd: {  	v13 =	vmul.bf16 v13, v49;
	v12 =	vadd.bf16 v16, v12  }
0x5de: {  	v16 =	vld.idx.msk [tilespmem:v14+s4+$0x0], $0xffff  }
0x5df: {  	v19 =	vmul.bf16 v43, v29;
	v12 =	vadd.bf16 v13, v12;
	v33 =	vld.idx.msk [tilespmem:v46+s4+$0x0], $0xffff;
	v11 =	vand.u32 v31, v11  }
0x5e0: {  	v43 =	vadd.s32 v61, v20;
	v61 =	vld [tilespmem:$0x1F4E0];
	v21 =	vor.u32 s30, v17  }
0x5e1: {  	v22 =	vor.u32 v22, v20;
	v14 =	vld.idx.msk [tilespmem:v14+s15+$0x0], $0xffff;
	v12 =	vadd.bf16 v19, v12  }
0x5e2: {  	v31 =	vld [tilespmem:$0x1FCD0]  }
0x5e3: {  	v46 =	vld.idx.msk [tilespmem:v46+s15+$0x0], $0xffff;
	v23 =	vunpack.i.l.bf16.f32 v12  }
0x5e4: {  	v17 =	vld [tilespmem:$0x1F130];
	v12 =	vunpack.i.u.bf16.f32 v12;
	v33 =	vmul.bf16 v33, v8;
	[tilespmem:v11+s21+$0x0] =	vst.idx.msk $0xffff, v23;
	v11 =	vmul.bf16 v16, v7  }
0x5e5: {  	[tilespmem:v21+s21+$0x0] =	vst.idx.msk $0xffff, v12  }
0x5e6: {  	v14 =	vmul.bf16 v14, v10;
	v12 =	vld.idx.msk [tilespmem:v22+s4+$0x0], $0xffff;
	v11 =	vadd.bf16 v33, v11  }
0x5e7: {  	v52 =	vor.u32 s1, v31;
	v13 =	vld.idx.msk [tilespmem:v22+s15+$0x0], $0xffff  }
0x5e8: {  	v58 =	vmul.bf16 v46, v15;
	v33 =	vand.u32 v61, v52;
	v22 =	vld [tilespmem:$0x1F140];
	v11 =	vadd.bf16 v14, v11  }
0x5e9: {  	v21 =	vor.u32 s1, v17;
	v61 =	vld [tilespmem:$0x1F150]  }
0x5ea: {  	v51 =	vld.idx.msk [tilespmem:v43+s4+$0x0], $0xffff;
	v11 =	vadd.bf16 v58, v11;
	_ =	sdelay $0x1  }
0x5eb: {  	v23 =	vunpack.i.l.bf16.f32 v11  }
0x5ec: {  	v43 =	vld.idx.msk [tilespmem:v43+s15+$0x0], $0xffff;
	v14 =	vor.u32 v22, v5;
	v11 =	vunpack.i.u.bf16.f32 v11;
	[tilespmem:v33+s21+$0x0] =	vst.idx.msk $0xffff, v23  }
0x5ed: {  	v46 =	vadd.s32 v61, v5;
	[tilespmem:v21+s21+$0x0] =	vst.idx.msk $0xffff, v11;
	v11 =	vor.u32 s30, v31;
	v31 =	vld [tilespmem:$0x1F120]  }
0x5ee: {  	v12 =	vmul.bf16 v12, v25;
	v16 =	vmul.bf16 v51, v37;
	_ =	sdelay $0x1  }
0x5ef: {  	v13 =	vmul.bf16 v13, v49;
	v12 =	vadd.bf16 v16, v12  }
0x5f0: {  	v16 =	vld.idx.msk [tilespmem:v14+s4+$0x0], $0xffff  }
0x5f1: {  	v19 =	vmul.bf16 v43, v29;
	v12 =	vadd.bf16 v13, v12;
	v33 =	vld.idx.msk [tilespmem:v46+s4+$0x0], $0xffff;
	v11 =	vand.u32 v31, v11  }
0x5f2: {  	v43 =	vadd.s32 v61, v20;
	v61 =	vld [tilespmem:$0x1F4F0];
	v21 =	vor.u32 s30, v17  }
0x5f3: {  	v22 =	vor.u32 v22, v20;
	v14 =	vld.idx.msk [tilespmem:v14+s15+$0x0], $0xffff;
	v12 =	vadd.bf16 v19, v12  }
0x5f4: {  	v31 =	vld [tilespmem:$0x1F160]  }
0x5f5: {  	v46 =	vld.idx.msk [tilespmem:v46+s15+$0x0], $0xffff;
	v23 =	vunpack.i.l.bf16.f32 v12  }
0x5f6: {  	v17 =	vld [tilespmem:$0x1F180];
	v12 =	vunpack.i.u.bf16.f32 v12;
	v33 =	vmul.bf16 v33, v8;
	[tilespmem:v11+s21+$0x0] =	vst.idx.msk $0xffff, v23;
	v11 =	vmul.bf16 v16, v7  }
0x5f7: {  	[tilespmem:v21+s21+$0x0] =	vst.idx.msk $0xffff, v12  }
0x5f8: {  	v14 =	vmul.bf16 v14, v10;
	v12 =	vld.idx.msk [tilespmem:v22+s4+$0x0], $0xffff;
	v11 =	vadd.bf16 v33, v11  }
0x5f9: {  	v52 =	vor.u32 s1, v31;
	v13 =	vld.idx.msk [tilespmem:v22+s15+$0x0], $0xffff  }
0x5fa: {  	v58 =	vmul.bf16 v46, v15;
	v33 =	vand.u32 v61, v52;
	v22 =	vld [tilespmem:$0x1F190];
	v11 =	vadd.bf16 v14, v11  }
0x5fb: {  	v21 =	vor.u32 s1, v17;
	v61 =	vld [tilespmem:$0x1F1A0]  }
0x5fc: {  	v51 =	vld.idx.msk [tilespmem:v43+s4+$0x0], $0xffff;
	v11 =	vadd.bf16 v58, v11;
	_ =	sdelay $0x1  }
0x5fd: {  	v23 =	vunpack.i.l.bf16.f32 v11  }
0x5fe: {  	v43 =	vld.idx.msk [tilespmem:v43+s15+$0x0], $0xffff;
	v14 =	vor.u32 v22, v5;
	v11 =	vunpack.i.u.bf16.f32 v11;
	[tilespmem:v33+s21+$0x0] =	vst.idx.msk $0xffff, v23  }
0x5ff: {  	v46 =	vadd.s32 v61, v5;
	[tilespmem:v21+s21+$0x0] =	vst.idx.msk $0xffff, v11;
	v11 =	vor.u32 s30, v31;
	v31 =	vld [tilespmem:$0x1F170]  }
0x600: {  	v12 =	vmul.bf16 v12, v25;
	v16 =	vmul.bf16 v51, v37;
	_ =	sdelay $0x1  }
0x601: {  	v13 =	vmul.bf16 v13, v49;
	v12 =	vadd.bf16 v16, v12  }
0x602: {  	v16 =	vld.idx.msk [tilespmem:v14+s4+$0x0], $0xffff  }
0x603: {  	v19 =	vmul.bf16 v43, v29;
	v12 =	vadd.bf16 v13, v12;
	v33 =	vld.idx.msk [tilespmem:v46+s4+$0x0], $0xffff;
	v11 =	vand.u32 v31, v11  }
0x604: {  	v43 =	vadd.s32 v61, v20;
	v61 =	vld [tilespmem:$0x1F500];
	v21 =	vor.u32 s30, v17  }
0x605: {  	v22 =	vor.u32 v22, v20;
	v14 =	vld.idx.msk [tilespmem:v14+s15+$0x0], $0xffff;
	v12 =	vadd.bf16 v19, v12  }
0x606: {  	v31 =	vld [tilespmem:$0x1F1B0]  }
0x607: {  	v46 =	vld.idx.msk [tilespmem:v46+s15+$0x0], $0xffff;
	v23 =	vunpack.i.l.bf16.f32 v12  }
0x608: {  	v17 =	vld [tilespmem:$0x1F1D0];
	v12 =	vunpack.i.u.bf16.f32 v12;
	v33 =	vmul.bf16 v33, v8;
	[tilespmem:v11+s21+$0x0] =	vst.idx.msk $0xffff, v23;
	v11 =	vmul.bf16 v16, v7  }
0x609: {  	[tilespmem:v21+s21+$0x0] =	vst.idx.msk $0xffff, v12  }
0x60a: {  	v14 =	vmul.bf16 v14, v10;
	v12 =	vld.idx.msk [tilespmem:v22+s4+$0x0], $0xffff;
	v11 =	vadd.bf16 v33, v11  }
0x60b: {  	v52 =	vor.u32 s1, v31;
	v13 =	vld.idx.msk [tilespmem:v22+s15+$0x0], $0xffff  }
0x60c: {  	v58 =	vmul.bf16 v46, v15;
	v33 =	vand.u32 v61, v52;
	v22 =	vld [tilespmem:$0x1F1E0];
	v11 =	vadd.bf16 v14, v11  }
0x60d: {  	v21 =	vor.u32 s1, v17;
	v61 =	vld [tilespmem:$0x1F1F0]  }
0x60e: {  	v51 =	vld.idx.msk [tilespmem:v43+s4+$0x0], $0xffff;
	v11 =	vadd.bf16 v58, v11;
	_ =	sdelay $0x1  }
0x60f: {  	v23 =	vunpack.i.l.bf16.f32 v11  }
0x610: {  	v43 =	vld.idx.msk [tilespmem:v43+s15+$0x0], $0xffff;
	v14 =	vor.u32 v22, v5;
	v11 =	vunpack.i.u.bf16.f32 v11;
	[tilespmem:v33+s21+$0x0] =	vst.idx.msk $0xffff, v23  }
0x611: {  	v46 =	vadd.s32 v61, v5;
	[tilespmem:v21+s21+$0x0] =	vst.idx.msk $0xffff, v11;
	v11 =	vor.u32 s30, v31;
	v31 =	vld [tilespmem:$0x1F1C0]  }
0x612: {  	v12 =	vmul.bf16 v12, v25;
	v16 =	vmul.bf16 v51, v37;
	_ =	sdelay $0x1  }
0x613: {  	v13 =	vmul.bf16 v13, v49;
	v12 =	vadd.bf16 v16, v12  }
0x614: {  	v16 =	vld.idx.msk [tilespmem:v14+s4+$0x0], $0xffff  }
0x615: {  	v52 =	vmul.bf16 v43, v29;
	v12 =	vadd.bf16 v13, v12;
	v33 =	vld.idx.msk [tilespmem:v46+s4+$0x0], $0xffff;
	v11 =	vand.u32 v31, v11;
	_ =	sdelay $0x1  }
0x616: {  	v12 =	vadd.bf16 v52, v12;
	_ =	sdelay $0x1  }
0x617: {  	v38 =	vor.u32 s30, v17;
	v14 =	vld.idx.msk [tilespmem:v14+s15+$0x0], $0xffff;
	v17 =	vunpack.i.l.bf16.f32 v12  }
0x618: {  	v46 =	vld.idx.msk [tilespmem:v46+s15+$0x0], $0xffff;
	v52 =	vmul.bf16 v33, v8;
	[tilespmem:v11+s21+$0x0] =	vst.idx.msk $0xffff, v17;
	v11 =	vmul.bf16 v16, v7  }
0x619: {  	v43 =	vadd.s32 v61, v20;
	v31 =	vld [tilespmem:$0x1F200]  }
0x61a: {  	v11 =	vadd.bf16 v52, v11;
	v52 =	vld [tilespmem:$0x1F510]  }
0x61b: {  	v17 =	vld [tilespmem:$0x1F220]  }
0x61c: {  	v13 =	vor.u32 v22, v20;
	v12 =	vunpack.i.u.bf16.f32 v12  }
0x61d: {  	v14 =	vmul.bf16 v14, v10;
	[tilespmem:v38+s21+$0x0] =	vst.idx.msk $0xffff, v12  }
0x61e: {  	v51 =	vmovc v56;
	v56 =	vmov v59;
	v59 =	vmov v3;
	v38 =	vor.u32 s1, v31;
	v61 =	vld.idx.msk [tilespmem:v43+s4+$0x0], $0xffff  }
0x61f: {  	v3 =	vmovc v18;
	v18 =	vld [tilespmem:$0x1F230];
	v46 =	vmul.bf16 v46, v15;
	v11 =	vadd.bf16 v14, v11;
	v33 =	vand.u32 v52, v38  }
0x620: {  	v19 =	vld [tilespmem:$0x1F240];
	v38 =	vor.u32 s1, v17  }
0x621: {  	v12 =	vld.idx.msk [tilespmem:v13+s4+$0x0], $0xffff;
	v11 =	vadd.bf16 v46, v11;
	_ =	sdelay $0x1  }
0x622: {  	v13 =	vld.idx.msk [tilespmem:v13+s15+$0x0], $0xffff;
	v16 =	vmul.bf16 v61, v37;
	v61 =	vunpack.i.l.bf16.f32 v11  }
0x623: {  	v43 =	vld.idx.msk [tilespmem:v43+s15+$0x0], $0xffff;
	v14 =	vor.u32 v18, v5;
	v11 =	vunpack.i.u.bf16.f32 v11;
	[tilespmem:v33+s21+$0x0] =	vst.idx.msk $0xffff, v61  }
0x624: {  	v46 =	vadd.s32 v19, v5;
	[tilespmem:v38+s21+$0x0] =	vst.idx.msk $0xffff, v11;
	v11 =	vor.u32 s30, v31;
	v31 =	vld [tilespmem:$0x1F210]  }
0x625: {  	v12 =	vmul.bf16 v12, v25;
	_ =	sdelay $0x1  }
0x626: {  	v13 =	vmul.bf16 v13, v49;
	v12 =	vadd.bf16 v16, v12  }
0x627: {  	v16 =	vld.idx.msk [tilespmem:v14+s4+$0x0], $0xffff  }
0x628: {  	v52 =	vmul.bf16 v43, v29;
	v12 =	vadd.bf16 v13, v12;
	v33 =	vld.idx.msk [tilespmem:v46+s4+$0x0], $0xffff;
	v11 =	vand.u32 v31, v11  }
0x629: {  	v21 =	vld [tilespmem:$0x1F250]  }
0x62a: {  	v12 =	vadd.bf16 v52, v12;
	v14 =	vld.idx.msk [tilespmem:v14+s15+$0x0], $0xffff  }
0x62b: {  	v38 =	vor.u32 s30, v17;
	v52 =	vld [tilespmem:$0x1F520]  }
0x62c: {  	v43 =	vadd.s32 v19, v20;
	v61 =	vor.u32 v18, v20;
	v46 =	vld.idx.msk [tilespmem:v46+s15+$0x0], $0xffff;
	v19 =	vunpack.i.l.bf16.f32 v12  }
0x62d: {  	v22 =	vld [tilespmem:$0x1F270];
	v33 =	vmul.bf16 v33, v8;
	[tilespmem:v11+s21+$0x0] =	vst.idx.msk $0xffff, v19;
	v11 =	vmul.bf16 v16, v7;
	_ =	sdelay $0x1  }
0x62e: {  	v1 =	vld [tilespmem:$0x1F290];
	v12 =	vunpack.i.u.bf16.f32 v12;
	v14 =	vmul.bf16 v14, v10;
	v11 =	vadd.bf16 v33, v11  }
0x62f: {  	v23 =	vld [tilespmem:$0x1F280];
	[tilespmem:v38+s21+$0x0] =	vst.idx.msk $0xffff, v12;
	v38 =	vor.u32 s1, v21  }
0x630: {  	v46 =	vmul.bf16 v46, v15;
	v12 =	vld.idx.msk [tilespmem:v61+s4+$0x0], $0xffff;
	v33 =	vand.u32 v52, v38;
	v11 =	vadd.bf16 v14, v11  }
0x631: {  	v13 =	vld.idx.msk [tilespmem:v61+s15+$0x0], $0xffff;
	v61 =	vor.u32 s1, v22  }
0x632: {  	v16 =	vld.idx.msk [tilespmem:v43+s4+$0x0], $0xffff;
	v11 =	vadd.bf16 v46, v11;
	_ =	sdelay $0x1  }
0x633: {  	v19 =	vunpack.i.l.bf16.f32 v11  }
0x634: {  	v43 =	vld.idx.msk [tilespmem:v43+s15+$0x0], $0xffff;
	v14 =	vor.u32 v23, v5;
	v11 =	vunpack.i.u.bf16.f32 v11;
	[tilespmem:v33+s21+$0x0] =	vst.idx.msk $0xffff, v19  }
0x635: {  	v46 =	vadd.s32 v1, v5;
	[tilespmem:v61+s21+$0x0] =	vst.idx.msk $0xffff, v11;
	v61 =	vld [tilespmem:$0x1F260]  }
0x636: {  	v12 =	vmul.bf16 v12, v25;
	v16 =	vmul.bf16 v16, v37;
	_ =	sdelay $0x1  }
0x637: {  	v13 =	vmul.bf16 v13, v49;
	v12 =	vadd.bf16 v16, v12  }
0x638: {  	v11 =	vor.u32 s30, v21;
	v16 =	vld.idx.msk [tilespmem:v14+s4+$0x0], $0xffff  }
0x639: {  	v52 =	vmul.bf16 v43, v29;
	v12 =	vadd.bf16 v13, v12;
	v33 =	vld.idx.msk [tilespmem:v46+s4+$0x0], $0xffff;
	v11 =	vand.u32 v61, v11  }
0x63a: {  	v61 =	vld [tilespmem:$0x1F530]  }
0x63b: {  	v31 =	vld [tilespmem:$0x1F540];
	v12 =	vadd.bf16 v52, v12;
	_ =	sdelay $0x1  }
0x63c: {  	v21 =	vor.u32 s30, v22;
	v22 =	vor.u32 v23, v20;
	v14 =	vld.idx.msk [tilespmem:v14+s15+$0x0], $0xffff;
	v23 =	vunpack.i.l.bf16.f32 v12  }
0x63d: {  	v33 =	vmul.bf16 v33, v8;
	[tilespmem:v11+s21+$0x0] =	vst.idx.msk $0xffff, v23;
	v11 =	vmul.bf16 v16, v7  }
0x63e: {  	v46 =	vld.idx.msk [tilespmem:v46+s15+$0x0], $0xffff;
	v19 =	vor.u32 s1, v61  }
0x63f: {  	v11 =	vadd.bf16 v33, v11;
	v33 =	vand.u32 v31, v19;
	v31 =	vld [tilespmem:$0x1F550]  }
0x640: {  	v43 =	vadd.s32 v1, v20  }
0x641: {  	v12 =	vunpack.i.u.bf16.f32 v12;
	v14 =	vmul.bf16 v14, v10  }
0x642: {  	v1 =	vld [tilespmem:$0x1F2B0];
	[tilespmem:v21+s21+$0x0] =	vst.idx.msk $0xffff, v12  }
0x643: {  	v21 =	vmul.bf16 v46, v15;
	v12 =	vld.idx.msk [tilespmem:v22+s4+$0x0], $0xffff;
	v11 =	vadd.bf16 v14, v11  }
0x644: {  	v13 =	vld.idx.msk [tilespmem:v22+s15+$0x0], $0xffff;
	v22 =	vor.u32 s1, v31  }
0x645: {  	v52 =	vld.idx.msk [tilespmem:v43+s4+$0x0], $0xffff;
	v11 =	vadd.bf16 v21, v11;
	_ =	sdelay $0x1  }
0x646: {  	v23 =	vunpack.i.l.bf16.f32 v11  }
0x647: {  	v43 =	vld.idx.msk [tilespmem:v43+s15+$0x0], $0xffff;
	v14 =	vor.u32 v1, v5;
	v11 =	vunpack.i.u.bf16.f32 v11;
	[tilespmem:v33+s21+$0x0] =	vst.idx.msk $0xffff, v23  }
0x648: {  	v46 =	vadd.s32 v24, v5;
	[tilespmem:v22+s21+$0x0] =	vst.idx.msk $0xffff, v11;
	v11 =	vor.u32 s30, v61;
	v61 =	vld [tilespmem:$0x1F2A0]  }
0x649: {  	v12 =	vmul.bf16 v12, v25;
	v16 =	vmul.bf16 v52, v37;
	_ =	sdelay $0x1  }
0x64a: {  	v13 =	vmul.bf16 v13, v49;
	v12 =	vadd.bf16 v16, v12  }
0x64b: {  	v16 =	vld.idx.msk [tilespmem:v14+s4+$0x0], $0xffff  }
0x64c: {  	v52 =	vmul.bf16 v43, v29;
	v12 =	vadd.bf16 v13, v12;
	v33 =	vld.idx.msk [tilespmem:v46+s4+$0x0], $0xffff;
	v11 =	vand.u32 v61, v11  }
0x64d: {  	v61 =	vld [tilespmem:$0x1F560]  }
0x64e: {  	v21 =	vor.u32 s30, v31;
	v31 =	vld [tilespmem:$0x1F570];
	v12 =	vadd.bf16 v52, v12;
	_ =	sdelay $0x1  }
0x64f: {  	v14 =	vld.idx.msk [tilespmem:v14+s15+$0x0], $0xffff;
	v23 =	vunpack.i.l.bf16.f32 v12  }
0x650: {  	v33 =	vmul.bf16 v33, v8;
	[tilespmem:v11+s21+$0x0] =	vst.idx.msk $0xffff, v23;
	v11 =	vmul.bf16 v16, v7  }
0x651: {  	v22 =	vor.u32 v1, v20;
	v46 =	vld.idx.msk [tilespmem:v46+s15+$0x0], $0xffff;
	v19 =	vor.u32 s1, v61  }
0x652: {  	v11 =	vadd.bf16 v33, v11;
	v33 =	vand.u32 v31, v19;
	v31 =	vld [tilespmem:$0x1F580]  }
0x653: {  	v43 =	vadd.s32 v24, v20  }
0x654: {  	v12 =	vunpack.i.u.bf16.f32 v12;
	v14 =	vmul.bf16 v14, v10  }
0x655: {  	[tilespmem:v21+s21+$0x0] =	vst.idx.msk $0xffff, v12  }
0x656: {  	v21 =	vmul.bf16 v46, v15;
	v12 =	vld.idx.msk [tilespmem:v22+s4+$0x0], $0xffff;
	v11 =	vadd.bf16 v14, v11  }
0x657: {  	v13 =	vld.idx.msk [tilespmem:v22+s15+$0x0], $0xffff;
	v22 =	vor.u32 s1, v31  }
0x658: {  	v52 =	vld.idx.msk [tilespmem:v43+s4+$0x0], $0xffff;
	v11 =	vadd.bf16 v21, v11;
	_ =	sdelay $0x1  }
0x659: {  	v23 =	vunpack.i.l.bf16.f32 v11  }
0x65a: {  	v43 =	vld.idx.msk [tilespmem:v43+s15+$0x0], $0xffff;
	v14 =	vor.u32 v40, v5;
	v11 =	vunpack.i.u.bf16.f32 v11;
	[tilespmem:v33+s21+$0x0] =	vst.idx.msk $0xffff, v23  }
0x65b: {  	v46 =	vadd.s32 v4, v5;
	[tilespmem:v22+s21+$0x0] =	vst.idx.msk $0xffff, v11;
	v11 =	vor.u32 s30, v61;
	v61 =	vld [tilespmem:$0x1F2D0]  }
0x65c: {  	v12 =	vmul.bf16 v12, v25;
	v16 =	vmul.bf16 v52, v37;
	_ =	sdelay $0x1  }
0x65d: {  	v13 =	vmul.bf16 v13, v49;
	v12 =	vadd.bf16 v16, v12  }
0x65e: {  	v16 =	vld.idx.msk [tilespmem:v14+s4+$0x0], $0xffff  }
0x65f: {  	v52 =	vmul.bf16 v43, v29;
	v12 =	vadd.bf16 v13, v12;
	v33 =	vld.idx.msk [tilespmem:v46+s4+$0x0], $0xffff;
	v11 =	vand.u32 v61, v11  }
0x660: {  	v21 =	vor.u32 s30, v31;
	v31 =	vld [tilespmem:$0x1F590]  }
0x661: {  	v12 =	vadd.bf16 v52, v12;
	v61 =	vld [tilespmem:$0x1F5A0];
	_ =	sdelay $0x1  }
0x662: {  	v22 =	vor.u32 v40, v20;
	v14 =	vld.idx.msk [tilespmem:v14+s15+$0x0], $0xffff;
	v23 =	vunpack.i.l.bf16.f32 v12  }
0x663: {  	v33 =	vmul.bf16 v33, v8;
	[tilespmem:v11+s21+$0x0] =	vst.idx.msk $0xffff, v23;
	v11 =	vmul.bf16 v16, v7  }
0x664: {  	v38 =	vor.u32 s1, v31;
	v46 =	vld.idx.msk [tilespmem:v46+s15+$0x0], $0xffff  }
0x665: {  	v12 =	vunpack.i.u.bf16.f32 v12;
	v11 =	vadd.bf16 v33, v11;
	v33 =	vand.u32 v61, v38;
	v61 =	vld [tilespmem:$0x1F5B0]  }
0x666: {  	v43 =	vadd.s32 v4, v20;
	[tilespmem:v21+s21+$0x0] =	vst.idx.msk $0xffff, v12  }
0x667: {  	v14 =	vmul.bf16 v14, v10;
	v12 =	vld.idx.msk [tilespmem:v22+s4+$0x0], $0xffff  }
0x668: {  	v13 =	vld.idx.msk [tilespmem:v22+s15+$0x0], $0xffff  }
0x669: {  	v52 =	vmul.bf16 v46, v15;
	v22 =	vld [tilespmem:$0x1F410];
	v11 =	vadd.bf16 v14, v11  }
0x66a: {  	v21 =	vor.u32 s1, v61  }
0x66b: {  	v16 =	vld.idx.msk [tilespmem:v43+s4+$0x0], $0xffff;
	v11 =	vadd.bf16 v52, v11;
	_ =	sdelay $0x1  }
0x66c: {  	v18 =	vunpack.i.l.bf16.f32 v11  }
0x66d: {  	v43 =	vld.idx.msk [tilespmem:v43+s15+$0x0], $0xffff;
	v23 =	vor.u32 v22, v5;
	v11 =	vunpack.i.u.bf16.f32 v11;
	[tilespmem:v33+s21+$0x0] =	vst.idx.msk $0xffff, v18  }
0x66e: {  	v46 =	vadd.s32 v6, v5;
	[tilespmem:v21+s21+$0x0] =	vst.idx.msk $0xffff, v11;
	v11 =	vor.u32 s30, v31;
	v31 =	vld [tilespmem:$0x1F2F0]  }
0x66f: {  	v12 =	vmul.bf16 v12, v25;
	v16 =	vmul.bf16 v16, v37;
	_ =	sdelay $0x1  }
0x670: {  	v13 =	vmul.bf16 v13, v49;
	v12 =	vadd.bf16 v16, v12  }
0x671: {  	v16 =	vld.idx.msk [tilespmem:v23+s4+$0x0], $0xffff  }
0x672: {  	v19 =	vmul.bf16 v43, v29;
	v12 =	vadd.bf16 v13, v12;
	v33 =	vld.idx.msk [tilespmem:v46+s4+$0x0], $0xffff;
	v11 =	vand.u32 v31, v11  }
0x673: {  	v21 =	vor.u32 s30, v61;
	v61 =	vld [tilespmem:$0x1F5C0]  }
0x674: {  	v12 =	vadd.bf16 v19, v12;
	v31 =	vld [tilespmem:$0x1F5D0];
	_ =	sdelay $0x1  }
0x675: {  	v14 =	vld.idx.msk [tilespmem:v23+s15+$0x0], $0xffff;
	v23 =	vunpack.i.l.bf16.f32 v12  }
0x676: {  	v33 =	vmul.bf16 v33, v8;
	[tilespmem:v11+s21+$0x0] =	vst.idx.msk $0xffff, v23;
	v11 =	vmul.bf16 v16, v7  }
0x677: {  	v22 =	vor.u32 v22, v20;
	v46 =	vld.idx.msk [tilespmem:v46+s15+$0x0], $0xffff;
	v19 =	vor.u32 s1, v61  }
0x678: {  	v11 =	vadd.bf16 v33, v11;
	v33 =	vand.u32 v31, v19;
	v31 =	vld [tilespmem:$0x1F5E0]  }
0x679: {  	v43 =	vadd.s32 v6, v20  }
0x67a: {  	v12 =	vunpack.i.u.bf16.f32 v12;
	v14 =	vmul.bf16 v14, v10  }
0x67b: {  	[tilespmem:v21+s21+$0x0] =	vst.idx.msk $0xffff, v12  }
0x67c: {  	v21 =	vmul.bf16 v46, v15;
	v12 =	vld.idx.msk [tilespmem:v22+s4+$0x0], $0xffff;
	v11 =	vadd.bf16 v14, v11  }
0x67d: {  	v13 =	vld.idx.msk [tilespmem:v22+s15+$0x0], $0xffff;
	v22 =	vor.u32 s1, v31  }
0x67e: {  	v52 =	vld.idx.msk [tilespmem:v43+s4+$0x0], $0xffff;
	v11 =	vadd.bf16 v21, v11;
	_ =	sdelay $0x1  }
0x67f: {  	v23 =	vunpack.i.l.bf16.f32 v11  }
0x680: {  	v43 =	vld.idx.msk [tilespmem:v43+s15+$0x0], $0xffff;
	v14 =	vor.u32 v9, v5;
	v11 =	vunpack.i.u.bf16.f32 v11;
	[tilespmem:v33+s21+$0x0] =	vst.idx.msk $0xffff, v23  }
0x681: {  	v46 =	vadd.s32 v27, v5;
	[tilespmem:v22+s21+$0x0] =	vst.idx.msk $0xffff, v11;
	v11 =	vor.u32 s30, v61;
	v61 =	vld [tilespmem:$0x1F300]  }
0x682: {  	v12 =	vmul.bf16 v12, v25;
	v16 =	vmul.bf16 v52, v37;
	_ =	sdelay $0x1  }
0x683: {  	v13 =	vmul.bf16 v13, v49;
	v12 =	vadd.bf16 v16, v12  }
0x684: {  	v16 =	vld.idx.msk [tilespmem:v14+s4+$0x0], $0xffff  }
0x685: {  	v52 =	vmul.bf16 v43, v29;
	v12 =	vadd.bf16 v13, v12;
	v33 =	vld.idx.msk [tilespmem:v46+s4+$0x0], $0xffff;
	v11 =	vand.u32 v61, v11  }
0x686: {  	v61 =	vld [tilespmem:$0x1F5F0]  }
0x687: {  	v21 =	vor.u32 s30, v31;
	v31 =	vld [tilespmem:$0x1F600];
	v12 =	vadd.bf16 v52, v12;
	_ =	sdelay $0x1  }
0x688: {  	v14 =	vld.idx.msk [tilespmem:v14+s15+$0x0], $0xffff;
	v23 =	vunpack.i.l.bf16.f32 v12  }
0x689: {  	v33 =	vmul.bf16 v33, v8;
	[tilespmem:v11+s21+$0x0] =	vst.idx.msk $0xffff, v23;
	v11 =	vmul.bf16 v16, v7  }
0x68a: {  	v22 =	vor.u32 v9, v20;
	v46 =	vld.idx.msk [tilespmem:v46+s15+$0x0], $0xffff;
	v19 =	vor.u32 s1, v61  }
0x68b: {  	v11 =	vadd.bf16 v33, v11;
	v33 =	vand.u32 v31, v19;
	v31 =	vld [tilespmem:$0x1F610]  }
0x68c: {  	v43 =	vadd.s32 v27, v20  }
0x68d: {  	v12 =	vunpack.i.u.bf16.f32 v12;
	v14 =	vmul.bf16 v14, v10  }
0x68e: {  	[tilespmem:v21+s21+$0x0] =	vst.idx.msk $0xffff, v12  }
0x68f: {  	v21 =	vmul.bf16 v46, v15;
	v12 =	vld.idx.msk [tilespmem:v22+s4+$0x0], $0xffff;
	v11 =	vadd.bf16 v14, v11  }
0x690: {  	v13 =	vld.idx.msk [tilespmem:v22+s15+$0x0], $0xffff;
	v22 =	vor.u32 s1, v31  }
0x691: {  	v52 =	vld.idx.msk [tilespmem:v43+s4+$0x0], $0xffff;
	v11 =	vadd.bf16 v21, v11;
	_ =	sdelay $0x1  }
0x692: {  	v23 =	vunpack.i.l.bf16.f32 v11  }
0x693: {  	v43 =	vld.idx.msk [tilespmem:v43+s15+$0x0], $0xffff;
	v14 =	vor.u32 v30, v5;
	v11 =	vunpack.i.u.bf16.f32 v11;
	[tilespmem:v33+s21+$0x0] =	vst.idx.msk $0xffff, v23  }
0x694: {  	v46 =	vadd.s32 v32, v5;
	[tilespmem:v22+s21+$0x0] =	vst.idx.msk $0xffff, v11;
	v11 =	vor.u32 s30, v61;
	v61 =	vld [tilespmem:$0x1F310]  }
0x695: {  	v12 =	vmul.bf16 v12, v25;
	v16 =	vmul.bf16 v52, v37;
	_ =	sdelay $0x1  }
0x696: {  	v13 =	vmul.bf16 v13, v49;
	v12 =	vadd.bf16 v16, v12  }
0x697: {  	v16 =	vld.idx.msk [tilespmem:v14+s4+$0x0], $0xffff  }
0x698: {  	v52 =	vmul.bf16 v43, v29;
	v12 =	vadd.bf16 v13, v12;
	v33 =	vld.idx.msk [tilespmem:v46+s4+$0x0], $0xffff;
	v11 =	vand.u32 v61, v11  }
0x699: {  	v61 =	vld [tilespmem:$0x1F620]  }
0x69a: {  	v21 =	vor.u32 s30, v31;
	v31 =	vld [tilespmem:$0x1F630];
	v12 =	vadd.bf16 v52, v12;
	_ =	sdelay $0x1  }
0x69b: {  	v14 =	vld.idx.msk [tilespmem:v14+s15+$0x0], $0xffff;
	v23 =	vunpack.i.l.bf16.f32 v12  }
0x69c: {  	v33 =	vmul.bf16 v33, v8;
	[tilespmem:v11+s21+$0x0] =	vst.idx.msk $0xffff, v23;
	v11 =	vmul.bf16 v16, v7  }
0x69d: {  	v22 =	vor.u32 v30, v20;
	v46 =	vld.idx.msk [tilespmem:v46+s15+$0x0], $0xffff;
	v19 =	vor.u32 s1, v61  }
0x69e: {  	v11 =	vadd.bf16 v33, v11;
	v33 =	vand.u32 v31, v19;
	v31 =	vld [tilespmem:$0x1F640]  }
0x69f: {  	v43 =	vadd.s32 v32, v20  }
0x6a0: {  	v12 =	vunpack.i.u.bf16.f32 v12;
	v14 =	vmul.bf16 v14, v10  }
0x6a1: {  	[tilespmem:v21+s21+$0x0] =	vst.idx.msk $0xffff, v12  }
0x6a2: {  	v21 =	vmul.bf16 v46, v15;
	v12 =	vld.idx.msk [tilespmem:v22+s4+$0x0], $0xffff;
	v11 =	vadd.bf16 v14, v11  }
0x6a3: {  	v13 =	vld.idx.msk [tilespmem:v22+s15+$0x0], $0xffff;
	v22 =	vor.u32 s1, v31  }
0x6a4: {  	v52 =	vld.idx.msk [tilespmem:v43+s4+$0x0], $0xffff;
	v11 =	vadd.bf16 v21, v11;
	_ =	sdelay $0x1  }
0x6a5: {  	v23 =	vunpack.i.l.bf16.f32 v11  }
0x6a6: {  	v43 =	vld.idx.msk [tilespmem:v43+s15+$0x0], $0xffff;
	v14 =	vor.u32 v35, v5;
	v11 =	vunpack.i.u.bf16.f32 v11;
	[tilespmem:v33+s21+$0x0] =	vst.idx.msk $0xffff, v23  }
0x6a7: {  	v46 =	vadd.s32 v36, v5;
	[tilespmem:v22+s21+$0x0] =	vst.idx.msk $0xffff, v11;
	v11 =	vor.u32 s30, v61;
	v61 =	vld [tilespmem:$0x1F320]  }
0x6a8: {  	v12 =	vmul.bf16 v12, v25;
	v16 =	vmul.bf16 v52, v37;
	_ =	sdelay $0x1  }
0x6a9: {  	v13 =	vmul.bf16 v13, v49;
	v12 =	vadd.bf16 v16, v12  }
0x6aa: {  	v16 =	vld.idx.msk [tilespmem:v14+s4+$0x0], $0xffff  }
0x6ab: {  	v52 =	vmul.bf16 v43, v29;
	v12 =	vadd.bf16 v13, v12;
	v33 =	vld.idx.msk [tilespmem:v46+s4+$0x0], $0xffff;
	v11 =	vand.u32 v61, v11  }
0x6ac: {  	v61 =	vld [tilespmem:$0x1F650]  }
0x6ad: {  	v21 =	vor.u32 s30, v31;
	v31 =	vld [tilespmem:$0x1F660];
	v12 =	vadd.bf16 v52, v12  }
0x6ae: {  	v22 =	vor.u32 v35, v20  }
0x6af: {  	v43 =	vadd.s32 v36, v20;
	v14 =	vld.idx.msk [tilespmem:v14+s15+$0x0], $0xffff;
	v23 =	vunpack.i.l.bf16.f32 v12  }
0x6b0: {  	v33 =	vmul.bf16 v33, v8;
	[tilespmem:v11+s21+$0x0] =	vst.idx.msk $0xffff, v23;
	v11 =	vmul.bf16 v16, v7  }
0x6b1: {  	v46 =	vld.idx.msk [tilespmem:v46+s15+$0x0], $0xffff;
	v12 =	vunpack.i.u.bf16.f32 v12;
	v19 =	vor.u32 s1, v61  }
0x6b2: {  	[tilespmem:v21+s21+$0x0] =	vst.idx.msk $0xffff, v12;
	v11 =	vadd.bf16 v33, v11;
	v33 =	vand.u32 v31, v19;
	v31 =	vld [tilespmem:$0x1F670]  }
0x6b3: {  	v12 =	vld.idx.msk [tilespmem:v22+s4+$0x0], $0xffff  }
0x6b4: {  	v14 =	vmul.bf16 v14, v10;
	v52 =	vld.idx.msk [tilespmem:v43+s4+$0x0], $0xffff;
	_ =	sdelay $0x1  }
0x6b5: {  	v21 =	vmul.bf16 v46, v15;
	v13 =	vld.idx.msk [tilespmem:v22+s15+$0x0], $0xffff;
	v11 =	vadd.bf16 v14, v11  }
0x6b6: {  	v22 =	vor.u32 s1, v31  }
0x6b7: {  	v43 =	vld.idx.msk [tilespmem:v43+s15+$0x0], $0xffff;
	v14 =	vor.u32 v39, v5;
	v11 =	vadd.bf16 v21, v11  }
0x6b8: {  	v12 =	vmul.bf16 v12, v25;
	v16 =	vmul.bf16 v52, v37  }
0x6b9: {  	v23 =	vunpack.i.l.bf16.f32 v11  }
0x6ba: {  	v13 =	vmul.bf16 v13, v49;
	v11 =	vunpack.i.u.bf16.f32 v11;
	[tilespmem:v33+s21+$0x0] =	vst.idx.msk $0xffff, v23;
	v12 =	vadd.bf16 v16, v12  }
0x6bb: {  	v46 =	vadd.s32 v41, v5;
	[tilespmem:v22+s21+$0x0] =	vst.idx.msk $0xffff, v11;
	v11 =	vor.u32 s30, v61  }
0x6bc: {  	v19 =	vmul.bf16 v43, v29;
	v12 =	vadd.bf16 v13, v12;
	v61 =	vld.idx.msk [tilespmem:v14+s4+$0x0], $0xffff;
	v11 =	vand.u32 v28, v11;
	_ =	sdelay $0x1  }
0x6bd: {  	v12 =	vadd.bf16 v19, v12;
	_ =	sdelay $0x1  }
0x6be: {  	v33 =	vld.idx.msk [tilespmem:v46+s4+$0x0], $0xffff;
	v23 =	vunpack.i.l.bf16.f32 v12  }
0x6bf: {  	[tilespmem:v11+s21+$0x0] =	vst.idx.msk $0xffff, v23;
	v11 =	vmul.bf16 v61, v7;
	v61 =	vld [tilespmem:$0x1F680]  }
0x6c0: {  	v21 =	vor.u32 s30, v31;
	v31 =	vld [tilespmem:$0x1F690]  }
0x6c1: {  	v22 =	vor.u32 v39, v20  }
0x6c2: {  	v43 =	vadd.s32 v41, v20;
	v14 =	vld.idx.msk [tilespmem:v14+s15+$0x0], $0xffff  }
0x6c3: {  	v33 =	vmul.bf16 v33, v8  }
0x6c4: {  	v46 =	vld.idx.msk [tilespmem:v46+s15+$0x0], $0xffff;
	v12 =	vunpack.i.u.bf16.f32 v12;
	v19 =	vor.u32 s1, v61  }
0x6c5: {  	[tilespmem:v21+s21+$0x0] =	vst.idx.msk $0xffff, v12;
	v11 =	vadd.bf16 v33, v11;
	v33 =	vand.u32 v31, v19;
	v31 =	vld [tilespmem:$0x1F6A0]  }
0x6c6: {  	v12 =	vld.idx.msk [tilespmem:v22+s4+$0x0], $0xffff  }
0x6c7: {  	v14 =	vmul.bf16 v14, v10;
	v52 =	vld.idx.msk [tilespmem:v43+s4+$0x0], $0xffff;
	_ =	sdelay $0x1  }
0x6c8: {  	v21 =	vmul.bf16 v46, v15;
	v13 =	vld.idx.msk [tilespmem:v22+s15+$0x0], $0xffff;
	v11 =	vadd.bf16 v14, v11  }
0x6c9: {  	v22 =	vor.u32 s1, v31  }
0x6ca: {  	v43 =	vld.idx.msk [tilespmem:v43+s15+$0x0], $0xffff;
	v14 =	vor.u32 v44, v5;
	v11 =	vadd.bf16 v21, v11  }
0x6cb: {  	v12 =	vmul.bf16 v12, v25;
	v16 =	vmul.bf16 v52, v37  }
0x6cc: {  	v23 =	vunpack.i.l.bf16.f32 v11  }
0x6cd: {  	v13 =	vmul.bf16 v13, v49;
	v11 =	vunpack.i.u.bf16.f32 v11;
	v12 =	vadd.bf16 v16, v12;
	[tilespmem:v33+s21+$0x0] =	vst.idx.msk $0xffff, v23  }
0x6ce: {  	v46 =	vadd.s32 v45, v5;
	[tilespmem:v22+s21+$0x0] =	vst.idx.msk $0xffff, v11;
	v11 =	vor.u32 s30, v61  }
0x6cf: {  	v19 =	vmul.bf16 v43, v29;
	v12 =	vadd.bf16 v13, v12;
	v61 =	vld.idx.msk [tilespmem:v14+s4+$0x0], $0xffff;
	v11 =	vand.u32 v47, v11;
	_ =	sdelay $0x1  }
0x6d0: {  	v12 =	vadd.bf16 v19, v12;
	_ =	sdelay $0x1  }
0x6d1: {  	v23 =	vunpack.i.l.bf16.f32 v12;
	v33 =	vld.idx.msk [tilespmem:v46+s4+$0x0], $0xffff  }
0x6d2: {  	[tilespmem:v11+s21+$0x0] =	vst.idx.msk $0xffff, v23;
	v11 =	vmul.bf16 v61, v7;
	v61 =	vld [tilespmem:$0x1F6B0]  }
0x6d3: {  	v21 =	vor.u32 s30, v31;
	v31 =	vld [tilespmem:$0x1F6C0]  }
0x6d4: {  	v22 =	vor.u32 v44, v20  }
0x6d5: {  	v43 =	vadd.s32 v45, v20;
	v14 =	vld.idx.msk [tilespmem:v14+s15+$0x0], $0xffff  }
0x6d6: {  	v33 =	vmul.bf16 v33, v8  }
0x6d7: {  	v12 =	vunpack.i.u.bf16.f32 v12;
	v46 =	vld.idx.msk [tilespmem:v46+s15+$0x0], $0xffff;
	v19 =	vor.u32 s1, v61  }
0x6d8: {  	[tilespmem:v21+s21+$0x0] =	vst.idx.msk $0xffff, v12;
	v11 =	vadd.bf16 v33, v11;
	v33 =	vand.u32 v31, v19;
	v31 =	vld [tilespmem:$0x1F6D0]  }
0x6d9: {  	v12 =	vld.idx.msk [tilespmem:v22+s4+$0x0], $0xffff  }
0x6da: {  	v14 =	vmul.bf16 v14, v10;
	v52 =	vld.idx.msk [tilespmem:v43+s4+$0x0], $0xffff;
	_ =	sdelay $0x1  }
0x6db: {  	v21 =	vmul.bf16 v46, v15;
	v13 =	vld.idx.msk [tilespmem:v22+s15+$0x0], $0xffff;
	v11 =	vadd.bf16 v14, v11  }
0x6dc: {  	v22 =	vor.u32 s1, v31  }
0x6dd: {  	v43 =	vld.idx.msk [tilespmem:v43+s15+$0x0], $0xffff;
	v14 =	vor.u32 v50, v5;
	v11 =	vadd.bf16 v21, v11  }
0x6de: {  	v12 =	vmul.bf16 v12, v25;
	v16 =	vmul.bf16 v52, v37  }
0x6df: {  	v23 =	vunpack.i.l.bf16.f32 v11  }
0x6e0: {  	v13 =	vmul.bf16 v13, v49;
	v11 =	vunpack.i.u.bf16.f32 v11;
	v12 =	vadd.bf16 v16, v12;
	[tilespmem:v33+s21+$0x0] =	vst.idx.msk $0xffff, v23  }
0x6e1: {  	v46 =	vadd.s32 v48, v5;
	[tilespmem:v22+s21+$0x0] =	vst.idx.msk $0xffff, v11;
	v11 =	vor.u32 s30, v61  }
0x6e2: {  	v19 =	vmul.bf16 v43, v29;
	v12 =	vadd.bf16 v13, v12;
	v61 =	vld.idx.msk [tilespmem:v14+s4+$0x0], $0xffff;
	v11 =	vand.u32 v51, v11;
	_ =	sdelay $0x1  }
0x6e3: {  	v12 =	vadd.bf16 v19, v12;
	_ =	sdelay $0x1  }
0x6e4: {  	v23 =	vunpack.i.l.bf16.f32 v12;
	v33 =	vld.idx.msk [tilespmem:v46+s4+$0x0], $0xffff  }
0x6e5: {  	[tilespmem:v11+s21+$0x0] =	vst.idx.msk $0xffff, v23;
	v11 =	vmul.bf16 v61, v7;
	v61 =	vld [tilespmem:$0x1F6E0]  }
0x6e6: {  	v21 =	vor.u32 s30, v31;
	v31 =	vld [tilespmem:$0x1F6F0]  }
0x6e7: {  	v22 =	vor.u32 v50, v20  }
0x6e8: {  	v43 =	vadd.s32 v48, v20;
	v14 =	vld.idx.msk [tilespmem:v14+s15+$0x0], $0xffff  }
0x6e9: {  	v33 =	vmul.bf16 v33, v8  }
0x6ea: {  	v12 =	vunpack.i.u.bf16.f32 v12;
	v46 =	vld.idx.msk [tilespmem:v46+s15+$0x0], $0xffff;
	v19 =	vor.u32 s1, v61  }
0x6eb: {  	[tilespmem:v21+s21+$0x0] =	vst.idx.msk $0xffff, v12;
	v11 =	vadd.bf16 v33, v11;
	v33 =	vand.u32 v31, v19;
	v31 =	vld [tilespmem:$0x1F700]  }
0x6ec: {  	v12 =	vld.idx.msk [tilespmem:v22+s4+$0x0], $0xffff  }
0x6ed: {  	v14 =	vmul.bf16 v14, v10;
	v52 =	vld.idx.msk [tilespmem:v43+s4+$0x0], $0xffff;
	_ =	sdelay $0x1  }
0x6ee: {  	v21 =	vmul.bf16 v46, v15;
	v13 =	vld.idx.msk [tilespmem:v22+s15+$0x0], $0xffff;
	v11 =	vadd.bf16 v14, v11  }
0x6ef: {  	v22 =	vor.u32 s1, v31  }
0x6f0: {  	v43 =	vld.idx.msk [tilespmem:v43+s15+$0x0], $0xffff;
	v14 =	vor.u32 v53, v5;
	v11 =	vadd.bf16 v21, v11  }
0x6f1: {  	v12 =	vmul.bf16 v12, v25;
	v16 =	vmul.bf16 v52, v37  }
0x6f2: {  	v23 =	vunpack.i.l.bf16.f32 v11  }
0x6f3: {  	v13 =	vmul.bf16 v13, v49;
	v11 =	vunpack.i.u.bf16.f32 v11;
	v12 =	vadd.bf16 v16, v12;
	[tilespmem:v33+s21+$0x0] =	vst.idx.msk $0xffff, v23  }
0x6f4: {  	v46 =	vadd.s32 v54, v5;
	[tilespmem:v22+s21+$0x0] =	vst.idx.msk $0xffff, v11;
	v11 =	vor.u32 s30, v61  }
0x6f5: {  	v19 =	vmul.bf16 v43, v29;
	v12 =	vadd.bf16 v13, v12;
	v61 =	vld.idx.msk [tilespmem:v14+s4+$0x0], $0xffff;
	v11 =	vand.u32 v56, v11;
	_ =	sdelay $0x1  }
0x6f6: {  	v12 =	vadd.bf16 v19, v12;
	_ =	sdelay $0x1  }
0x6f7: {  	v23 =	vunpack.i.l.bf16.f32 v12;
	v33 =	vld.idx.msk [tilespmem:v46+s4+$0x0], $0xffff  }
0x6f8: {  	[tilespmem:v11+s21+$0x0] =	vst.idx.msk $0xffff, v23;
	v11 =	vmul.bf16 v61, v7;
	v61 =	vld [tilespmem:$0x1F710]  }
0x6f9: {  	v21 =	vor.u32 s30, v31;
	v31 =	vld [tilespmem:$0x1F720]  }
0x6fa: {  	v22 =	vor.u32 v53, v20  }
0x6fb: {  	v43 =	vadd.s32 v54, v20;
	v14 =	vld.idx.msk [tilespmem:v14+s15+$0x0], $0xffff  }
0x6fc: {  	v33 =	vmul.bf16 v33, v8  }
0x6fd: {  	v12 =	vunpack.i.u.bf16.f32 v12;
	v46 =	vld.idx.msk [tilespmem:v46+s15+$0x0], $0xffff;
	v19 =	vor.u32 s1, v61  }
0x6fe: {  	[tilespmem:v21+s21+$0x0] =	vst.idx.msk $0xffff, v12;
	v11 =	vadd.bf16 v33, v11;
	v33 =	vand.u32 v31, v19;
	v31 =	vld [tilespmem:$0x1F730]  }
0x6ff: {  	v12 =	vld.idx.msk [tilespmem:v22+s4+$0x0], $0xffff  }
0x700: {  	v14 =	vmul.bf16 v14, v10;
	v52 =	vld.idx.msk [tilespmem:v43+s4+$0x0], $0xffff;
	_ =	sdelay $0x1  }
0x701: {  	v21 =	vmul.bf16 v46, v15;
	v13 =	vld.idx.msk [tilespmem:v22+s15+$0x0], $0xffff;
	v11 =	vadd.bf16 v14, v11  }
0x702: {  	v22 =	vor.u32 s1, v31  }
0x703: {  	v43 =	vld.idx.msk [tilespmem:v43+s15+$0x0], $0xffff;
	v14 =	vor.u32 v42, v5;
	v11 =	vadd.bf16 v21, v11  }
0x704: {  	v12 =	vmul.bf16 v12, v25;
	v16 =	vmul.bf16 v52, v37  }
0x705: {  	v46 =	vadd.s32 v57, v5;
	v23 =	vunpack.i.l.bf16.f32 v11  }
0x706: {  	v13 =	vmul.bf16 v13, v49;
	v11 =	vunpack.i.u.bf16.f32 v11;
	v12 =	vadd.bf16 v16, v12;
	[tilespmem:v33+s21+$0x0] =	vst.idx.msk $0xffff, v23  }
0x707: {  	[tilespmem:v22+s21+$0x0] =	vst.idx.msk $0xffff, v11;
	v11 =	vor.u32 s30, v61  }
0x708: {  	v19 =	vmul.bf16 v43, v29;
	v12 =	vadd.bf16 v13, v12;
	v61 =	vld.idx.msk [tilespmem:v14+s4+$0x0], $0xffff;
	v11 =	vand.u32 v59, v11  }
0x709: {  	v52 =	vld [tilespmem:$0x1F750]  }
0x70a: {  	v21 =	vor.u32 s30, v31;
	v12 =	vadd.bf16 v19, v12;
	v33 =	vld.idx.msk [tilespmem:v46+s4+$0x0], $0xffff  }
0x70b: {  	v31 =	vld [tilespmem:$0x1F3C0];
	v22 =	vor.u32 v42, v20  }
0x70c: {  	v43 =	vadd.s32 v57, v20;
	v23 =	vunpack.i.l.bf16.f32 v12;
	v14 =	vld.idx.msk [tilespmem:v14+s15+$0x0], $0xffff  }
0x70d: {  	[tilespmem:v11+s21+$0x0] =	vst.idx.msk $0xffff, v23;
	v11 =	vmul.bf16 v61, v7;
	v61 =	vld [tilespmem:$0x1F740]  }
0x70e: {  	v12 =	vunpack.i.u.bf16.f32 v12;
	v46 =	vld.idx.msk [tilespmem:v46+s15+$0x0], $0xffff  }
0x70f: {  	v33 =	vmul.bf16 v33, v8;
	[tilespmem:v21+s21+$0x0] =	vst.idx.msk $0xffff, v12;
	v21 =	vld [tilespmem:$0x1FCE0]  }
0x710: {  	v12 =	vld.idx.msk [tilespmem:v22+s4+$0x0], $0xffff  }
0x711: {  	v14 =	vmul.bf16 v14, v10;
	v11 =	vadd.bf16 v33, v11;
	v16 =	vld.idx.msk [tilespmem:v43+s4+$0x0], $0xffff  }
0x712: {  	v58 =	vmov v42;
	v42 =	vor.u32 s1, v61  }
0x713: {  	v46 =	vmul.bf16 v46, v15;
	v13 =	vld.idx.msk [tilespmem:v22+s15+$0x0], $0xffff;
	v11 =	vadd.bf16 v14, v11;
	v33 =	vand.u32 v52, v42  }
0x714: {  	v22 =	vor.u32 s1, v21  }
0x715: {  	v43 =	vld.idx.msk [tilespmem:v43+s15+$0x0], $0xffff;
	v11 =	vadd.bf16 v46, v11  }
0x716: {  	v23 =	vor.u32 v31, v5;
	v12 =	vmul.bf16 v12, v25;
	v16 =	vmul.bf16 v16, v37  }
0x717: {  	v46 =	vadd.s32 v60, v5;
	v42 =	vunpack.i.l.bf16.f32 v11  }
0x718: {  	v13 =	vmul.bf16 v13, v49;
	v11 =	vunpack.i.u.bf16.f32 v11;
	v12 =	vadd.bf16 v16, v12;
	[tilespmem:v33+s21+$0x0] =	vst.idx.msk $0xffff, v42  }
0x719: {  	v17 =	vld [tilespmem:$0x1FCF0];
	[tilespmem:v22+s21+$0x0] =	vst.idx.msk $0xffff, v11;
	v11 =	vor.u32 s30, v61  }
0x71a: {  	v19 =	vld [tilespmem:$0x1FD00];
	v52 =	vmul.bf16 v43, v29;
	v12 =	vadd.bf16 v13, v12;
	v11 =	vand.u32 v3, v11  }
0x71b: {  	v61 =	vor.u32 s30, v21;
	v16 =	vld.idx.msk [tilespmem:v23+s4+$0x0], $0xffff  }
0x71c: {  	v21 =	vor.u32 v31, v20;
	v33 =	vld.idx.msk [tilespmem:v46+s4+$0x0], $0xffff;
	v12 =	vadd.bf16 v52, v12  }
0x71d: {  	v22 =	vadd.s32 v60, v20;
	v31 =	vld [tilespmem:$0x1FD10]  }
0x71e: {  	v14 =	vld.idx.msk [tilespmem:v23+s15+$0x0], $0xffff;
	v23 =	vunpack.i.l.bf16.f32 v12  }
0x71f: {  	v46 =	vld.idx.msk [tilespmem:v46+s15+$0x0], $0xffff;
	v12 =	vunpack.i.u.bf16.f32 v12;
	[tilespmem:v11+s21+$0x0] =	vst.idx.msk $0xffff, v23  }
0x720: {  	v23 =	vld [tilespmem:$0x1F3D0];
	[tilespmem:v61+s21+$0x0] =	vst.idx.msk $0xffff, v12  }
0x721: {  	v11 =	vmul.bf16 v16, v7;
	v42 =	vmul.bf16 v33, v8;
	v12 =	vld.idx.msk [tilespmem:v21+s4+$0x0], $0xffff  }
0x722: {  	v52 =	vld.idx.msk [tilespmem:v22+s4+$0x0], $0xffff  }
0x723: {  	v14 =	vmul.bf16 v14, v10;
	v11 =	vadd.bf16 v42, v11  }
0x724: {  	v18 =	vor.u32 s1, v17;
	v13 =	vld.idx.msk [tilespmem:v21+s15+$0x0], $0xffff  }
0x725: {  	v33 =	vand.u32 v19, v18;
	v61 =	vmul.bf16 v46, v15;
	v21 =	vld.idx.msk [tilespmem:v22+s15+$0x0], $0xffff;
	v11 =	vadd.bf16 v14, v11  }
0x726: {  	v38 =	vor.u32 s1, v31;
	v46 =	vor.u32 v23, v5  }
0x727: {  	v11 =	vadd.bf16 v61, v11;
	v12 =	vmul.bf16 v12, v25;
	v16 =	vmul.bf16 v52, v37  }
0x728: {  	v52 =	vadd.s32 v62, v5  }
0x729: {  	v13 =	vmul.bf16 v13, v49;
	v22 =	vunpack.i.l.bf16.f32 v11;
	v12 =	vadd.bf16 v16, v12  }
0x72a: {  	v42 =	vor.u32 s30, v17;
	v43 =	vmul.bf16 v21, v29;
	v11 =	vunpack.i.u.bf16.f32 v11;
	[tilespmem:v33+s21+$0x0] =	vst.idx.msk $0xffff, v22  }
0x72b: {  	v21 =	vand.u32 v63, v42;
	[tilespmem:v38+s21+$0x0] =	vst.idx.msk $0xffff, v11;
	v12 =	vadd.bf16 v13, v12  }
0x72c: {  	v11 =	vor.u32 s30, v31;
	v22 =	vld.idx.msk [tilespmem:v46+s4+$0x0], $0xffff  }
0x72d: {  	v13 =	vor.u32 v23, v20;
	v33 =	vld.idx.msk [tilespmem:v52+s4+$0x0], $0xffff;
	v12 =	vadd.bf16 v43, v12  }
0x72e: {  	v38 =	vadd.s32 v62, v20  }
0x72f: {  	v46 =	vld.idx.msk [tilespmem:v46+s15+$0x0], $0xffff;
	v23 =	vunpack.i.l.bf16.f32 v12  }
0x730: {  	v12 =	vunpack.i.u.bf16.f32 v12;
	[tilespmem:v21+s21+$0x0] =	vst.idx.msk $0xffff, v23  }
0x731: {  	v21 =	vld.idx.msk [tilespmem:v52+s15+$0x0], $0xffff;
	[tilespmem:v11+s21+$0x0] =	vst.idx.msk $0xffff, v12  }
0x732: {  	v22 =	vmul.bf16 v22, v7;
	v23 =	vmul.bf16 v33, v8;
	v11 =	vld.idx.msk [tilespmem:v13+s4+$0x0], $0xffff  }
0x733: {  	v42 =	vld.idx.msk [tilespmem:v38+s4+$0x0], $0xffff  }
0x734: {  	v14 =	vmul.bf16 v46, v10;
	v12 =	vadd.bf16 v23, v22  }
0x735: {  	v13 =	vld.idx.msk [tilespmem:v13+s15+$0x0], $0xffff  }
0x736: {  	v31 =	vld [tilespmem:$0x1FD30];
	v12 =	vadd.bf16 v14, v12;
	v46 =	vmul.bf16 v21, v15  }
0x737: {  	v52 =	vld.idx.msk [tilespmem:v38+s15+$0x0], $0xffff  }
0x738: {  	v11 =	vmul.bf16 v11, v25;
	v33 =	vmul.bf16 v42, v37;
	v12 =	vadd.bf16 v46, v12;
	v46 =	vld [tilespmem:$0x1FFE0];
	_ =	sdelay $0x1  }
0x739: {  	v19 =	vor.u32 s1, v55;
	v61 =	vld [tilespmem:$0x1F3E0];
	v13 =	vmul.bf16 v13, v49;
	v11 =	vadd.bf16 v33, v11  }
0x73a: {  	v22 =	vor.u32 s30, v55;
	v14 =	vand.u32 v31, v19  }
0x73b: {  	v16 =	vand.u32 v26, v22;
	v23 =	vmul.bf16 v52, v29;
	v11 =	vadd.bf16 v13, v11  }
0x73c: {  	v21 =	vor.u32 s1, v46  }
0x73d: {  	v46 =	vor.u32 s30, v46;
	v11 =	vadd.bf16 v23, v11  }
0x73e: {  	v33 =	vor.u32 v61, v5;
	v52 =	vunpack.i.l.bf16.f32 v12  }
0x73f: {  	v5 =	vadd.s32 v2, v5;
	[tilespmem:v14+s21+$0x0] =	vst.idx.msk $0xffff, v52;
	v55 =	vunpack.i.l.bf16.f32 v11  }
0x740: {  	v12 =	vunpack.i.u.bf16.f32 v12;
	[tilespmem:v16+s21+$0x0] =	vst.idx.msk $0xffff, v55  }
0x741: {  	v13 =	vor.u32 v61, v20;
	v11 =	vunpack.i.u.bf16.f32 v11;
	v55 =	vld [tilespmem:$0x1FD50];
	[tilespmem:v21+s21+$0x0] =	vst.idx.msk $0xffff, v12  }
0x742: {  	v12 =	vadd.s32 v2, v20;
	[tilespmem:v46+s21+$0x0] =	vst.idx.msk $0xffff, v11;
	v46 =	vld [tilespmem:$0x1FD40]  }
0x743: {  	v14 =	vld.idx.msk [tilespmem:v33+s4+$0x0], $0xffff  }
0x744: {  	v61 =	vld.idx.msk [tilespmem:v5+s4+$0x0], $0xffff  }
0x745: {  	v42 =	vld.idx.msk [tilespmem:v33+s15+$0x0], $0xffff  }
0x746: {  	v11 =	vld.idx.msk [tilespmem:v13+s4+$0x0], $0xffff  }
0x747: {  	v52 =	vld.idx.msk [tilespmem:v12+s4+$0x0], $0xffff  }
0x748: {  	v5 =	vld.idx.msk [tilespmem:v5+s15+$0x0], $0xffff  }
0x749: {  	v13 =	vld.idx.msk [tilespmem:v13+s15+$0x0], $0xffff;
	v7 =	vmul.bf16 v14, v7;
	v8 =	vmul.bf16 v61, v8  }
0x74a: {  	v61 =	vld [tilespmem:$0x1FD60]  }
0x74b: {  	v7 =	vadd.bf16 v8, v7;
	v8 =	vmul.bf16 v42, v10;
	v10 =	vld.idx.msk [tilespmem:v12+s15+$0x0], $0xffff  }
0x74c: {  	v11 =	vmul.bf16 v11, v25;
	v42 =	vmul.bf16 v52, v37  }
0x74d: {  	v5 =	vmul.bf16 v5, v15;
	v7 =	vadd.bf16 v8, v7;
	v8 =	vor.u32 s1, v46  }
0x74e: {  	v49 =	vmul.bf16 v13, v49;
	v8 =	vand.u32 v55, v8;
	v11 =	vadd.bf16 v42, v11  }
0x74f: {  	v52 =	vor.u32 s30, v46;
	v5 =	vadd.bf16 v5, v7;
	v7 =	vor.u32 s1, v61  }
0x750: {  	s29 =	sadd.s32 $0x2, s29;
	v55 =	vand.u32 v0, v52;
	v10 =	vmul.bf16 v10, v29;
	v11 =	vadd.bf16 v49, v11  }
0x751: {  	p0 =	slt.u32 s29, $0x1E;
	v61 =	vor.u32 s30, v61  }
.Ltmp3:
0x752: {  	v10 =	vadd.bf16 v10, v11;
	v11 =	vunpack.i.l.bf16.f32 v5;
	(pc) =	sbr.rel @p0 .LBB2_5-.Ltmp3, $4  }
0x753: {  	v5 =	vunpack.i.u.bf16.f32 v5;
	[tilespmem:v8+s21+$0x0] =	vst.idx.msk $0xffff, v11  }
0x754: {  	[tilespmem:v7+s21+$0x0] =	vst.idx.msk $0xffff, v5;
	v5 =	vunpack.i.l.bf16.f32 v10  }
0x755: {  	[tilespmem:v55+s21+$0x0] =	vst.idx.msk $0xffff, v5;
	v5 =	vunpack.i.u.bf16.f32 v10  }
0x756: {  	s31 =	sadd.s32 $0x20, s31;
	v43 =	vld [tilespmem:$0x1F9D0];
	v38 =	vlaneseq.u32;
	s30 =	sadd.s32 $0x800, s30;
	[tilespmem:v61+s21+$0x0] =	vst.idx.msk $0xffff, v5  }
.Ltmp4:
0x757: {  	(pc) =	sbr.rel @p1 .LBB2_8-.Ltmp4, $4  }
0x758: {  	_ = 	snop  }
0x759: {  	s1 =	sshll.u32 s28, $0x3  }
0x75a: {  	s1 =	sadd.s32 s2, s1  }
0x75b: {  	[hbm4b:s1+s4] =	stream.linear.scatter [tilespmem:s21], [sflag:$0x4], $0x8000, $0x38;
	[tilespmem:$0x18600] =	vst v63  }
.Ltmp5:
0x75c: {  	(pc) =	sbr.rel .LBB2_2-.Ltmp5, $4  }
0x75d: {  	s1 =	sadd.s32 s26, s12  }
0x75e: {  	s1 =	sshrl.u32 s1, $0x3  }
0x75f: {  	s25 =	sadd.s32 $0x1, s25;
	s1 =	sadd.s32 s0, s1  }
0x760: {  	[tilespmem:s17], [sflag:$0x2] =	stream.linear.gather [hbm4b:s1+s4], $0x200, $0x38;
	[tilespmem:$0x18600] =	vst v63  }
.LBB2_9:
0x761: {  	_ =	sfence.sel $0x180000  }
0x762: {  	[bflag:$0x0] =	sbarrier.arrive $0xFFFF  }
0x763: {  	_ =	strace $0x90000047  }
0x764: {  	[bflag:$0x2] =	sbarrier.arrive $0xFFFF  }
0x765: {  	p0 =	sne.s32 s3, $0x0;
	s0 =	rddreg [dreg:$0x3]  }
0x766: {  	s0 =	sadd.s32 @!p0 $0x100000, s0  }
0x767: {  	[sflag:s0] =	ssyncadd.tile.s32 @!p0 $0x1;
	_ =	shalt  }
.Lfunc_end2:
_tile_overlayer_lowered:
.L_overlay_start_2:
0x768: {  	(tag) =	ssettag $0x2  }
0x769: {  	s0 =	rddreg [dreg:$0x0];
	s2 =	stileid.u32  }
0x76a: {  	s1 =	rddreg [dreg:$0x1];
	p0 =	sne.s32 s2, $0x0  }
0x76b: {  	s3 =	rddreg [dreg:$0x2];
	[bflag:$0x3] =	sbarrier.arrive $0xFFFF;
	s2 =	simm.s32 @!p0 $0x1C05  }
0x76c: {  	[timem:s3], [sflag:s2] =	dma.local @!p0 [hbm:s0], s1  }
0x76d: {  	s0 =	simm.s32 @!p0 $0x5  }
0x76e: {  	_ =	swait.ge @!p0 [sflag:s0], s1  }
0x76f: {  	s1 =	ssub.s32 @!p0 $0x0, s1;
	[sflag:s0] =	ssyncset.done @!p0 $0x0  }
0x770: {  	[sflag:s0] =	ssyncadd.s32 @!p0 s1  }
0x771: {  	[bflag:$0x3] =	sbarrier.arrive $0xFFFF  }
0x772: {  	_ =	shalt  }

// kernel: sparse-core-data-format-call.cloned.1.call-start
scs
called_computation_lowered:
.L_overlay_start_0:
0x0: {  	s2 =	sld [smem:$0x3FD9]  }
0x1: {  	s3 =	sld [smem:$0x3FFE];
	_ =	sdelay $0x1  }
0x2: {  	s1 =	srdreg.scid  }
0x3: {  	s0 =	sand.u32 $0x1, s1  }
0x4: {  	s18 =	sshll.u32 s0, $0xA;
	s2 =	sadd.s32 s3, s2  }
0x5: {  	s2 =	sadd.s32 s2, s18  }
0x6: {  	[smem:$0x3FC6] =	sst s2  }
0x7: {  	_ = 	snop  }
0x8: {  	s2 =	sld [smem:$0x3FD0];
	(tm) =	ssettm $0x1  }
0x9: {  	s19 =	sld [smem:$0x3FFB];
	_ =	sdelay $0x3  }
0xa: {  	_ =	strace s19  }
0xb: {  	s3 =	sld [smem:$0x3FFC];
	_ =	sdelay $0x3  }
0xc: {  	_ =	strace s3  }
0xd: {  	s3 =	sld [smem:$0x3FFD];
	_ =	sdelay $0x3  }
0xe: {  	_ =	strace s3  }
0xf: {  	_ =	strace $0x8FFFFFFF  }
0x10: {  	s20 =	sld [smem:$0x3FDB];
	_ =	sdelay $0x1  }
0x11: {  	s4 =	simm.s32 $_scs_section_size  }
0x12: {  	s5 =	simm.s32 $_size__tile_overlayer_lowered;
	s6 =	simm.s32 $_tile_overlayer_lowered  }
0x13: {  	s23 =	simm.s32 $0x1BFF;
	s22 =	sshll.u32 s6, $0x1;
	s3 =	sadd.s32 s4, s20  }
0x14: {  	s7 =	simm.s32 $0x0;
	s21 =	sshll.u32 s5, $0x1;
	s5 =	sadd.s32 s22, s3  }
0x15: {  	[timem:s7], [sflag:s23] =	dma.local [hbm:s5], s21  }
0x16: {  	_ =	swait.ge [sflag:s23], s21  }
0x17: {  	s4 =	ssub.s32 $0x0, s21;
	[sflag:s23] =	ssyncset.done $0x0  }
0x18: {  	[sflag:s23] =	ssyncadd.s32 s4;
	_ =	sdelay $0x1  }
0x19: {  	s24 =	simm.s32 $0x1B8B  }
0x1a: {  	_ =	swait.ge [sflag:s24], $0x1  }
0x1b: {  	[sflag:s24] =	ssyncset.done $0x0  }
0x1c: {  	s26 =	simm.s32 $0x1B8E;
	s25 =	sld [smem:$0x3FFE];
	[sflag:s24] =	ssyncadd.s32 $0xFFFFFFFF  }
0x1d: {  	s27 =	simm.s32 $execute0_lowered;
	[smem:$0x3FD2] =	sst s26  }
0x1e: {  	s5 =	sshll.u32 s27, $0x1;
	_ =	strace $0x80000049;
	[dreg:$0x1] =	wrdreg $0xFFFFFFFF  }
0x1f: {  	s28 =	simm.s32 $_size_execute0_lowered;
	s3 =	sadd.s32 s3, s5;
	[dreg:$0x0] =	wrdreg $0x0  }
0x20: {  	s5 =	sshll.u32 s28, $0x1;
	[dreg:$0x2] =	wrdreg s3  }
0x21: {  	[dreg:$0x3] =	wrdreg s5  }
0x22: {  	[dreg:$0x4] =	wrdreg $0xC0  }
0x23: {  	_ =	task [dreg:s7], $0x5FFFF  }
0x24: {  	[dreg:$0x1] =	wrdreg $0xFFFFFFFF  }
0x25: {  	[dreg:$0x0] =	wrdreg $0x60  }
0x26: {  	[dreg:$0x2] =	wrdreg s25  }
0x27: {  	[dreg:$0x3] =	wrdreg s2  }
0x28: {  	[dreg:$0x4] =	wrdreg $0x9  }
0x29: {  	_ =	task.clear_ibuf [dreg:s7], $0x5FFFF;
	_ =	strace $0x90000049  }
0x2a: {  	s29 =	simm.s32 $0x9;
	_ =	strace $0x8000004B  }
0x2b: {  	_ =	swait.ge [sflag:s29], $0x1  }
0x2c: {  	[sflag:s29] =	ssyncadd.s32 $0xFFFFFFFF  }
0x2d: {  	_ =	strace $0x9000004B  }
0x2e: {  	_ =	sfence  }
0x2f: {  	s30 =	sld [smem:$0x0];
	_ =	sdelay $0x2  }
0x30: {  	s31 =	sshll.u32 s1, $0xD;
	s1 =	sshrl.u32 s1, $0x2  }
0x31: {  	s3 =	sand.u32 $0x4000, s31;
	s1 =	sadd.s32 s1, s30  }
0x32: {  	s0 =	sor.u32 s3, s0;
	s1 =	sshll.u32 s1, $0x11  }
0x33: {  	s0 =	sor.u32 s1, s0  }
0x34: {  	s0 =	sadd.s32 $0x8F2B, s0  }
0x35: {  	[sflag:s0] =	ssyncadd.remote.s32 $0x1  }
0x36: {  	_ =	sfence.sel $0xFFFF  }
0x37: {  	[dreg:$0x0] =	wrdreg $0xFFFFFFFF;
	(pc) =	sbr.abs _section_cstart, $3  }
0x38: {  	[dreg:$0x1] =	wrdreg $0xFFFFFFFF  }
0x39: {  	_ =	task.clear_ibuf [dreg:s7], $0x2FFFF;
	_ =	strace $0x9FFFFFFF  }
0x3a: {  	(tm) =	ssettm $0x7FFFFFFF  }
0x3b: {  	_ =	shalt  }
tec
execute0_lowered:
.L_overlay_start_1:
0x0: {  	(tag) =	ssettag $0x1  }
0x1: {  	s0 =	srdreg.scid  }
0x2: {  	s1 =	sshll.u32 s0, $0x4  }
0x3: {  	s4 =	rddreg [dreg:$0x0];
	s0 =	stileid.u32;
	s1 =	sand.u32 $0x10, s1  }
0x4: {  	s2 =	rddreg [dreg:$0x1];
	s7 =	simm.s32 $0x1;
	s1 =	sor.u32 s0, s1  }
0x5: {  	s8 =	simm.s32 $0x2;
	s11 =	simm.s32 $0x0;
	s3 =	sshll.u32 s1, $0x7  }
0x6: {  	s10 =	simm.s32 $0x0;
	s4 =	sadd.s32 $0x800, s4;
	s6 =	ssub.s32 $0x80000, s3  }
.Ltmp0:
0x7: {  	s1 =	rddreg [dreg:$0x2];
	s5 =	sand.u32 $0xF80, s6;
	(pc) =	sbr.rel .LBB1_1-.Ltmp0, $4  }
0x8: {  	_ =	strace $0x8000004A;
	s9 =	smov.u32 s3;
	p0 =	sne.s32 s5, $0x0  }
0x9: {  	s6 =	sshrl.u32 s6, $0xC;
	s5 =	simm.s32 $0x1;
	s7 =	simm.s32 @!p0 $0x0  }
0xa: {  	[sflag:s5] =	ssyncpa.u1 $0x0;
	p0 =	por $0x0, $0x0;
	s6 =	sadd.s32 s7, s6  }
0xb: {  	[sflag:s8] =	ssyncpa.u1 $0x0;
	s8 =	simm.s32 $0x400000;
	s7 =	sadd.s32 $0x1, s6  }
.LBB1_4:
0xc: {  	s14 =	sshll.u32 s11, $0x3  }
0xd: {  	s15 =	sand.u32 $0x78, s11;
	s14 =	sand.u32 $0x7FC00, s14  }
0xe: {  	[tilespmem:s13+$0x810 ss:$0x81] =	vst.msk $0xffff, v2;
	s29 =	sand.u32 $0x3F0000, s11;
	s30 =	sand.u32 $0x7, s11;
	s14 =	sor.u32 s15, s14  }
0xf: {  	[tilespmem:s13+$0x1020 ss:$0x81] =	vst.msk $0xffff, v0;
	s11 =	sshll.u32 s30, $0x12;
	s15 =	sadd.s32 s2, s29;
	s14 =	sshrl.u32 s14, $0x3  }
0x10: {  	[tilespmem:s13+$0x0 ss:$0x81] =	vst.msk $0xffff, v1;
	s11 =	sor.u32 $0x400, s11;
	s31 =	sadd.s32 s14, s15  }
0x11: {  	[hbm4b:s31+s11] =	stream.strided.scatter [tilespmem:s12], [sflag:$0x2], $0x2000, s8, s11, $0x20;
	[tilespmem:$0x8080] =	vst v63  }
.LBB1_5:
0x12: {  	s13 =	sadd.s32 $0x1000, s9  }
0x13: {  	p2 =	sgt.s32 s13, $0x7FFFF  }
0x14: {  	s13 =	smov.u32 @p2 s3;
	p2 =	sne.s32 s10, s7  }
.Ltmp1:
0x15: {  	p1 =	slt.u32 s10, $0x2;
	(pc) =	sbr.rel @!p2 .LBB1_6-.Ltmp1, $4  }
0x16: {  	s12 =	simm.s32 @!p1 $0x2  }
0x17: {  	s14 =	sadd.s32 $0x1, s10;
	_ =	swait.ge @!p1 [sflag:s12], $0x2000  }
0x18: {  	s11 =	smov.u32 s9;
	p0 =	por !p0, !p0;
	[sflag:s12] =	ssyncset.done @!p1 $0x0  }
0x19: {  	s10 =	smov.u32 s14;
	s9 =	smov.u32 s13;
	[sflag:s12] =	ssyncadd.s32 @!p1 $0xFFFFE000  }
.LBB1_1:
0x1a: {  	p1 =	sge.u32 s10, s6  }
0x1b: {  	s31 =	sadd.s32 $0xFFFFFFFF, s10;
	s12 =	sxor.u32 @!p1 $0xFFFFFFFF, s10;
	s13 =	sshll.u32 @!p1 s9, $0x4  }
0x1c: {  	s14 =	simm.s32 @!p1 $0x40;
	s12 =	sshll.u32 @!p1 s12, $0xD;
	s13 =	sand.u32 @!p1 $0x7FFFF0, s13  }
0x1d: {  	s15 =	simm.s32 @!p1 $0x80;
	s12 =	sand.u32 @!p1 $0x2000, s12;
	s13 =	sadd.s32 @!p1 s4, s13  }
0x1e: {  	[tilespmem:s12], [sflag:$0x1] =	stream.strided.gather @!p1 [hbm4b:s13+s14], $0x2000, s15, s14, $0x38;
	[tilespmem:$0x8080] =	vst v63  }
0x1f: {  	p1 =	sge.u32 s31, s6  }
.Ltmp2:
0x20: {  	_ = 	snop;
	(pc) =	sbr.rel @p1 .LBB1_5-.Ltmp2, $1  }
0x21: {  	_ =	sdelay $0x3  }
0x22: {  	s12 =	simm.s32 $0x1  }
0x23: {  	_ =	swait.ge [sflag:s5], $0x2000;
	s12 =	simm.s32 @!p0 $0x0  }
0x24: {  	[sflag:s5] =	ssyncset.done $0x0;
	s13 =	sshll.u32 s12, $0xD  }
0x25: {  	[sflag:s5] =	ssyncadd.s32 $0xFFFFE000;
	s16 =	sor.u32 $0x20, s13  }
0x26: {  	s12 =	smul.u32 $0x8100, s12;
	v3 =	vld [tilespmem:s16+$0x10]  }
0x27: {  	s30 =	sand.u32 $0x1, s10;
	v2 =	vld [tilespmem:s16+$0xFFFFFFF0]  }
0x28: {  	s13 =	smul.u32 $0x8100, s30;
	s12 =	sshrl.u32 s12, $0x2;
	v0 =	vld [tilespmem:s16+$0x0]  }
0x29: {  	v1 =	vld [tilespmem:s16+$0xFFFFFFE0];
	s14 =	sor.u32 $0x4000, s12  }
0x2a: {  	s31 =	sshrl.u32 s13, $0x2;
	s13 =	sadd.s32 $0x0, s14  }
0x2b: {  	s15 =	simm.s32 $0x4;
	s16 =	sadd.s32 $0x40, s16;
	s12 =	sor.u32 $0x4000, s31;
	[tilespmem:s13+$0x1830 ss:$0x81] =	vst.msk $0xffff, v3  }
.LBB1_3:
0x2c: {  	v3 =	vld [tilespmem:s16+$0x10];
	p1 =	sne.s32 s15, $0x1FC;
	[tilespmem:s13+$0x810 ss:$0x81] =	vst.msk $0xffff, v2;
	s17 =	smov.u32 s15;
	s15 =	sadd.s32 $0x4, s15  }
.Ltmp3:
0x2d: {  	v2 =	vld [tilespmem:s16+$0xFFFFFFF0];
	[tilespmem:s13+$0x1020 ss:$0x81] =	vst.msk $0xffff, v0;
	(pc) =	sbr.rel @p1 .LBB1_3-.Ltmp3, $4  }
0x2e: {  	v0 =	vld [tilespmem:s16+$0x0];
	[tilespmem:s13+$0x0 ss:$0x81] =	vst.msk $0xffff, v1  }
0x2f: {  	s13 =	sshra.s32 s17, $0x2;
	v1 =	vld [tilespmem:s16+$0xFFFFFFE0]  }
0x30: {  	s13 =	sadd.s32 s13, s14  }
0x31: {  	s16 =	sadd.s32 $0x40, s16;
	[tilespmem:s13+$0x1830 ss:$0x81] =	vst.msk $0xffff, v3  }
.Ltmp4:
0x32: {  	_ = 	snop;
	(pc) =	sbr.rel .LBB1_4-.Ltmp4, $1  }
0x33: {  	_ =	sdelay $0x3  }
.LBB1_6:
0x34: {  	_ =	sfence.sel $0x180000  }
0x35: {  	s2 =	simm.s32 $0x1;
	[bflag:$0x0] =	sbarrier.arrive $0xFFFF  }
0x36: {  	s31 =	simm.s32 $0x2;
	[sflag:s2] =	ssyncpa.u1 $0x1  }
0x37: {  	[sflag:s31] =	ssyncpa.u1 $0x1  }
0x38: {  	p0 =	sne.s32 s0, $0x0;
	_ =	strace $0x9000004A  }
0x39: {  	s0 =	sadd.s32 @!p0 $0x100000, s1;
	[bflag:$0x2] =	sbarrier.arrive $0xFFFF  }
0x3a: {  	[sflag:s0] =	ssyncadd.tile.s32 @!p0 $0x1;
	_ =	shalt  }
.Lfunc_end1:
_tile_overlayer_lowered:
.L_overlay_start_2:
0x3b: {  	(tag) =	ssettag $0x2  }
0x3c: {  	s0 =	rddreg [dreg:$0x0];
	s2 =	stileid.u32  }
0x3d: {  	s1 =	rddreg [dreg:$0x1];
	p0 =	sne.s32 s2, $0x0  }
0x3e: {  	s3 =	rddreg [dreg:$0x2];
	[bflag:$0x3] =	sbarrier.arrive $0xFFFF;
	s2 =	simm.s32 @!p0 $0x1C01  }
0x3f: {  	[timem:s3], [sflag:s2] =	dma.local @!p0 [hbm:s0], s1  }
0x40: {  	s0 =	simm.s32 @!p0 $0x1  }
0x41: {  	_ =	swait.ge @!p0 [sflag:s0], s1  }
0x42: {  	s1 =	ssub.s32 @!p0 $0x0, s1;
	[sflag:s0] =	ssyncset.done @!p0 $0x0  }
0x43: {  	[sflag:s0] =	ssyncadd.s32 @!p0 s1  }
0x44: {  	[bflag:$0x3] =	sbarrier.arrive $0xFFFF  }
0x45: {  	_ =	shalt  }

</sc_bundles>
